<compile_context>
chip_gen: v7x
topology: tpu7x:2x2x1
jax: 0.10.2.dev20260603
libtpu: 0.0.44.dev20260713+nightly
codegen_flags: <defaults>
</compile_context>

<pallas_src>
import functools

import jax
import jax.numpy as jnp
from jax import lax
from jax.experimental import pallas as pl
from jax.experimental.pallas import tpu as pltpu
from jax.experimental.pallas import tpu_sc as plsc

B, L, D = 1024, 200, 128
R = B * L
NW = 32
RPW = R // NW
C = 160
NCHUNK = RPW // C
NBUF = 4
NOUTER = NCHUNK // NBUF
LANES = 16

_mesh = plsc.VectorSubcoreMesh(core_axis_name="c", subcore_axis_name="s")


@functools.partial(
    pl.kernel,
    mesh=_mesh,
    out_type=jax.ShapeDtypeStruct((R * D,), jnp.float32),
    scratch_types=[
        pltpu.VMEM((C * D,), jnp.float32),
        pltpu.VMEM((C * D,), jnp.float32),
        pltpu.VMEM((C * D,), jnp.float32),
        pltpu.VMEM((C * D,), jnp.float32),
        pltpu.VMEM((C,), jnp.int32),
        pltpu.VMEM((C,), jnp.int32),
        pltpu.VMEM((C,), jnp.int32),
        pltpu.VMEM((C,), jnp.int32),
        pltpu.SemaphoreType.DMA,
        pltpu.SemaphoreType.DMA,
        pltpu.SemaphoreType.DMA,
        pltpu.SemaphoreType.DMA,
        pltpu.SemaphoreType.DMA,
        pltpu.SemaphoreType.DMA,
        pltpu.SemaphoreType.DMA,
        pltpu.SemaphoreType.DMA,
    ],
    compiler_params=pltpu.CompilerParams(needs_layout_passes=False),
)
def _masked_copy(x_hbm, seq_hbm, out_hbm,
                 buf0, buf1, buf2, buf3, sq0, sq1, sq2, sq3,
                 isem0, isem1, isem2, isem3, osem0, osem1, osem2, osem3):
    wid = lax.axis_index("s") * 2 + lax.axis_index("c")
    base = wid * RPW
    bufs = (buf0, buf1, buf2, buf3)
    sqs = (sq0, sq1, sq2, sq3)
    isems = (isem0, isem1, isem2, isem3)
    osems = (osem0, osem1, osem2, osem3)
    zeros = jnp.zeros((LANES,), jnp.float32)

    def start_in(b, ci):
        rb = base + ci * C
        pltpu.async_copy(x_hbm.at[pl.ds(rb * D, C * D)], bufs[b], isems[b])
        pltpu.async_copy(seq_hbm.at[pl.ds(rb, C)], sqs[b], isems[b])

    def wait_in(b, ci):
        rb = base + ci * C
        pltpu.make_async_copy(
            x_hbm.at[pl.ds(rb * D, C * D)], bufs[b], isems[b]).wait()
        pltpu.make_async_copy(
            seq_hbm.at[pl.ds(rb, C)], sqs[b], isems[b]).wait()

    def start_out(b, ci):
        rb = base + ci * C
        pltpu.async_copy(bufs[b], out_hbm.at[pl.ds(rb * D, C * D)], osems[b])

    def wait_out(b, ci):
        rb = base + ci * C
        pltpu.make_async_copy(
            bufs[b], out_hbm.at[pl.ds(rb * D, C * D)], osems[b]).wait()

    start_in(0, 0)
    start_in(1, 1)

    def outer_body(o, carry):
        for b in range(NBUF):
            ci = o * NBUF + b
            wait_in(b, ci)

            def grp_body(g, c2):
                svec = sqs[b][pl.ds(g * LANES, LANES)]
                gbase = g * (LANES * D)
                for k in range(LANES):
                    @pl.when(svec[k] == 0)
                    def _():
                        rb2 = gbase + k * D
                        for j in range(D // LANES):
                            bufs[b][pl.ds(rb2 + j * LANES, LANES)] = zeros
                return c2

            lax.fori_loop(0, C // LANES, grp_body, 0)
            start_out(b, ci)

            bn = (b + 2) % NBUF

            @pl.when(ci + 2 < NCHUNK)
            def _():
                @pl.when(ci >= 2)
                def _():
                    wait_out(bn, ci - 2)

                start_in(bn, ci + 2)
        return carry

    lax.fori_loop(0, NOUTER, outer_body, 0)

    for b in range(NBUF):
        wait_out(b, NCHUNK - NBUF + b)


def kernel(x, item_seq):
    xf = x.reshape(R * D)
    seq = item_seq.reshape(R).astype(jnp.int32)
    out = _masked_copy(xf, seq)
    return out.reshape(B, L, D)

# --- scband reference (transcript-rebuilt; emitter-appended) ---
"""Pipeline reference for scband-masking-73306501808327 (READ-ONLY COPY).

The authoritative reference and input builder live on the scoring server;
editing this copy changes nothing except your own understanding.
"""

import jax, jax.numpy as jnp
import numpy as np


def setup_inputs(seed: int = 0) -> dict:
    key = jax.random.key(seed)
    k1, k2 = jax.random.split(key)
    x = jax.random.normal(k1, (1024, 200, 128), dtype=jnp.float32)
    item_seq = jax.random.randint(k2, (1024, 200), 0, 5, dtype=jnp.int64)
    return {"x": x, "item_seq": item_seq}


def reference(x, item_seq):
    # Original torch module finds (b, s) positions where item_seq == 0 and
    # overwrites x[b, s, :] with zeros (scatter-overwrite). Equivalent dense
    # formulation: zero out x along the feature dim wherever item_seq == 0.
    mask = (item_seq == 0)  # [B, L] bool
    out = jnp.where(mask[:, :, None], jnp.zeros((), dtype=x.dtype), x)
    return out

if __name__ == "__main__":
    import jax
    _d = setup_inputs()
    print(jax.jit(kernel)(*tuple(_d.values())))

</pallas_src>

<mosaic_0001>
#map = affine_map<(d0, d1) -> (0)>
module attributes {stable_mosaic.version = 14 : i64} {
  func.func @_masked_copy(%arg0: i32, %arg1: i32, %arg2: memref<26214400xf32, #tpu.memory_space<hbm>>, %arg3: memref<204800xi32, #tpu.memory_space<hbm>>, %arg4: memref<26214400xf32, #tpu.memory_space<hbm>>, %arg5: memref<20480xf32, #tpu.memory_space<vmem>>, %arg6: memref<20480xf32, #tpu.memory_space<vmem>>, %arg7: memref<20480xf32, #tpu.memory_space<vmem>>, %arg8: memref<20480xf32, #tpu.memory_space<vmem>>, %arg9: memref<160xi32, #tpu.memory_space<vmem>>, %arg10: memref<160xi32, #tpu.memory_space<vmem>>, %arg11: memref<160xi32, #tpu.memory_space<vmem>>, %arg12: memref<160xi32, #tpu.memory_space<vmem>>, %arg13: memref<!tpu.dma_semaphore, #tpu.memory_space<semaphore_mem>>, %arg14: memref<!tpu.dma_semaphore, #tpu.memory_space<semaphore_mem>>, %arg15: memref<!tpu.dma_semaphore, #tpu.memory_space<semaphore_mem>>, %arg16: memref<!tpu.dma_semaphore, #tpu.memory_space<semaphore_mem>>, %arg17: memref<!tpu.dma_semaphore, #tpu.memory_space<semaphore_mem>>, %arg18: memref<!tpu.dma_semaphore, #tpu.memory_space<semaphore_mem>>, %arg19: memref<!tpu.dma_semaphore, #tpu.memory_space<semaphore_mem>>, %arg20: memref<!tpu.dma_semaphore, #tpu.memory_space<semaphore_mem>>) attributes {dimension_semantics = [#tpu.dimension_semantics<core_parallel>, #tpu.dimension_semantics<subcore_parallel>], iteration_bounds = array<i64: 2, 16>, scalar_prefetch = 0 : i64, scratch_operands = 16 : i64, tpu.core_type = #tpu.core_type<sc_vector_subcore>, window_params = [{transform_indices = #map}, {transform_indices = #map}, {transform_indices = #map}]} {
    %mul3A = arith.constant 2 : i32
    %mul3A_0 = arith.muli %arg1, %mul3A : i32
    %add3A = arith.addi %mul3A_0, %arg0 : i32
    %mul3A_1 = arith.constant 6400 : i32
    %mul3A_2 = arith.muli %add3A, %mul3A_1 : i32
    %broadcast_in_dim3A = arith.constant 0.000000e+00 : f32
    %broadcast_in_dim3A_3 = vector.broadcast %broadcast_in_dim3A : f32 to vector<16xf32>
    %add3A_4 = arith.constant 0 : i32
    %add3A_5 = arith.addi %mul3A_2, %add3A_4 : i32
    %mul3A_6 = arith.constant 128 : i32
    %mul3A_7 = arith.muli %add3A_5, %mul3A_6 : i32
    %dma_start3A = tpu.memref_slice %arg2[%mul3A_7] : memref<26214400xf32, #tpu.memory_space<hbm>> -> memref<20480xf32, #tpu.memory_space<hbm>>
    %dma_start3A_8 = tpu.memref_slice %arg2[%mul3A_7] : memref<26214400xf32, #tpu.memory_space<hbm>> -> memref<20480xf32, #tpu.memory_space<hbm>>
    tpu.enqueue_dma source(%dma_start3A_8 : memref<20480xf32, #tpu.memory_space<hbm>>) target(%arg5 : memref<20480xf32, #tpu.memory_space<vmem>>) target_semaphore(%arg13 : memref<!tpu.dma_semaphore, #tpu.memory_space<semaphore_mem>>)
    %dma_start3A_9 = tpu.memref_slice %arg3[%add3A_5] : memref<204800xi32, #tpu.memory_space<hbm>> -> memref<160xi32, #tpu.memory_space<hbm>>
    %dma_start3A_10 = tpu.memref_slice %arg3[%add3A_5] : memref<204800xi32, #tpu.memory_space<hbm>> -> memref<160xi32, #tpu.memory_space<hbm>>
    tpu.enqueue_dma source(%dma_start3A_10 : memref<160xi32, #tpu.memory_space<hbm>>) target(%arg9 : memref<160xi32, #tpu.memory_space<vmem>>) target_semaphore(%arg13 : memref<!tpu.dma_semaphore, #tpu.memory_space<semaphore_mem>>)
    %add3A_11 = arith.constant 160 : i32
    %add3A_12 = arith.addi %mul3A_2, %add3A_11 : i32
    %mul3A_13 = arith.constant 128 : i32
    %mul3A_14 = arith.muli %add3A_12, %mul3A_13 : i32
    %dma_start3A_15 = tpu.memref_slice %arg2[%mul3A_14] : memref<26214400xf32, #tpu.memory_space<hbm>> -> memref<20480xf32, #tpu.memory_space<hbm>>
    %dma_start3A_16 = tpu.memref_slice %arg2[%mul3A_14] : memref<26214400xf32, #tpu.memory_space<hbm>> -> memref<20480xf32, #tpu.memory_space<hbm>>
    tpu.enqueue_dma source(%dma_start3A_16 : memref<20480xf32, #tpu.memory_space<hbm>>) target(%arg6 : memref<20480xf32, #tpu.memory_space<vmem>>) target_semaphore(%arg14 : memref<!tpu.dma_semaphore, #tpu.memory_space<semaphore_mem>>)
    %dma_start3A_17 = tpu.memref_slice %arg3[%add3A_12] : memref<204800xi32, #tpu.memory_space<hbm>> -> memref<160xi32, #tpu.memory_space<hbm>>
    %dma_start3A_18 = tpu.memref_slice %arg3[%add3A_12] : memref<204800xi32, #tpu.memory_space<hbm>> -> memref<160xi32, #tpu.memory_space<hbm>>
    tpu.enqueue_dma source(%dma_start3A_18 : memref<160xi32, #tpu.memory_space<hbm>>) target(%arg10 : memref<160xi32, #tpu.memory_space<vmem>>) target_semaphore(%arg14 : memref<!tpu.dma_semaphore, #tpu.memory_space<semaphore_mem>>)
    %scan3A = arith.constant 0 : i32
    %scan3A_19 = arith.constant 0 : i32
    %scan3A_20 = arith.constant 10 : i32
    %scan3A_21 = arith.addi %scan3A_19, %scan3A_20 : i32
    %scan3A_22 = arith.constant 1 : i32
    scf.for %scan3A_47 = %scan3A_19 to %scan3A_21 step %scan3A_22  : i32 {
      %mul3A_48 = arith.constant 4 : i32
      %mul3A_49 = arith.muli %scan3A_47, %mul3A_48 : i32
      %add3A_50 = arith.constant 0 : i32
      %add3A_51 = arith.addi %mul3A_49, %add3A_50 : i32
      %mul3A_52 = arith.constant 160 : i32
      %mul3A_53 = arith.muli %add3A_51, %mul3A_52 : i32
      %add3A_54 = arith.addi %mul3A_2, %mul3A_53 : i32
      %mul3A_55 = arith.constant 128 : i32
      %mul3A_56 = arith.muli %add3A_54, %mul3A_55 : i32
      %dma_wait3A_57 = tpu.memref_slice %arg2[%mul3A_56] : memref<26214400xf32, #tpu.memory_space<hbm>> -> memref<20480xf32, #tpu.memory_space<hbm>>
      %dma_wait3A_58 = tpu.memref_slice %arg2[%mul3A_56] : memref<26214400xf32, #tpu.memory_space<hbm>> -> memref<20480xf32, #tpu.memory_space<hbm>>
      tpu.wait_dma2 semaphore(%arg13 : memref<!tpu.dma_semaphore, #tpu.memory_space<semaphore_mem>>) src(%dma_wait3A_58 : memref<20480xf32, #tpu.memory_space<hbm>>) dst(%arg5 : memref<20480xf32, #tpu.memory_space<vmem>>)
      %dma_wait3A_59 = tpu.memref_slice %arg3[%add3A_54] : memref<204800xi32, #tpu.memory_space<hbm>> -> memref<160xi32, #tpu.memory_space<hbm>>
      %dma_wait3A_60 = tpu.memref_slice %arg3[%add3A_54] : memref<204800xi32, #tpu.memory_space<hbm>> -> memref<160xi32, #tpu.memory_space<hbm>>
      tpu.wait_dma2 semaphore(%arg13 : memref<!tpu.dma_semaphore, #tpu.memory_space<semaphore_mem>>) src(%dma_wait3A_60 : memref<160xi32, #tpu.memory_space<hbm>>) dst(%arg9 : memref<160xi32, #tpu.memory_space<vmem>>)
      %scan3A_61 = arith.constant 0 : i32
      %scan3A_62 = arith.constant 0 : i32
      %scan3A_63 = arith.constant 10 : i32
      %scan3A_64 = arith.addi %scan3A_62, %scan3A_63 : i32
      %scan3A_65 = arith.constant 1 : i32
      scf.for %scan3A_177 = %scan3A_62 to %scan3A_64 step %scan3A_65  : i32 {
        %mul3A_178 = arith.constant 16 : i32
        %mul3A_179 = arith.muli %scan3A_177, %mul3A_178 : i32
        %get3A = arith.index_cast %mul3A_179 : i32 to index
        %get3A_180 = tpu.vector_load %arg9[%get3A] {strides = array<i32>} : memref<160xi32, #tpu.memory_space<vmem>>, vector<16xi32>,
        %mul3A_181 = arith.constant 2048 : i32
        %mul3A_182 = arith.muli %scan3A_177, %mul3A_181 : i32
        %slice3A = vector.extract_strided_slice %get3A_180 {offsets = [0], sizes = [1], strides = [1]} : vector<16xi32> to vector<1xi32>
        %squeeze3A = vector.extract %slice3A[0] : i32 from vector<1xi32>
        %eq3A = arith.constant 0 : i32
        %eq3A_183 = arith.cmpi eq, %squeeze3A, %eq3A : i32
        %convert_element_type3A_184 = arith.extui %eq3A_183 : i1 to i32
        %cond3A_185 = arith.constant 0 : i32
        %cond3A_186 = arith.cmpi ne, %convert_element_type3A_184, %cond3A_185 : i32
        scf.if %cond3A_186 {
          %add3A_292 = arith.constant 0 : i32
          %add3A_293 = arith.addi %mul3A_182, %add3A_292 : i32
          %add3A_294 = arith.constant 0 : i32
          %add3A_295 = arith.addi %add3A_293, %add3A_294 : i32
          %swap3A = arith.index_cast %add3A_295 : i32 to index
          %swap3A_296 = tpu.vector_load %arg5[%swap3A] {strides = array<i32>} : memref<20480xf32, #tpu.memory_space<vmem>>, vector<16xf32>,
          tpu.vector_store %arg5[%swap3A], %broadcast_in_dim3A_3 {strides = array<i32>} : memref<20480xf32, #tpu.memory_space<vmem>>, vector<16xf32>,
          %add3A_297 = arith.constant 16 : i32
          %add3A_298 = arith.addi %add3A_293, %add3A_297 : i32
          %swap3A_299 = arith.index_cast %add3A_298 : i32 to index
          %swap3A_300 = tpu.vector_load %arg5[%swap3A_299] {strides = array<i32>} : memref<20480xf32, #tpu.memory_space<vmem>>, vector<16xf32>,
          tpu.vector_store %arg5[%swap3A_299], %broadcast_in_dim3A_3 {strides = array<i32>} : memref<20480xf32, #tpu.memory_space<vmem>>, vector<16xf32>,
          %add3A_301 = arith.constant 32 : i32
          %add3A_302 = arith.addi %add3A_293, %add3A_301 : i32
          %swap3A_303 = arith.index_cast %add3A_302 : i32 to index
          %swap3A_304 = tpu.vector_load %arg5[%swap3A_303] {strides = array<i32>} : memref<20480xf32, #tpu.memory_space<vmem>>, vector<16xf32>,
          tpu.vector_store %arg5[%swap3A_303], %broadcast_in_dim3A_3 {strides = array<i32>} : memref<20480xf32, #tpu.memory_space<vmem>>, vector<16xf32>,
          %add3A_305 = arith.constant 48 : i32
          %add3A_306 = arith.addi %add3A_293, %add3A_305 : i32
          %swap3A_307 = arith.index_cast %add3A_306 : i32 to index
          %swap3A_308 = tpu.vector_load %arg5[%swap3A_307] {strides = array<i32>} : memref<20480xf32, #tpu.memory_space<vmem>>, vector<16xf32>,
          tpu.vector_store %arg5[%swap3A_307], %broadcast_in_dim3A_3 {strides = array<i32>} : memref<20480xf32, #tpu.memory_space<vmem>>, vector<16xf32>,
          %add3A_309 = arith.constant 64 : i32
          %add3A_310 = arith.addi %add3A_293, %add3A_309 : i32
          %swap3A_311 = arith.index_cast %add3A_310 : i32 to index
          %swap3A_312 = tpu.vector_load %arg5[%swap3A_311] {strides = array<i32>} : memref<20480xf32, #tpu.memory_space<vmem>>, vector<16xf32>,
          tpu.vector_store %arg5[%swap3A_311], %broadcast_in_dim3A_3 {strides = array<i32>} : memref<20480xf32, #tpu.memory_space<vmem>>, vector<16xf32>,
          %add3A_313 = arith.constant 80 : i32
          %add3A_314 = arith.addi %add3A_293, %add3A_313 : i32
          %swap3A_315 = arith.index_cast %add3A_314 : i32 to index
          %swap3A_316 = tpu.vector_load %arg5[%swap3A_315] {strides = array<i32>} : memref<20480xf32, #tpu.memory_space<vmem>>, vector<16xf32>,
          tpu.vector_store %arg5[%swap3A_315], %broadcast_in_dim3A_3 {strides = array<i32>} : memref<20480xf32, #tpu.memory_space<vmem>>, vector<16xf32>,
          %add3A_317 = arith.constant 96 : i32
          %add3A_318 = arith.addi %add3A_293, %add3A_317 : i32
          %swap3A_319 = arith.index_cast %add3A_318 : i32 to index
          %swap3A_320 = tpu.vector_load %arg5[%swap3A_319] {strides = array<i32>} : memref<20480xf32, #tpu.memory_space<vmem>>, vector<16xf32>,
          tpu.vector_store %arg5[%swap3A_319], %broadcast_in_dim3A_3 {strides = array<i32>} : memref<20480xf32, #tpu.memory_space<vmem>>, vector<16xf32>,
          %add3A_321 = arith.constant 112 : i32
          %add3A_322 = arith.addi %add3A_293, %add3A_321 : i32
          %swap3A_323 = arith.index_cast %add3A_322 : i32 to index
          %swap3A_324 = tpu.vector_load %arg5[%swap3A_323] {strides = array<i32>} : memref<20480xf32, #tpu.memory_space<vmem>>, vector<16xf32>,
          tpu.vector_store %arg5[%swap3A_323], %broadcast_in_dim3A_3 {strides = array<i32>} : memref<20480xf32, #tpu.memory_space<vmem>>, vector<16xf32>,
        } else {
        }
        %slice3A_187 = vector.extract_strided_slice %get3A_180 {offsets = [1], sizes = [1], strides = [1]} : vector<16xi32> to vector<1xi32>
        %squeeze3A_188 = vector.extract %slice3A_187[0] : i32 from vector<1xi32>
        %eq3A_189 = arith.constant 0 : i32
        %eq3A_190 = arith.cmpi eq, %squeeze3A_188, %eq3A_189 : i32
        %convert_element_type3A_191 = arith.extui %eq3A_190 : i1 to i32
        %cond3A_192 = arith.constant 0 : i32
        %cond3A_193 = arith.cmpi ne, %convert_element_type3A_191, %cond3A_192 : i32
        scf.if %cond3A_193 {
          %add3A_292 = arith.constant 128 : i32
          %add3A_293 = arith.addi %mul3A_182, %add3A_292 : i32
          %add3A_294 = arith.constant 0 : i32
          %add3A_295 = arith.addi %add3A_293, %add3A_294 : i32
          %swap3A = arith.index_cast %add3A_295 : i32 to index
          %swap3A_296 = tpu.vector_load %arg5[%swap3A] {strides = array<i32>} : memref<20480xf32, #tpu.memory_space<vmem>>, vector<16xf32>,
          tpu.vector_store %arg5[%swap3A], %broadcast_in_dim3A_3 {strides = array<i32>} : memref<20480xf32, #tpu.memory_space<vmem>>, vector<16xf32>,
          %add3A_297 = arith.constant 16 : i32
          %add3A_298 = arith.addi %add3A_293, %add3A_297 : i32
          %swap3A_299 = arith.index_cast %add3A_298 : i32 to index
          %swap3A_300 = tpu.vector_load %arg5[%swap3A_299] {strides = array<i32>} : memref<20480xf32, #tpu.memory_space<vmem>>, vector<16xf32>,
          tpu.vector_store %arg5[%swap3A_299], %broadcast_in_dim3A_3 {strides = array<i32>} : memref<20480xf32, #tpu.memory_space<vmem>>, vector<16xf32>,
          %add3A_301 = arith.constant 32 : i32
          %add3A_302 = arith.addi %add3A_293, %add3A_301 : i32
          %swap3A_303 = arith.index_cast %add3A_302 : i32 to index
          %swap3A_304 = tpu.vector_load %arg5[%swap3A_303] {strides = array<i32>} : memref<20480xf32, #tpu.memory_space<vmem>>, vector<16xf32>,
          tpu.vector_store %arg5[%swap3A_303], %broadcast_in_dim3A_3 {strides = array<i32>} : memref<20480xf32, #tpu.memory_space<vmem>>, vector<16xf32>,
          %add3A_305 = arith.constant 48 : i32
          %add3A_306 = arith.addi %add3A_293, %add3A_305 : i32
          %swap3A_307 = arith.index_cast %add3A_306 : i32 to index
          %swap3A_308 = tpu.vector_load %arg5[%swap3A_307] {strides = array<i32>} : memref<20480xf32, #tpu.memory_space<vmem>>, vector<16xf32>,
          tpu.vector_store %arg5[%swap3A_307], %broadcast_in_dim3A_3 {strides = array<i32>} : memref<20480xf32, #tpu.memory_space<vmem>>, vector<16xf32>,
          %add3A_309 = arith.constant 64 : i32
          %add3A_310 = arith.addi %add3A_293, %add3A_309 : i32
          %swap3A_311 = arith.index_cast %add3A_310 : i32 to index
          %swap3A_312 = tpu.vector_load %arg5[%swap3A_311] {strides = array<i32>} : memref<20480xf32, #tpu.memory_space<vmem>>, vector<16xf32>,
          tpu.vector_store %arg5[%swap3A_311], %broadcast_in_dim3A_3 {strides = array<i32>} : memref<20480xf32, #tpu.memory_space<vmem>>, vector<16xf32>,
          %add3A_313 = arith.constant 80 : i32
          %add3A_314 = arith.addi %add3A_293, %add3A_313 : i32
          %swap3A_315 = arith.index_cast %add3A_314 : i32 to index
          %swap3A_316 = tpu.vector_load %arg5[%swap3A_315] {strides = array<i32>} : memref<20480xf32, #tpu.memory_space<vmem>>, vector<16xf32>,
          tpu.vector_store %arg5[%swap3A_315], %broadcast_in_dim3A_3 {strides = array<i32>} : memref<20480xf32, #tpu.memory_space<vmem>>, vector<16xf32>,
          %add3A_317 = arith.constant 96 : i32
          %add3A_318 = arith.addi %add3A_293, %add3A_317 : i32
          %swap3A_319 = arith.index_cast %add3A_318 : i32 to index
          %swap3A_320 = tpu.vector_load %arg5[%swap3A_319] {strides = array<i32>} : memref<20480xf32, #tpu.memory_space<vmem>>, vector<16xf32>,
          tpu.vector_store %arg5[%swap3A_319], %broadcast_in_dim3A_3 {strides = array<i32>} : memref<20480xf32, #tpu.memory_space<vmem>>, vector<16xf32>,
          %add3A_321 = arith.constant 112 : i32
          %add3A_322 = arith.addi %add3A_293, %add3A_321 : i32
          %swap3A_323 = arith.index_cast %add3A_322 : i32 to index
          %swap3A_324 = tpu.vector_load %arg5[%swap3A_323] {strides = array<i32>} : memref<20480xf32, #tpu.memory_space<vmem>>, vector<16xf32>,
          tpu.vector_store %arg5[%swap3A_323], %broadcast_in_dim3A_3 {strides = array<i32>} : memref<20480xf32, #tpu.memory_space<vmem>>, vector<16xf32>,
        } else {
        }
        %slice3A_194 = vector.extract_strided_slice %get3A_180 {offsets = [2], sizes = [1], strides = [1]} : vector<16xi32> to vector<1xi32>
        %squeeze3A_195 = vector.extract %slice3A_194[0] : i32 from vector<1xi32>
        %eq3A_196 = arith.constant 0 : i32
        %eq3A_197 = arith.cmpi eq, %squeeze3A_195, %eq3A_196 : i32
        %convert_element_type3A_198 = arith.extui %eq3A_197 : i1 to i32
        %cond3A_199 = arith.constant 0 : i32
        %cond3A_200 = arith.cmpi ne, %convert_element_type3A_198, %cond3A_199 : i32
        scf.if %cond3A_200 {
          %add3A_292 = arith.constant 256 : i32
          %add3A_293 = arith.addi %mul3A_182, %add3A_292 : i32
          %add3A_294 = arith.constant 0 : i32
          %add3A_295 = arith.addi %add3A_293, %add3A_294 : i32
          %swap3A = arith.index_cast %add3A_295 : i32 to index
          %swap3A_296 = tpu.vector_load %arg5[%swap3A] {strides = array<i32>} : memref<20480xf32, #tpu.memory_space<vmem>>, vector<16xf32>,
          tpu.vector_store %arg5[%swap3A], %broadcast_in_dim3A_3 {strides = array<i32>} : memref<20480xf32, #tpu.memory_space<vmem>>, vector<16xf32>,
          %add3A_297 = arith.constant 16 : i32
          %add3A_298 = arith.addi %add3A_293, %add3A_297 : i32
          %swap3A_299 = arith.index_cast %add3A_298 : i32 to index
          %swap3A_300 = tpu.vector_load %arg5[%swap3A_299] {strides = array<i32>} : memref<20480xf32, #tpu.memory_space<vmem>>, vector<16xf32>,
          tpu.vector_store %arg5[%swap3A_299], %broadcast_in_dim3A_3 {strides = array<i32>} : memref<20480xf32, #tpu.memory_space<vmem>>, vector<16xf32>,
          %add3A_301 = arith.constant 32 : i32
          %add3A_302 = arith.addi %add3A_293, %add3A_301 : i32
          %swap3A_303 = arith.index_cast %add3A_302 : i32 to index
          %swap3A_304 = tpu.vector_load %arg5[%swap3A_303] {strides = array<i32>} : memref<20480xf32, #tpu.memory_space<vmem>>, vector<16xf32>,
          tpu.vector_store %arg5[%swap3A_303], %broadcast_in_dim3A_3 {strides = array<i32>} : memref<20480xf32, #tpu.memory_space<vmem>>, vector<16xf32>,
          %add3A_305 = arith.constant 48 : i32
          %add3A_306 = arith.addi %add3A_293, %add3A_305 : i32
          %swap3A_307 = arith.index_cast %add3A_306 : i32 to index
          %swap3A_308 = tpu.vector_load %arg5[%swap3A_307] {strides = array<i32>} : memref<20480xf32, #tpu.memory_space<vmem>>, vector<16xf32>,
          tpu.vector_store %arg5[%swap3A_307], %broadcast_in_dim3A_3 {strides = array<i32>} : memref<20480xf32, #tpu.memory_space<vmem>>, vector<16xf32>,
          %add3A_309 = arith.constant 64 : i32
          %add3A_310 = arith.addi %add3A_293, %add3A_309 : i32
          %swap3A_311 = arith.index_cast %add3A_310 : i32 to index
          %swap3A_312 = tpu.vector_load %arg5[%swap3A_311] {strides = array<i32>} : memref<20480xf32, #tpu.memory_space<vmem>>, vector<16xf32>,
          tpu.vector_store %arg5[%swap3A_311], %broadcast_in_dim3A_3 {strides = array<i32>} : memref<20480xf32, #tpu.memory_space<vmem>>, vector<16xf32>,
          %add3A_313 = arith.constant 80 : i32
          %add3A_314 = arith.addi %add3A_293, %add3A_313 : i32
          %swap3A_315 = arith.index_cast %add3A_314 : i32 to index
          %swap3A_316 = tpu.vector_load %arg5[%swap3A_315] {strides = array<i32>} : memref<20480xf32, #tpu.memory_space<vmem>>, vector<16xf32>,
          tpu.vector_store %arg5[%swap3A_315], %broadcast_in_dim3A_3 {strides = array<i32>} : memref<20480xf32, #tpu.memory_space<vmem>>, vector<16xf32>,
          %add3A_317 = arith.constant 96 : i32
          %add3A_318 = arith.addi %add3A_293, %add3A_317 : i32
          %swap3A_319 = arith.index_cast %add3A_318 : i32 to index
          %swap3A_320 = tpu.vector_load %arg5[%swap3A_319] {strides = array<i32>} : memref<20480xf32, #tpu.memory_space<vmem>>, vector<16xf32>,
          tpu.vector_store %arg5[%swap3A_319], %broadcast_in_dim3A_3 {strides = array<i32>} : memref<20480xf32, #tpu.memory_space<vmem>>, vector<16xf32>,
          %add3A_321 = arith.constant 112 : i32
          %add3A_322 = arith.addi %add3A_293, %add3A_321 : i32
          %swap3A_323 = arith.index_cast %add3A_322 : i32 to index
          %swap3A_324 = tpu.vector_load %arg5[%swap3A_323] {strides = array<i32>} : memref<20480xf32, #tpu.memory_space<vmem>>, vector<16xf32>,
          tpu.vector_store %arg5[%swap3A_323], %broadcast_in_dim3A_3 {strides = array<i32>} : memref<20480xf32, #tpu.memory_space<vmem>>, vector<16xf32>,
        } else {
        }
        %slice3A_201 = vector.extract_strided_slice %get3A_180 {offsets = [3], sizes = [1], strides = [1]} : vector<16xi32> to vector<1xi32>
        %squeeze3A_202 = vector.extract %slice3A_201[0] : i32 from vector<1xi32>
        %eq3A_203 = arith.constant 0 : i32
        %eq3A_204 = arith.cmpi eq, %squeeze3A_202, %eq3A_203 : i32
        %convert_element_type3A_205 = arith.extui %eq3A_204 : i1 to i32
        %cond3A_206 = arith.constant 0 : i32
        %cond3A_207 = arith.cmpi ne, %convert_element_type3A_205, %cond3A_206 : i32
        scf.if %cond3A_207 {
          %add3A_292 = arith.constant 384 : i32
          %add3A_293 = arith.addi %mul3A_182, %add3A_292 : i32
          %add3A_294 = arith.constant 0 : i32
          %add3A_295 = arith.addi %add3A_293, %add3A_294 : i32
          %swap3A = arith.index_cast %add3A_295 : i32 to index
          %swap3A_296 = tpu.vector_load %arg5[%swap3A] {strides = array<i32>} : memref<20480xf32, #tpu.memory_space<vmem>>, vector<16xf32>,
          tpu.vector_store %arg5[%swap3A], %broadcast_in_dim3A_3 {strides = array<i32>} : memref<20480xf32, #tpu.memory_space<vmem>>, vector<16xf32>,
          %add3A_297 = arith.constant 16 : i32
          %add3A_298 = arith.addi %add3A_293, %add3A_297 : i32
          %swap3A_299 = arith.index_cast %add3A_298 : i32 to index
          %swap3A_300 = tpu.vector_load %arg5[%swap3A_299] {strides = array<i32>} : memref<20480xf32, #tpu.memory_space<vmem>>, vector<16xf32>,
          tpu.vector_store %arg5[%swap3A_299], %broadcast_in_dim3A_3 {strides = array<i32>} : memref<20480xf32, #tpu.memory_space<vmem>>, vector<16xf32>,
          %add3A_301 = arith.constant 32 : i32
          %add3A_302 = arith.addi %add3A_293, %add3A_301 : i32
          %swap3A_303 = arith.index_cast %add3A_302 : i32 to index
          %swap3A_304 = tpu.vector_load %arg5[%swap3A_303] {strides = array<i32>} : memref<20480xf32, #tpu.memory_space<vmem>>, vector<16xf32>,
          tpu.vector_store %arg5[%swap3A_303], %broadcast_in_dim3A_3 {strides = array<i32>} : memref<20480xf32, #tpu.memory_space<vmem>>, vector<16xf32>,
          %add3A_305 = arith.constant 48 : i32
          %add3A_306 = arith.addi %add3A_293, %add3A_305 : i32
          %swap3A_307 = arith.index_cast %add3A_306 : i32 to index
          %swap3A_308 = tpu.vector_load %arg5[%swap3A_307] {strides = array<i32>} : memref<20480xf32, #tpu.memory_space<vmem>>, vector<16xf32>,
          tpu.vector_store %arg5[%swap3A_307], %broadcast_in_dim3A_3 {strides = array<i32>} : memref<20480xf32, #tpu.memory_space<vmem>>, vector<16xf32>,
          %add3A_309 = arith.constant 64 : i32
          %add3A_310 = arith.addi %add3A_293, %add3A_309 : i32
          %swap3A_311 = arith.index_cast %add3A_310 : i32 to index
          %swap3A_312 = tpu.vector_load %arg5[%swap3A_311] {strides = array<i32>} : memref<20480xf32, #tpu.memory_space<vmem>>, vector<16xf32>,
          tpu.vector_store %arg5[%swap3A_311], %broadcast_in_dim3A_3 {strides = array<i32>} : memref<20480xf32, #tpu.memory_space<vmem>>, vector<16xf32>,
          %add3A_313 = arith.constant 80 : i32
          %add3A_314 = arith.addi %add3A_293, %add3A_313 : i32
          %swap3A_315 = arith.index_cast %add3A_314 : i32 to index
          %swap3A_316 = tpu.vector_load %arg5[%swap3A_315] {strides = array<i32>} : memref<20480xf32, #tpu.memory_space<vmem>>, vector<16xf32>,
          tpu.vector_store %arg5[%swap3A_315], %broadcast_in_dim3A_3 {strides = array<i32>} : memref<20480xf32, #tpu.memory_space<vmem>>, vector<16xf32>,
          %add3A_317 = arith.constant 96 : i32
          %add3A_318 = arith.addi %add3A_293, %add3A_317 : i32
          %swap3A_319 = arith.index_cast %add3A_318 : i32 to index
          %swap3A_320 = tpu.vector_load %arg5[%swap3A_319] {strides = array<i32>} : memref<20480xf32, #tpu.memory_space<vmem>>, vector<16xf32>,
          tpu.vector_store %arg5[%swap3A_319], %broadcast_in_dim3A_3 {strides = array<i32>} : memref<20480xf32, #tpu.memory_space<vmem>>, vector<16xf32>,
          %add3A_321 = arith.constant 112 : i32
          %add3A_322 = arith.addi %add3A_293, %add3A_321 : i32
          %swap3A_323 = arith.index_cast %add3A_322 : i32 to index
          %swap3A_324 = tpu.vector_load %arg5[%swap3A_323] {strides = array<i32>} : memref<20480xf32, #tpu.memory_space<vmem>>, vector<16xf32>,
          tpu.vector_store %arg5[%swap3A_323], %broadcast_in_dim3A_3 {strides = array<i32>} : memref<20480xf32, #tpu.memory_space<vmem>>, vector<16xf32>,
        } else {
        }
        %slice3A_208 = vector.extract_strided_slice %get3A_180 {offsets = [4], sizes = [1], strides = [1]} : vector<16xi32> to vector<1xi32>
        %squeeze3A_209 = vector.extract %slice3A_208[0] : i32 from vector<1xi32>
        %eq3A_210 = arith.constant 0 : i32
        %eq3A_211 = arith.cmpi eq, %squeeze3A_209, %eq3A_210 : i32
        %convert_element_type3A_212 = arith.extui %eq3A_211 : i1 to i32
        %cond3A_213 = arith.constant 0 : i32
        %cond3A_214 = arith.cmpi ne, %convert_element_type3A_212, %cond3A_213 : i32
        scf.if %cond3A_214 {
          %add3A_292 = arith.constant 512 : i32
          %add3A_293 = arith.addi %mul3A_182, %add3A_292 : i32
          %add3A_294 = arith.constant 0 : i32
          %add3A_295 = arith.addi %add3A_293, %add3A_294 : i32
          %swap3A = arith.index_cast %add3A_295 : i32 to index
          %swap3A_296 = tpu.vector_load %arg5[%swap3A] {strides = array<i32>} : memref<20480xf32, #tpu.memory_space<vmem>>, vector<16xf32>,
          tpu.vector_store %arg5[%swap3A], %broadcast_in_dim3A_3 {strides = array<i32>} : memref<20480xf32, #tpu.memory_space<vmem>>, vector<16xf32>,
          %add3A_297 = arith.constant 16 : i32
          %add3A_298 = arith.addi %add3A_293, %add3A_297 : i32
          %swap3A_299 = arith.index_cast %add3A_298 : i32 to index
          %swap3A_300 = tpu.vector_load %arg5[%swap3A_299] {strides = array<i32>} : memref<20480xf32, #tpu.memory_space<vmem>>, vector<16xf32>,
          tpu.vector_store %arg5[%swap3A_299], %broadcast_in_dim3A_3 {strides = array<i32>} : memref<20480xf32, #tpu.memory_space<vmem>>, vector<16xf32>,
          %add3A_301 = arith.constant 32 : i32
          %add3A_302 = arith.addi %add3A_293, %add3A_301 : i32
          %swap3A_303 = arith.index_cast %add3A_302 : i32 to index
          %swap3A_304 = tpu.vector_load %arg5[%swap3A_303] {strides = array<i32>} : memref<20480xf32, #tpu.memory_space<vmem>>, vector<16xf32>,
          tpu.vector_store %arg5[%swap3A_303], %broadcast_in_dim3A_3 {strides = array<i32>} : memref<20480xf32, #tpu.memory_space<vmem>>, vector<16xf32>,
          %add3A_305 = arith.constant 48 : i32
          %add3A_306 = arith.addi %add3A_293, %add3A_305 : i32
          %swap3A_307 = arith.index_cast %add3A_306 : i32 to index
          %swap3A_308 = tpu.vector_load %arg5[%swap3A_307] {strides = array<i32>} : memref<20480xf32, #tpu.memory_space<vmem>>, vector<16xf32>,
          tpu.vector_store %arg5[%swap3A_307], %broadcast_in_dim3A_3 {strides = array<i32>} : memref<20480xf32, #tpu.memory_space<vmem>>, vector<16xf32>,
          %add3A_309 = arith.constant 64 : i32
          %add3A_310 = arith.addi %add3A_293, %add3A_309 : i32
          %swap3A_311 = arith.index_cast %add3A_310 : i32 to index
          %swap3A_312 = tpu.vector_load %arg5[%swap3A_311] {strides = array<i32>} : memref<20480xf32, #tpu.memory_space<vmem>>, vector<16xf32>,
          tpu.vector_store %arg5[%swap3A_311], %broadcast_in_dim3A_3 {strides = array<i32>} : memref<20480xf32, #tpu.memory_space<vmem>>, vector<16xf32>,
          %add3A_313 = arith.constant 80 : i32
          %add3A_314 = arith.addi %add3A_293, %add3A_313 : i32
          %swap3A_315 = arith.index_cast %add3A_314 : i32 to index
          %swap3A_316 = tpu.vector_load %arg5[%swap3A_315] {strides = array<i32>} : memref<20480xf32, #tpu.memory_space<vmem>>, vector<16xf32>,
          tpu.vector_store %arg5[%swap3A_315], %broadcast_in_dim3A_3 {strides = array<i32>} : memref<20480xf32, #tpu.memory_space<vmem>>, vector<16xf32>,
          %add3A_317 = arith.constant 96 : i32
          %add3A_318 = arith.addi %add3A_293, %add3A_317 : i32
          %swap3A_319 = arith.index_cast %add3A_318 : i32 to index
          %swap3A_320 = tpu.vector_load %arg5[%swap3A_319] {strides = array<i32>} : memref<20480xf32, #tpu.memory_space<vmem>>, vector<16xf32>,
          tpu.vector_store %arg5[%swap3A_319], %broadcast_in_dim3A_3 {strides = array<i32>} : memref<20480xf32, #tpu.memory_space<vmem>>, vector<16xf32>,
          %add3A_321 = arith.constant 112 : i32
          %add3A_322 = arith.addi %add3A_293, %add3A_321 : i32
          %swap3A_323 = arith.index_cast %add3A_322 : i32 to index
          %swap3A_324 = tpu.vector_load %arg5[%swap3A_323] {strides = array<i32>} : memref<20480xf32, #tpu.memory_space<vmem>>, vector<16xf32>,
          tpu.vector_store %arg5[%swap3A_323], %broadcast_in_dim3A_3 {strides = array<i32>} : memref<20480xf32, #tpu.memory_space<vmem>>, vector<16xf32>,
        } else {
        }
        %slice3A_215 = vector.extract_strided_slice %get3A_180 {offsets = [5], sizes = [1], strides = [1]} : vector<16xi32> to vector<1xi32>
        %squeeze3A_216 = vector.extract %slice3A_215[0] : i32 from vector<1xi32>
        %eq3A_217 = arith.constant 0 : i32
        %eq3A_218 = arith.cmpi eq, %squeeze3A_216, %eq3A_217 : i32
        %convert_element_type3A_219 = arith.extui %eq3A_218 : i1 to i32
        %cond3A_220 = arith.constant 0 : i32
        %cond3A_221 = arith.cmpi ne, %convert_element_type3A_219, %cond3A_220 : i32
        scf.if %cond3A_221 {
          %add3A_292 = arith.constant 640 : i32
          %add3A_293 = arith.addi %mul3A_182, %add3A_292 : i32
          %add3A_294 = arith.constant 0 : i32
          %add3A_295 = arith.addi %add3A_293, %add3A_294 : i32
          %swap3A = arith.index_cast %add3A_295 : i32 to index
          %swap3A_296 = tpu.vector_load %arg5[%swap3A] {strides = array<i32>} : memref<20480xf32, #tpu.memory_space<vmem>>, vector<16xf32>,
          tpu.vector_store %arg5[%swap3A], %broadcast_in_dim3A_3 {strides = array<i32>} : memref<20480xf32, #tpu.memory_space<vmem>>, vector<16xf32>,
          %add3A_297 = arith.constant 16 : i32
          %add3A_298 = arith.addi %add3A_293, %add3A_297 : i32
          %swap3A_299 = arith.index_cast %add3A_298 : i32 to index
          %swap3A_300 = tpu.vector_load %arg5[%swap3A_299] {strides = array<i32>} : memref<20480xf32, #tpu.memory_space<vmem>>, vector<16xf32>,
          tpu.vector_store %arg5[%swap3A_299], %broadcast_in_dim3A_3 {strides = array<i32>} : memref<20480xf32, #tpu.memory_space<vmem>>, vector<16xf32>,
          %add3A_301 = arith.constant 32 : i32
          %add3A_302 = arith.addi %add3A_293, %add3A_301 : i32
          %swap3A_303 = arith.index_cast %add3A_302 : i32 to index
          %swap3A_304 = tpu.vector_load %arg5[%swap3A_303] {strides = array<i32>} : memref<20480xf32, #tpu.memory_space<vmem>>, vector<16xf32>,
          tpu.vector_store %arg5[%swap3A_303], %broadcast_in_dim3A_3 {strides = array<i32>} : memref<20480xf32, #tpu.memory_space<vmem>>, vector<16xf32>,
          %add3A_305 = arith.constant 48 : i32
          %add3A_306 = arith.addi %add3A_293, %add3A_305 : i32
          %swap3A_307 = arith.index_cast %add3A_306 : i32 to index
          %swap3A_308 = tpu.vector_load %arg5[%swap3A_307] {strides = array<i32>} : memref<20480xf32, #tpu.memory_space<vmem>>, vector<16xf32>,
          tpu.vector_store %arg5[%swap3A_307], %broadcast_in_dim3A_3 {strides = array<i32>} : memref<20480xf32, #tpu.memory_space<vmem>>, vector<16xf32>,
          %add3A_309 = arith.constant 64 : i32
          %add3A_310 = arith.addi %add3A_293, %add3A_309 : i32
          %swap3A_311 = arith.index_cast %add3A_310 : i32 to index
          %swap3A_312 = tpu.vector_load %arg5[%swap3A_311] {strides = array<i32>} : memref<20480xf32, #tpu.memory_space<vmem>>, vector<16xf32>,
          tpu.vector_store %arg5[%swap3A_311], %broadcast_in_dim3A_3 {strides = array<i32>} : memref<20480xf32, #tpu.memory_space<vmem>>, vector<16xf32>,
          %add3A_313 = arith.constant 80 : i32
          %add3A_314 = arith.addi %add3A_293, %add3A_313 : i32
          %swap3A_315 = arith.index_cast %add3A_314 : i32 to index
          %swap3A_316 = tpu.vector_load %arg5[%swap3A_315] {strides = array<i32>} : memref<20480xf32, #tpu.memory_space<vmem>>, vector<16xf32>,
          tpu.vector_store %arg5[%swap3A_315], %broadcast_in_dim3A_3 {strides = array<i32>} : memref<20480xf32, #tpu.memory_space<vmem>>, vector<16xf32>,
          %add3A_317 = arith.constant 96 : i32
          %add3A_318 = arith.addi %add3A_293, %add3A_317 : i32
          %swap3A_319 = arith.index_cast %add3A_318 : i32 to index
          %swap3A_320 = tpu.vector_load %arg5[%swap3A_319] {strides = array<i32>} : memref<20480xf32, #tpu.memory_space<vmem>>, vector<16xf32>,
          tpu.vector_store %arg5[%swap3A_319], %broadcast_in_dim3A_3 {strides = array<i32>} : memref<20480xf32, #tpu.memory_space<vmem>>, vector<16xf32>,
          %add3A_321 = arith.constant 112 : i32
          %add3A_322 = arith.addi %add3A_293, %add3A_321 : i32
          %swap3A_323 = arith.index_cast %add3A_322 : i32 to index
          %swap3A_324 = tpu.vector_load %arg5[%swap3A_323] {strides = array<i32>} : memref<20480xf32, #tpu.memory_space<vmem>>, vector<16xf32>,
          tpu.vector_store %arg5[%swap3A_323], %broadcast_in_dim3A_3 {strides = array<i32>} : memref<20480xf32, #tpu.memory_space<vmem>>, vector<16xf32>,
        } else {
        }
        %slice3A_222 = vector.extract_strided_slice %get3A_180 {offsets = [6], sizes = [1], strides = [1]} : vector<16xi32> to vector<1xi32>
        %squeeze3A_223 = vector.extract %slice3A_222[0] : i32 from vector<1xi32>
        %eq3A_224 = arith.constant 0 : i32
        %eq3A_225 = arith.cmpi eq, %squeeze3A_223, %eq3A_224 : i32
        %convert_element_type3A_226 = arith.extui %eq3A_225 : i1 to i32
        %cond3A_227 = arith.constant 0 : i32
        %cond3A_228 = arith.cmpi ne, %convert_element_type3A_226, %cond3A_227 : i32
        scf.if %cond3A_228 {
          %add3A_292 = arith.constant 768 : i32
          %add3A_293 = arith.addi %mul3A_182, %add3A_292 : i32
          %add3A_294 = arith.constant 0 : i32
          %add3A_295 = arith.addi %add3A_293, %add3A_294 : i32
          %swap3A = arith.index_cast %add3A_295 : i32 to index
          %swap3A_296 = tpu.vector_load %arg5[%swap3A] {strides = array<i32>} : memref<20480xf32, #tpu.memory_space<vmem>>, vector<16xf32>,
          tpu.vector_store %arg5[%swap3A], %broadcast_in_dim3A_3 {strides = array<i32>} : memref<20480xf32, #tpu.memory_space<vmem>>, vector<16xf32>,
          %add3A_297 = arith.constant 16 : i32
          %add3A_298 = arith.addi %add3A_293, %add3A_297 : i32
          %swap3A_299 = arith.index_cast %add3A_298 : i32 to index
          %swap3A_300 = tpu.vector_load %arg5[%swap3A_299] {strides = array<i32>} : memref<20480xf32, #tpu.memory_space<vmem>>, vector<16xf32>,
          tpu.vector_store %arg5[%swap3A_299], %broadcast_in_dim3A_3 {strides = array<i32>} : memref<20480xf32, #tpu.memory_space<vmem>>, vector<16xf32>,
          %add3A_301 = arith.constant 32 : i32
          %add3A_302 = arith.addi %add3A_293, %add3A_301 : i32
          %swap3A_303 = arith.index_cast %add3A_302 : i32 to index
          %swap3A_304 = tpu.vector_load %arg5[%swap3A_303] {strides = array<i32>} : memref<20480xf32, #tpu.memory_space<vmem>>, vector<16xf32>,
          tpu.vector_store %arg5[%swap3A_303], %broadcast_in_dim3A_3 {strides = array<i32>} : memref<20480xf32, #tpu.memory_space<vmem>>, vector<16xf32>,
          %add3A_305 = arith.constant 48 : i32
          %add3A_306 = arith.addi %add3A_293, %add3A_305 : i32
          %swap3A_307 = arith.index_cast %add3A_306 : i32 to index
          %swap3A_308 = tpu.vector_load %arg5[%swap3A_307] {strides = array<i32>} : memref<20480xf32, #tpu.memory_space<vmem>>, vector<16xf32>,
          tpu.vector_store %arg5[%swap3A_307], %broadcast_in_dim3A_3 {strides = array<i32>} : memref<20480xf32, #tpu.memory_space<vmem>>, vector<16xf32>,
          %add3A_309 = arith.constant 64 : i32
          %add3A_310 = arith.addi %add3A_293, %add3A_309 : i32
          %swap3A_311 = arith.index_cast %add3A_310 : i32 to index
          %swap3A_312 = tpu.vector_load %arg5[%swap3A_311] {strides = array<i32>} : memref<20480xf32, #tpu.memory_space<vmem>>, vector<16xf32>,
          tpu.vector_store %arg5[%swap3A_311], %broadcast_in_dim3A_3 {strides = array<i32>} : memref<20480xf32, #tpu.memory_space<vmem>>, vector<16xf32>,
          %add3A_313 = arith.constant 80 : i32
          %add3A_314 = arith.addi %add3A_293, %add3A_313 : i32
          %swap3A_315 = arith.index_cast %add3A_314 : i32 to index
          %swap3A_316 = tpu.vector_load %arg5[%swap3A_315] {strides = array<i32>} : memref<20480xf32, #tpu.memory_space<vmem>>, vector<16xf32>,
          tpu.vector_store %arg5[%swap3A_315], %broadcast_in_dim3A_3 {strides = array<i32>} : memref<20480xf32, #tpu.memory_space<vmem>>, vector<16xf32>,
          %add3A_317 = arith.constant 96 : i32
          %add3A_318 = arith.addi %add3A_293, %add3A_317 : i32
          %swap3A_319 = arith.index_cast %add3A_318 : i32 to index
          %swap3A_320 = tpu.vector_load %arg5[%swap3A_319] {strides = array<i32>} : memref<20480xf32, #tpu.memory_space<vmem>>, vector<16xf32>,
          tpu.vector_store %arg5[%swap3A_319], %broadcast_in_dim3A_3 {strides = array<i32>} : memref<20480xf32, #tpu.memory_space<vmem>>, vector<16xf32>,
          %add3A_321 = arith.constant 112 : i32
          %add3A_322 = arith.addi %add3A_293, %add3A_321 : i32
          %swap3A_323 = arith.index_cast %add3A_322 : i32 to index
          %swap3A_324 = tpu.vector_load %arg5[%swap3A_323] {strides = array<i32>} : memref<20480xf32, #tpu.memory_space<vmem>>, vector<16xf32>,
          tpu.vector_store %arg5[%swap3A_323], %broadcast_in_dim3A_3 {strides = array<i32>} : memref<20480xf32, #tpu.memory_space<vmem>>, vector<16xf32>,
        } else {
        }
        %slice3A_229 = vector.extract_strided_slice %get3A_180 {offsets = [7], sizes = [1], strides = [1]} : vector<16xi32> to vector<1xi32>
        %squeeze3A_230 = vector.extract %slice3A_229[0] : i32 from vector<1xi32>
        %eq3A_231 = arith.constant 0 : i32
        %eq3A_232 = arith.cmpi eq, %squeeze3A_230, %eq3A_231 : i32
        %convert_element_type3A_233 = arith.extui %eq3A_232 : i1 to i32
        %cond3A_234 = arith.constant 0 : i32
        %cond3A_235 = arith.cmpi ne, %convert_element_type3A_233, %cond3A_234 : i32
        scf.if %cond3A_235 {
          %add3A_292 = arith.constant 896 : i32
          %add3A_293 = arith.addi %mul3A_182, %add3A_292 : i32
          %add3A_294 = arith.constant 0 : i32
          %add3A_295 = arith.addi %add3A_293, %add3A_294 : i32
          %swap3A = arith.index_cast %add3A_295 : i32 to index
          %swap3A_296 = tpu.vector_load %arg5[%swap3A] {strides = array<i32>} : memref<20480xf32, #tpu.memory_space<vmem>>, vector<16xf32>,
          tpu.vector_store %arg5[%swap3A], %broadcast_in_dim3A_3 {strides = array<i32>} : memref<20480xf32, #tpu.memory_space<vmem>>, vector<16xf32>,
          %add3A_297 = arith.constant 16 : i32
          %add3A_298 = arith.addi %add3A_293, %add3A_297 : i32
          %swap3A_299 = arith.index_cast %add3A_298 : i32 to index
          %swap3A_300 = tpu.vector_load %arg5[%swap3A_299] {strides = array<i32>} : memref<20480xf32, #tpu.memory_space<vmem>>, vector<16xf32>,
          tpu.vector_store %arg5[%swap3A_299], %broadcast_in_dim3A_3 {strides = array<i32>} : memref<20480xf32, #tpu.memory_space<vmem>>, vector<16xf32>,
          %add3A_301 = arith.constant 32 : i32
          %add3A_302 = arith.addi %add3A_293, %add3A_301 : i32
          %swap3A_303 = arith.index_cast %add3A_302 : i32 to index
          %swap3A_304 = tpu.vector_load %arg5[%swap3A_303] {strides = array<i32>} : memref<20480xf32, #tpu.memory_space<vmem>>, vector<16xf32>,
          tpu.vector_store %arg5[%swap3A_303], %broadcast_in_dim3A_3 {strides = array<i32>} : memref<20480xf32, #tpu.memory_space<vmem>>, vector<16xf32>,
          %add3A_305 = arith.constant 48 : i32
          %add3A_306 = arith.addi %add3A_293, %add3A_305 : i32
          %swap3A_307 = arith.index_cast %add3A_306 : i32 to index
          %swap3A_308 = tpu.vector_load %arg5[%swap3A_307] {strides = array<i32>} : memref<20480xf32, #tpu.memory_space<vmem>>, vector<16xf32>,
          tpu.vector_store %arg5[%swap3A_307], %broadcast_in_dim3A_3 {strides = array<i32>} : memref<20480xf32, #tpu.memory_space<vmem>>, vector<16xf32>,
          %add3A_309 = arith.constant 64 : i32
          %add3A_310 = arith.addi %add3A_293, %add3A_309 : i32
          %swap3A_311 = arith.index_cast %add3A_310 : i32 to index
          %swap3A_312 = tpu.vector_load %arg5[%swap3A_311] {strides = array<i32>} : memref<20480xf32, #tpu.memory_space<vmem>>, vector<16xf32>,
          tpu.vector_store %arg5[%swap3A_311], %broadcast_in_dim3A_3 {strides = array<i32>} : memref<20480xf32, #tpu.memory_space<vmem>>, vector<16xf32>,
          %add3A_313 = arith.constant 80 : i32
          %add3A_314 = arith.addi %add3A_293, %add3A_313 : i32
          %swap3A_315 = arith.index_cast %add3A_314 : i32 to index
          %swap3A_316 = tpu.vector_load %arg5[%swap3A_315] {strides = array<i32>} : memref<20480xf32, #tpu.memory_space<vmem>>, vector<16xf32>,
          tpu.vector_store %arg5[%swap3A_315], %broadcast_in_dim3A_3 {strides = array<i32>} : memref<20480xf32, #tpu.memory_space<vmem>>, vector<16xf32>,
          %add3A_317 = arith.constant 96 : i32
          %add3A_318 = arith.addi %add3A_293, %add3A_317 : i32
          %swap3A_319 = arith.index_cast %add3A_318 : i32 to index
          %swap3A_320 = tpu.vector_load %arg5[%swap3A_319] {strides = array<i32>} : memref<20480xf32, #tpu.memory_space<vmem>>, vector<16xf32>,
          tpu.vector_store %arg5[%swap3A_319], %broadcast_in_dim3A_3 {strides = array<i32>} : memref<20480xf32, #tpu.memory_space<vmem>>, vector<16xf32>,
          %add3A_321 = arith.constant 112 : i32
          %add3A_322 = arith.addi %add3A_293, %add3A_321 : i32
          %swap3A_323 = arith.index_cast %add3A_322 : i32 to index
          %swap3A_324 = tpu.vector_load %arg5[%swap3A_323] {strides = array<i32>} : memref<20480xf32, #tpu.memory_space<vmem>>, vector<16xf32>,
          tpu.vector_store %arg5[%swap3A_323], %broadcast_in_dim3A_3 {strides = array<i32>} : memref<20480xf32, #tpu.memory_space<vmem>>, vector<16xf32>,
        } else {
        }
        %slice3A_236 = vector.extract_strided_slice %get3A_180 {offsets = [8], sizes = [1], strides = [1]} : vector<16xi32> to vector<1xi32>
        %squeeze3A_237 = vector.extract %slice3A_236[0] : i32 from vector<1xi32>
        %eq3A_238 = arith.constant 0 : i32
        %eq3A_239 = arith.cmpi eq, %squeeze3A_237, %eq3A_238 : i32
        %convert_element_type3A_240 = arith.extui %eq3A_239 : i1 to i32
        %cond3A_241 = arith.constant 0 : i32
        %cond3A_242 = arith.cmpi ne, %convert_element_type3A_240, %cond3A_241 : i32
        scf.if %cond3A_242 {
          %add3A_292 = arith.constant 1024 : i32
          %add3A_293 = arith.addi %mul3A_182, %add3A_292 : i32
          %add3A_294 = arith.constant 0 : i32
          %add3A_295 = arith.addi %add3A_293, %add3A_294 : i32
          %swap3A = arith.index_cast %add3A_295 : i32 to index
          %swap3A_296 = tpu.vector_load %arg5[%swap3A] {strides = array<i32>} : memref<20480xf32, #tpu.memory_space<vmem>>, vector<16xf32>,
          tpu.vector_store %arg5[%swap3A], %broadcast_in_dim3A_3 {strides = array<i32>} : memref<20480xf32, #tpu.memory_space<vmem>>, vector<16xf32>,
          %add3A_297 = arith.constant 16 : i32
          %add3A_298 = arith.addi %add3A_293, %add3A_297 : i32
          %swap3A_299 = arith.index_cast %add3A_298 : i32 to index
          %swap3A_300 = tpu.vector_load %arg5[%swap3A_299] {strides = array<i32>} : memref<20480xf32, #tpu.memory_space<vmem>>, vector<16xf32>,
          tpu.vector_store %arg5[%swap3A_299], %broadcast_in_dim3A_3 {strides = array<i32>} : memref<20480xf32, #tpu.memory_space<vmem>>, vector<16xf32>,
          %add3A_301 = arith.constant 32 : i32
          %add3A_302 = arith.addi %add3A_293, %add3A_301 : i32
          %swap3A_303 = arith.index_cast %add3A_302 : i32 to index
          %swap3A_304 = tpu.vector_load %arg5[%swap3A_303] {strides = array<i32>} : memref<20480xf32, #tpu.memory_space<vmem>>, vector<16xf32>,
          tpu.vector_store %arg5[%swap3A_303], %broadcast_in_dim3A_3 {strides = array<i32>} : memref<20480xf32, #tpu.memory_space<vmem>>, vector<16xf32>,
          %add3A_305 = arith.constant 48 : i32
          %add3A_306 = arith.addi %add3A_293, %add3A_305 : i32
          %swap3A_307 = arith.index_cast %add3A_306 : i32 to index
          %swap3A_308 = tpu.vector_load %arg5[%swap3A_307] {strides = array<i32>} : memref<20480xf32, #tpu.memory_space<vmem>>, vector<16xf32>,
          tpu.vector_store %arg5[%swap3A_307], %broadcast_in_dim3A_3 {strides = array<i32>} : memref<20480xf32, #tpu.memory_space<vmem>>, vector<16xf32>,
          %add3A_309 = arith.constant 64 : i32
          %add3A_310 = arith.addi %add3A_293, %add3A_309 : i32
          %swap3A_311 = arith.index_cast %add3A_310 : i32 to index
          %swap3A_312 = tpu.vector_load %arg5[%swap3A_311] {strides = array<i32>} : memref<20480xf32, #tpu.memory_space<vmem>>, vector<16xf32>,
          tpu.vector_store %arg5[%swap3A_311], %broadcast_in_dim3A_3 {strides = array<i32>} : memref<20480xf32, #tpu.memory_space<vmem>>, vector<16xf32>,
          %add3A_313 = arith.constant 80 : i32
          %add3A_314 = arith.addi %add3A_293, %add3A_313 : i32
          %swap3A_315 = arith.index_cast %add3A_314 : i32 to index
          %swap3A_316 = tpu.vector_load %arg5[%swap3A_315] {strides = array<i32>} : memref<20480xf32, #tpu.memory_space<vmem>>, vector<16xf32>,
          tpu.vector_store %arg5[%swap3A_315], %broadcast_in_dim3A_3 {strides = array<i32>} : memref<20480xf32, #tpu.memory_space<vmem>>, vector<16xf32>,
          %add3A_317 = arith.constant 96 : i32
          %add3A_318 = arith.addi %add3A_293, %add3A_317 : i32
          %swap3A_319 = arith.index_cast %add3A_318 : i32 to index
          %swap3A_320 = tpu.vector_load %arg5[%swap3A_319] {strides = array<i32>} : memref<20480xf32, #tpu.memory_space<vmem>>, vector<16xf32>,
          tpu.vector_store %arg5[%swap3A_319], %broadcast_in_dim3A_3 {strides = array<i32>} : memref<20480xf32, #tpu.memory_space<vmem>>, vector<16xf32>,
          %add3A_321 = arith.constant 112 : i32
          %add3A_322 = arith.addi %add3A_293, %add3A_321 : i32
          %swap3A_323 = arith.index_cast %add3A_322 : i32 to index
          %swap3A_324 = tpu.vector_load %arg5[%swap3A_323] {strides = array<i32>} : memref<20480xf32, #tpu.memory_space<vmem>>, vector<16xf32>,
          tpu.vector_store %arg5[%swap3A_323], %broadcast_in_dim3A_3 {strides = array<i32>} : memref<20480xf32, #tpu.memory_space<vmem>>, vector<16xf32>,
        } else {
        }
        %slice3A_243 = vector.extract_strided_slice %get3A_180 {offsets = [9], sizes = [1], strides = [1]} : vector<16xi32> to vector<1xi32>
        %squeeze3A_244 = vector.extract %slice3A_243[0] : i32 from vector<1xi32>
        %eq3A_245 = arith.constant 0 : i32
        %eq3A_246 = arith.cmpi eq, %squeeze3A_244, %eq3A_245 : i32
        %convert_element_type3A_247 = arith.extui %eq3A_246 : i1 to i32
        %cond3A_248 = arith.constant 0 : i32
        %cond3A_249 = arith.cmpi ne, %convert_element_type3A_247, %cond3A_248 : i32
        scf.if %cond3A_249 {
          %add3A_292 = arith.constant 1152 : i32
          %add3A_293 = arith.addi %mul3A_182, %add3A_292 : i32
          %add3A_294 = arith.constant 0 : i32
          %add3A_295 = arith.addi %add3A_293, %add3A_294 : i32
          %swap3A = arith.index_cast %add3A_295 : i32 to index
          %swap3A_296 = tpu.vector_load %arg5[%swap3A] {strides = array<i32>} : memref<20480xf32, #tpu.memory_space<vmem>>, vector<16xf32>,
          tpu.vector_store %arg5[%swap3A], %broadcast_in_dim3A_3 {strides = array<i32>} : memref<20480xf32, #tpu.memory_space<vmem>>, vector<16xf32>,
          %add3A_297 = arith.constant 16 : i32
          %add3A_298 = arith.addi %add3A_293, %add3A_297 : i32
          %swap3A_299 = arith.index_cast %add3A_298 : i32 to index
          %swap3A_300 = tpu.vector_load %arg5[%swap3A_299] {strides = array<i32>} : memref<20480xf32, #tpu.memory_space<vmem>>, vector<16xf32>,
          tpu.vector_store %arg5[%swap3A_299], %broadcast_in_dim3A_3 {strides = array<i32>} : memref<20480xf32, #tpu.memory_space<vmem>>, vector<16xf32>,
          %add3A_301 = arith.constant 32 : i32
          %add3A_302 = arith.addi %add3A_293, %add3A_301 : i32
          %swap3A_303 = arith.index_cast %add3A_302 : i32 to index
          %swap3A_304 = tpu.vector_load %arg5[%swap3A_303] {strides = array<i32>} : memref<20480xf32, #tpu.memory_space<vmem>>, vector<16xf32>,
          tpu.vector_store %arg5[%swap3A_303], %broadcast_in_dim3A_3 {strides = array<i32>} : memref<20480xf32, #tpu.memory_space<vmem>>, vector<16xf32>,
          %add3A_305 = arith.constant 48 : i32
          %add3A_306 = arith.addi %add3A_293, %add3A_305 : i32
          %swap3A_307 = arith.index_cast %add3A_306 : i32 to index
          %swap3A_308 = tpu.vector_load %arg5[%swap3A_307] {strides = array<i32>} : memref<20480xf32, #tpu.memory_space<vmem>>, vector<16xf32>,
          tpu.vector_store %arg5[%swap3A_307], %broadcast_in_dim3A_3 {strides = array<i32>} : memref<20480xf32, #tpu.memory_space<vmem>>, vector<16xf32>,
          %add3A_309 = arith.constant 64 : i32
          %add3A_310 = arith.addi %add3A_293, %add3A_309 : i32
          %swap3A_311 = arith.index_cast %add3A_310 : i32 to index
          %swap3A_312 = tpu.vector_load %arg5[%swap3A_311] {strides = array<i32>} : memref<20480xf32, #tpu.memory_space<vmem>>, vector<16xf32>,
          tpu.vector_store %arg5[%swap3A_311], %broadcast_in_dim3A_3 {strides = array<i32>} : memref<20480xf32, #tpu.memory_space<vmem>>, vector<16xf32>,
          %add3A_313 = arith.constant 80 : i32
          %add3A_314 = arith.addi %add3A_293, %add3A_313 : i32
          %swap3A_315 = arith.index_cast %add3A_314 : i32 to index
          %swap3A_316 = tpu.vector_load %arg5[%swap3A_315] {strides = array<i32>} : memref<20480xf32, #tpu.memory_space<vmem>>, vector<16xf32>,
          tpu.vector_store %arg5[%swap3A_315], %broadcast_in_dim3A_3 {strides = array<i32>} : memref<20480xf32, #tpu.memory_space<vmem>>, vector<16xf32>,
          %add3A_317 = arith.constant 96 : i32
          %add3A_318 = arith.addi %add3A_293, %add3A_317 : i32
          %swap3A_319 = arith.index_cast %add3A_318 : i32 to index
          %swap3A_320 = tpu.vector_load %arg5[%swap3A_319] {strides = array<i32>} : memref<20480xf32, #tpu.memory_space<vmem>>, vector<16xf32>,
          tpu.vector_store %arg5[%swap3A_319], %broadcast_in_dim3A_3 {strides = array<i32>} : memref<20480xf32, #tpu.memory_space<vmem>>, vector<16xf32>,
          %add3A_321 = arith.constant 112 : i32
          %add3A_322 = arith.addi %add3A_293, %add3A_321 : i32
          %swap3A_323 = arith.index_cast %add3A_322 : i32 to index
          %swap3A_324 = tpu.vector_load %arg5[%swap3A_323] {strides = array<i32>} : memref<20480xf32, #tpu.memory_space<vmem>>, vector<16xf32>,
          tpu.vector_store %arg5[%swap3A_323], %broadcast_in_dim3A_3 {strides = array<i32>} : memref<20480xf32, #tpu.memory_space<vmem>>, vector<16xf32>,
        } else {
        }
        %slice3A_250 = vector.extract_strided_slice %get3A_180 {offsets = [10], sizes = [1], strides = [1]} : vector<16xi32> to vector<1xi32>
        %squeeze3A_251 = vector.extract %slice3A_250[0] : i32 from vector<1xi32>
        %eq3A_252 = arith.constant 0 : i32
        %eq3A_253 = arith.cmpi eq, %squeeze3A_251, %eq3A_252 : i32
        %convert_element_type3A_254 = arith.extui %eq3A_253 : i1 to i32
        %cond3A_255 = arith.constant 0 : i32
        %cond3A_256 = arith.cmpi ne, %convert_element_type3A_254, %cond3A_255 : i32
        scf.if %cond3A_256 {
          %add3A_292 = arith.constant 1280 : i32
          %add3A_293 = arith.addi %mul3A_182, %add3A_292 : i32
          %add3A_294 = arith.constant 0 : i32
          %add3A_295 = arith.addi %add3A_293, %add3A_294 : i32
          %swap3A = arith.index_cast %add3A_295 : i32 to index
          %swap3A_296 = tpu.vector_load %arg5[%swap3A] {strides = array<i32>} : memref<20480xf32, #tpu.memory_space<vmem>>, vector<16xf32>,
          tpu.vector_store %arg5[%swap3A], %broadcast_in_dim3A_3 {strides = array<i32>} : memref<20480xf32, #tpu.memory_space<vmem>>, vector<16xf32>,
          %add3A_297 = arith.constant 16 : i32
          %add3A_298 = arith.addi %add3A_293, %add3A_297 : i32
          %swap3A_299 = arith.index_cast %add3A_298 : i32 to index
          %swap3A_300 = tpu.vector_load %arg5[%swap3A_299] {strides = array<i32>} : memref<20480xf32, #tpu.memory_space<vmem>>, vector<16xf32>,
          tpu.vector_store %arg5[%swap3A_299], %broadcast_in_dim3A_3 {strides = array<i32>} : memref<20480xf32, #tpu.memory_space<vmem>>, vector<16xf32>,
          %add3A_301 = arith.constant 32 : i32
          %add3A_302 = arith.addi %add3A_293, %add3A_301 : i32
          %swap3A_303 = arith.index_cast %add3A_302 : i32 to index
          %swap3A_304 = tpu.vector_load %arg5[%swap3A_303] {strides = array<i32>} : memref<20480xf32, #tpu.memory_space<vmem>>, vector<16xf32>,
          tpu.vector_store %arg5[%swap3A_303], %broadcast_in_dim3A_3 {strides = array<i32>} : memref<20480xf32, #tpu.memory_space<vmem>>, vector<16xf32>,
          %add3A_305 = arith.constant 48 : i32
          %add3A_306 = arith.addi %add3A_293, %add3A_305 : i32
          %swap3A_307 = arith.index_cast %add3A_306 : i32 to index
          %swap3A_308 = tpu.vector_load %arg5[%swap3A_307] {strides = array<i32>} : memref<20480xf32, #tpu.memory_space<vmem>>, vector<16xf32>,
          tpu.vector_store %arg5[%swap3A_307], %broadcast_in_dim3A_3 {strides = array<i32>} : memref<20480xf32, #tpu.memory_space<vmem>>, vector<16xf32>,
          %add3A_309 = arith.constant 64 : i32
          %add3A_310 = arith.addi %add3A_293, %add3A_309 : i32
          %swap3A_311 = arith.index_cast %add3A_310 : i32 to index
          %swap3A_312 = tpu.vector_load %arg5[%swap3A_311] {strides = array<i32>} : memref<20480xf32, #tpu.memory_space<vmem>>, vector<16xf32>,
          tpu.vector_store %arg5[%swap3A_311], %broadcast_in_dim3A_3 {strides = array<i32>} : memref<20480xf32, #tpu.memory_space<vmem>>, vector<16xf32>,
          %add3A_313 = arith.constant 80 : i32
          %add3A_314 = arith.addi %add3A_293, %add3A_313 : i32
          %swap3A_315 = arith.index_cast %add3A_314 : i32 to index
          %swap3A_316 = tpu.vector_load %arg5[%swap3A_315] {strides = array<i32>} : memref<20480xf32, #tpu.memory_space<vmem>>, vector<16xf32>,
          tpu.vector_store %arg5[%swap3A_315], %broadcast_in_dim3A_3 {strides = array<i32>} : memref<20480xf32, #tpu.memory_space<vmem>>, vector<16xf32>,
          %add3A_317 = arith.constant 96 : i32
          %add3A_318 = arith.addi %add3A_293, %add3A_317 : i32
          %swap3A_319 = arith.index_cast %add3A_318 : i32 to index
          %swap3A_320 = tpu.vector_load %arg5[%swap3A_319] {strides = array<i32>} : memref<20480xf32, #tpu.memory_space<vmem>>, vector<16xf32>,
          tpu.vector_store %arg5[%swap3A_319], %broadcast_in_dim3A_3 {strides = array<i32>} : memref<20480xf32, #tpu.memory_space<vmem>>, vector<16xf32>,
          %add3A_321 = arith.constant 112 : i32
          %add3A_322 = arith.addi %add3A_293, %add3A_321 : i32
          %swap3A_323 = arith.index_cast %add3A_322 : i32 to index
          %swap3A_324 = tpu.vector_load %arg5[%swap3A_323] {strides = array<i32>} : memref<20480xf32, #tpu.memory_space<vmem>>, vector<16xf32>,
          tpu.vector_store %arg5[%swap3A_323], %broadcast_in_dim3A_3 {strides = array<i32>} : memref<20480xf32, #tpu.memory_space<vmem>>, vector<16xf32>,
        } else {
        }
        %slice3A_257 = vector.extract_strided_slice %get3A_180 {offsets = [11], sizes = [1], strides = [1]} : vector<16xi32> to vector<1xi32>
        %squeeze3A_258 = vector.extract %slice3A_257[0] : i32 from vector<1xi32>
        %eq3A_259 = arith.constant 0 : i32
        %eq3A_260 = arith.cmpi eq, %squeeze3A_258, %eq3A_259 : i32
        %convert_element_type3A_261 = arith.extui %eq3A_260 : i1 to i32
        %cond3A_262 = arith.constant 0 : i32
        %cond3A_263 = arith.cmpi ne, %convert_element_type3A_261, %cond3A_262 : i32
        scf.if %cond3A_263 {
          %add3A_292 = arith.constant 1408 : i32
          %add3A_293 = arith.addi %mul3A_182, %add3A_292 : i32
          %add3A_294 = arith.constant 0 : i32
          %add3A_295 = arith.addi %add3A_293, %add3A_294 : i32
          %swap3A = arith.index_cast %add3A_295 : i32 to index
          %swap3A_296 = tpu.vector_load %arg5[%swap3A] {strides = array<i32>} : memref<20480xf32, #tpu.memory_space<vmem>>, vector<16xf32>,
          tpu.vector_store %arg5[%swap3A], %broadcast_in_dim3A_3 {strides = array<i32>} : memref<20480xf32, #tpu.memory_space<vmem>>, vector<16xf32>,
          %add3A_297 = arith.constant 16 : i32
          %add3A_298 = arith.addi %add3A_293, %add3A_297 : i32
          %swap3A_299 = arith.index_cast %add3A_298 : i32 to index
          %swap3A_300 = tpu.vector_load %arg5[%swap3A_299] {strides = array<i32>} : memref<20480xf32, #tpu.memory_space<vmem>>, vector<16xf32>,
          tpu.vector_store %arg5[%swap3A_299], %broadcast_in_dim3A_3 {strides = array<i32>} : memref<20480xf32, #tpu.memory_space<vmem>>, vector<16xf32>,
          %add3A_301 = arith.constant 32 : i32
          %add3A_302 = arith.addi %add3A_293, %add3A_301 : i32
          %swap3A_303 = arith.index_cast %add3A_302 : i32 to index
          %swap3A_304 = tpu.vector_load %arg5[%swap3A_303] {strides = array<i32>} : memref<20480xf32, #tpu.memory_space<vmem>>, vector<16xf32>,
          tpu.vector_store %arg5[%swap3A_303], %broadcast_in_dim3A_3 {strides = array<i32>} : memref<20480xf32, #tpu.memory_space<vmem>>, vector<16xf32>,
          %add3A_305 = arith.constant 48 : i32
          %add3A_306 = arith.addi %add3A_293, %add3A_305 : i32
          %swap3A_307 = arith.index_cast %add3A_306 : i32 to index
          %swap3A_308 = tpu.vector_load %arg5[%swap3A_307] {strides = array<i32>} : memref<20480xf32, #tpu.memory_space<vmem>>, vector<16xf32>,
          tpu.vector_store %arg5[%swap3A_307], %broadcast_in_dim3A_3 {strides = array<i32>} : memref<20480xf32, #tpu.memory_space<vmem>>, vector<16xf32>,
          %add3A_309 = arith.constant 64 : i32
          %add3A_310 = arith.addi %add3A_293, %add3A_309 : i32
          %swap3A_311 = arith.index_cast %add3A_310 : i32 to index
          %swap3A_312 = tpu.vector_load %arg5[%swap3A_311] {strides = array<i32>} : memref<20480xf32, #tpu.memory_space<vmem>>, vector<16xf32>,
          tpu.vector_store %arg5[%swap3A_311], %broadcast_in_dim3A_3 {strides = array<i32>} : memref<20480xf32, #tpu.memory_space<vmem>>, vector<16xf32>,
          %add3A_313 = arith.constant 80 : i32
          %add3A_314 = arith.addi %add3A_293, %add3A_313 : i32
          %swap3A_315 = arith.index_cast %add3A_314 : i32 to index
          %swap3A_316 = tpu.vector_load %arg5[%swap3A_315] {strides = array<i32>} : memref<20480xf32, #tpu.memory_space<vmem>>, vector<16xf32>,
          tpu.vector_store %arg5[%swap3A_315], %broadcast_in_dim3A_3 {strides = array<i32>} : memref<20480xf32, #tpu.memory_space<vmem>>, vector<16xf32>,
          %add3A_317 = arith.constant 96 : i32
          %add3A_318 = arith.addi %add3A_293, %add3A_317 : i32
          %swap3A_319 = arith.index_cast %add3A_318 : i32 to index
          %swap3A_320 = tpu.vector_load %arg5[%swap3A_319] {strides = array<i32>} : memref<20480xf32, #tpu.memory_space<vmem>>, vector<16xf32>,
          tpu.vector_store %arg5[%swap3A_319], %broadcast_in_dim3A_3 {strides = array<i32>} : memref<20480xf32, #tpu.memory_space<vmem>>, vector<16xf32>,
          %add3A_321 = arith.constant 112 : i32
          %add3A_322 = arith.addi %add3A_293, %add3A_321 : i32
          %swap3A_323 = arith.index_cast %add3A_322 : i32 to index
          %swap3A_324 = tpu.vector_load %arg5[%swap3A_323] {strides = array<i32>} : memref<20480xf32, #tpu.memory_space<vmem>>, vector<16xf32>,
          tpu.vector_store %arg5[%swap3A_323], %broadcast_in_dim3A_3 {strides = array<i32>} : memref<20480xf32, #tpu.memory_space<vmem>>, vector<16xf32>,
        } else {
        }
        %slice3A_264 = vector.extract_strided_slice %get3A_180 {offsets = [12], sizes = [1], strides = [1]} : vector<16xi32> to vector<1xi32>
        %squeeze3A_265 = vector.extract %slice3A_264[0] : i32 from vector<1xi32>
        %eq3A_266 = arith.constant 0 : i32
        %eq3A_267 = arith.cmpi eq, %squeeze3A_265, %eq3A_266 : i32
        %convert_element_type3A_268 = arith.extui %eq3A_267 : i1 to i32
        %cond3A_269 = arith.constant 0 : i32
        %cond3A_270 = arith.cmpi ne, %convert_element_type3A_268, %cond3A_269 : i32
        scf.if %cond3A_270 {
          %add3A_292 = arith.constant 1536 : i32
          %add3A_293 = arith.addi %mul3A_182, %add3A_292 : i32
          %add3A_294 = arith.constant 0 : i32
          %add3A_295 = arith.addi %add3A_293, %add3A_294 : i32
          %swap3A = arith.index_cast %add3A_295 : i32 to index
          %swap3A_296 = tpu.vector_load %arg5[%swap3A] {strides = array<i32>} : memref<20480xf32, #tpu.memory_space<vmem>>, vector<16xf32>,
          tpu.vector_store %arg5[%swap3A], %broadcast_in_dim3A_3 {strides = array<i32>} : memref<20480xf32, #tpu.memory_space<vmem>>, vector<16xf32>,
          %add3A_297 = arith.constant 16 : i32
          %add3A_298 = arith.addi %add3A_293, %add3A_297 : i32
          %swap3A_299 = arith.index_cast %add3A_298 : i32 to index
          %swap3A_300 = tpu.vector_load %arg5[%swap3A_299] {strides = array<i32>} : memref<20480xf32, #tpu.memory_space<vmem>>, vector<16xf32>,
          tpu.vector_store %arg5[%swap3A_299], %broadcast_in_dim3A_3 {strides = array<i32>} : memref<20480xf32, #tpu.memory_space<vmem>>, vector<16xf32>,
          %add3A_301 = arith.constant 32 : i32
          %add3A_302 = arith.addi %add3A_293, %add3A_301 : i32
          %swap3A_303 = arith.index_cast %add3A_302 : i32 to index
          %swap3A_304 = tpu.vector_load %arg5[%swap3A_303] {strides = array<i32>} : memref<20480xf32, #tpu.memory_space<vmem>>, vector<16xf32>,
          tpu.vector_store %arg5[%swap3A_303], %broadcast_in_dim3A_3 {strides = array<i32>} : memref<20480xf32, #tpu.memory_space<vmem>>, vector<16xf32>,
          %add3A_305 = arith.constant 48 : i32
          %add3A_306 = arith.addi %add3A_293, %add3A_305 : i32
          %swap3A_307 = arith.index_cast %add3A_306 : i32 to index
          %swap3A_308 = tpu.vector_load %arg5[%swap3A_307] {strides = array<i32>} : memref<20480xf32, #tpu.memory_space<vmem>>, vector<16xf32>,
          tpu.vector_store %arg5[%swap3A_307], %broadcast_in_dim3A_3 {strides = array<i32>} : memref<20480xf32, #tpu.memory_space<vmem>>, vector<16xf32>,
          %add3A_309 = arith.constant 64 : i32
          %add3A_310 = arith.addi %add3A_293, %add3A_309 : i32
          %swap3A_311 = arith.index_cast %add3A_310 : i32 to index
          %swap3A_312 = tpu.vector_load %arg5[%swap3A_311] {strides = array<i32>} : memref<20480xf32, #tpu.memory_space<vmem>>, vector<16xf32>,
          tpu.vector_store %arg5[%swap3A_311], %broadcast_in_dim3A_3 {strides = array<i32>} : memref<20480xf32, #tpu.memory_space<vmem>>, vector<16xf32>,
          %add3A_313 = arith.constant 80 : i32
          %add3A_314 = arith.addi %add3A_293, %add3A_313 : i32
          %swap3A_315 = arith.index_cast %add3A_314 : i32 to index
          %swap3A_316 = tpu.vector_load %arg5[%swap3A_315] {strides = array<i32>} : memref<20480xf32, #tpu.memory_space<vmem>>, vector<16xf32>,
          tpu.vector_store %arg5[%swap3A_315], %broadcast_in_dim3A_3 {strides = array<i32>} : memref<20480xf32, #tpu.memory_space<vmem>>, vector<16xf32>,
          %add3A_317 = arith.constant 96 : i32
          %add3A_318 = arith.addi %add3A_293, %add3A_317 : i32
          %swap3A_319 = arith.index_cast %add3A_318 : i32 to index
          %swap3A_320 = tpu.vector_load %arg5[%swap3A_319] {strides = array<i32>} : memref<20480xf32, #tpu.memory_space<vmem>>, vector<16xf32>,
          tpu.vector_store %arg5[%swap3A_319], %broadcast_in_dim3A_3 {strides = array<i32>} : memref<20480xf32, #tpu.memory_space<vmem>>, vector<16xf32>,
          %add3A_321 = arith.constant 112 : i32
          %add3A_322 = arith.addi %add3A_293, %add3A_321 : i32
          %swap3A_323 = arith.index_cast %add3A_322 : i32 to index
          %swap3A_324 = tpu.vector_load %arg5[%swap3A_323] {strides = array<i32>} : memref<20480xf32, #tpu.memory_space<vmem>>, vector<16xf32>,
          tpu.vector_store %arg5[%swap3A_323], %broadcast_in_dim3A_3 {strides = array<i32>} : memref<20480xf32, #tpu.memory_space<vmem>>, vector<16xf32>,
        } else {
        }
        %slice3A_271 = vector.extract_strided_slice %get3A_180 {offsets = [13], sizes = [1], strides = [1]} : vector<16xi32> to vector<1xi32>
        %squeeze3A_272 = vector.extract %slice3A_271[0] : i32 from vector<1xi32>
        %eq3A_273 = arith.constant 0 : i32
        %eq3A_274 = arith.cmpi eq, %squeeze3A_272, %eq3A_273 : i32
        %convert_element_type3A_275 = arith.extui %eq3A_274 : i1 to i32
        %cond3A_276 = arith.constant 0 : i32
        %cond3A_277 = arith.cmpi ne, %convert_element_type3A_275, %cond3A_276 : i32
        scf.if %cond3A_277 {
          %add3A_292 = arith.constant 1664 : i32
          %add3A_293 = arith.addi %mul3A_182, %add3A_292 : i32
          %add3A_294 = arith.constant 0 : i32
          %add3A_295 = arith.addi %add3A_293, %add3A_294 : i32
          %swap3A = arith.index_cast %add3A_295 : i32 to index
          %swap3A_296 = tpu.vector_load %arg5[%swap3A] {strides = array<i32>} : memref<20480xf32, #tpu.memory_space<vmem>>, vector<16xf32>,
          tpu.vector_store %arg5[%swap3A], %broadcast_in_dim3A_3 {strides = array<i32>} : memref<20480xf32, #tpu.memory_space<vmem>>, vector<16xf32>,
          %add3A_297 = arith.constant 16 : i32
          %add3A_298 = arith.addi %add3A_293, %add3A_297 : i32
          %swap3A_299 = arith.index_cast %add3A_298 : i32 to index
          %swap3A_300 = tpu.vector_load %arg5[%swap3A_299] {strides = array<i32>} : memref<20480xf32, #tpu.memory_space<vmem>>, vector<16xf32>,
          tpu.vector_store %arg5[%swap3A_299], %broadcast_in_dim3A_3 {strides = array<i32>} : memref<20480xf32, #tpu.memory_space<vmem>>, vector<16xf32>,
          %add3A_301 = arith.constant 32 : i32
          %add3A_302 = arith.addi %add3A_293, %add3A_301 : i32
          %swap3A_303 = arith.index_cast %add3A_302 : i32 to index
          %swap3A_304 = tpu.vector_load %arg5[%swap3A_303] {strides = array<i32>} : memref<20480xf32, #tpu.memory_space<vmem>>, vector<16xf32>,
          tpu.vector_store %arg5[%swap3A_303], %broadcast_in_dim3A_3 {strides = array<i32>} : memref<20480xf32, #tpu.memory_space<vmem>>, vector<16xf32>,
          %add3A_305 = arith.constant 48 : i32
          %add3A_306 = arith.addi %add3A_293, %add3A_305 : i32
          %swap3A_307 = arith.index_cast %add3A_306 : i32 to index
          %swap3A_308 = tpu.vector_load %arg5[%swap3A_307] {strides = array<i32>} : memref<20480xf32, #tpu.memory_space<vmem>>, vector<16xf32>,
          tpu.vector_store %arg5[%swap3A_307], %broadcast_in_dim3A_3 {strides = array<i32>} : memref<20480xf32, #tpu.memory_space<vmem>>, vector<16xf32>,
          %add3A_309 = arith.constant 64 : i32
          %add3A_310 = arith.addi %add3A_293, %add3A_309 : i32
          %swap3A_311 = arith.index_cast %add3A_310 : i32 to index
          %swap3A_312 = tpu.vector_load %arg5[%swap3A_311] {strides = array<i32>} : memref<20480xf32, #tpu.memory_space<vmem>>, vector<16xf32>,
          tpu.vector_store %arg5[%swap3A_311], %broadcast_in_dim3A_3 {strides = array<i32>} : memref<20480xf32, #tpu.memory_space<vmem>>, vector<16xf32>,
          %add3A_313 = arith.constant 80 : i32
          %add3A_314 = arith.addi %add3A_293, %add3A_313 : i32
          %swap3A_315 = arith.index_cast %add3A_314 : i32 to index
          %swap3A_316 = tpu.vector_load %arg5[%swap3A_315] {strides = array<i32>} : memref<20480xf32, #tpu.memory_space<vmem>>, vector<16xf32>,
          tpu.vector_store %arg5[%swap3A_315], %broadcast_in_dim3A_3 {strides = array<i32>} : memref<20480xf32, #tpu.memory_space<vmem>>, vector<16xf32>,
          %add3A_317 = arith.constant 96 : i32
          %add3A_318 = arith.addi %add3A_293, %add3A_317 : i32
          %swap3A_319 = arith.index_cast %add3A_318 : i32 to index
          %swap3A_320 = tpu.vector_load %arg5[%swap3A_319] {strides = array<i32>} : memref<20480xf32, #tpu.memory_space<vmem>>, vector<16xf32>,
          tpu.vector_store %arg5[%swap3A_319], %broadcast_in_dim3A_3 {strides = array<i32>} : memref<20480xf32, #tpu.memory_space<vmem>>, vector<16xf32>,
          %add3A_321 = arith.constant 112 : i32
          %add3A_322 = arith.addi %add3A_293, %add3A_321 : i32
          %swap3A_323 = arith.index_cast %add3A_322 : i32 to index
          %swap3A_324 = tpu.vector_load %arg5[%swap3A_323] {strides = array<i32>} : memref<20480xf32, #tpu.memory_space<vmem>>, vector<16xf32>,
          tpu.vector_store %arg5[%swap3A_323], %broadcast_in_dim3A_3 {strides = array<i32>} : memref<20480xf32, #tpu.memory_space<vmem>>, vector<16xf32>,
        } else {
        }
        %slice3A_278 = vector.extract_strided_slice %get3A_180 {offsets = [14], sizes = [1], strides = [1]} : vector<16xi32> to vector<1xi32>
        %squeeze3A_279 = vector.extract %slice3A_278[0] : i32 from vector<1xi32>
        %eq3A_280 = arith.constant 0 : i32
        %eq3A_281 = arith.cmpi eq, %squeeze3A_279, %eq3A_280 : i32
        %convert_element_type3A_282 = arith.extui %eq3A_281 : i1 to i32
        %cond3A_283 = arith.constant 0 : i32
        %cond3A_284 = arith.cmpi ne, %convert_element_type3A_282, %cond3A_283 : i32
        scf.if %cond3A_284 {
          %add3A_292 = arith.constant 1792 : i32
          %add3A_293 = arith.addi %mul3A_182, %add3A_292 : i32
          %add3A_294 = arith.constant 0 : i32
          %add3A_295 = arith.addi %add3A_293, %add3A_294 : i32
          %swap3A = arith.index_cast %add3A_295 : i32 to index
          %swap3A_296 = tpu.vector_load %arg5[%swap3A] {strides = array<i32>} : memref<20480xf32, #tpu.memory_space<vmem>>, vector<16xf32>,
          tpu.vector_store %arg5[%swap3A], %broadcast_in_dim3A_3 {strides = array<i32>} : memref<20480xf32, #tpu.memory_space<vmem>>, vector<16xf32>,
          %add3A_297 = arith.constant 16 : i32
          %add3A_298 = arith.addi %add3A_293, %add3A_297 : i32
          %swap3A_299 = arith.index_cast %add3A_298 : i32 to index
          %swap3A_300 = tpu.vector_load %arg5[%swap3A_299] {strides = array<i32>} : memref<20480xf32, #tpu.memory_space<vmem>>, vector<16xf32>,
          tpu.vector_store %arg5[%swap3A_299], %broadcast_in_dim3A_3 {strides = array<i32>} : memref<20480xf32, #tpu.memory_space<vmem>>, vector<16xf32>,
          %add3A_301 = arith.constant 32 : i32
          %add3A_302 = arith.addi %add3A_293, %add3A_301 : i32
          %swap3A_303 = arith.index_cast %add3A_302 : i32 to index
          %swap3A_304 = tpu.vector_load %arg5[%swap3A_303] {strides = array<i32>} : memref<20480xf32, #tpu.memory_space<vmem>>, vector<16xf32>,
          tpu.vector_store %arg5[%swap3A_303], %broadcast_in_dim3A_3 {strides = array<i32>} : memref<20480xf32, #tpu.memory_space<vmem>>, vector<16xf32>,
          %add3A_305 = arith.constant 48 : i32
          %add3A_306 = arith.addi %add3A_293, %add3A_305 : i32
          %swap3A_307 = arith.index_cast %add3A_306 : i32 to index
          %swap3A_308 = tpu.vector_load %arg5[%swap3A_307] {strides = array<i32>} : memref<20480xf32, #tpu.memory_space<vmem>>, vector<16xf32>,
          tpu.vector_store %arg5[%swap3A_307], %broadcast_in_dim3A_3 {strides = array<i32>} : memref<20480xf32, #tpu.memory_space<vmem>>, vector<16xf32>,
          %add3A_309 = arith.constant 64 : i32
          %add3A_310 = arith.addi %add3A_293, %add3A_309 : i32
          %swap3A_311 = arith.index_cast %add3A_310 : i32 to index
          %swap3A_312 = tpu.vector_load %arg5[%swap3A_311] {strides = array<i32>} : memref<20480xf32, #tpu.memory_space<vmem>>, vector<16xf32>,
          tpu.vector_store %arg5[%swap3A_311], %broadcast_in_dim3A_3 {strides = array<i32>} : memref<20480xf32, #tpu.memory_space<vmem>>, vector<16xf32>,
          %add3A_313 = arith.constant 80 : i32
          %add3A_314 = arith.addi %add3A_293, %add3A_313 : i32
          %swap3A_315 = arith.index_cast %add3A_314 : i32 to index
          %swap3A_316 = tpu.vector_load %arg5[%swap3A_315] {strides = array<i32>} : memref<20480xf32, #tpu.memory_space<vmem>>, vector<16xf32>,
          tpu.vector_store %arg5[%swap3A_315], %broadcast_in_dim3A_3 {strides = array<i32>} : memref<20480xf32, #tpu.memory_space<vmem>>, vector<16xf32>,
          %add3A_317 = arith.constant 96 : i32
          %add3A_318 = arith.addi %add3A_293, %add3A_317 : i32
          %swap3A_319 = arith.index_cast %add3A_318 : i32 to index
          %swap3A_320 = tpu.vector_load %arg5[%swap3A_319] {strides = array<i32>} : memref<20480xf32, #tpu.memory_space<vmem>>, vector<16xf32>,
          tpu.vector_store %arg5[%swap3A_319], %broadcast_in_dim3A_3 {strides = array<i32>} : memref<20480xf32, #tpu.memory_space<vmem>>, vector<16xf32>,
          %add3A_321 = arith.constant 112 : i32
          %add3A_322 = arith.addi %add3A_293, %add3A_321 : i32
          %swap3A_323 = arith.index_cast %add3A_322 : i32 to index
          %swap3A_324 = tpu.vector_load %arg5[%swap3A_323] {strides = array<i32>} : memref<20480xf32, #tpu.memory_space<vmem>>, vector<16xf32>,
          tpu.vector_store %arg5[%swap3A_323], %broadcast_in_dim3A_3 {strides = array<i32>} : memref<20480xf32, #tpu.memory_space<vmem>>, vector<16xf32>,
        } else {
        }
        %slice3A_285 = vector.extract_strided_slice %get3A_180 {offsets = [15], sizes = [1], strides = [1]} : vector<16xi32> to vector<1xi32>
        %squeeze3A_286 = vector.extract %slice3A_285[0] : i32 from vector<1xi32>
        %eq3A_287 = arith.constant 0 : i32
        %eq3A_288 = arith.cmpi eq, %squeeze3A_286, %eq3A_287 : i32
        %convert_element_type3A_289 = arith.extui %eq3A_288 : i1 to i32
        %cond3A_290 = arith.constant 0 : i32
        %cond3A_291 = arith.cmpi ne, %convert_element_type3A_289, %cond3A_290 : i32
        scf.if %cond3A_291 {
          %add3A_292 = arith.constant 1920 : i32
          %add3A_293 = arith.addi %mul3A_182, %add3A_292 : i32
          %add3A_294 = arith.constant 0 : i32
          %add3A_295 = arith.addi %add3A_293, %add3A_294 : i32
          %swap3A = arith.index_cast %add3A_295 : i32 to index
          %swap3A_296 = tpu.vector_load %arg5[%swap3A] {strides = array<i32>} : memref<20480xf32, #tpu.memory_space<vmem>>, vector<16xf32>,
          tpu.vector_store %arg5[%swap3A], %broadcast_in_dim3A_3 {strides = array<i32>} : memref<20480xf32, #tpu.memory_space<vmem>>, vector<16xf32>,
          %add3A_297 = arith.constant 16 : i32
          %add3A_298 = arith.addi %add3A_293, %add3A_297 : i32
          %swap3A_299 = arith.index_cast %add3A_298 : i32 to index
          %swap3A_300 = tpu.vector_load %arg5[%swap3A_299] {strides = array<i32>} : memref<20480xf32, #tpu.memory_space<vmem>>, vector<16xf32>,
          tpu.vector_store %arg5[%swap3A_299], %broadcast_in_dim3A_3 {strides = array<i32>} : memref<20480xf32, #tpu.memory_space<vmem>>, vector<16xf32>,
          %add3A_301 = arith.constant 32 : i32
          %add3A_302 = arith.addi %add3A_293, %add3A_301 : i32
          %swap3A_303 = arith.index_cast %add3A_302 : i32 to index
          %swap3A_304 = tpu.vector_load %arg5[%swap3A_303] {strides = array<i32>} : memref<20480xf32, #tpu.memory_space<vmem>>, vector<16xf32>,
          tpu.vector_store %arg5[%swap3A_303], %broadcast_in_dim3A_3 {strides = array<i32>} : memref<20480xf32, #tpu.memory_space<vmem>>, vector<16xf32>,
          %add3A_305 = arith.constant 48 : i32
          %add3A_306 = arith.addi %add3A_293, %add3A_305 : i32
          %swap3A_307 = arith.index_cast %add3A_306 : i32 to index
          %swap3A_308 = tpu.vector_load %arg5[%swap3A_307] {strides = array<i32>} : memref<20480xf32, #tpu.memory_space<vmem>>, vector<16xf32>,
          tpu.vector_store %arg5[%swap3A_307], %broadcast_in_dim3A_3 {strides = array<i32>} : memref<20480xf32, #tpu.memory_space<vmem>>, vector<16xf32>,
          %add3A_309 = arith.constant 64 : i32
          %add3A_310 = arith.addi %add3A_293, %add3A_309 : i32
          %swap3A_311 = arith.index_cast %add3A_310 : i32 to index
          %swap3A_312 = tpu.vector_load %arg5[%swap3A_311] {strides = array<i32>} : memref<20480xf32, #tpu.memory_space<vmem>>, vector<16xf32>,
          tpu.vector_store %arg5[%swap3A_311], %broadcast_in_dim3A_3 {strides = array<i32>} : memref<20480xf32, #tpu.memory_space<vmem>>, vector<16xf32>,
          %add3A_313 = arith.constant 80 : i32
          %add3A_314 = arith.addi %add3A_293, %add3A_313 : i32
          %swap3A_315 = arith.index_cast %add3A_314 : i32 to index
          %swap3A_316 = tpu.vector_load %arg5[%swap3A_315] {strides = array<i32>} : memref<20480xf32, #tpu.memory_space<vmem>>, vector<16xf32>,
          tpu.vector_store %arg5[%swap3A_315], %broadcast_in_dim3A_3 {strides = array<i32>} : memref<20480xf32, #tpu.memory_space<vmem>>, vector<16xf32>,
          %add3A_317 = arith.constant 96 : i32
          %add3A_318 = arith.addi %add3A_293, %add3A_317 : i32
          %swap3A_319 = arith.index_cast %add3A_318 : i32 to index
          %swap3A_320 = tpu.vector_load %arg5[%swap3A_319] {strides = array<i32>} : memref<20480xf32, #tpu.memory_space<vmem>>, vector<16xf32>,
          tpu.vector_store %arg5[%swap3A_319], %broadcast_in_dim3A_3 {strides = array<i32>} : memref<20480xf32, #tpu.memory_space<vmem>>, vector<16xf32>,
          %add3A_321 = arith.constant 112 : i32
          %add3A_322 = arith.addi %add3A_293, %add3A_321 : i32
          %swap3A_323 = arith.index_cast %add3A_322 : i32 to index
          %swap3A_324 = tpu.vector_load %arg5[%swap3A_323] {strides = array<i32>} : memref<20480xf32, #tpu.memory_space<vmem>>, vector<16xf32>,
          tpu.vector_store %arg5[%swap3A_323], %broadcast_in_dim3A_3 {strides = array<i32>} : memref<20480xf32, #tpu.memory_space<vmem>>, vector<16xf32>,
        } else {
        }
      }
      %scan3A_66 = arith.constant 10 : i32
      %mul3A_67 = arith.constant 160 : i32
      %mul3A_68 = arith.muli %add3A_51, %mul3A_67 : i32
      %add3A_69 = arith.addi %mul3A_2, %mul3A_68 : i32
      %mul3A_70 = arith.constant 128 : i32
      %mul3A_71 = arith.muli %add3A_69, %mul3A_70 : i32
      %dma_start3A_72 = tpu.memref_slice %arg4[%mul3A_71] : memref<26214400xf32, #tpu.memory_space<hbm>> -> memref<20480xf32, #tpu.memory_space<hbm>>
      %dma_start3A_73 = tpu.memref_slice %arg4[%mul3A_71] : memref<26214400xf32, #tpu.memory_space<hbm>> -> memref<20480xf32, #tpu.memory_space<hbm>>
      tpu.enqueue_dma source(%arg5 : memref<20480xf32, #tpu.memory_space<vmem>>) target(%dma_start3A_73 : memref<20480xf32, #tpu.memory_space<hbm>>) target_semaphore(%arg17 : memref<!tpu.dma_semaphore, #tpu.memory_space<semaphore_mem>>)
      %add3A_74 = arith.constant 2 : i32
      %add3A_75 = arith.addi %add3A_51, %add3A_74 : i32
      %lt3A = arith.constant 40 : i32
      %lt3A_76 = arith.cmpi slt, %add3A_75, %lt3A : i32
      %convert_element_type3A = arith.extui %lt3A_76 : i1 to i32
      %cond3A = arith.constant 0 : i32
      %cond3A_77 = arith.cmpi ne, %convert_element_type3A, %cond3A : i32
      scf.if %cond3A_77 {
        %ge3A = arith.constant 2 : i32
        %ge3A_177 = arith.cmpi sge, %add3A_51, %ge3A : i32
        %convert_element_type3A_178 = arith.extui %ge3A_177 : i1 to i32
        %cond3A_179 = arith.constant 0 : i32
        %cond3A_180 = arith.cmpi ne, %convert_element_type3A_178, %cond3A_179 : i32
        scf.if %cond3A_180 {
          %sub3A = arith.constant 2 : i32
          %sub3A_192 = arith.subi %add3A_51, %sub3A : i32
          %mul3A_193 = arith.constant 160 : i32
          %mul3A_194 = arith.muli %sub3A_192, %mul3A_193 : i32
          %add3A_195 = arith.addi %mul3A_2, %mul3A_194 : i32
          %mul3A_196 = arith.constant 128 : i32
          %mul3A_197 = arith.muli %add3A_195, %mul3A_196 : i32
          %dma_wait3A_198 = tpu.memref_slice %arg4[%mul3A_197] : memref<26214400xf32, #tpu.memory_space<hbm>> -> memref<20480xf32, #tpu.memory_space<hbm>>
          %dma_wait3A_199 = tpu.memref_slice %arg4[%mul3A_197] : memref<26214400xf32, #tpu.memory_space<hbm>> -> memref<20480xf32, #tpu.memory_space<hbm>>
          tpu.wait_dma2 semaphore(%arg19 : memref<!tpu.dma_semaphore, #tpu.memory_space<semaphore_mem>>) src(%arg7 : memref<20480xf32, #tpu.memory_space<vmem>>) dst(%dma_wait3A_199 : memref<20480xf32, #tpu.memory_space<hbm>>)
        } else {
        }
        %add3A_181 = arith.constant 2 : i32
        %add3A_182 = arith.addi %add3A_51, %add3A_181 : i32
        %mul3A_183 = arith.constant 160 : i32
        %mul3A_184 = arith.muli %add3A_182, %mul3A_183 : i32
        %add3A_185 = arith.addi %mul3A_2, %mul3A_184 : i32
        %mul3A_186 = arith.constant 128 : i32
        %mul3A_187 = arith.muli %add3A_185, %mul3A_186 : i32
        %dma_start3A_188 = tpu.memref_slice %arg2[%mul3A_187] : memref<26214400xf32, #tpu.memory_space<hbm>> -> memref<20480xf32, #tpu.memory_space<hbm>>
        %dma_start3A_189 = tpu.memref_slice %arg2[%mul3A_187] : memref<26214400xf32, #tpu.memory_space<hbm>> -> memref<20480xf32, #tpu.memory_space<hbm>>
        tpu.enqueue_dma source(%dma_start3A_189 : memref<20480xf32, #tpu.memory_space<hbm>>) target(%arg7 : memref<20480xf32, #tpu.memory_space<vmem>>) target_semaphore(%arg15 : memref<!tpu.dma_semaphore, #tpu.memory_space<semaphore_mem>>)
        %dma_start3A_190 = tpu.memref_slice %arg3[%add3A_185] : memref<204800xi32, #tpu.memory_space<hbm>> -> memref<160xi32, #tpu.memory_space<hbm>>
        %dma_start3A_191 = tpu.memref_slice %arg3[%add3A_185] : memref<204800xi32, #tpu.memory_space<hbm>> -> memref<160xi32, #tpu.memory_space<hbm>>
        tpu.enqueue_dma source(%dma_start3A_191 : memref<160xi32, #tpu.memory_space<hbm>>) target(%arg11 : memref<160xi32, #tpu.memory_space<vmem>>) target_semaphore(%arg15 : memref<!tpu.dma_semaphore, #tpu.memory_space<semaphore_mem>>)
      } else {
      }
      %mul3A_78 = arith.constant 4 : i32
      %mul3A_79 = arith.muli %scan3A_47, %mul3A_78 : i32
      %add3A_80 = arith.constant 1 : i32
      %add3A_81 = arith.addi %mul3A_79, %add3A_80 : i32
      %mul3A_82 = arith.constant 160 : i32
      %mul3A_83 = arith.muli %add3A_81, %mul3A_82 : i32
      %add3A_84 = arith.addi %mul3A_2, %mul3A_83 : i32
      %mul3A_85 = arith.constant 128 : i32
      %mul3A_86 = arith.muli %add3A_84, %mul3A_85 : i32
      %dma_wait3A_87 = tpu.memref_slice %arg2[%mul3A_86] : memref<26214400xf32, #tpu.memory_space<hbm>> -> memref<20480xf32, #tpu.memory_space<hbm>>
      %dma_wait3A_88 = tpu.memref_slice %arg2[%mul3A_86] : memref<26214400xf32, #tpu.memory_space<hbm>> -> memref<20480xf32, #tpu.memory_space<hbm>>
      tpu.wait_dma2 semaphore(%arg14 : memref<!tpu.dma_semaphore, #tpu.memory_space<semaphore_mem>>) src(%dma_wait3A_88 : memref<20480xf32, #tpu.memory_space<hbm>>) dst(%arg6 : memref<20480xf32, #tpu.memory_space<vmem>>)
      %dma_wait3A_89 = tpu.memref_slice %arg3[%add3A_84] : memref<204800xi32, #tpu.memory_space<hbm>> -> memref<160xi32, #tpu.memory_space<hbm>>
      %dma_wait3A_90 = tpu.memref_slice %arg3[%add3A_84] : memref<204800xi32, #tpu.memory_space<hbm>> -> memref<160xi32, #tpu.memory_space<hbm>>
      tpu.wait_dma2 semaphore(%arg14 : memref<!tpu.dma_semaphore, #tpu.memory_space<semaphore_mem>>) src(%dma_wait3A_90 : memref<160xi32, #tpu.memory_space<hbm>>) dst(%arg10 : memref<160xi32, #tpu.memory_space<vmem>>)
      %scan3A_91 = arith.constant 0 : i32
      %scan3A_92 = arith.constant 0 : i32
      %scan3A_93 = arith.constant 10 : i32
      %scan3A_94 = arith.addi %scan3A_92, %scan3A_93 : i32
      %scan3A_95 = arith.constant 1 : i32
      scf.for %scan3A_177 = %scan3A_92 to %scan3A_94 step %scan3A_95  : i32 {
        %mul3A_178 = arith.constant 16 : i32
        %mul3A_179 = arith.muli %scan3A_177, %mul3A_178 : i32
        %get3A = arith.index_cast %mul3A_179 : i32 to index
        %get3A_180 = tpu.vector_load %arg10[%get3A] {strides = array<i32>} : memref<160xi32, #tpu.memory_space<vmem>>, vector<16xi32>,
        %mul3A_181 = arith.constant 2048 : i32
        %mul3A_182 = arith.muli %scan3A_177, %mul3A_181 : i32
        %slice3A = vector.extract_strided_slice %get3A_180 {offsets = [0], sizes = [1], strides = [1]} : vector<16xi32> to vector<1xi32>
        %squeeze3A = vector.extract %slice3A[0] : i32 from vector<1xi32>
        %eq3A = arith.constant 0 : i32
        %eq3A_183 = arith.cmpi eq, %squeeze3A, %eq3A : i32
        %convert_element_type3A_184 = arith.extui %eq3A_183 : i1 to i32
        %cond3A_185 = arith.constant 0 : i32
        %cond3A_186 = arith.cmpi ne, %convert_element_type3A_184, %cond3A_185 : i32
        scf.if %cond3A_186 {
          %add3A_292 = arith.constant 0 : i32
          %add3A_293 = arith.addi %mul3A_182, %add3A_292 : i32
          %add3A_294 = arith.constant 0 : i32
          %add3A_295 = arith.addi %add3A_293, %add3A_294 : i32
          %swap3A = arith.index_cast %add3A_295 : i32 to index
          %swap3A_296 = tpu.vector_load %arg6[%swap3A] {strides = array<i32>} : memref<20480xf32, #tpu.memory_space<vmem>>, vector<16xf32>,
          tpu.vector_store %arg6[%swap3A], %broadcast_in_dim3A_3 {strides = array<i32>} : memref<20480xf32, #tpu.memory_space<vmem>>, vector<16xf32>,
          %add3A_297 = arith.constant 16 : i32
          %add3A_298 = arith.addi %add3A_293, %add3A_297 : i32
          %swap3A_299 = arith.index_cast %add3A_298 : i32 to index
          %swap3A_300 = tpu.vector_load %arg6[%swap3A_299] {strides = array<i32>} : memref<20480xf32, #tpu.memory_space<vmem>>, vector<16xf32>,
          tpu.vector_store %arg6[%swap3A_299], %broadcast_in_dim3A_3 {strides = array<i32>} : memref<20480xf32, #tpu.memory_space<vmem>>, vector<16xf32>,
          %add3A_301 = arith.constant 32 : i32
          %add3A_302 = arith.addi %add3A_293, %add3A_301 : i32
          %swap3A_303 = arith.index_cast %add3A_302 : i32 to index
          %swap3A_304 = tpu.vector_load %arg6[%swap3A_303] {strides = array<i32>} : memref<20480xf32, #tpu.memory_space<vmem>>, vector<16xf32>,
          tpu.vector_store %arg6[%swap3A_303], %broadcast_in_dim3A_3 {strides = array<i32>} : memref<20480xf32, #tpu.memory_space<vmem>>, vector<16xf32>,
          %add3A_305 = arith.constant 48 : i32
          %add3A_306 = arith.addi %add3A_293, %add3A_305 : i32
          %swap3A_307 = arith.index_cast %add3A_306 : i32 to index
          %swap3A_308 = tpu.vector_load %arg6[%swap3A_307] {strides = array<i32>} : memref<20480xf32, #tpu.memory_space<vmem>>, vector<16xf32>,
          tpu.vector_store %arg6[%swap3A_307], %broadcast_in_dim3A_3 {strides = array<i32>} : memref<20480xf32, #tpu.memory_space<vmem>>, vector<16xf32>,
          %add3A_309 = arith.constant 64 : i32
          %add3A_310 = arith.addi %add3A_293, %add3A_309 : i32
          %swap3A_311 = arith.index_cast %add3A_310 : i32 to index
          %swap3A_312 = tpu.vector_load %arg6[%swap3A_311] {strides = array<i32>} : memref<20480xf32, #tpu.memory_space<vmem>>, vector<16xf32>,
          tpu.vector_store %arg6[%swap3A_311], %broadcast_in_dim3A_3 {strides = array<i32>} : memref<20480xf32, #tpu.memory_space<vmem>>, vector<16xf32>,
          %add3A_313 = arith.constant 80 : i32
          %add3A_314 = arith.addi %add3A_293, %add3A_313 : i32
          %swap3A_315 = arith.index_cast %add3A_314 : i32 to index
          %swap3A_316 = tpu.vector_load %arg6[%swap3A_315] {strides = array<i32>} : memref<20480xf32, #tpu.memory_space<vmem>>, vector<16xf32>,
          tpu.vector_store %arg6[%swap3A_315], %broadcast_in_dim3A_3 {strides = array<i32>} : memref<20480xf32, #tpu.memory_space<vmem>>, vector<16xf32>,
          %add3A_317 = arith.constant 96 : i32
          %add3A_318 = arith.addi %add3A_293, %add3A_317 : i32
          %swap3A_319 = arith.index_cast %add3A_318 : i32 to index
          %swap3A_320 = tpu.vector_load %arg6[%swap3A_319] {strides = array<i32>} : memref<20480xf32, #tpu.memory_space<vmem>>, vector<16xf32>,
          tpu.vector_store %arg6[%swap3A_319], %broadcast_in_dim3A_3 {strides = array<i32>} : memref<20480xf32, #tpu.memory_space<vmem>>, vector<16xf32>,
          %add3A_321 = arith.constant 112 : i32
          %add3A_322 = arith.addi %add3A_293, %add3A_321 : i32
          %swap3A_323 = arith.index_cast %add3A_322 : i32 to index
          %swap3A_324 = tpu.vector_load %arg6[%swap3A_323] {strides = array<i32>} : memref<20480xf32, #tpu.memory_space<vmem>>, vector<16xf32>,
          tpu.vector_store %arg6[%swap3A_323], %broadcast_in_dim3A_3 {strides = array<i32>} : memref<20480xf32, #tpu.memory_space<vmem>>, vector<16xf32>,
        } else {
        }
        %slice3A_187 = vector.extract_strided_slice %get3A_180 {offsets = [1], sizes = [1], strides = [1]} : vector<16xi32> to vector<1xi32>
        %squeeze3A_188 = vector.extract %slice3A_187[0] : i32 from vector<1xi32>
        %eq3A_189 = arith.constant 0 : i32
        %eq3A_190 = arith.cmpi eq, %squeeze3A_188, %eq3A_189 : i32
        %convert_element_type3A_191 = arith.extui %eq3A_190 : i1 to i32
        %cond3A_192 = arith.constant 0 : i32
        %cond3A_193 = arith.cmpi ne, %convert_element_type3A_191, %cond3A_192 : i32
        scf.if %cond3A_193 {
          %add3A_292 = arith.constant 128 : i32
          %add3A_293 = arith.addi %mul3A_182, %add3A_292 : i32
          %add3A_294 = arith.constant 0 : i32
          %add3A_295 = arith.addi %add3A_293, %add3A_294 : i32
          %swap3A = arith.index_cast %add3A_295 : i32 to index
          %swap3A_296 = tpu.vector_load %arg6[%swap3A] {strides = array<i32>} : memref<20480xf32, #tpu.memory_space<vmem>>, vector<16xf32>,
          tpu.vector_store %arg6[%swap3A], %broadcast_in_dim3A_3 {strides = array<i32>} : memref<20480xf32, #tpu.memory_space<vmem>>, vector<16xf32>,
          %add3A_297 = arith.constant 16 : i32
          %add3A_298 = arith.addi %add3A_293, %add3A_297 : i32
          %swap3A_299 = arith.index_cast %add3A_298 : i32 to index
          %swap3A_300 = tpu.vector_load %arg6[%swap3A_299] {strides = array<i32>} : memref<20480xf32, #tpu.memory_space<vmem>>, vector<16xf32>,
          tpu.vector_store %arg6[%swap3A_299], %broadcast_in_dim3A_3 {strides = array<i32>} : memref<20480xf32, #tpu.memory_space<vmem>>, vector<16xf32>,
          %add3A_301 = arith.constant 32 : i32
          %add3A_302 = arith.addi %add3A_293, %add3A_301 : i32
          %swap3A_303 = arith.index_cast %add3A_302 : i32 to index
          %swap3A_304 = tpu.vector_load %arg6[%swap3A_303] {strides = array<i32>} : memref<20480xf32, #tpu.memory_space<vmem>>, vector<16xf32>,
          tpu.vector_store %arg6[%swap3A_303], %broadcast_in_dim3A_3 {strides = array<i32>} : memref<20480xf32, #tpu.memory_space<vmem>>, vector<16xf32>,
          %add3A_305 = arith.constant 48 : i32
          %add3A_306 = arith.addi %add3A_293, %add3A_305 : i32
          %swap3A_307 = arith.index_cast %add3A_306 : i32 to index
          %swap3A_308 = tpu.vector_load %arg6[%swap3A_307] {strides = array<i32>} : memref<20480xf32, #tpu.memory_space<vmem>>, vector<16xf32>,
          tpu.vector_store %arg6[%swap3A_307], %broadcast_in_dim3A_3 {strides = array<i32>} : memref<20480xf32, #tpu.memory_space<vmem>>, vector<16xf32>,
          %add3A_309 = arith.constant 64 : i32
          %add3A_310 = arith.addi %add3A_293, %add3A_309 : i32
          %swap3A_311 = arith.index_cast %add3A_310 : i32 to index
          %swap3A_312 = tpu.vector_load %arg6[%swap3A_311] {strides = array<i32>} : memref<20480xf32, #tpu.memory_space<vmem>>, vector<16xf32>,
          tpu.vector_store %arg6[%swap3A_311], %broadcast_in_dim3A_3 {strides = array<i32>} : memref<20480xf32, #tpu.memory_space<vmem>>, vector<16xf32>,
          %add3A_313 = arith.constant 80 : i32
          %add3A_314 = arith.addi %add3A_293, %add3A_313 : i32
          %swap3A_315 = arith.index_cast %add3A_314 : i32 to index
          %swap3A_316 = tpu.vector_load %arg6[%swap3A_315] {strides = array<i32>} : memref<20480xf32, #tpu.memory_space<vmem>>, vector<16xf32>,
          tpu.vector_store %arg6[%swap3A_315], %broadcast_in_dim3A_3 {strides = array<i32>} : memref<20480xf32, #tpu.memory_space<vmem>>, vector<16xf32>,
          %add3A_317 = arith.constant 96 : i32
          %add3A_318 = arith.addi %add3A_293, %add3A_317 : i32
          %swap3A_319 = arith.index_cast %add3A_318 : i32 to index
          %swap3A_320 = tpu.vector_load %arg6[%swap3A_319] {strides = array<i32>} : memref<20480xf32, #tpu.memory_space<vmem>>, vector<16xf32>,
          tpu.vector_store %arg6[%swap3A_319], %broadcast_in_dim3A_3 {strides = array<i32>} : memref<20480xf32, #tpu.memory_space<vmem>>, vector<16xf32>,
          %add3A_321 = arith.constant 112 : i32
          %add3A_322 = arith.addi %add3A_293, %add3A_321 : i32
          %swap3A_323 = arith.index_cast %add3A_322 : i32 to index
          %swap3A_324 = tpu.vector_load %arg6[%swap3A_323] {strides = array<i32>} : memref<20480xf32, #tpu.memory_space<vmem>>, vector<16xf32>,
          tpu.vector_store %arg6[%swap3A_323], %broadcast_in_dim3A_3 {strides = array<i32>} : memref<20480xf32, #tpu.memory_space<vmem>>, vector<16xf32>,
        } else {
        }
        %slice3A_194 = vector.extract_strided_slice %get3A_180 {offsets = [2], sizes = [1], strides = [1]} : vector<16xi32> to vector<1xi32>
        %squeeze3A_195 = vector.extract %slice3A_194[0] : i32 from vector<1xi32>
        %eq3A_196 = arith.constant 0 : i32
        %eq3A_197 = arith.cmpi eq, %squeeze3A_195, %eq3A_196 : i32
        %convert_element_type3A_198 = arith.extui %eq3A_197 : i1 to i32
        %cond3A_199 = arith.constant 0 : i32
        %cond3A_200 = arith.cmpi ne, %convert_element_type3A_198, %cond3A_199 : i32
        scf.if %cond3A_200 {
          %add3A_292 = arith.constant 256 : i32
          %add3A_293 = arith.addi %mul3A_182, %add3A_292 : i32
          %add3A_294 = arith.constant 0 : i32
          %add3A_295 = arith.addi %add3A_293, %add3A_294 : i32
          %swap3A = arith.index_cast %add3A_295 : i32 to index
          %swap3A_296 = tpu.vector_load %arg6[%swap3A] {strides = array<i32>} : memref<20480xf32, #tpu.memory_space<vmem>>, vector<16xf32>,
          tpu.vector_store %arg6[%swap3A], %broadcast_in_dim3A_3 {strides = array<i32>} : memref<20480xf32, #tpu.memory_space<vmem>>, vector<16xf32>,
          %add3A_297 = arith.constant 16 : i32
          %add3A_298 = arith.addi %add3A_293, %add3A_297 : i32
          %swap3A_299 = arith.index_cast %add3A_298 : i32 to index
          %swap3A_300 = tpu.vector_load %arg6[%swap3A_299] {strides = array<i32>} : memref<20480xf32, #tpu.memory_space<vmem>>, vector<16xf32>,
          tpu.vector_store %arg6[%swap3A_299], %broadcast_in_dim3A_3 {strides = array<i32>} : memref<20480xf32, #tpu.memory_space<vmem>>, vector<16xf32>,
          %add3A_301 = arith.constant 32 : i32
          %add3A_302 = arith.addi %add3A_293, %add3A_301 : i32
          %swap3A_303 = arith.index_cast %add3A_302 : i32 to index
          %swap3A_304 = tpu.vector_load %arg6[%swap3A_303] {strides = array<i32>} : memref<20480xf32, #tpu.memory_space<vmem>>, vector<16xf32>,
          tpu.vector_store %arg6[%swap3A_303], %broadcast_in_dim3A_3 {strides = array<i32>} : memref<20480xf32, #tpu.memory_space<vmem>>, vector<16xf32>,
          %add3A_305 = arith.constant 48 : i32
          %add3A_306 = arith.addi %add3A_293, %add3A_305 : i32
          %swap3A_307 = arith.index_cast %add3A_306 : i32 to index
          %swap3A_308 = tpu.vector_load %arg6[%swap3A_307] {strides = array<i32>} : memref<20480xf32, #tpu.memory_space<vmem>>, vector<16xf32>,
          tpu.vector_store %arg6[%swap3A_307], %broadcast_in_dim3A_3 {strides = array<i32>} : memref<20480xf32, #tpu.memory_space<vmem>>, vector<16xf32>,
          %add3A_309 = arith.constant 64 : i32
          %add3A_310 = arith.addi %add3A_293, %add3A_309 : i32
          %swap3A_311 = arith.index_cast %add3A_310 : i32 to index
          %swap3A_312 = tpu.vector_load %arg6[%swap3A_311] {strides = array<i32>} : memref<20480xf32, #tpu.memory_space<vmem>>, vector<16xf32>,
          tpu.vector_store %arg6[%swap3A_311], %broadcast_in_dim3A_3 {strides = array<i32>} : memref<20480xf32, #tpu.memory_space<vmem>>, vector<16xf32>,
          %add3A_313 = arith.constant 80 : i32
          %add3A_314 = arith.addi %add3A_293, %add3A_313 : i32
          %swap3A_315 = arith.index_cast %add3A_314 : i32 to index
          %swap3A_316 = tpu.vector_load %arg6[%swap3A_315] {strides = array<i32>} : memref<20480xf32, #tpu.memory_space<vmem>>, vector<16xf32>,
          tpu.vector_store %arg6[%swap3A_315], %broadcast_in_dim3A_3 {strides = array<i32>} : memref<20480xf32, #tpu.memory_space<vmem>>, vector<16xf32>,
          %add3A_317 = arith.constant 96 : i32
          %add3A_318 = arith.addi %add3A_293, %add3A_317 : i32
          %swap3A_319 = arith.index_cast %add3A_318 : i32 to index
          %swap3A_320 = tpu.vector_load %arg6[%swap3A_319] {strides = array<i32>} : memref<20480xf32, #tpu.memory_space<vmem>>, vector<16xf32>,
          tpu.vector_store %arg6[%swap3A_319], %broadcast_in_dim3A_3 {strides = array<i32>} : memref<20480xf32, #tpu.memory_space<vmem>>, vector<16xf32>,
          %add3A_321 = arith.constant 112 : i32
          %add3A_322 = arith.addi %add3A_293, %add3A_321 : i32
          %swap3A_323 = arith.index_cast %add3A_322 : i32 to index
          %swap3A_324 = tpu.vector_load %arg6[%swap3A_323] {strides = array<i32>} : memref<20480xf32, #tpu.memory_space<vmem>>, vector<16xf32>,
          tpu.vector_store %arg6[%swap3A_323], %broadcast_in_dim3A_3 {strides = array<i32>} : memref<20480xf32, #tpu.memory_space<vmem>>, vector<16xf32>,
        } else {
        }
        %slice3A_201 = vector.extract_strided_slice %get3A_180 {offsets = [3], sizes = [1], strides = [1]} : vector<16xi32> to vector<1xi32>
        %squeeze3A_202 = vector.extract %slice3A_201[0] : i32 from vector<1xi32>
        %eq3A_203 = arith.constant 0 : i32
        %eq3A_204 = arith.cmpi eq, %squeeze3A_202, %eq3A_203 : i32
        %convert_element_type3A_205 = arith.extui %eq3A_204 : i1 to i32
        %cond3A_206 = arith.constant 0 : i32
        %cond3A_207 = arith.cmpi ne, %convert_element_type3A_205, %cond3A_206 : i32
        scf.if %cond3A_207 {
          %add3A_292 = arith.constant 384 : i32
          %add3A_293 = arith.addi %mul3A_182, %add3A_292 : i32
          %add3A_294 = arith.constant 0 : i32
          %add3A_295 = arith.addi %add3A_293, %add3A_294 : i32
          %swap3A = arith.index_cast %add3A_295 : i32 to index
          %swap3A_296 = tpu.vector_load %arg6[%swap3A] {strides = array<i32>} : memref<20480xf32, #tpu.memory_space<vmem>>, vector<16xf32>,
          tpu.vector_store %arg6[%swap3A], %broadcast_in_dim3A_3 {strides = array<i32>} : memref<20480xf32, #tpu.memory_space<vmem>>, vector<16xf32>,
          %add3A_297 = arith.constant 16 : i32
          %add3A_298 = arith.addi %add3A_293, %add3A_297 : i32
          %swap3A_299 = arith.index_cast %add3A_298 : i32 to index
          %swap3A_300 = tpu.vector_load %arg6[%swap3A_299] {strides = array<i32>} : memref<20480xf32, #tpu.memory_space<vmem>>, vector<16xf32>,
          tpu.vector_store %arg6[%swap3A_299], %broadcast_in_dim3A_3 {strides = array<i32>} : memref<20480xf32, #tpu.memory_space<vmem>>, vector<16xf32>,
          %add3A_301 = arith.constant 32 : i32
          %add3A_302 = arith.addi %add3A_293, %add3A_301 : i32
          %swap3A_303 = arith.index_cast %add3A_302 : i32 to index
          %swap3A_304 = tpu.vector_load %arg6[%swap3A_303] {strides = array<i32>} : memref<20480xf32, #tpu.memory_space<vmem>>, vector<16xf32>,
          tpu.vector_store %arg6[%swap3A_303], %broadcast_in_dim3A_3 {strides = array<i32>} : memref<20480xf32, #tpu.memory_space<vmem>>, vector<16xf32>,
          %add3A_305 = arith.constant 48 : i32
          %add3A_306 = arith.addi %add3A_293, %add3A_305 : i32
          %swap3A_307 = arith.index_cast %add3A_306 : i32 to index
          %swap3A_308 = tpu.vector_load %arg6[%swap3A_307] {strides = array<i32>} : memref<20480xf32, #tpu.memory_space<vmem>>, vector<16xf32>,
          tpu.vector_store %arg6[%swap3A_307], %broadcast_in_dim3A_3 {strides = array<i32>} : memref<20480xf32, #tpu.memory_space<vmem>>, vector<16xf32>,
          %add3A_309 = arith.constant 64 : i32
          %add3A_310 = arith.addi %add3A_293, %add3A_309 : i32
          %swap3A_311 = arith.index_cast %add3A_310 : i32 to index
          %swap3A_312 = tpu.vector_load %arg6[%swap3A_311] {strides = array<i32>} : memref<20480xf32, #tpu.memory_space<vmem>>, vector<16xf32>,
          tpu.vector_store %arg6[%swap3A_311], %broadcast_in_dim3A_3 {strides = array<i32>} : memref<20480xf32, #tpu.memory_space<vmem>>, vector<16xf32>,
          %add3A_313 = arith.constant 80 : i32
          %add3A_314 = arith.addi %add3A_293, %add3A_313 : i32
          %swap3A_315 = arith.index_cast %add3A_314 : i32 to index
          %swap3A_316 = tpu.vector_load %arg6[%swap3A_315] {strides = array<i32>} : memref<20480xf32, #tpu.memory_space<vmem>>, vector<16xf32>,
          tpu.vector_store %arg6[%swap3A_315], %broadcast_in_dim3A_3 {strides = array<i32>} : memref<20480xf32, #tpu.memory_space<vmem>>, vector<16xf32>,
          %add3A_317 = arith.constant 96 : i32
          %add3A_318 = arith.addi %add3A_293, %add3A_317 : i32
          %swap3A_319 = arith.index_cast %add3A_318 : i32 to index
          %swap3A_320 = tpu.vector_load %arg6[%swap3A_319] {strides = array<i32>} : memref<20480xf32, #tpu.memory_space<vmem>>, vector<16xf32>,
          tpu.vector_store %arg6[%swap3A_319], %broadcast_in_dim3A_3 {strides = array<i32>} : memref<20480xf32, #tpu.memory_space<vmem>>, vector<16xf32>,
          %add3A_321 = arith.constant 112 : i32
          %add3A_322 = arith.addi %add3A_293, %add3A_321 : i32
          %swap3A_323 = arith.index_cast %add3A_322 : i32 to index
          %swap3A_324 = tpu.vector_load %arg6[%swap3A_323] {strides = array<i32>} : memref<20480xf32, #tpu.memory_space<vmem>>, vector<16xf32>,
          tpu.vector_store %arg6[%swap3A_323], %broadcast_in_dim3A_3 {strides = array<i32>} : memref<20480xf32, #tpu.memory_space<vmem>>, vector<16xf32>,
        } else {
        }
        %slice3A_208 = vector.extract_strided_slice %get3A_180 {offsets = [4], sizes = [1], strides = [1]} : vector<16xi32> to vector<1xi32>
        %squeeze3A_209 = vector.extract %slice3A_208[0] : i32 from vector<1xi32>
        %eq3A_210 = arith.constant 0 : i32
        %eq3A_211 = arith.cmpi eq, %squeeze3A_209, %eq3A_210 : i32
        %convert_element_type3A_212 = arith.extui %eq3A_211 : i1 to i32
        %cond3A_213 = arith.constant 0 : i32
        %cond3A_214 = arith.cmpi ne, %convert_element_type3A_212, %cond3A_213 : i32
        scf.if %cond3A_214 {
          %add3A_292 = arith.constant 512 : i32
          %add3A_293 = arith.addi %mul3A_182, %add3A_292 : i32
          %add3A_294 = arith.constant 0 : i32
          %add3A_295 = arith.addi %add3A_293, %add3A_294 : i32
          %swap3A = arith.index_cast %add3A_295 : i32 to index
          %swap3A_296 = tpu.vector_load %arg6[%swap3A] {strides = array<i32>} : memref<20480xf32, #tpu.memory_space<vmem>>, vector<16xf32>,
          tpu.vector_store %arg6[%swap3A], %broadcast_in_dim3A_3 {strides = array<i32>} : memref<20480xf32, #tpu.memory_space<vmem>>, vector<16xf32>,
          %add3A_297 = arith.constant 16 : i32
          %add3A_298 = arith.addi %add3A_293, %add3A_297 : i32
          %swap3A_299 = arith.index_cast %add3A_298 : i32 to index
          %swap3A_300 = tpu.vector_load %arg6[%swap3A_299] {strides = array<i32>} : memref<20480xf32, #tpu.memory_space<vmem>>, vector<16xf32>,
          tpu.vector_store %arg6[%swap3A_299], %broadcast_in_dim3A_3 {strides = array<i32>} : memref<20480xf32, #tpu.memory_space<vmem>>, vector<16xf32>,
          %add3A_301 = arith.constant 32 : i32
          %add3A_302 = arith.addi %add3A_293, %add3A_301 : i32
          %swap3A_303 = arith.index_cast %add3A_302 : i32 to index
          %swap3A_304 = tpu.vector_load %arg6[%swap3A_303] {strides = array<i32>} : memref<20480xf32, #tpu.memory_space<vmem>>, vector<16xf32>,
          tpu.vector_store %arg6[%swap3A_303], %broadcast_in_dim3A_3 {strides = array<i32>} : memref<20480xf32, #tpu.memory_space<vmem>>, vector<16xf32>,
          %add3A_305 = arith.constant 48 : i32
          %add3A_306 = arith.addi %add3A_293, %add3A_305 : i32
          %swap3A_307 = arith.index_cast %add3A_306 : i32 to index
          %swap3A_308 = tpu.vector_load %arg6[%swap3A_307] {strides = array<i32>} : memref<20480xf32, #tpu.memory_space<vmem>>, vector<16xf32>,
          tpu.vector_store %arg6[%swap3A_307], %broadcast_in_dim3A_3 {strides = array<i32>} : memref<20480xf32, #tpu.memory_space<vmem>>, vector<16xf32>,
          %add3A_309 = arith.constant 64 : i32
          %add3A_310 = arith.addi %add3A_293, %add3A_309 : i32
          %swap3A_311 = arith.index_cast %add3A_310 : i32 to index
          %swap3A_312 = tpu.vector_load %arg6[%swap3A_311] {strides = array<i32>} : memref<20480xf32, #tpu.memory_space<vmem>>, vector<16xf32>,
          tpu.vector_store %arg6[%swap3A_311], %broadcast_in_dim3A_3 {strides = array<i32>} : memref<20480xf32, #tpu.memory_space<vmem>>, vector<16xf32>,
          %add3A_313 = arith.constant 80 : i32
          %add3A_314 = arith.addi %add3A_293, %add3A_313 : i32
          %swap3A_315 = arith.index_cast %add3A_314 : i32 to index
          %swap3A_316 = tpu.vector_load %arg6[%swap3A_315] {strides = array<i32>} : memref<20480xf32, #tpu.memory_space<vmem>>, vector<16xf32>,
          tpu.vector_store %arg6[%swap3A_315], %broadcast_in_dim3A_3 {strides = array<i32>} : memref<20480xf32, #tpu.memory_space<vmem>>, vector<16xf32>,
          %add3A_317 = arith.constant 96 : i32
          %add3A_318 = arith.addi %add3A_293, %add3A_317 : i32
          %swap3A_319 = arith.index_cast %add3A_318 : i32 to index
          %swap3A_320 = tpu.vector_load %arg6[%swap3A_319] {strides = array<i32>} : memref<20480xf32, #tpu.memory_space<vmem>>, vector<16xf32>,
          tpu.vector_store %arg6[%swap3A_319], %broadcast_in_dim3A_3 {strides = array<i32>} : memref<20480xf32, #tpu.memory_space<vmem>>, vector<16xf32>,
          %add3A_321 = arith.constant 112 : i32
          %add3A_322 = arith.addi %add3A_293, %add3A_321 : i32
          %swap3A_323 = arith.index_cast %add3A_322 : i32 to index
          %swap3A_324 = tpu.vector_load %arg6[%swap3A_323] {strides = array<i32>} : memref<20480xf32, #tpu.memory_space<vmem>>, vector<16xf32>,
          tpu.vector_store %arg6[%swap3A_323], %broadcast_in_dim3A_3 {strides = array<i32>} : memref<20480xf32, #tpu.memory_space<vmem>>, vector<16xf32>,
        } else {
        }
        %slice3A_215 = vector.extract_strided_slice %get3A_180 {offsets = [5], sizes = [1], strides = [1]} : vector<16xi32> to vector<1xi32>
        %squeeze3A_216 = vector.extract %slice3A_215[0] : i32 from vector<1xi32>
        %eq3A_217 = arith.constant 0 : i32
        %eq3A_218 = arith.cmpi eq, %squeeze3A_216, %eq3A_217 : i32
        %convert_element_type3A_219 = arith.extui %eq3A_218 : i1 to i32
        %cond3A_220 = arith.constant 0 : i32
        %cond3A_221 = arith.cmpi ne, %convert_element_type3A_219, %cond3A_220 : i32
        scf.if %cond3A_221 {
          %add3A_292 = arith.constant 640 : i32
          %add3A_293 = arith.addi %mul3A_182, %add3A_292 : i32
          %add3A_294 = arith.constant 0 : i32
          %add3A_295 = arith.addi %add3A_293, %add3A_294 : i32
          %swap3A = arith.index_cast %add3A_295 : i32 to index
          %swap3A_296 = tpu.vector_load %arg6[%swap3A] {strides = array<i32>} : memref<20480xf32, #tpu.memory_space<vmem>>, vector<16xf32>,
          tpu.vector_store %arg6[%swap3A], %broadcast_in_dim3A_3 {strides = array<i32>} : memref<20480xf32, #tpu.memory_space<vmem>>, vector<16xf32>,
          %add3A_297 = arith.constant 16 : i32
          %add3A_298 = arith.addi %add3A_293, %add3A_297 : i32
          %swap3A_299 = arith.index_cast %add3A_298 : i32 to index
          %swap3A_300 = tpu.vector_load %arg6[%swap3A_299] {strides = array<i32>} : memref<20480xf32, #tpu.memory_space<vmem>>, vector<16xf32>,
          tpu.vector_store %arg6[%swap3A_299], %broadcast_in_dim3A_3 {strides = array<i32>} : memref<20480xf32, #tpu.memory_space<vmem>>, vector<16xf32>,
          %add3A_301 = arith.constant 32 : i32
          %add3A_302 = arith.addi %add3A_293, %add3A_301 : i32
          %swap3A_303 = arith.index_cast %add3A_302 : i32 to index
          %swap3A_304 = tpu.vector_load %arg6[%swap3A_303] {strides = array<i32>} : memref<20480xf32, #tpu.memory_space<vmem>>, vector<16xf32>,
          tpu.vector_store %arg6[%swap3A_303], %broadcast_in_dim3A_3 {strides = array<i32>} : memref<20480xf32, #tpu.memory_space<vmem>>, vector<16xf32>,
          %add3A_305 = arith.constant 48 : i32
          %add3A_306 = arith.addi %add3A_293, %add3A_305 : i32
          %swap3A_307 = arith.index_cast %add3A_306 : i32 to index
          %swap3A_308 = tpu.vector_load %arg6[%swap3A_307] {strides = array<i32>} : memref<20480xf32, #tpu.memory_space<vmem>>, vector<16xf32>,
          tpu.vector_store %arg6[%swap3A_307], %broadcast_in_dim3A_3 {strides = array<i32>} : memref<20480xf32, #tpu.memory_space<vmem>>, vector<16xf32>,
          %add3A_309 = arith.constant 64 : i32
          %add3A_310 = arith.addi %add3A_293, %add3A_309 : i32
          %swap3A_311 = arith.index_cast %add3A_310 : i32 to index
          %swap3A_312 = tpu.vector_load %arg6[%swap3A_311] {strides = array<i32>} : memref<20480xf32, #tpu.memory_space<vmem>>, vector<16xf32>,
          tpu.vector_store %arg6[%swap3A_311], %broadcast_in_dim3A_3 {strides = array<i32>} : memref<20480xf32, #tpu.memory_space<vmem>>, vector<16xf32>,
          %add3A_313 = arith.constant 80 : i32
          %add3A_314 = arith.addi %add3A_293, %add3A_313 : i32
          %swap3A_315 = arith.index_cast %add3A_314 : i32 to index
          %swap3A_316 = tpu.vector_load %arg6[%swap3A_315] {strides = array<i32>} : memref<20480xf32, #tpu.memory_space<vmem>>, vector<16xf32>,
          tpu.vector_store %arg6[%swap3A_315], %broadcast_in_dim3A_3 {strides = array<i32>} : memref<20480xf32, #tpu.memory_space<vmem>>, vector<16xf32>,
          %add3A_317 = arith.constant 96 : i32
          %add3A_318 = arith.addi %add3A_293, %add3A_317 : i32
          %swap3A_319 = arith.index_cast %add3A_318 : i32 to index
          %swap3A_320 = tpu.vector_load %arg6[%swap3A_319] {strides = array<i32>} : memref<20480xf32, #tpu.memory_space<vmem>>, vector<16xf32>,
          tpu.vector_store %arg6[%swap3A_319], %broadcast_in_dim3A_3 {strides = array<i32>} : memref<20480xf32, #tpu.memory_space<vmem>>, vector<16xf32>,
          %add3A_321 = arith.constant 112 : i32
          %add3A_322 = arith.addi %add3A_293, %add3A_321 : i32
          %swap3A_323 = arith.index_cast %add3A_322 : i32 to index
          %swap3A_324 = tpu.vector_load %arg6[%swap3A_323] {strides = array<i32>} : memref<20480xf32, #tpu.memory_space<vmem>>, vector<16xf32>,
          tpu.vector_store %arg6[%swap3A_323], %broadcast_in_dim3A_3 {strides = array<i32>} : memref<20480xf32, #tpu.memory_space<vmem>>, vector<16xf32>,
        } else {
        }
        %slice3A_222 = vector.extract_strided_slice %get3A_180 {offsets = [6], sizes = [1], strides = [1]} : vector<16xi32> to vector<1xi32>
        %squeeze3A_223 = vector.extract %slice3A_222[0] : i32 from vector<1xi32>
        %eq3A_224 = arith.constant 0 : i32
        %eq3A_225 = arith.cmpi eq, %squeeze3A_223, %eq3A_224 : i32
        %convert_element_type3A_226 = arith.extui %eq3A_225 : i1 to i32
        %cond3A_227 = arith.constant 0 : i32
        %cond3A_228 = arith.cmpi ne, %convert_element_type3A_226, %cond3A_227 : i32
        scf.if %cond3A_228 {
          %add3A_292 = arith.constant 768 : i32
          %add3A_293 = arith.addi %mul3A_182, %add3A_292 : i32
          %add3A_294 = arith.constant 0 : i32
          %add3A_295 = arith.addi %add3A_293, %add3A_294 : i32
          %swap3A = arith.index_cast %add3A_295 : i32 to index
          %swap3A_296 = tpu.vector_load %arg6[%swap3A] {strides = array<i32>} : memref<20480xf32, #tpu.memory_space<vmem>>, vector<16xf32>,
          tpu.vector_store %arg6[%swap3A], %broadcast_in_dim3A_3 {strides = array<i32>} : memref<20480xf32, #tpu.memory_space<vmem>>, vector<16xf32>,
          %add3A_297 = arith.constant 16 : i32
          %add3A_298 = arith.addi %add3A_293, %add3A_297 : i32
          %swap3A_299 = arith.index_cast %add3A_298 : i32 to index
          %swap3A_300 = tpu.vector_load %arg6[%swap3A_299] {strides = array<i32>} : memref<20480xf32, #tpu.memory_space<vmem>>, vector<16xf32>,
          tpu.vector_store %arg6[%swap3A_299], %broadcast_in_dim3A_3 {strides = array<i32>} : memref<20480xf32, #tpu.memory_space<vmem>>, vector<16xf32>,
          %add3A_301 = arith.constant 32 : i32
          %add3A_302 = arith.addi %add3A_293, %add3A_301 : i32
          %swap3A_303 = arith.index_cast %add3A_302 : i32 to index
          %swap3A_304 = tpu.vector_load %arg6[%swap3A_303] {strides = array<i32>} : memref<20480xf32, #tpu.memory_space<vmem>>, vector<16xf32>,
          tpu.vector_store %arg6[%swap3A_303], %broadcast_in_dim3A_3 {strides = array<i32>} : memref<20480xf32, #tpu.memory_space<vmem>>, vector<16xf32>,
          %add3A_305 = arith.constant 48 : i32
          %add3A_306 = arith.addi %add3A_293, %add3A_305 : i32
          %swap3A_307 = arith.index_cast %add3A_306 : i32 to index
          %swap3A_308 = tpu.vector_load %arg6[%swap3A_307] {strides = array<i32>} : memref<20480xf32, #tpu.memory_space<vmem>>, vector<16xf32>,
          tpu.vector_store %arg6[%swap3A_307], %broadcast_in_dim3A_3 {strides = array<i32>} : memref<20480xf32, #tpu.memory_space<vmem>>, vector<16xf32>,
          %add3A_309 = arith.constant 64 : i32
          %add3A_310 = arith.addi %add3A_293, %add3A_309 : i32
          %swap3A_311 = arith.index_cast %add3A_310 : i32 to index
          %swap3A_312 = tpu.vector_load %arg6[%swap3A_311] {strides = array<i32>} : memref<20480xf32, #tpu.memory_space<vmem>>, vector<16xf32>,
          tpu.vector_store %arg6[%swap3A_311], %broadcast_in_dim3A_3 {strides = array<i32>} : memref<20480xf32, #tpu.memory_space<vmem>>, vector<16xf32>,
          %add3A_313 = arith.constant 80 : i32
          %add3A_314 = arith.addi %add3A_293, %add3A_313 : i32
          %swap3A_315 = arith.index_cast %add3A_314 : i32 to index
          %swap3A_316 = tpu.vector_load %arg6[%swap3A_315] {strides = array<i32>} : memref<20480xf32, #tpu.memory_space<vmem>>, vector<16xf32>,
          tpu.vector_store %arg6[%swap3A_315], %broadcast_in_dim3A_3 {strides = array<i32>} : memref<20480xf32, #tpu.memory_space<vmem>>, vector<16xf32>,
          %add3A_317 = arith.constant 96 : i32
          %add3A_318 = arith.addi %add3A_293, %add3A_317 : i32
          %swap3A_319 = arith.index_cast %add3A_318 : i32 to index
          %swap3A_320 = tpu.vector_load %arg6[%swap3A_319] {strides = array<i32>} : memref<20480xf32, #tpu.memory_space<vmem>>, vector<16xf32>,
          tpu.vector_store %arg6[%swap3A_319], %broadcast_in_dim3A_3 {strides = array<i32>} : memref<20480xf32, #tpu.memory_space<vmem>>, vector<16xf32>,
          %add3A_321 = arith.constant 112 : i32
          %add3A_322 = arith.addi %add3A_293, %add3A_321 : i32
          %swap3A_323 = arith.index_cast %add3A_322 : i32 to index
          %swap3A_324 = tpu.vector_load %arg6[%swap3A_323] {strides = array<i32>} : memref<20480xf32, #tpu.memory_space<vmem>>, vector<16xf32>,
          tpu.vector_store %arg6[%swap3A_323], %broadcast_in_dim3A_3 {strides = array<i32>} : memref<20480xf32, #tpu.memory_space<vmem>>, vector<16xf32>,
        } else {
        }
        %slice3A_229 = vector.extract_strided_slice %get3A_180 {offsets = [7], sizes = [1], strides = [1]} : vector<16xi32> to vector<1xi32>
        %squeeze3A_230 = vector.extract %slice3A_229[0] : i32 from vector<1xi32>
        %eq3A_231 = arith.constant 0 : i32
        %eq3A_232 = arith.cmpi eq, %squeeze3A_230, %eq3A_231 : i32
        %convert_element_type3A_233 = arith.extui %eq3A_232 : i1 to i32
        %cond3A_234 = arith.constant 0 : i32
        %cond3A_235 = arith.cmpi ne, %convert_element_type3A_233, %cond3A_234 : i32
        scf.if %cond3A_235 {
          %add3A_292 = arith.constant 896 : i32
          %add3A_293 = arith.addi %mul3A_182, %add3A_292 : i32
          %add3A_294 = arith.constant 0 : i32
          %add3A_295 = arith.addi %add3A_293, %add3A_294 : i32
          %swap3A = arith.index_cast %add3A_295 : i32 to index
          %swap3A_296 = tpu.vector_load %arg6[%swap3A] {strides = array<i32>} : memref<20480xf32, #tpu.memory_space<vmem>>, vector<16xf32>,
          tpu.vector_store %arg6[%swap3A], %broadcast_in_dim3A_3 {strides = array<i32>} : memref<20480xf32, #tpu.memory_space<vmem>>, vector<16xf32>,
          %add3A_297 = arith.constant 16 : i32
          %add3A_298 = arith.addi %add3A_293, %add3A_297 : i32
          %swap3A_299 = arith.index_cast %add3A_298 : i32 to index
          %swap3A_300 = tpu.vector_load %arg6[%swap3A_299] {strides = array<i32>} : memref<20480xf32, #tpu.memory_space<vmem>>, vector<16xf32>,
          tpu.vector_store %arg6[%swap3A_299], %broadcast_in_dim3A_3 {strides = array<i32>} : memref<20480xf32, #tpu.memory_space<vmem>>, vector<16xf32>,
          %add3A_301 = arith.constant 32 : i32
          %add3A_302 = arith.addi %add3A_293, %add3A_301 : i32
          %swap3A_303 = arith.index_cast %add3A_302 : i32 to index
          %swap3A_304 = tpu.vector_load %arg6[%swap3A_303] {strides = array<i32>} : memref<20480xf32, #tpu.memory_space<vmem>>, vector<16xf32>,
          tpu.vector_store %arg6[%swap3A_303], %broadcast_in_dim3A_3 {strides = array<i32>} : memref<20480xf32, #tpu.memory_space<vmem>>, vector<16xf32>,
          %add3A_305 = arith.constant 48 : i32
          %add3A_306 = arith.addi %add3A_293, %add3A_305 : i32
          %swap3A_307 = arith.index_cast %add3A_306 : i32 to index
          %swap3A_308 = tpu.vector_load %arg6[%swap3A_307] {strides = array<i32>} : memref<20480xf32, #tpu.memory_space<vmem>>, vector<16xf32>,
          tpu.vector_store %arg6[%swap3A_307], %broadcast_in_dim3A_3 {strides = array<i32>} : memref<20480xf32, #tpu.memory_space<vmem>>, vector<16xf32>,
          %add3A_309 = arith.constant 64 : i32
          %add3A_310 = arith.addi %add3A_293, %add3A_309 : i32
          %swap3A_311 = arith.index_cast %add3A_310 : i32 to index
          %swap3A_312 = tpu.vector_load %arg6[%swap3A_311] {strides = array<i32>} : memref<20480xf32, #tpu.memory_space<vmem>>, vector<16xf32>,
          tpu.vector_store %arg6[%swap3A_311], %broadcast_in_dim3A_3 {strides = array<i32>} : memref<20480xf32, #tpu.memory_space<vmem>>, vector<16xf32>,
          %add3A_313 = arith.constant 80 : i32
          %add3A_314 = arith.addi %add3A_293, %add3A_313 : i32
          %swap3A_315 = arith.index_cast %add3A_314 : i32 to index
          %swap3A_316 = tpu.vector_load %arg6[%swap3A_315] {strides = array<i32>} : memref<20480xf32, #tpu.memory_space<vmem>>, vector<16xf32>,
          tpu.vector_store %arg6[%swap3A_315], %broadcast_in_dim3A_3 {strides = array<i32>} : memref<20480xf32, #tpu.memory_space<vmem>>, vector<16xf32>,
          %add3A_317 = arith.constant 96 : i32
          %add3A_318 = arith.addi %add3A_293, %add3A_317 : i32
          %swap3A_319 = arith.index_cast %add3A_318 : i32 to index
          %swap3A_320 = tpu.vector_load %arg6[%swap3A_319] {strides = array<i32>} : memref<20480xf32, #tpu.memory_space<vmem>>, vector<16xf32>,
          tpu.vector_store %arg6[%swap3A_319], %broadcast_in_dim3A_3 {strides = array<i32>} : memref<20480xf32, #tpu.memory_space<vmem>>, vector<16xf32>,
          %add3A_321 = arith.constant 112 : i32
          %add3A_322 = arith.addi %add3A_293, %add3A_321 : i32
          %swap3A_323 = arith.index_cast %add3A_322 : i32 to index
          %swap3A_324 = tpu.vector_load %arg6[%swap3A_323] {strides = array<i32>} : memref<20480xf32, #tpu.memory_space<vmem>>, vector<16xf32>,
          tpu.vector_store %arg6[%swap3A_323], %broadcast_in_dim3A_3 {strides = array<i32>} : memref<20480xf32, #tpu.memory_space<vmem>>, vector<16xf32>,
        } else {
        }
        %slice3A_236 = vector.extract_strided_slice %get3A_180 {offsets = [8], sizes = [1], strides = [1]} : vector<16xi32> to vector<1xi32>
        %squeeze3A_237 = vector.extract %slice3A_236[0] : i32 from vector<1xi32>
        %eq3A_238 = arith.constant 0 : i32
        %eq3A_239 = arith.cmpi eq, %squeeze3A_237, %eq3A_238 : i32
        %convert_element_type3A_240 = arith.extui %eq3A_239 : i1 to i32
        %cond3A_241 = arith.constant 0 : i32
        %cond3A_242 = arith.cmpi ne, %convert_element_type3A_240, %cond3A_241 : i32
        scf.if %cond3A_242 {
          %add3A_292 = arith.constant 1024 : i32
          %add3A_293 = arith.addi %mul3A_182, %add3A_292 : i32
          %add3A_294 = arith.constant 0 : i32
          %add3A_295 = arith.addi %add3A_293, %add3A_294 : i32
          %swap3A = arith.index_cast %add3A_295 : i32 to index
          %swap3A_296 = tpu.vector_load %arg6[%swap3A] {strides = array<i32>} : memref<20480xf32, #tpu.memory_space<vmem>>, vector<16xf32>,
          tpu.vector_store %arg6[%swap3A], %broadcast_in_dim3A_3 {strides = array<i32>} : memref<20480xf32, #tpu.memory_space<vmem>>, vector<16xf32>,
          %add3A_297 = arith.constant 16 : i32
          %add3A_298 = arith.addi %add3A_293, %add3A_297 : i32
          %swap3A_299 = arith.index_cast %add3A_298 : i32 to index
          %swap3A_300 = tpu.vector_load %arg6[%swap3A_299] {strides = array<i32>} : memref<20480xf32, #tpu.memory_space<vmem>>, vector<16xf32>,
          tpu.vector_store %arg6[%swap3A_299], %broadcast_in_dim3A_3 {strides = array<i32>} : memref<20480xf32, #tpu.memory_space<vmem>>, vector<16xf32>,
          %add3A_301 = arith.constant 32 : i32
          %add3A_302 = arith.addi %add3A_293, %add3A_301 : i32
          %swap3A_303 = arith.index_cast %add3A_302 : i32 to index
          %swap3A_304 = tpu.vector_load %arg6[%swap3A_303] {strides = array<i32>} : memref<20480xf32, #tpu.memory_space<vmem>>, vector<16xf32>,
          tpu.vector_store %arg6[%swap3A_303], %broadcast_in_dim3A_3 {strides = array<i32>} : memref<20480xf32, #tpu.memory_space<vmem>>, vector<16xf32>,
          %add3A_305 = arith.constant 48 : i32
          %add3A_306 = arith.addi %add3A_293, %add3A_305 : i32
          %swap3A_307 = arith.index_cast %add3A_306 : i32 to index
          %swap3A_308 = tpu.vector_load %arg6[%swap3A_307] {strides = array<i32>} : memref<20480xf32, #tpu.memory_space<vmem>>, vector<16xf32>,
          tpu.vector_store %arg6[%swap3A_307], %broadcast_in_dim3A_3 {strides = array<i32>} : memref<20480xf32, #tpu.memory_space<vmem>>, vector<16xf32>,
          %add3A_309 = arith.constant 64 : i32
          %add3A_310 = arith.addi %add3A_293, %add3A_309 : i32
          %swap3A_311 = arith.index_cast %add3A_310 : i32 to index
          %swap3A_312 = tpu.vector_load %arg6[%swap3A_311] {strides = array<i32>} : memref<20480xf32, #tpu.memory_space<vmem>>, vector<16xf32>,
          tpu.vector_store %arg6[%swap3A_311], %broadcast_in_dim3A_3 {strides = array<i32>} : memref<20480xf32, #tpu.memory_space<vmem>>, vector<16xf32>,
          %add3A_313 = arith.constant 80 : i32
          %add3A_314 = arith.addi %add3A_293, %add3A_313 : i32
          %swap3A_315 = arith.index_cast %add3A_314 : i32 to index
          %swap3A_316 = tpu.vector_load %arg6[%swap3A_315] {strides = array<i32>} : memref<20480xf32, #tpu.memory_space<vmem>>, vector<16xf32>,
          tpu.vector_store %arg6[%swap3A_315], %broadcast_in_dim3A_3 {strides = array<i32>} : memref<20480xf32, #tpu.memory_space<vmem>>, vector<16xf32>,
          %add3A_317 = arith.constant 96 : i32
          %add3A_318 = arith.addi %add3A_293, %add3A_317 : i32
          %swap3A_319 = arith.index_cast %add3A_318 : i32 to index
          %swap3A_320 = tpu.vector_load %arg6[%swap3A_319] {strides = array<i32>} : memref<20480xf32, #tpu.memory_space<vmem>>, vector<16xf32>,
          tpu.vector_store %arg6[%swap3A_319], %broadcast_in_dim3A_3 {strides = array<i32>} : memref<20480xf32, #tpu.memory_space<vmem>>, vector<16xf32>,
          %add3A_321 = arith.constant 112 : i32
          %add3A_322 = arith.addi %add3A_293, %add3A_321 : i32
          %swap3A_323 = arith.index_cast %add3A_322 : i32 to index
          %swap3A_324 = tpu.vector_load %arg6[%swap3A_323] {strides = array<i32>} : memref<20480xf32, #tpu.memory_space<vmem>>, vector<16xf32>,
          tpu.vector_store %arg6[%swap3A_323], %broadcast_in_dim3A_3 {strides = array<i32>} : memref<20480xf32, #tpu.memory_space<vmem>>, vector<16xf32>,
        } else {
        }
        %slice3A_243 = vector.extract_strided_slice %get3A_180 {offsets = [9], sizes = [1], strides = [1]} : vector<16xi32> to vector<1xi32>
        %squeeze3A_244 = vector.extract %slice3A_243[0] : i32 from vector<1xi32>
        %eq3A_245 = arith.constant 0 : i32
        %eq3A_246 = arith.cmpi eq, %squeeze3A_244, %eq3A_245 : i32
        %convert_element_type3A_247 = arith.extui %eq3A_246 : i1 to i32
        %cond3A_248 = arith.constant 0 : i32
        %cond3A_249 = arith.cmpi ne, %convert_element_type3A_247, %cond3A_248 : i32
        scf.if %cond3A_249 {
          %add3A_292 = arith.constant 1152 : i32
          %add3A_293 = arith.addi %mul3A_182, %add3A_292 : i32
          %add3A_294 = arith.constant 0 : i32
          %add3A_295 = arith.addi %add3A_293, %add3A_294 : i32
          %swap3A = arith.index_cast %add3A_295 : i32 to index
          %swap3A_296 = tpu.vector_load %arg6[%swap3A] {strides = array<i32>} : memref<20480xf32, #tpu.memory_space<vmem>>, vector<16xf32>,
          tpu.vector_store %arg6[%swap3A], %broadcast_in_dim3A_3 {strides = array<i32>} : memref<20480xf32, #tpu.memory_space<vmem>>, vector<16xf32>,
          %add3A_297 = arith.constant 16 : i32
          %add3A_298 = arith.addi %add3A_293, %add3A_297 : i32
          %swap3A_299 = arith.index_cast %add3A_298 : i32 to index
          %swap3A_300 = tpu.vector_load %arg6[%swap3A_299] {strides = array<i32>} : memref<20480xf32, #tpu.memory_space<vmem>>, vector<16xf32>,
          tpu.vector_store %arg6[%swap3A_299], %broadcast_in_dim3A_3 {strides = array<i32>} : memref<20480xf32, #tpu.memory_space<vmem>>, vector<16xf32>,
          %add3A_301 = arith.constant 32 : i32
          %add3A_302 = arith.addi %add3A_293, %add3A_301 : i32
          %swap3A_303 = arith.index_cast %add3A_302 : i32 to index
          %swap3A_304 = tpu.vector_load %arg6[%swap3A_303] {strides = array<i32>} : memref<20480xf32, #tpu.memory_space<vmem>>, vector<16xf32>,
          tpu.vector_store %arg6[%swap3A_303], %broadcast_in_dim3A_3 {strides = array<i32>} : memref<20480xf32, #tpu.memory_space<vmem>>, vector<16xf32>,
          %add3A_305 = arith.constant 48 : i32
          %add3A_306 = arith.addi %add3A_293, %add3A_305 : i32
          %swap3A_307 = arith.index_cast %add3A_306 : i32 to index
          %swap3A_308 = tpu.vector_load %arg6[%swap3A_307] {strides = array<i32>} : memref<20480xf32, #tpu.memory_space<vmem>>, vector<16xf32>,
          tpu.vector_store %arg6[%swap3A_307], %broadcast_in_dim3A_3 {strides = array<i32>} : memref<20480xf32, #tpu.memory_space<vmem>>, vector<16xf32>,
          %add3A_309 = arith.constant 64 : i32
          %add3A_310 = arith.addi %add3A_293, %add3A_309 : i32
          %swap3A_311 = arith.index_cast %add3A_310 : i32 to index
          %swap3A_312 = tpu.vector_load %arg6[%swap3A_311] {strides = array<i32>} : memref<20480xf32, #tpu.memory_space<vmem>>, vector<16xf32>,
          tpu.vector_store %arg6[%swap3A_311], %broadcast_in_dim3A_3 {strides = array<i32>} : memref<20480xf32, #tpu.memory_space<vmem>>, vector<16xf32>,
          %add3A_313 = arith.constant 80 : i32
          %add3A_314 = arith.addi %add3A_293, %add3A_313 : i32
          %swap3A_315 = arith.index_cast %add3A_314 : i32 to index
          %swap3A_316 = tpu.vector_load %arg6[%swap3A_315] {strides = array<i32>} : memref<20480xf32, #tpu.memory_space<vmem>>, vector<16xf32>,
          tpu.vector_store %arg6[%swap3A_315], %broadcast_in_dim3A_3 {strides = array<i32>} : memref<20480xf32, #tpu.memory_space<vmem>>, vector<16xf32>,
          %add3A_317 = arith.constant 96 : i32
          %add3A_318 = arith.addi %add3A_293, %add3A_317 : i32
          %swap3A_319 = arith.index_cast %add3A_318 : i32 to index
          %swap3A_320 = tpu.vector_load %arg6[%swap3A_319] {strides = array<i32>} : memref<20480xf32, #tpu.memory_space<vmem>>, vector<16xf32>,
          tpu.vector_store %arg6[%swap3A_319], %broadcast_in_dim3A_3 {strides = array<i32>} : memref<20480xf32, #tpu.memory_space<vmem>>, vector<16xf32>,
          %add3A_321 = arith.constant 112 : i32
          %add3A_322 = arith.addi %add3A_293, %add3A_321 : i32
          %swap3A_323 = arith.index_cast %add3A_322 : i32 to index
          %swap3A_324 = tpu.vector_load %arg6[%swap3A_323] {strides = array<i32>} : memref<20480xf32, #tpu.memory_space<vmem>>, vector<16xf32>,
          tpu.vector_store %arg6[%swap3A_323], %broadcast_in_dim3A_3 {strides = array<i32>} : memref<20480xf32, #tpu.memory_space<vmem>>, vector<16xf32>,
        } else {
        }
        %slice3A_250 = vector.extract_strided_slice %get3A_180 {offsets = [10], sizes = [1], strides = [1]} : vector<16xi32> to vector<1xi32>
        %squeeze3A_251 = vector.extract %slice3A_250[0] : i32 from vector<1xi32>
        %eq3A_252 = arith.constant 0 : i32
        %eq3A_253 = arith.cmpi eq, %squeeze3A_251, %eq3A_252 : i32
        %convert_element_type3A_254 = arith.extui %eq3A_253 : i1 to i32
        %cond3A_255 = arith.constant 0 : i32
        %cond3A_256 = arith.cmpi ne, %convert_element_type3A_254, %cond3A_255 : i32
        scf.if %cond3A_256 {
          %add3A_292 = arith.constant 1280 : i32
          %add3A_293 = arith.addi %mul3A_182, %add3A_292 : i32
          %add3A_294 = arith.constant 0 : i32
          %add3A_295 = arith.addi %add3A_293, %add3A_294 : i32
          %swap3A = arith.index_cast %add3A_295 : i32 to index
          %swap3A_296 = tpu.vector_load %arg6[%swap3A] {strides = array<i32>} : memref<20480xf32, #tpu.memory_space<vmem>>, vector<16xf32>,
          tpu.vector_store %arg6[%swap3A], %broadcast_in_dim3A_3 {strides = array<i32>} : memref<20480xf32, #tpu.memory_space<vmem>>, vector<16xf32>,
          %add3A_297 = arith.constant 16 : i32
          %add3A_298 = arith.addi %add3A_293, %add3A_297 : i32
          %swap3A_299 = arith.index_cast %add3A_298 : i32 to index
          %swap3A_300 = tpu.vector_load %arg6[%swap3A_299] {strides = array<i32>} : memref<20480xf32, #tpu.memory_space<vmem>>, vector<16xf32>,
          tpu.vector_store %arg6[%swap3A_299], %broadcast_in_dim3A_3 {strides = array<i32>} : memref<20480xf32, #tpu.memory_space<vmem>>, vector<16xf32>,
          %add3A_301 = arith.constant 32 : i32
          %add3A_302 = arith.addi %add3A_293, %add3A_301 : i32
          %swap3A_303 = arith.index_cast %add3A_302 : i32 to index
          %swap3A_304 = tpu.vector_load %arg6[%swap3A_303] {strides = array<i32>} : memref<20480xf32, #tpu.memory_space<vmem>>, vector<16xf32>,
          tpu.vector_store %arg6[%swap3A_303], %broadcast_in_dim3A_3 {strides = array<i32>} : memref<20480xf32, #tpu.memory_space<vmem>>, vector<16xf32>,
          %add3A_305 = arith.constant 48 : i32
          %add3A_306 = arith.addi %add3A_293, %add3A_305 : i32
          %swap3A_307 = arith.index_cast %add3A_306 : i32 to index
          %swap3A_308 = tpu.vector_load %arg6[%swap3A_307] {strides = array<i32>} : memref<20480xf32, #tpu.memory_space<vmem>>, vector<16xf32>,
          tpu.vector_store %arg6[%swap3A_307], %broadcast_in_dim3A_3 {strides = array<i32>} : memref<20480xf32, #tpu.memory_space<vmem>>, vector<16xf32>,
          %add3A_309 = arith.constant 64 : i32
          %add3A_310 = arith.addi %add3A_293, %add3A_309 : i32
          %swap3A_311 = arith.index_cast %add3A_310 : i32 to index
          %swap3A_312 = tpu.vector_load %arg6[%swap3A_311] {strides = array<i32>} : memref<20480xf32, #tpu.memory_space<vmem>>, vector<16xf32>,
          tpu.vector_store %arg6[%swap3A_311], %broadcast_in_dim3A_3 {strides = array<i32>} : memref<20480xf32, #tpu.memory_space<vmem>>, vector<16xf32>,
          %add3A_313 = arith.constant 80 : i32
          %add3A_314 = arith.addi %add3A_293, %add3A_313 : i32
          %swap3A_315 = arith.index_cast %add3A_314 : i32 to index
          %swap3A_316 = tpu.vector_load %arg6[%swap3A_315] {strides = array<i32>} : memref<20480xf32, #tpu.memory_space<vmem>>, vector<16xf32>,
          tpu.vector_store %arg6[%swap3A_315], %broadcast_in_dim3A_3 {strides = array<i32>} : memref<20480xf32, #tpu.memory_space<vmem>>, vector<16xf32>,
          %add3A_317 = arith.constant 96 : i32
          %add3A_318 = arith.addi %add3A_293, %add3A_317 : i32
          %swap3A_319 = arith.index_cast %add3A_318 : i32 to index
          %swap3A_320 = tpu.vector_load %arg6[%swap3A_319] {strides = array<i32>} : memref<20480xf32, #tpu.memory_space<vmem>>, vector<16xf32>,
          tpu.vector_store %arg6[%swap3A_319], %broadcast_in_dim3A_3 {strides = array<i32>} : memref<20480xf32, #tpu.memory_space<vmem>>, vector<16xf32>,
          %add3A_321 = arith.constant 112 : i32
          %add3A_322 = arith.addi %add3A_293, %add3A_321 : i32
          %swap3A_323 = arith.index_cast %add3A_322 : i32 to index
          %swap3A_324 = tpu.vector_load %arg6[%swap3A_323] {strides = array<i32>} : memref<20480xf32, #tpu.memory_space<vmem>>, vector<16xf32>,
          tpu.vector_store %arg6[%swap3A_323], %broadcast_in_dim3A_3 {strides = array<i32>} : memref<20480xf32, #tpu.memory_space<vmem>>, vector<16xf32>,
        } else {
        }
        %slice3A_257 = vector.extract_strided_slice %get3A_180 {offsets = [11], sizes = [1], strides = [1]} : vector<16xi32> to vector<1xi32>
        %squeeze3A_258 = vector.extract %slice3A_257[0] : i32 from vector<1xi32>
        %eq3A_259 = arith.constant 0 : i32
        %eq3A_260 = arith.cmpi eq, %squeeze3A_258, %eq3A_259 : i32
        %convert_element_type3A_261 = arith.extui %eq3A_260 : i1 to i32
        %cond3A_262 = arith.constant 0 : i32
        %cond3A_263 = arith.cmpi ne, %convert_element_type3A_261, %cond3A_262 : i32
        scf.if %cond3A_263 {
          %add3A_292 = arith.constant 1408 : i32
          %add3A_293 = arith.addi %mul3A_182, %add3A_292 : i32
          %add3A_294 = arith.constant 0 : i32
          %add3A_295 = arith.addi %add3A_293, %add3A_294 : i32
          %swap3A = arith.index_cast %add3A_295 : i32 to index
          %swap3A_296 = tpu.vector_load %arg6[%swap3A] {strides = array<i32>} : memref<20480xf32, #tpu.memory_space<vmem>>, vector<16xf32>,
          tpu.vector_store %arg6[%swap3A], %broadcast_in_dim3A_3 {strides = array<i32>} : memref<20480xf32, #tpu.memory_space<vmem>>, vector<16xf32>,
          %add3A_297 = arith.constant 16 : i32
          %add3A_298 = arith.addi %add3A_293, %add3A_297 : i32
          %swap3A_299 = arith.index_cast %add3A_298 : i32 to index
          %swap3A_300 = tpu.vector_load %arg6[%swap3A_299] {strides = array<i32>} : memref<20480xf32, #tpu.memory_space<vmem>>, vector<16xf32>,
          tpu.vector_store %arg6[%swap3A_299], %broadcast_in_dim3A_3 {strides = array<i32>} : memref<20480xf32, #tpu.memory_space<vmem>>, vector<16xf32>,
          %add3A_301 = arith.constant 32 : i32
          %add3A_302 = arith.addi %add3A_293, %add3A_301 : i32
          %swap3A_303 = arith.index_cast %add3A_302 : i32 to index
          %swap3A_304 = tpu.vector_load %arg6[%swap3A_303] {strides = array<i32>} : memref<20480xf32, #tpu.memory_space<vmem>>, vector<16xf32>,
          tpu.vector_store %arg6[%swap3A_303], %broadcast_in_dim3A_3 {strides = array<i32>} : memref<20480xf32, #tpu.memory_space<vmem>>, vector<16xf32>,
          %add3A_305 = arith.constant 48 : i32
          %add3A_306 = arith.addi %add3A_293, %add3A_305 : i32
          %swap3A_307 = arith.index_cast %add3A_306 : i32 to index
          %swap3A_308 = tpu.vector_load %arg6[%swap3A_307] {strides = array<i32>} : memref<20480xf32, #tpu.memory_space<vmem>>, vector<16xf32>,
          tpu.vector_store %arg6[%swap3A_307], %broadcast_in_dim3A_3 {strides = array<i32>} : memref<20480xf32, #tpu.memory_space<vmem>>, vector<16xf32>,
          %add3A_309 = arith.constant 64 : i32
          %add3A_310 = arith.addi %add3A_293, %add3A_309 : i32
          %swap3A_311 = arith.index_cast %add3A_310 : i32 to index
          %swap3A_312 = tpu.vector_load %arg6[%swap3A_311] {strides = array<i32>} : memref<20480xf32, #tpu.memory_space<vmem>>, vector<16xf32>,
          tpu.vector_store %arg6[%swap3A_311], %broadcast_in_dim3A_3 {strides = array<i32>} : memref<20480xf32, #tpu.memory_space<vmem>>, vector<16xf32>,
          %add3A_313 = arith.constant 80 : i32
          %add3A_314 = arith.addi %add3A_293, %add3A_313 : i32
          %swap3A_315 = arith.index_cast %add3A_314 : i32 to index
          %swap3A_316 = tpu.vector_load %arg6[%swap3A_315] {strides = array<i32>} : memref<20480xf32, #tpu.memory_space<vmem>>, vector<16xf32>,
          tpu.vector_store %arg6[%swap3A_315], %broadcast_in_dim3A_3 {strides = array<i32>} : memref<20480xf32, #tpu.memory_space<vmem>>, vector<16xf32>,
          %add3A_317 = arith.constant 96 : i32
          %add3A_318 = arith.addi %add3A_293, %add3A_317 : i32
          %swap3A_319 = arith.index_cast %add3A_318 : i32 to index
          %swap3A_320 = tpu.vector_load %arg6[%swap3A_319] {strides = array<i32>} : memref<20480xf32, #tpu.memory_space<vmem>>, vector<16xf32>,
          tpu.vector_store %arg6[%swap3A_319], %broadcast_in_dim3A_3 {strides = array<i32>} : memref<20480xf32, #tpu.memory_space<vmem>>, vector<16xf32>,
          %add3A_321 = arith.constant 112 : i32
          %add3A_322 = arith.addi %add3A_293, %add3A_321 : i32
          %swap3A_323 = arith.index_cast %add3A_322 : i32 to index
          %swap3A_324 = tpu.vector_load %arg6[%swap3A_323] {strides = array<i32>} : memref<20480xf32, #tpu.memory_space<vmem>>, vector<16xf32>,
          tpu.vector_store %arg6[%swap3A_323], %broadcast_in_dim3A_3 {strides = array<i32>} : memref<20480xf32, #tpu.memory_space<vmem>>, vector<16xf32>,
        } else {
        }
        %slice3A_264 = vector.extract_strided_slice %get3A_180 {offsets = [12], sizes = [1], strides = [1]} : vector<16xi32> to vector<1xi32>
        %squeeze3A_265 = vector.extract %slice3A_264[0] : i32 from vector<1xi32>
        %eq3A_266 = arith.constant 0 : i32
        %eq3A_267 = arith.cmpi eq, %squeeze3A_265, %eq3A_266 : i32
        %convert_element_type3A_268 = arith.extui %eq3A_267 : i1 to i32
        %cond3A_269 = arith.constant 0 : i32
        %cond3A_270 = arith.cmpi ne, %convert_element_type3A_268, %cond3A_269 : i32
        scf.if %cond3A_270 {
          %add3A_292 = arith.constant 1536 : i32
          %add3A_293 = arith.addi %mul3A_182, %add3A_292 : i32
          %add3A_294 = arith.constant 0 : i32
          %add3A_295 = arith.addi %add3A_293, %add3A_294 : i32
          %swap3A = arith.index_cast %add3A_295 : i32 to index
          %swap3A_296 = tpu.vector_load %arg6[%swap3A] {strides = array<i32>} : memref<20480xf32, #tpu.memory_space<vmem>>, vector<16xf32>,
          tpu.vector_store %arg6[%swap3A], %broadcast_in_dim3A_3 {strides = array<i32>} : memref<20480xf32, #tpu.memory_space<vmem>>, vector<16xf32>,
          %add3A_297 = arith.constant 16 : i32
          %add3A_298 = arith.addi %add3A_293, %add3A_297 : i32
          %swap3A_299 = arith.index_cast %add3A_298 : i32 to index
          %swap3A_300 = tpu.vector_load %arg6[%swap3A_299] {strides = array<i32>} : memref<20480xf32, #tpu.memory_space<vmem>>, vector<16xf32>,
          tpu.vector_store %arg6[%swap3A_299], %broadcast_in_dim3A_3 {strides = array<i32>} : memref<20480xf32, #tpu.memory_space<vmem>>, vector<16xf32>,
          %add3A_301 = arith.constant 32 : i32
          %add3A_302 = arith.addi %add3A_293, %add3A_301 : i32
          %swap3A_303 = arith.index_cast %add3A_302 : i32 to index
          %swap3A_304 = tpu.vector_load %arg6[%swap3A_303] {strides = array<i32>} : memref<20480xf32, #tpu.memory_space<vmem>>, vector<16xf32>,
          tpu.vector_store %arg6[%swap3A_303], %broadcast_in_dim3A_3 {strides = array<i32>} : memref<20480xf32, #tpu.memory_space<vmem>>, vector<16xf32>,
          %add3A_305 = arith.constant 48 : i32
          %add3A_306 = arith.addi %add3A_293, %add3A_305 : i32
          %swap3A_307 = arith.index_cast %add3A_306 : i32 to index
          %swap3A_308 = tpu.vector_load %arg6[%swap3A_307] {strides = array<i32>} : memref<20480xf32, #tpu.memory_space<vmem>>, vector<16xf32>,
          tpu.vector_store %arg6[%swap3A_307], %broadcast_in_dim3A_3 {strides = array<i32>} : memref<20480xf32, #tpu.memory_space<vmem>>, vector<16xf32>,
          %add3A_309 = arith.constant 64 : i32
          %add3A_310 = arith.addi %add3A_293, %add3A_309 : i32
          %swap3A_311 = arith.index_cast %add3A_310 : i32 to index
          %swap3A_312 = tpu.vector_load %arg6[%swap3A_311] {strides = array<i32>} : memref<20480xf32, #tpu.memory_space<vmem>>, vector<16xf32>,
          tpu.vector_store %arg6[%swap3A_311], %broadcast_in_dim3A_3 {strides = array<i32>} : memref<20480xf32, #tpu.memory_space<vmem>>, vector<16xf32>,
          %add3A_313 = arith.constant 80 : i32
          %add3A_314 = arith.addi %add3A_293, %add3A_313 : i32
          %swap3A_315 = arith.index_cast %add3A_314 : i32 to index
          %swap3A_316 = tpu.vector_load %arg6[%swap3A_315] {strides = array<i32>} : memref<20480xf32, #tpu.memory_space<vmem>>, vector<16xf32>,
          tpu.vector_store %arg6[%swap3A_315], %broadcast_in_dim3A_3 {strides = array<i32>} : memref<20480xf32, #tpu.memory_space<vmem>>, vector<16xf32>,
          %add3A_317 = arith.constant 96 : i32
          %add3A_318 = arith.addi %add3A_293, %add3A_317 : i32
          %swap3A_319 = arith.index_cast %add3A_318 : i32 to index
          %swap3A_320 = tpu.vector_load %arg6[%swap3A_319] {strides = array<i32>} : memref<20480xf32, #tpu.memory_space<vmem>>, vector<16xf32>,
          tpu.vector_store %arg6[%swap3A_319], %broadcast_in_dim3A_3 {strides = array<i32>} : memref<20480xf32, #tpu.memory_space<vmem>>, vector<16xf32>,
          %add3A_321 = arith.constant 112 : i32
          %add3A_322 = arith.addi %add3A_293, %add3A_321 : i32
          %swap3A_323 = arith.index_cast %add3A_322 : i32 to index
          %swap3A_324 = tpu.vector_load %arg6[%swap3A_323] {strides = array<i32>} : memref<20480xf32, #tpu.memory_space<vmem>>, vector<16xf32>,
          tpu.vector_store %arg6[%swap3A_323], %broadcast_in_dim3A_3 {strides = array<i32>} : memref<20480xf32, #tpu.memory_space<vmem>>, vector<16xf32>,
        } else {
        }
        %slice3A_271 = vector.extract_strided_slice %get3A_180 {offsets = [13], sizes = [1], strides = [1]} : vector<16xi32> to vector<1xi32>
        %squeeze3A_272 = vector.extract %slice3A_271[0] : i32 from vector<1xi32>
        %eq3A_273 = arith.constant 0 : i32
        %eq3A_274 = arith.cmpi eq, %squeeze3A_272, %eq3A_273 : i32
        %convert_element_type3A_275 = arith.extui %eq3A_274 : i1 to i32
        %cond3A_276 = arith.constant 0 : i32
        %cond3A_277 = arith.cmpi ne, %convert_element_type3A_275, %cond3A_276 : i32
        scf.if %cond3A_277 {
          %add3A_292 = arith.constant 1664 : i32
          %add3A_293 = arith.addi %mul3A_182, %add3A_292 : i32
          %add3A_294 = arith.constant 0 : i32
          %add3A_295 = arith.addi %add3A_293, %add3A_294 : i32
          %swap3A = arith.index_cast %add3A_295 : i32 to index
          %swap3A_296 = tpu.vector_load %arg6[%swap3A] {strides = array<i32>} : memref<20480xf32, #tpu.memory_space<vmem>>, vector<16xf32>,
          tpu.vector_store %arg6[%swap3A], %broadcast_in_dim3A_3 {strides = array<i32>} : memref<20480xf32, #tpu.memory_space<vmem>>, vector<16xf32>,
          %add3A_297 = arith.constant 16 : i32
          %add3A_298 = arith.addi %add3A_293, %add3A_297 : i32
          %swap3A_299 = arith.index_cast %add3A_298 : i32 to index
          %swap3A_300 = tpu.vector_load %arg6[%swap3A_299] {strides = array<i32>} : memref<20480xf32, #tpu.memory_space<vmem>>, vector<16xf32>,
          tpu.vector_store %arg6[%swap3A_299], %broadcast_in_dim3A_3 {strides = array<i32>} : memref<20480xf32, #tpu.memory_space<vmem>>, vector<16xf32>,
          %add3A_301 = arith.constant 32 : i32
          %add3A_302 = arith.addi %add3A_293, %add3A_301 : i32
          %swap3A_303 = arith.index_cast %add3A_302 : i32 to index
          %swap3A_304 = tpu.vector_load %arg6[%swap3A_303] {strides = array<i32>} : memref<20480xf32, #tpu.memory_space<vmem>>, vector<16xf32>,
          tpu.vector_store %arg6[%swap3A_303], %broadcast_in_dim3A_3 {strides = array<i32>} : memref<20480xf32, #tpu.memory_space<vmem>>, vector<16xf32>,
          %add3A_305 = arith.constant 48 : i32
          %add3A_306 = arith.addi %add3A_293, %add3A_305 : i32
          %swap3A_307 = arith.index_cast %add3A_306 : i32 to index
          %swap3A_308 = tpu.vector_load %arg6[%swap3A_307] {strides = array<i32>} : memref<20480xf32, #tpu.memory_space<vmem>>, vector<16xf32>,
          tpu.vector_store %arg6[%swap3A_307], %broadcast_in_dim3A_3 {strides = array<i32>} : memref<20480xf32, #tpu.memory_space<vmem>>, vector<16xf32>,
          %add3A_309 = arith.constant 64 : i32
          %add3A_310 = arith.addi %add3A_293, %add3A_309 : i32
          %swap3A_311 = arith.index_cast %add3A_310 : i32 to index
          %swap3A_312 = tpu.vector_load %arg6[%swap3A_311] {strides = array<i32>} : memref<20480xf32, #tpu.memory_space<vmem>>, vector<16xf32>,
          tpu.vector_store %arg6[%swap3A_311], %broadcast_in_dim3A_3 {strides = array<i32>} : memref<20480xf32, #tpu.memory_space<vmem>>, vector<16xf32>,
          %add3A_313 = arith.constant 80 : i32
          %add3A_314 = arith.addi %add3A_293, %add3A_313 : i32
          %swap3A_315 = arith.index_cast %add3A_314 : i32 to index
          %swap3A_316 = tpu.vector_load %arg6[%swap3A_315] {strides = array<i32>} : memref<20480xf32, #tpu.memory_space<vmem>>, vector<16xf32>,
          tpu.vector_store %arg6[%swap3A_315], %broadcast_in_dim3A_3 {strides = array<i32>} : memref<20480xf32, #tpu.memory_space<vmem>>, vector<16xf32>,
          %add3A_317 = arith.constant 96 : i32
          %add3A_318 = arith.addi %add3A_293, %add3A_317 : i32
          %swap3A_319 = arith.index_cast %add3A_318 : i32 to index
          %swap3A_320 = tpu.vector_load %arg6[%swap3A_319] {strides = array<i32>} : memref<20480xf32, #tpu.memory_space<vmem>>, vector<16xf32>,
          tpu.vector_store %arg6[%swap3A_319], %broadcast_in_dim3A_3 {strides = array<i32>} : memref<20480xf32, #tpu.memory_space<vmem>>, vector<16xf32>,
          %add3A_321 = arith.constant 112 : i32
          %add3A_322 = arith.addi %add3A_293, %add3A_321 : i32
          %swap3A_323 = arith.index_cast %add3A_322 : i32 to index
          %swap3A_324 = tpu.vector_load %arg6[%swap3A_323] {strides = array<i32>} : memref<20480xf32, #tpu.memory_space<vmem>>, vector<16xf32>,
          tpu.vector_store %arg6[%swap3A_323], %broadcast_in_dim3A_3 {strides = array<i32>} : memref<20480xf32, #tpu.memory_space<vmem>>, vector<16xf32>,
        } else {
        }
        %slice3A_278 = vector.extract_strided_slice %get3A_180 {offsets = [14], sizes = [1], strides = [1]} : vector<16xi32> to vector<1xi32>
        %squeeze3A_279 = vector.extract %slice3A_278[0] : i32 from vector<1xi32>
        %eq3A_280 = arith.constant 0 : i32
        %eq3A_281 = arith.cmpi eq, %squeeze3A_279, %eq3A_280 : i32
        %convert_element_type3A_282 = arith.extui %eq3A_281 : i1 to i32
        %cond3A_283 = arith.constant 0 : i32
        %cond3A_284 = arith.cmpi ne, %convert_element_type3A_282, %cond3A_283 : i32
        scf.if %cond3A_284 {
          %add3A_292 = arith.constant 1792 : i32
          %add3A_293 = arith.addi %mul3A_182, %add3A_292 : i32
          %add3A_294 = arith.constant 0 : i32
          %add3A_295 = arith.addi %add3A_293, %add3A_294 : i32
          %swap3A = arith.index_cast %add3A_295 : i32 to index
          %swap3A_296 = tpu.vector_load %arg6[%swap3A] {strides = array<i32>} : memref<20480xf32, #tpu.memory_space<vmem>>, vector<16xf32>,
          tpu.vector_store %arg6[%swap3A], %broadcast_in_dim3A_3 {strides = array<i32>} : memref<20480xf32, #tpu.memory_space<vmem>>, vector<16xf32>,
          %add3A_297 = arith.constant 16 : i32
          %add3A_298 = arith.addi %add3A_293, %add3A_297 : i32
          %swap3A_299 = arith.index_cast %add3A_298 : i32 to index
          %swap3A_300 = tpu.vector_load %arg6[%swap3A_299] {strides = array<i32>} : memref<20480xf32, #tpu.memory_space<vmem>>, vector<16xf32>,
          tpu.vector_store %arg6[%swap3A_299], %broadcast_in_dim3A_3 {strides = array<i32>} : memref<20480xf32, #tpu.memory_space<vmem>>, vector<16xf32>,
          %add3A_301 = arith.constant 32 : i32
          %add3A_302 = arith.addi %add3A_293, %add3A_301 : i32
          %swap3A_303 = arith.index_cast %add3A_302 : i32 to index
          %swap3A_304 = tpu.vector_load %arg6[%swap3A_303] {strides = array<i32>} : memref<20480xf32, #tpu.memory_space<vmem>>, vector<16xf32>,
          tpu.vector_store %arg6[%swap3A_303], %broadcast_in_dim3A_3 {strides = array<i32>} : memref<20480xf32, #tpu.memory_space<vmem>>, vector<16xf32>,
          %add3A_305 = arith.constant 48 : i32
          %add3A_306 = arith.addi %add3A_293, %add3A_305 : i32
          %swap3A_307 = arith.index_cast %add3A_306 : i32 to index
          %swap3A_308 = tpu.vector_load %arg6[%swap3A_307] {strides = array<i32>} : memref<20480xf32, #tpu.memory_space<vmem>>, vector<16xf32>,
          tpu.vector_store %arg6[%swap3A_307], %broadcast_in_dim3A_3 {strides = array<i32>} : memref<20480xf32, #tpu.memory_space<vmem>>, vector<16xf32>,
          %add3A_309 = arith.constant 64 : i32
          %add3A_310 = arith.addi %add3A_293, %add3A_309 : i32
          %swap3A_311 = arith.index_cast %add3A_310 : i32 to index
          %swap3A_312 = tpu.vector_load %arg6[%swap3A_311] {strides = array<i32>} : memref<20480xf32, #tpu.memory_space<vmem>>, vector<16xf32>,
          tpu.vector_store %arg6[%swap3A_311], %broadcast_in_dim3A_3 {strides = array<i32>} : memref<20480xf32, #tpu.memory_space<vmem>>, vector<16xf32>,
          %add3A_313 = arith.constant 80 : i32
          %add3A_314 = arith.addi %add3A_293, %add3A_313 : i32
          %swap3A_315 = arith.index_cast %add3A_314 : i32 to index
          %swap3A_316 = tpu.vector_load %arg6[%swap3A_315] {strides = array<i32>} : memref<20480xf32, #tpu.memory_space<vmem>>, vector<16xf32>,
          tpu.vector_store %arg6[%swap3A_315], %broadcast_in_dim3A_3 {strides = array<i32>} : memref<20480xf32, #tpu.memory_space<vmem>>, vector<16xf32>,
          %add3A_317 = arith.constant 96 : i32
          %add3A_318 = arith.addi %add3A_293, %add3A_317 : i32
          %swap3A_319 = arith.index_cast %add3A_318 : i32 to index
          %swap3A_320 = tpu.vector_load %arg6[%swap3A_319] {strides = array<i32>} : memref<20480xf32, #tpu.memory_space<vmem>>, vector<16xf32>,
          tpu.vector_store %arg6[%swap3A_319], %broadcast_in_dim3A_3 {strides = array<i32>} : memref<20480xf32, #tpu.memory_space<vmem>>, vector<16xf32>,
          %add3A_321 = arith.constant 112 : i32
          %add3A_322 = arith.addi %add3A_293, %add3A_321 : i32
          %swap3A_323 = arith.index_cast %add3A_322 : i32 to index
          %swap3A_324 = tpu.vector_load %arg6[%swap3A_323] {strides = array<i32>} : memref<20480xf32, #tpu.memory_space<vmem>>, vector<16xf32>,
          tpu.vector_store %arg6[%swap3A_323], %broadcast_in_dim3A_3 {strides = array<i32>} : memref<20480xf32, #tpu.memory_space<vmem>>, vector<16xf32>,
        } else {
        }
        %slice3A_285 = vector.extract_strided_slice %get3A_180 {offsets = [15], sizes = [1], strides = [1]} : vector<16xi32> to vector<1xi32>
        %squeeze3A_286 = vector.extract %slice3A_285[0] : i32 from vector<1xi32>
        %eq3A_287 = arith.constant 0 : i32
        %eq3A_288 = arith.cmpi eq, %squeeze3A_286, %eq3A_287 : i32
        %convert_element_type3A_289 = arith.extui %eq3A_288 : i1 to i32
        %cond3A_290 = arith.constant 0 : i32
        %cond3A_291 = arith.cmpi ne, %convert_element_type3A_289, %cond3A_290 : i32
        scf.if %cond3A_291 {
          %add3A_292 = arith.constant 1920 : i32
          %add3A_293 = arith.addi %mul3A_182, %add3A_292 : i32
          %add3A_294 = arith.constant 0 : i32
          %add3A_295 = arith.addi %add3A_293, %add3A_294 : i32
          %swap3A = arith.index_cast %add3A_295 : i32 to index
          %swap3A_296 = tpu.vector_load %arg6[%swap3A] {strides = array<i32>} : memref<20480xf32, #tpu.memory_space<vmem>>, vector<16xf32>,
          tpu.vector_store %arg6[%swap3A], %broadcast_in_dim3A_3 {strides = array<i32>} : memref<20480xf32, #tpu.memory_space<vmem>>, vector<16xf32>,
          %add3A_297 = arith.constant 16 : i32
          %add3A_298 = arith.addi %add3A_293, %add3A_297 : i32
          %swap3A_299 = arith.index_cast %add3A_298 : i32 to index
          %swap3A_300 = tpu.vector_load %arg6[%swap3A_299] {strides = array<i32>} : memref<20480xf32, #tpu.memory_space<vmem>>, vector<16xf32>,
          tpu.vector_store %arg6[%swap3A_299], %broadcast_in_dim3A_3 {strides = array<i32>} : memref<20480xf32, #tpu.memory_space<vmem>>, vector<16xf32>,
          %add3A_301 = arith.constant 32 : i32
          %add3A_302 = arith.addi %add3A_293, %add3A_301 : i32
          %swap3A_303 = arith.index_cast %add3A_302 : i32 to index
          %swap3A_304 = tpu.vector_load %arg6[%swap3A_303] {strides = array<i32>} : memref<20480xf32, #tpu.memory_space<vmem>>, vector<16xf32>,
          tpu.vector_store %arg6[%swap3A_303], %broadcast_in_dim3A_3 {strides = array<i32>} : memref<20480xf32, #tpu.memory_space<vmem>>, vector<16xf32>,
          %add3A_305 = arith.constant 48 : i32
          %add3A_306 = arith.addi %add3A_293, %add3A_305 : i32
          %swap3A_307 = arith.index_cast %add3A_306 : i32 to index
          %swap3A_308 = tpu.vector_load %arg6[%swap3A_307] {strides = array<i32>} : memref<20480xf32, #tpu.memory_space<vmem>>, vector<16xf32>,
          tpu.vector_store %arg6[%swap3A_307], %broadcast_in_dim3A_3 {strides = array<i32>} : memref<20480xf32, #tpu.memory_space<vmem>>, vector<16xf32>,
          %add3A_309 = arith.constant 64 : i32
          %add3A_310 = arith.addi %add3A_293, %add3A_309 : i32
          %swap3A_311 = arith.index_cast %add3A_310 : i32 to index
          %swap3A_312 = tpu.vector_load %arg6[%swap3A_311] {strides = array<i32>} : memref<20480xf32, #tpu.memory_space<vmem>>, vector<16xf32>,
          tpu.vector_store %arg6[%swap3A_311], %broadcast_in_dim3A_3 {strides = array<i32>} : memref<20480xf32, #tpu.memory_space<vmem>>, vector<16xf32>,
          %add3A_313 = arith.constant 80 : i32
          %add3A_314 = arith.addi %add3A_293, %add3A_313 : i32
          %swap3A_315 = arith.index_cast %add3A_314 : i32 to index
          %swap3A_316 = tpu.vector_load %arg6[%swap3A_315] {strides = array<i32>} : memref<20480xf32, #tpu.memory_space<vmem>>, vector<16xf32>,
          tpu.vector_store %arg6[%swap3A_315], %broadcast_in_dim3A_3 {strides = array<i32>} : memref<20480xf32, #tpu.memory_space<vmem>>, vector<16xf32>,
          %add3A_317 = arith.constant 96 : i32
          %add3A_318 = arith.addi %add3A_293, %add3A_317 : i32
          %swap3A_319 = arith.index_cast %add3A_318 : i32 to index
          %swap3A_320 = tpu.vector_load %arg6[%swap3A_319] {strides = array<i32>} : memref<20480xf32, #tpu.memory_space<vmem>>, vector<16xf32>,
          tpu.vector_store %arg6[%swap3A_319], %broadcast_in_dim3A_3 {strides = array<i32>} : memref<20480xf32, #tpu.memory_space<vmem>>, vector<16xf32>,
          %add3A_321 = arith.constant 112 : i32
          %add3A_322 = arith.addi %add3A_293, %add3A_321 : i32
          %swap3A_323 = arith.index_cast %add3A_322 : i32 to index
          %swap3A_324 = tpu.vector_load %arg6[%swap3A_323] {strides = array<i32>} : memref<20480xf32, #tpu.memory_space<vmem>>, vector<16xf32>,
          tpu.vector_store %arg6[%swap3A_323], %broadcast_in_dim3A_3 {strides = array<i32>} : memref<20480xf32, #tpu.memory_space<vmem>>, vector<16xf32>,
        } else {
        }
      }
      %scan3A_96 = arith.constant 10 : i32
      %mul3A_97 = arith.constant 160 : i32
      %mul3A_98 = arith.muli %add3A_81, %mul3A_97 : i32
      %add3A_99 = arith.addi %mul3A_2, %mul3A_98 : i32
      %mul3A_100 = arith.constant 128 : i32
      %mul3A_101 = arith.muli %add3A_99, %mul3A_100 : i32
      %dma_start3A_102 = tpu.memref_slice %arg4[%mul3A_101] : memref<26214400xf32, #tpu.memory_space<hbm>> -> memref<20480xf32, #tpu.memory_space<hbm>>
      %dma_start3A_103 = tpu.memref_slice %arg4[%mul3A_101] : memref<26214400xf32, #tpu.memory_space<hbm>> -> memref<20480xf32, #tpu.memory_space<hbm>>
      tpu.enqueue_dma source(%arg6 : memref<20480xf32, #tpu.memory_space<vmem>>) target(%dma_start3A_103 : memref<20480xf32, #tpu.memory_space<hbm>>) target_semaphore(%arg18 : memref<!tpu.dma_semaphore, #tpu.memory_space<semaphore_mem>>)
      %add3A_104 = arith.constant 2 : i32
      %add3A_105 = arith.addi %add3A_81, %add3A_104 : i32
      %lt3A_106 = arith.constant 40 : i32
      %lt3A_107 = arith.cmpi slt, %add3A_105, %lt3A_106 : i32
      %convert_element_type3A_108 = arith.extui %lt3A_107 : i1 to i32
      %cond3A_109 = arith.constant 0 : i32
      %cond3A_110 = arith.cmpi ne, %convert_element_type3A_108, %cond3A_109 : i32
      scf.if %cond3A_110 {
        %ge3A = arith.constant 2 : i32
        %ge3A_177 = arith.cmpi sge, %add3A_81, %ge3A : i32
        %convert_element_type3A_178 = arith.extui %ge3A_177 : i1 to i32
        %cond3A_179 = arith.constant 0 : i32
        %cond3A_180 = arith.cmpi ne, %convert_element_type3A_178, %cond3A_179 : i32
        scf.if %cond3A_180 {
          %sub3A = arith.constant 2 : i32
          %sub3A_192 = arith.subi %add3A_81, %sub3A : i32
          %mul3A_193 = arith.constant 160 : i32
          %mul3A_194 = arith.muli %sub3A_192, %mul3A_193 : i32
          %add3A_195 = arith.addi %mul3A_2, %mul3A_194 : i32
          %mul3A_196 = arith.constant 128 : i32
          %mul3A_197 = arith.muli %add3A_195, %mul3A_196 : i32
          %dma_wait3A_198 = tpu.memref_slice %arg4[%mul3A_197] : memref<26214400xf32, #tpu.memory_space<hbm>> -> memref<20480xf32, #tpu.memory_space<hbm>>
          %dma_wait3A_199 = tpu.memref_slice %arg4[%mul3A_197] : memref<26214400xf32, #tpu.memory_space<hbm>> -> memref<20480xf32, #tpu.memory_space<hbm>>
          tpu.wait_dma2 semaphore(%arg20 : memref<!tpu.dma_semaphore, #tpu.memory_space<semaphore_mem>>) src(%arg8 : memref<20480xf32, #tpu.memory_space<vmem>>) dst(%dma_wait3A_199 : memref<20480xf32, #tpu.memory_space<hbm>>)
        } else {
        }
        %add3A_181 = arith.constant 2 : i32
        %add3A_182 = arith.addi %add3A_81, %add3A_181 : i32
        %mul3A_183 = arith.constant 160 : i32
        %mul3A_184 = arith.muli %add3A_182, %mul3A_183 : i32
        %add3A_185 = arith.addi %mul3A_2, %mul3A_184 : i32
        %mul3A_186 = arith.constant 128 : i32
        %mul3A_187 = arith.muli %add3A_185, %mul3A_186 : i32
        %dma_start3A_188 = tpu.memref_slice %arg2[%mul3A_187] : memref<26214400xf32, #tpu.memory_space<hbm>> -> memref<20480xf32, #tpu.memory_space<hbm>>
        %dma_start3A_189 = tpu.memref_slice %arg2[%mul3A_187] : memref<26214400xf32, #tpu.memory_space<hbm>> -> memref<20480xf32, #tpu.memory_space<hbm>>
        tpu.enqueue_dma source(%dma_start3A_189 : memref<20480xf32, #tpu.memory_space<hbm>>) target(%arg8 : memref<20480xf32, #tpu.memory_space<vmem>>) target_semaphore(%arg16 : memref<!tpu.dma_semaphore, #tpu.memory_space<semaphore_mem>>)
        %dma_start3A_190 = tpu.memref_slice %arg3[%add3A_185] : memref<204800xi32, #tpu.memory_space<hbm>> -> memref<160xi32, #tpu.memory_space<hbm>>
        %dma_start3A_191 = tpu.memref_slice %arg3[%add3A_185] : memref<204800xi32, #tpu.memory_space<hbm>> -> memref<160xi32, #tpu.memory_space<hbm>>
        tpu.enqueue_dma source(%dma_start3A_191 : memref<160xi32, #tpu.memory_space<hbm>>) target(%arg12 : memref<160xi32, #tpu.memory_space<vmem>>) target_semaphore(%arg16 : memref<!tpu.dma_semaphore, #tpu.memory_space<semaphore_mem>>)
      } else {
      }
      %mul3A_111 = arith.constant 4 : i32
      %mul3A_112 = arith.muli %scan3A_47, %mul3A_111 : i32
      %add3A_113 = arith.constant 2 : i32
      %add3A_114 = arith.addi %mul3A_112, %add3A_113 : i32
      %mul3A_115 = arith.constant 160 : i32
      %mul3A_116 = arith.muli %add3A_114, %mul3A_115 : i32
      %add3A_117 = arith.addi %mul3A_2, %mul3A_116 : i32
      %mul3A_118 = arith.constant 128 : i32
      %mul3A_119 = arith.muli %add3A_117, %mul3A_118 : i32
      %dma_wait3A_120 = tpu.memref_slice %arg2[%mul3A_119] : memref<26214400xf32, #tpu.memory_space<hbm>> -> memref<20480xf32, #tpu.memory_space<hbm>>
      %dma_wait3A_121 = tpu.memref_slice %arg2[%mul3A_119] : memref<26214400xf32, #tpu.memory_space<hbm>> -> memref<20480xf32, #tpu.memory_space<hbm>>
      tpu.wait_dma2 semaphore(%arg15 : memref<!tpu.dma_semaphore, #tpu.memory_space<semaphore_mem>>) src(%dma_wait3A_121 : memref<20480xf32, #tpu.memory_space<hbm>>) dst(%arg7 : memref<20480xf32, #tpu.memory_space<vmem>>)
      %dma_wait3A_122 = tpu.memref_slice %arg3[%add3A_117] : memref<204800xi32, #tpu.memory_space<hbm>> -> memref<160xi32, #tpu.memory_space<hbm>>
      %dma_wait3A_123 = tpu.memref_slice %arg3[%add3A_117] : memref<204800xi32, #tpu.memory_space<hbm>> -> memref<160xi32, #tpu.memory_space<hbm>>
      tpu.wait_dma2 semaphore(%arg15 : memref<!tpu.dma_semaphore, #tpu.memory_space<semaphore_mem>>) src(%dma_wait3A_123 : memref<160xi32, #tpu.memory_space<hbm>>) dst(%arg11 : memref<160xi32, #tpu.memory_space<vmem>>)
      %scan3A_124 = arith.constant 0 : i32
      %scan3A_125 = arith.constant 0 : i32
      %scan3A_126 = arith.constant 10 : i32
      %scan3A_127 = arith.addi %scan3A_125, %scan3A_126 : i32
      %scan3A_128 = arith.constant 1 : i32
      scf.for %scan3A_177 = %scan3A_125 to %scan3A_127 step %scan3A_128  : i32 {
        %mul3A_178 = arith.constant 16 : i32
        %mul3A_179 = arith.muli %scan3A_177, %mul3A_178 : i32
        %get3A = arith.index_cast %mul3A_179 : i32 to index
        %get3A_180 = tpu.vector_load %arg11[%get3A] {strides = array<i32>} : memref<160xi32, #tpu.memory_space<vmem>>, vector<16xi32>,
        %mul3A_181 = arith.constant 2048 : i32
        %mul3A_182 = arith.muli %scan3A_177, %mul3A_181 : i32
        %slice3A = vector.extract_strided_slice %get3A_180 {offsets = [0], sizes = [1], strides = [1]} : vector<16xi32> to vector<1xi32>
        %squeeze3A = vector.extract %slice3A[0] : i32 from vector<1xi32>
        %eq3A = arith.constant 0 : i32
        %eq3A_183 = arith.cmpi eq, %squeeze3A, %eq3A : i32
        %convert_element_type3A_184 = arith.extui %eq3A_183 : i1 to i32
        %cond3A_185 = arith.constant 0 : i32
        %cond3A_186 = arith.cmpi ne, %convert_element_type3A_184, %cond3A_185 : i32
        scf.if %cond3A_186 {
          %add3A_292 = arith.constant 0 : i32
          %add3A_293 = arith.addi %mul3A_182, %add3A_292 : i32
          %add3A_294 = arith.constant 0 : i32
          %add3A_295 = arith.addi %add3A_293, %add3A_294 : i32
          %swap3A = arith.index_cast %add3A_295 : i32 to index
          %swap3A_296 = tpu.vector_load %arg7[%swap3A] {strides = array<i32>} : memref<20480xf32, #tpu.memory_space<vmem>>, vector<16xf32>,
          tpu.vector_store %arg7[%swap3A], %broadcast_in_dim3A_3 {strides = array<i32>} : memref<20480xf32, #tpu.memory_space<vmem>>, vector<16xf32>,
          %add3A_297 = arith.constant 16 : i32
          %add3A_298 = arith.addi %add3A_293, %add3A_297 : i32
          %swap3A_299 = arith.index_cast %add3A_298 : i32 to index
          %swap3A_300 = tpu.vector_load %arg7[%swap3A_299] {strides = array<i32>} : memref<20480xf32, #tpu.memory_space<vmem>>, vector<16xf32>,
          tpu.vector_store %arg7[%swap3A_299], %broadcast_in_dim3A_3 {strides = array<i32>} : memref<20480xf32, #tpu.memory_space<vmem>>, vector<16xf32>,
          %add3A_301 = arith.constant 32 : i32
          %add3A_302 = arith.addi %add3A_293, %add3A_301 : i32
          %swap3A_303 = arith.index_cast %add3A_302 : i32 to index
          %swap3A_304 = tpu.vector_load %arg7[%swap3A_303] {strides = array<i32>} : memref<20480xf32, #tpu.memory_space<vmem>>, vector<16xf32>,
          tpu.vector_store %arg7[%swap3A_303], %broadcast_in_dim3A_3 {strides = array<i32>} : memref<20480xf32, #tpu.memory_space<vmem>>, vector<16xf32>,
          %add3A_305 = arith.constant 48 : i32
          %add3A_306 = arith.addi %add3A_293, %add3A_305 : i32
          %swap3A_307 = arith.index_cast %add3A_306 : i32 to index
          %swap3A_308 = tpu.vector_load %arg7[%swap3A_307] {strides = array<i32>} : memref<20480xf32, #tpu.memory_space<vmem>>, vector<16xf32>,
          tpu.vector_store %arg7[%swap3A_307], %broadcast_in_dim3A_3 {strides = array<i32>} : memref<20480xf32, #tpu.memory_space<vmem>>, vector<16xf32>,
          %add3A_309 = arith.constant 64 : i32
          %add3A_310 = arith.addi %add3A_293, %add3A_309 : i32
          %swap3A_311 = arith.index_cast %add3A_310 : i32 to index
          %swap3A_312 = tpu.vector_load %arg7[%swap3A_311] {strides = array<i32>} : memref<20480xf32, #tpu.memory_space<vmem>>, vector<16xf32>,
          tpu.vector_store %arg7[%swap3A_311], %broadcast_in_dim3A_3 {strides = array<i32>} : memref<20480xf32, #tpu.memory_space<vmem>>, vector<16xf32>,
          %add3A_313 = arith.constant 80 : i32
          %add3A_314 = arith.addi %add3A_293, %add3A_313 : i32
          %swap3A_315 = arith.index_cast %add3A_314 : i32 to index
          %swap3A_316 = tpu.vector_load %arg7[%swap3A_315] {strides = array<i32>} : memref<20480xf32, #tpu.memory_space<vmem>>, vector<16xf32>,
          tpu.vector_store %arg7[%swap3A_315], %broadcast_in_dim3A_3 {strides = array<i32>} : memref<20480xf32, #tpu.memory_space<vmem>>, vector<16xf32>,
          %add3A_317 = arith.constant 96 : i32
          %add3A_318 = arith.addi %add3A_293, %add3A_317 : i32
          %swap3A_319 = arith.index_cast %add3A_318 : i32 to index
          %swap3A_320 = tpu.vector_load %arg7[%swap3A_319] {strides = array<i32>} : memref<20480xf32, #tpu.memory_space<vmem>>, vector<16xf32>,
          tpu.vector_store %arg7[%swap3A_319], %broadcast_in_dim3A_3 {strides = array<i32>} : memref<20480xf32, #tpu.memory_space<vmem>>, vector<16xf32>,
          %add3A_321 = arith.constant 112 : i32
          %add3A_322 = arith.addi %add3A_293, %add3A_321 : i32
          %swap3A_323 = arith.index_cast %add3A_322 : i32 to index
          %swap3A_324 = tpu.vector_load %arg7[%swap3A_323] {strides = array<i32>} : memref<20480xf32, #tpu.memory_space<vmem>>, vector<16xf32>,
          tpu.vector_store %arg7[%swap3A_323], %broadcast_in_dim3A_3 {strides = array<i32>} : memref<20480xf32, #tpu.memory_space<vmem>>, vector<16xf32>,
        } else {
        }
        %slice3A_187 = vector.extract_strided_slice %get3A_180 {offsets = [1], sizes = [1], strides = [1]} : vector<16xi32> to vector<1xi32>
        %squeeze3A_188 = vector.extract %slice3A_187[0] : i32 from vector<1xi32>
        %eq3A_189 = arith.constant 0 : i32
        %eq3A_190 = arith.cmpi eq, %squeeze3A_188, %eq3A_189 : i32
        %convert_element_type3A_191 = arith.extui %eq3A_190 : i1 to i32
        %cond3A_192 = arith.constant 0 : i32
        %cond3A_193 = arith.cmpi ne, %convert_element_type3A_191, %cond3A_192 : i32
        scf.if %cond3A_193 {
          %add3A_292 = arith.constant 128 : i32
          %add3A_293 = arith.addi %mul3A_182, %add3A_292 : i32
          %add3A_294 = arith.constant 0 : i32
          %add3A_295 = arith.addi %add3A_293, %add3A_294 : i32
          %swap3A = arith.index_cast %add3A_295 : i32 to index
          %swap3A_296 = tpu.vector_load %arg7[%swap3A] {strides = array<i32>} : memref<20480xf32, #tpu.memory_space<vmem>>, vector<16xf32>,
          tpu.vector_store %arg7[%swap3A], %broadcast_in_dim3A_3 {strides = array<i32>} : memref<20480xf32, #tpu.memory_space<vmem>>, vector<16xf32>,
          %add3A_297 = arith.constant 16 : i32
          %add3A_298 = arith.addi %add3A_293, %add3A_297 : i32
          %swap3A_299 = arith.index_cast %add3A_298 : i32 to index
          %swap3A_300 = tpu.vector_load %arg7[%swap3A_299] {strides = array<i32>} : memref<20480xf32, #tpu.memory_space<vmem>>, vector<16xf32>,
          tpu.vector_store %arg7[%swap3A_299], %broadcast_in_dim3A_3 {strides = array<i32>} : memref<20480xf32, #tpu.memory_space<vmem>>, vector<16xf32>,
          %add3A_301 = arith.constant 32 : i32
          %add3A_302 = arith.addi %add3A_293, %add3A_301 : i32
          %swap3A_303 = arith.index_cast %add3A_302 : i32 to index
          %swap3A_304 = tpu.vector_load %arg7[%swap3A_303] {strides = array<i32>} : memref<20480xf32, #tpu.memory_space<vmem>>, vector<16xf32>,
          tpu.vector_store %arg7[%swap3A_303], %broadcast_in_dim3A_3 {strides = array<i32>} : memref<20480xf32, #tpu.memory_space<vmem>>, vector<16xf32>,
          %add3A_305 = arith.constant 48 : i32
          %add3A_306 = arith.addi %add3A_293, %add3A_305 : i32
          %swap3A_307 = arith.index_cast %add3A_306 : i32 to index
          %swap3A_308 = tpu.vector_load %arg7[%swap3A_307] {strides = array<i32>} : memref<20480xf32, #tpu.memory_space<vmem>>, vector<16xf32>,
          tpu.vector_store %arg7[%swap3A_307], %broadcast_in_dim3A_3 {strides = array<i32>} : memref<20480xf32, #tpu.memory_space<vmem>>, vector<16xf32>,
          %add3A_309 = arith.constant 64 : i32
          %add3A_310 = arith.addi %add3A_293, %add3A_309 : i32
          %swap3A_311 = arith.index_cast %add3A_310 : i32 to index
          %swap3A_312 = tpu.vector_load %arg7[%swap3A_311] {strides = array<i32>} : memref<20480xf32, #tpu.memory_space<vmem>>, vector<16xf32>,
          tpu.vector_store %arg7[%swap3A_311], %broadcast_in_dim3A_3 {strides = array<i32>} : memref<20480xf32, #tpu.memory_space<vmem>>, vector<16xf32>,
          %add3A_313 = arith.constant 80 : i32
          %add3A_314 = arith.addi %add3A_293, %add3A_313 : i32
          %swap3A_315 = arith.index_cast %add3A_314 : i32 to index
          %swap3A_316 = tpu.vector_load %arg7[%swap3A_315] {strides = array<i32>} : memref<20480xf32, #tpu.memory_space<vmem>>, vector<16xf32>,
          tpu.vector_store %arg7[%swap3A_315], %broadcast_in_dim3A_3 {strides = array<i32>} : memref<20480xf32, #tpu.memory_space<vmem>>, vector<16xf32>,
          %add3A_317 = arith.constant 96 : i32
          %add3A_318 = arith.addi %add3A_293, %add3A_317 : i32
          %swap3A_319 = arith.index_cast %add3A_318 : i32 to index
          %swap3A_320 = tpu.vector_load %arg7[%swap3A_319] {strides = array<i32>} : memref<20480xf32, #tpu.memory_space<vmem>>, vector<16xf32>,
          tpu.vector_store %arg7[%swap3A_319], %broadcast_in_dim3A_3 {strides = array<i32>} : memref<20480xf32, #tpu.memory_space<vmem>>, vector<16xf32>,
          %add3A_321 = arith.constant 112 : i32
          %add3A_322 = arith.addi %add3A_293, %add3A_321 : i32
          %swap3A_323 = arith.index_cast %add3A_322 : i32 to index
          %swap3A_324 = tpu.vector_load %arg7[%swap3A_323] {strides = array<i32>} : memref<20480xf32, #tpu.memory_space<vmem>>, vector<16xf32>,
          tpu.vector_store %arg7[%swap3A_323], %broadcast_in_dim3A_3 {strides = array<i32>} : memref<20480xf32, #tpu.memory_space<vmem>>, vector<16xf32>,
        } else {
        }
        %slice3A_194 = vector.extract_strided_slice %get3A_180 {offsets = [2], sizes = [1], strides = [1]} : vector<16xi32> to vector<1xi32>
        %squeeze3A_195 = vector.extract %slice3A_194[0] : i32 from vector<1xi32>
        %eq3A_196 = arith.constant 0 : i32
        %eq3A_197 = arith.cmpi eq, %squeeze3A_195, %eq3A_196 : i32
        %convert_element_type3A_198 = arith.extui %eq3A_197 : i1 to i32
        %cond3A_199 = arith.constant 0 : i32
        %cond3A_200 = arith.cmpi ne, %convert_element_type3A_198, %cond3A_199 : i32
        scf.if %cond3A_200 {
          %add3A_292 = arith.constant 256 : i32
          %add3A_293 = arith.addi %mul3A_182, %add3A_292 : i32
          %add3A_294 = arith.constant 0 : i32
          %add3A_295 = arith.addi %add3A_293, %add3A_294 : i32
          %swap3A = arith.index_cast %add3A_295 : i32 to index
          %swap3A_296 = tpu.vector_load %arg7[%swap3A] {strides = array<i32>} : memref<20480xf32, #tpu.memory_space<vmem>>, vector<16xf32>,
          tpu.vector_store %arg7[%swap3A], %broadcast_in_dim3A_3 {strides = array<i32>} : memref<20480xf32, #tpu.memory_space<vmem>>, vector<16xf32>,
          %add3A_297 = arith.constant 16 : i32
          %add3A_298 = arith.addi %add3A_293, %add3A_297 : i32
          %swap3A_299 = arith.index_cast %add3A_298 : i32 to index
          %swap3A_300 = tpu.vector_load %arg7[%swap3A_299] {strides = array<i32>} : memref<20480xf32, #tpu.memory_space<vmem>>, vector<16xf32>,
          tpu.vector_store %arg7[%swap3A_299], %broadcast_in_dim3A_3 {strides = array<i32>} : memref<20480xf32, #tpu.memory_space<vmem>>, vector<16xf32>,
          %add3A_301 = arith.constant 32 : i32
          %add3A_302 = arith.addi %add3A_293, %add3A_301 : i32
          %swap3A_303 = arith.index_cast %add3A_302 : i32 to index
          %swap3A_304 = tpu.vector_load %arg7[%swap3A_303] {strides = array<i32>} : memref<20480xf32, #tpu.memory_space<vmem>>, vector<16xf32>,
          tpu.vector_store %arg7[%swap3A_303], %broadcast_in_dim3A_3 {strides = array<i32>} : memref<20480xf32, #tpu.memory_space<vmem>>, vector<16xf32>,
          %add3A_305 = arith.constant 48 : i32
          %add3A_306 = arith.addi %add3A_293, %add3A_305 : i32
          %swap3A_307 = arith.index_cast %add3A_306 : i32 to index
          %swap3A_308 = tpu.vector_load %arg7[%swap3A_307] {strides = array<i32>} : memref<20480xf32, #tpu.memory_space<vmem>>, vector<16xf32>,
          tpu.vector_store %arg7[%swap3A_307], %broadcast_in_dim3A_3 {strides = array<i32>} : memref<20480xf32, #tpu.memory_space<vmem>>, vector<16xf32>,
          %add3A_309 = arith.constant 64 : i32
          %add3A_310 = arith.addi %add3A_293, %add3A_309 : i32
          %swap3A_311 = arith.index_cast %add3A_310 : i32 to index
          %swap3A_312 = tpu.vector_load %arg7[%swap3A_311] {strides = array<i32>} : memref<20480xf32, #tpu.memory_space<vmem>>, vector<16xf32>,
          tpu.vector_store %arg7[%swap3A_311], %broadcast_in_dim3A_3 {strides = array<i32>} : memref<20480xf32, #tpu.memory_space<vmem>>, vector<16xf32>,
          %add3A_313 = arith.constant 80 : i32
          %add3A_314 = arith.addi %add3A_293, %add3A_313 : i32
          %swap3A_315 = arith.index_cast %add3A_314 : i32 to index
          %swap3A_316 = tpu.vector_load %arg7[%swap3A_315] {strides = array<i32>} : memref<20480xf32, #tpu.memory_space<vmem>>, vector<16xf32>,
          tpu.vector_store %arg7[%swap3A_315], %broadcast_in_dim3A_3 {strides = array<i32>} : memref<20480xf32, #tpu.memory_space<vmem>>, vector<16xf32>,
          %add3A_317 = arith.constant 96 : i32
          %add3A_318 = arith.addi %add3A_293, %add3A_317 : i32
          %swap3A_319 = arith.index_cast %add3A_318 : i32 to index
          %swap3A_320 = tpu.vector_load %arg7[%swap3A_319] {strides = array<i32>} : memref<20480xf32, #tpu.memory_space<vmem>>, vector<16xf32>,
          tpu.vector_store %arg7[%swap3A_319], %broadcast_in_dim3A_3 {strides = array<i32>} : memref<20480xf32, #tpu.memory_space<vmem>>, vector<16xf32>,
          %add3A_321 = arith.constant 112 : i32
          %add3A_322 = arith.addi %add3A_293, %add3A_321 : i32
          %swap3A_323 = arith.index_cast %add3A_322 : i32 to index
          %swap3A_324 = tpu.vector_load %arg7[%swap3A_323] {strides = array<i32>} : memref<20480xf32, #tpu.memory_space<vmem>>, vector<16xf32>,
          tpu.vector_store %arg7[%swap3A_323], %broadcast_in_dim3A_3 {strides = array<i32>} : memref<20480xf32, #tpu.memory_space<vmem>>, vector<16xf32>,
        } else {
        }
        %slice3A_201 = vector.extract_strided_slice %get3A_180 {offsets = [3], sizes = [1], strides = [1]} : vector<16xi32> to vector<1xi32>
        %squeeze3A_202 = vector.extract %slice3A_201[0] : i32 from vector<1xi32>
        %eq3A_203 = arith.constant 0 : i32
        %eq3A_204 = arith.cmpi eq, %squeeze3A_202, %eq3A_203 : i32
        %convert_element_type3A_205 = arith.extui %eq3A_204 : i1 to i32
        %cond3A_206 = arith.constant 0 : i32
        %cond3A_207 = arith.cmpi ne, %convert_element_type3A_205, %cond3A_206 : i32
        scf.if %cond3A_207 {
          %add3A_292 = arith.constant 384 : i32
          %add3A_293 = arith.addi %mul3A_182, %add3A_292 : i32
          %add3A_294 = arith.constant 0 : i32
          %add3A_295 = arith.addi %add3A_293, %add3A_294 : i32
          %swap3A = arith.index_cast %add3A_295 : i32 to index
          %swap3A_296 = tpu.vector_load %arg7[%swap3A] {strides = array<i32>} : memref<20480xf32, #tpu.memory_space<vmem>>, vector<16xf32>,
          tpu.vector_store %arg7[%swap3A], %broadcast_in_dim3A_3 {strides = array<i32>} : memref<20480xf32, #tpu.memory_space<vmem>>, vector<16xf32>,
          %add3A_297 = arith.constant 16 : i32
          %add3A_298 = arith.addi %add3A_293, %add3A_297 : i32
          %swap3A_299 = arith.index_cast %add3A_298 : i32 to index
          %swap3A_300 = tpu.vector_load %arg7[%swap3A_299] {strides = array<i32>} : memref<20480xf32, #tpu.memory_space<vmem>>, vector<16xf32>,
          tpu.vector_store %arg7[%swap3A_299], %broadcast_in_dim3A_3 {strides = array<i32>} : memref<20480xf32, #tpu.memory_space<vmem>>, vector<16xf32>,
          %add3A_301 = arith.constant 32 : i32
          %add3A_302 = arith.addi %add3A_293, %add3A_301 : i32
          %swap3A_303 = arith.index_cast %add3A_302 : i32 to index
          %swap3A_304 = tpu.vector_load %arg7[%swap3A_303] {strides = array<i32>} : memref<20480xf32, #tpu.memory_space<vmem>>, vector<16xf32>,
          tpu.vector_store %arg7[%swap3A_303], %broadcast_in_dim3A_3 {strides = array<i32>} : memref<20480xf32, #tpu.memory_space<vmem>>, vector<16xf32>,
          %add3A_305 = arith.constant 48 : i32
          %add3A_306 = arith.addi %add3A_293, %add3A_305 : i32
          %swap3A_307 = arith.index_cast %add3A_306 : i32 to index
          %swap3A_308 = tpu.vector_load %arg7[%swap3A_307] {strides = array<i32>} : memref<20480xf32, #tpu.memory_space<vmem>>, vector<16xf32>,
          tpu.vector_store %arg7[%swap3A_307], %broadcast_in_dim3A_3 {strides = array<i32>} : memref<20480xf32, #tpu.memory_space<vmem>>, vector<16xf32>,
          %add3A_309 = arith.constant 64 : i32
          %add3A_310 = arith.addi %add3A_293, %add3A_309 : i32
          %swap3A_311 = arith.index_cast %add3A_310 : i32 to index
          %swap3A_312 = tpu.vector_load %arg7[%swap3A_311] {strides = array<i32>} : memref<20480xf32, #tpu.memory_space<vmem>>, vector<16xf32>,
          tpu.vector_store %arg7[%swap3A_311], %broadcast_in_dim3A_3 {strides = array<i32>} : memref<20480xf32, #tpu.memory_space<vmem>>, vector<16xf32>,
          %add3A_313 = arith.constant 80 : i32
          %add3A_314 = arith.addi %add3A_293, %add3A_313 : i32
          %swap3A_315 = arith.index_cast %add3A_314 : i32 to index
          %swap3A_316 = tpu.vector_load %arg7[%swap3A_315] {strides = array<i32>} : memref<20480xf32, #tpu.memory_space<vmem>>, vector<16xf32>,
          tpu.vector_store %arg7[%swap3A_315], %broadcast_in_dim3A_3 {strides = array<i32>} : memref<20480xf32, #tpu.memory_space<vmem>>, vector<16xf32>,
          %add3A_317 = arith.constant 96 : i32
          %add3A_318 = arith.addi %add3A_293, %add3A_317 : i32
          %swap3A_319 = arith.index_cast %add3A_318 : i32 to index
          %swap3A_320 = tpu.vector_load %arg7[%swap3A_319] {strides = array<i32>} : memref<20480xf32, #tpu.memory_space<vmem>>, vector<16xf32>,
          tpu.vector_store %arg7[%swap3A_319], %broadcast_in_dim3A_3 {strides = array<i32>} : memref<20480xf32, #tpu.memory_space<vmem>>, vector<16xf32>,
          %add3A_321 = arith.constant 112 : i32
          %add3A_322 = arith.addi %add3A_293, %add3A_321 : i32
          %swap3A_323 = arith.index_cast %add3A_322 : i32 to index
          %swap3A_324 = tpu.vector_load %arg7[%swap3A_323] {strides = array<i32>} : memref<20480xf32, #tpu.memory_space<vmem>>, vector<16xf32>,
          tpu.vector_store %arg7[%swap3A_323], %broadcast_in_dim3A_3 {strides = array<i32>} : memref<20480xf32, #tpu.memory_space<vmem>>, vector<16xf32>,
        } else {
        }
        %slice3A_208 = vector.extract_strided_slice %get3A_180 {offsets = [4], sizes = [1], strides = [1]} : vector<16xi32> to vector<1xi32>
        %squeeze3A_209 = vector.extract %slice3A_208[0] : i32 from vector<1xi32>
        %eq3A_210 = arith.constant 0 : i32
        %eq3A_211 = arith.cmpi eq, %squeeze3A_209, %eq3A_210 : i32
        %convert_element_type3A_212 = arith.extui %eq3A_211 : i1 to i32
        %cond3A_213 = arith.constant 0 : i32
        %cond3A_214 = arith.cmpi ne, %convert_element_type3A_212, %cond3A_213 : i32
        scf.if %cond3A_214 {
          %add3A_292 = arith.constant 512 : i32
          %add3A_293 = arith.addi %mul3A_182, %add3A_292 : i32
          %add3A_294 = arith.constant 0 : i32
          %add3A_295 = arith.addi %add3A_293, %add3A_294 : i32
          %swap3A = arith.index_cast %add3A_295 : i32 to index
          %swap3A_296 = tpu.vector_load %arg7[%swap3A] {strides = array<i32>} : memref<20480xf32, #tpu.memory_space<vmem>>, vector<16xf32>,
          tpu.vector_store %arg7[%swap3A], %broadcast_in_dim3A_3 {strides = array<i32>} : memref<20480xf32, #tpu.memory_space<vmem>>, vector<16xf32>,
          %add3A_297 = arith.constant 16 : i32
          %add3A_298 = arith.addi %add3A_293, %add3A_297 : i32
          %swap3A_299 = arith.index_cast %add3A_298 : i32 to index
          %swap3A_300 = tpu.vector_load %arg7[%swap3A_299] {strides = array<i32>} : memref<20480xf32, #tpu.memory_space<vmem>>, vector<16xf32>,
          tpu.vector_store %arg7[%swap3A_299], %broadcast_in_dim3A_3 {strides = array<i32>} : memref<20480xf32, #tpu.memory_space<vmem>>, vector<16xf32>,
          %add3A_301 = arith.constant 32 : i32
          %add3A_302 = arith.addi %add3A_293, %add3A_301 : i32
          %swap3A_303 = arith.index_cast %add3A_302 : i32 to index
          %swap3A_304 = tpu.vector_load %arg7[%swap3A_303] {strides = array<i32>} : memref<20480xf32, #tpu.memory_space<vmem>>, vector<16xf32>,
          tpu.vector_store %arg7[%swap3A_303], %broadcast_in_dim3A_3 {strides = array<i32>} : memref<20480xf32, #tpu.memory_space<vmem>>, vector<16xf32>,
          %add3A_305 = arith.constant 48 : i32
          %add3A_306 = arith.addi %add3A_293, %add3A_305 : i32
          %swap3A_307 = arith.index_cast %add3A_306 : i32 to index
          %swap3A_308 = tpu.vector_load %arg7[%swap3A_307] {strides = array<i32>} : memref<20480xf32, #tpu.memory_space<vmem>>, vector<16xf32>,
          tpu.vector_store %arg7[%swap3A_307], %broadcast_in_dim3A_3 {strides = array<i32>} : memref<20480xf32, #tpu.memory_space<vmem>>, vector<16xf32>,
          %add3A_309 = arith.constant 64 : i32
          %add3A_310 = arith.addi %add3A_293, %add3A_309 : i32
          %swap3A_311 = arith.index_cast %add3A_310 : i32 to index
          %swap3A_312 = tpu.vector_load %arg7[%swap3A_311] {strides = array<i32>} : memref<20480xf32, #tpu.memory_space<vmem>>, vector<16xf32>,
          tpu.vector_store %arg7[%swap3A_311], %broadcast_in_dim3A_3 {strides = array<i32>} : memref<20480xf32, #tpu.memory_space<vmem>>, vector<16xf32>,
          %add3A_313 = arith.constant 80 : i32
          %add3A_314 = arith.addi %add3A_293, %add3A_313 : i32
          %swap3A_315 = arith.index_cast %add3A_314 : i32 to index
          %swap3A_316 = tpu.vector_load %arg7[%swap3A_315] {strides = array<i32>} : memref<20480xf32, #tpu.memory_space<vmem>>, vector<16xf32>,
          tpu.vector_store %arg7[%swap3A_315], %broadcast_in_dim3A_3 {strides = array<i32>} : memref<20480xf32, #tpu.memory_space<vmem>>, vector<16xf32>,
          %add3A_317 = arith.constant 96 : i32
          %add3A_318 = arith.addi %add3A_293, %add3A_317 : i32
          %swap3A_319 = arith.index_cast %add3A_318 : i32 to index
          %swap3A_320 = tpu.vector_load %arg7[%swap3A_319] {strides = array<i32>} : memref<20480xf32, #tpu.memory_space<vmem>>, vector<16xf32>,
          tpu.vector_store %arg7[%swap3A_319], %broadcast_in_dim3A_3 {strides = array<i32>} : memref<20480xf32, #tpu.memory_space<vmem>>, vector<16xf32>,
          %add3A_321 = arith.constant 112 : i32
          %add3A_322 = arith.addi %add3A_293, %add3A_321 : i32
          %swap3A_323 = arith.index_cast %add3A_322 : i32 to index
          %swap3A_324 = tpu.vector_load %arg7[%swap3A_323] {strides = array<i32>} : memref<20480xf32, #tpu.memory_space<vmem>>, vector<16xf32>,
          tpu.vector_store %arg7[%swap3A_323], %broadcast_in_dim3A_3 {strides = array<i32>} : memref<20480xf32, #tpu.memory_space<vmem>>, vector<16xf32>,
        } else {
        }
        %slice3A_215 = vector.extract_strided_slice %get3A_180 {offsets = [5], sizes = [1], strides = [1]} : vector<16xi32> to vector<1xi32>
        %squeeze3A_216 = vector.extract %slice3A_215[0] : i32 from vector<1xi32>
        %eq3A_217 = arith.constant 0 : i32
        %eq3A_218 = arith.cmpi eq, %squeeze3A_216, %eq3A_217 : i32
        %convert_element_type3A_219 = arith.extui %eq3A_218 : i1 to i32
        %cond3A_220 = arith.constant 0 : i32
        %cond3A_221 = arith.cmpi ne, %convert_element_type3A_219, %cond3A_220 : i32
        scf.if %cond3A_221 {
          %add3A_292 = arith.constant 640 : i32
          %add3A_293 = arith.addi %mul3A_182, %add3A_292 : i32
          %add3A_294 = arith.constant 0 : i32
          %add3A_295 = arith.addi %add3A_293, %add3A_294 : i32
          %swap3A = arith.index_cast %add3A_295 : i32 to index
          %swap3A_296 = tpu.vector_load %arg7[%swap3A] {strides = array<i32>} : memref<20480xf32, #tpu.memory_space<vmem>>, vector<16xf32>,
          tpu.vector_store %arg7[%swap3A], %broadcast_in_dim3A_3 {strides = array<i32>} : memref<20480xf32, #tpu.memory_space<vmem>>, vector<16xf32>,
          %add3A_297 = arith.constant 16 : i32
          %add3A_298 = arith.addi %add3A_293, %add3A_297 : i32
          %swap3A_299 = arith.index_cast %add3A_298 : i32 to index
          %swap3A_300 = tpu.vector_load %arg7[%swap3A_299] {strides = array<i32>} : memref<20480xf32, #tpu.memory_space<vmem>>, vector<16xf32>,
          tpu.vector_store %arg7[%swap3A_299], %broadcast_in_dim3A_3 {strides = array<i32>} : memref<20480xf32, #tpu.memory_space<vmem>>, vector<16xf32>,
          %add3A_301 = arith.constant 32 : i32
          %add3A_302 = arith.addi %add3A_293, %add3A_301 : i32
          %swap3A_303 = arith.index_cast %add3A_302 : i32 to index
          %swap3A_304 = tpu.vector_load %arg7[%swap3A_303] {strides = array<i32>} : memref<20480xf32, #tpu.memory_space<vmem>>, vector<16xf32>,
          tpu.vector_store %arg7[%swap3A_303], %broadcast_in_dim3A_3 {strides = array<i32>} : memref<20480xf32, #tpu.memory_space<vmem>>, vector<16xf32>,
          %add3A_305 = arith.constant 48 : i32
          %add3A_306 = arith.addi %add3A_293, %add3A_305 : i32
          %swap3A_307 = arith.index_cast %add3A_306 : i32 to index
          %swap3A_308 = tpu.vector_load %arg7[%swap3A_307] {strides = array<i32>} : memref<20480xf32, #tpu.memory_space<vmem>>, vector<16xf32>,
          tpu.vector_store %arg7[%swap3A_307], %broadcast_in_dim3A_3 {strides = array<i32>} : memref<20480xf32, #tpu.memory_space<vmem>>, vector<16xf32>,
          %add3A_309 = arith.constant 64 : i32
          %add3A_310 = arith.addi %add3A_293, %add3A_309 : i32
          %swap3A_311 = arith.index_cast %add3A_310 : i32 to index
          %swap3A_312 = tpu.vector_load %arg7[%swap3A_311] {strides = array<i32>} : memref<20480xf32, #tpu.memory_space<vmem>>, vector<16xf32>,
          tpu.vector_store %arg7[%swap3A_311], %broadcast_in_dim3A_3 {strides = array<i32>} : memref<20480xf32, #tpu.memory_space<vmem>>, vector<16xf32>,
          %add3A_313 = arith.constant 80 : i32
          %add3A_314 = arith.addi %add3A_293, %add3A_313 : i32
          %swap3A_315 = arith.index_cast %add3A_314 : i32 to index
          %swap3A_316 = tpu.vector_load %arg7[%swap3A_315] {strides = array<i32>} : memref<20480xf32, #tpu.memory_space<vmem>>, vector<16xf32>,
          tpu.vector_store %arg7[%swap3A_315], %broadcast_in_dim3A_3 {strides = array<i32>} : memref<20480xf32, #tpu.memory_space<vmem>>, vector<16xf32>,
          %add3A_317 = arith.constant 96 : i32
          %add3A_318 = arith.addi %add3A_293, %add3A_317 : i32
          %swap3A_319 = arith.index_cast %add3A_318 : i32 to index
          %swap3A_320 = tpu.vector_load %arg7[%swap3A_319] {strides = array<i32>} : memref<20480xf32, #tpu.memory_space<vmem>>, vector<16xf32>,
          tpu.vector_store %arg7[%swap3A_319], %broadcast_in_dim3A_3 {strides = array<i32>} : memref<20480xf32, #tpu.memory_space<vmem>>, vector<16xf32>,
          %add3A_321 = arith.constant 112 : i32
          %add3A_322 = arith.addi %add3A_293, %add3A_321 : i32
          %swap3A_323 = arith.index_cast %add3A_322 : i32 to index
          %swap3A_324 = tpu.vector_load %arg7[%swap3A_323] {strides = array<i32>} : memref<20480xf32, #tpu.memory_space<vmem>>, vector<16xf32>,
          tpu.vector_store %arg7[%swap3A_323], %broadcast_in_dim3A_3 {strides = array<i32>} : memref<20480xf32, #tpu.memory_space<vmem>>, vector<16xf32>,
        } else {
        }
        %slice3A_222 = vector.extract_strided_slice %get3A_180 {offsets = [6], sizes = [1], strides = [1]} : vector<16xi32> to vector<1xi32>
        %squeeze3A_223 = vector.extract %slice3A_222[0] : i32 from vector<1xi32>
        %eq3A_224 = arith.constant 0 : i32
        %eq3A_225 = arith.cmpi eq, %squeeze3A_223, %eq3A_224 : i32
        %convert_element_type3A_226 = arith.extui %eq3A_225 : i1 to i32
        %cond3A_227 = arith.constant 0 : i32
        %cond3A_228 = arith.cmpi ne, %convert_element_type3A_226, %cond3A_227 : i32
        scf.if %cond3A_228 {
          %add3A_292 = arith.constant 768 : i32
          %add3A_293 = arith.addi %mul3A_182, %add3A_292 : i32
          %add3A_294 = arith.constant 0 : i32
          %add3A_295 = arith.addi %add3A_293, %add3A_294 : i32
          %swap3A = arith.index_cast %add3A_295 : i32 to index
          %swap3A_296 = tpu.vector_load %arg7[%swap3A] {strides = array<i32>} : memref<20480xf32, #tpu.memory_space<vmem>>, vector<16xf32>,
          tpu.vector_store %arg7[%swap3A], %broadcast_in_dim3A_3 {strides = array<i32>} : memref<20480xf32, #tpu.memory_space<vmem>>, vector<16xf32>,
          %add3A_297 = arith.constant 16 : i32
          %add3A_298 = arith.addi %add3A_293, %add3A_297 : i32
          %swap3A_299 = arith.index_cast %add3A_298 : i32 to index
          %swap3A_300 = tpu.vector_load %arg7[%swap3A_299] {strides = array<i32>} : memref<20480xf32, #tpu.memory_space<vmem>>, vector<16xf32>,
          tpu.vector_store %arg7[%swap3A_299], %broadcast_in_dim3A_3 {strides = array<i32>} : memref<20480xf32, #tpu.memory_space<vmem>>, vector<16xf32>,
          %add3A_301 = arith.constant 32 : i32
          %add3A_302 = arith.addi %add3A_293, %add3A_301 : i32
          %swap3A_303 = arith.index_cast %add3A_302 : i32 to index
          %swap3A_304 = tpu.vector_load %arg7[%swap3A_303] {strides = array<i32>} : memref<20480xf32, #tpu.memory_space<vmem>>, vector<16xf32>,
          tpu.vector_store %arg7[%swap3A_303], %broadcast_in_dim3A_3 {strides = array<i32>} : memref<20480xf32, #tpu.memory_space<vmem>>, vector<16xf32>,
          %add3A_305 = arith.constant 48 : i32
          %add3A_306 = arith.addi %add3A_293, %add3A_305 : i32
          %swap3A_307 = arith.index_cast %add3A_306 : i32 to index
          %swap3A_308 = tpu.vector_load %arg7[%swap3A_307] {strides = array<i32>} : memref<20480xf32, #tpu.memory_space<vmem>>, vector<16xf32>,
          tpu.vector_store %arg7[%swap3A_307], %broadcast_in_dim3A_3 {strides = array<i32>} : memref<20480xf32, #tpu.memory_space<vmem>>, vector<16xf32>,
          %add3A_309 = arith.constant 64 : i32
          %add3A_310 = arith.addi %add3A_293, %add3A_309 : i32
          %swap3A_311 = arith.index_cast %add3A_310 : i32 to index
          %swap3A_312 = tpu.vector_load %arg7[%swap3A_311] {strides = array<i32>} : memref<20480xf32, #tpu.memory_space<vmem>>, vector<16xf32>,
          tpu.vector_store %arg7[%swap3A_311], %broadcast_in_dim3A_3 {strides = array<i32>} : memref<20480xf32, #tpu.memory_space<vmem>>, vector<16xf32>,
          %add3A_313 = arith.constant 80 : i32
          %add3A_314 = arith.addi %add3A_293, %add3A_313 : i32
          %swap3A_315 = arith.index_cast %add3A_314 : i32 to index
          %swap3A_316 = tpu.vector_load %arg7[%swap3A_315] {strides = array<i32>} : memref<20480xf32, #tpu.memory_space<vmem>>, vector<16xf32>,
          tpu.vector_store %arg7[%swap3A_315], %broadcast_in_dim3A_3 {strides = array<i32>} : memref<20480xf32, #tpu.memory_space<vmem>>, vector<16xf32>,
          %add3A_317 = arith.constant 96 : i32
          %add3A_318 = arith.addi %add3A_293, %add3A_317 : i32
          %swap3A_319 = arith.index_cast %add3A_318 : i32 to index
          %swap3A_320 = tpu.vector_load %arg7[%swap3A_319] {strides = array<i32>} : memref<20480xf32, #tpu.memory_space<vmem>>, vector<16xf32>,
          tpu.vector_store %arg7[%swap3A_319], %broadcast_in_dim3A_3 {strides = array<i32>} : memref<20480xf32, #tpu.memory_space<vmem>>, vector<16xf32>,
          %add3A_321 = arith.constant 112 : i32
          %add3A_322 = arith.addi %add3A_293, %add3A_321 : i32
          %swap3A_323 = arith.index_cast %add3A_322 : i32 to index
          %swap3A_324 = tpu.vector_load %arg7[%swap3A_323] {strides = array<i32>} : memref<20480xf32, #tpu.memory_space<vmem>>, vector<16xf32>,
          tpu.vector_store %arg7[%swap3A_323], %broadcast_in_dim3A_3 {strides = array<i32>} : memref<20480xf32, #tpu.memory_space<vmem>>, vector<16xf32>,
        } else {
        }
        %slice3A_229 = vector.extract_strided_slice %get3A_180 {offsets = [7], sizes = [1], strides = [1]} : vector<16xi32> to vector<1xi32>
        %squeeze3A_230 = vector.extract %slice3A_229[0] : i32 from vector<1xi32>
        %eq3A_231 = arith.constant 0 : i32
        %eq3A_232 = arith.cmpi eq, %squeeze3A_230, %eq3A_231 : i32
        %convert_element_type3A_233 = arith.extui %eq3A_232 : i1 to i32
        %cond3A_234 = arith.constant 0 : i32
        %cond3A_235 = arith.cmpi ne, %convert_element_type3A_233, %cond3A_234 : i32
        scf.if %cond3A_235 {
          %add3A_292 = arith.constant 896 : i32
          %add3A_293 = arith.addi %mul3A_182, %add3A_292 : i32
          %add3A_294 = arith.constant 0 : i32
          %add3A_295 = arith.addi %add3A_293, %add3A_294 : i32
          %swap3A = arith.index_cast %add3A_295 : i32 to index
          %swap3A_296 = tpu.vector_load %arg7[%swap3A] {strides = array<i32>} : memref<20480xf32, #tpu.memory_space<vmem>>, vector<16xf32>,
          tpu.vector_store %arg7[%swap3A], %broadcast_in_dim3A_3 {strides = array<i32>} : memref<20480xf32, #tpu.memory_space<vmem>>, vector<16xf32>,
          %add3A_297 = arith.constant 16 : i32
          %add3A_298 = arith.addi %add3A_293, %add3A_297 : i32
          %swap3A_299 = arith.index_cast %add3A_298 : i32 to index
          %swap3A_300 = tpu.vector_load %arg7[%swap3A_299] {strides = array<i32>} : memref<20480xf32, #tpu.memory_space<vmem>>, vector<16xf32>,
          tpu.vector_store %arg7[%swap3A_299], %broadcast_in_dim3A_3 {strides = array<i32>} : memref<20480xf32, #tpu.memory_space<vmem>>, vector<16xf32>,
          %add3A_301 = arith.constant 32 : i32
          %add3A_302 = arith.addi %add3A_293, %add3A_301 : i32
          %swap3A_303 = arith.index_cast %add3A_302 : i32 to index
          %swap3A_304 = tpu.vector_load %arg7[%swap3A_303] {strides = array<i32>} : memref<20480xf32, #tpu.memory_space<vmem>>, vector<16xf32>,
          tpu.vector_store %arg7[%swap3A_303], %broadcast_in_dim3A_3 {strides = array<i32>} : memref<20480xf32, #tpu.memory_space<vmem>>, vector<16xf32>,
          %add3A_305 = arith.constant 48 : i32
          %add3A_306 = arith.addi %add3A_293, %add3A_305 : i32
          %swap3A_307 = arith.index_cast %add3A_306 : i32 to index
          %swap3A_308 = tpu.vector_load %arg7[%swap3A_307] {strides = array<i32>} : memref<20480xf32, #tpu.memory_space<vmem>>, vector<16xf32>,
          tpu.vector_store %arg7[%swap3A_307], %broadcast_in_dim3A_3 {strides = array<i32>} : memref<20480xf32, #tpu.memory_space<vmem>>, vector<16xf32>,
          %add3A_309 = arith.constant 64 : i32
          %add3A_310 = arith.addi %add3A_293, %add3A_309 : i32
          %swap3A_311 = arith.index_cast %add3A_310 : i32 to index
          %swap3A_312 = tpu.vector_load %arg7[%swap3A_311] {strides = array<i32>} : memref<20480xf32, #tpu.memory_space<vmem>>, vector<16xf32>,
          tpu.vector_store %arg7[%swap3A_311], %broadcast_in_dim3A_3 {strides = array<i32>} : memref<20480xf32, #tpu.memory_space<vmem>>, vector<16xf32>,
          %add3A_313 = arith.constant 80 : i32
          %add3A_314 = arith.addi %add3A_293, %add3A_313 : i32
          %swap3A_315 = arith.index_cast %add3A_314 : i32 to index
          %swap3A_316 = tpu.vector_load %arg7[%swap3A_315] {strides = array<i32>} : memref<20480xf32, #tpu.memory_space<vmem>>, vector<16xf32>,
          tpu.vector_store %arg7[%swap3A_315], %broadcast_in_dim3A_3 {strides = array<i32>} : memref<20480xf32, #tpu.memory_space<vmem>>, vector<16xf32>,
          %add3A_317 = arith.constant 96 : i32
          %add3A_318 = arith.addi %add3A_293, %add3A_317 : i32
          %swap3A_319 = arith.index_cast %add3A_318 : i32 to index
          %swap3A_320 = tpu.vector_load %arg7[%swap3A_319] {strides = array<i32>} : memref<20480xf32, #tpu.memory_space<vmem>>, vector<16xf32>,
          tpu.vector_store %arg7[%swap3A_319], %broadcast_in_dim3A_3 {strides = array<i32>} : memref<20480xf32, #tpu.memory_space<vmem>>, vector<16xf32>,
          %add3A_321 = arith.constant 112 : i32
          %add3A_322 = arith.addi %add3A_293, %add3A_321 : i32
          %swap3A_323 = arith.index_cast %add3A_322 : i32 to index
          %swap3A_324 = tpu.vector_load %arg7[%swap3A_323] {strides = array<i32>} : memref<20480xf32, #tpu.memory_space<vmem>>, vector<16xf32>,
          tpu.vector_store %arg7[%swap3A_323], %broadcast_in_dim3A_3 {strides = array<i32>} : memref<20480xf32, #tpu.memory_space<vmem>>, vector<16xf32>,
        } else {
        }
        %slice3A_236 = vector.extract_strided_slice %get3A_180 {offsets = [8], sizes = [1], strides = [1]} : vector<16xi32> to vector<1xi32>
        %squeeze3A_237 = vector.extract %slice3A_236[0] : i32 from vector<1xi32>
        %eq3A_238 = arith.constant 0 : i32
        %eq3A_239 = arith.cmpi eq, %squeeze3A_237, %eq3A_238 : i32
        %convert_element_type3A_240 = arith.extui %eq3A_239 : i1 to i32
        %cond3A_241 = arith.constant 0 : i32
        %cond3A_242 = arith.cmpi ne, %convert_element_type3A_240, %cond3A_241 : i32
        scf.if %cond3A_242 {
          %add3A_292 = arith.constant 1024 : i32
          %add3A_293 = arith.addi %mul3A_182, %add3A_292 : i32
          %add3A_294 = arith.constant 0 : i32
          %add3A_295 = arith.addi %add3A_293, %add3A_294 : i32
          %swap3A = arith.index_cast %add3A_295 : i32 to index
          %swap3A_296 = tpu.vector_load %arg7[%swap3A] {strides = array<i32>} : memref<20480xf32, #tpu.memory_space<vmem>>, vector<16xf32>,
          tpu.vector_store %arg7[%swap3A], %broadcast_in_dim3A_3 {strides = array<i32>} : memref<20480xf32, #tpu.memory_space<vmem>>, vector<16xf32>,
          %add3A_297 = arith.constant 16 : i32
          %add3A_298 = arith.addi %add3A_293, %add3A_297 : i32
          %swap3A_299 = arith.index_cast %add3A_298 : i32 to index
          %swap3A_300 = tpu.vector_load %arg7[%swap3A_299] {strides = array<i32>} : memref<20480xf32, #tpu.memory_space<vmem>>, vector<16xf32>,
          tpu.vector_store %arg7[%swap3A_299], %broadcast_in_dim3A_3 {strides = array<i32>} : memref<20480xf32, #tpu.memory_space<vmem>>, vector<16xf32>,
          %add3A_301 = arith.constant 32 : i32
          %add3A_302 = arith.addi %add3A_293, %add3A_301 : i32
          %swap3A_303 = arith.index_cast %add3A_302 : i32 to index
          %swap3A_304 = tpu.vector_load %arg7[%swap3A_303] {strides = array<i32>} : memref<20480xf32, #tpu.memory_space<vmem>>, vector<16xf32>,
          tpu.vector_store %arg7[%swap3A_303], %broadcast_in_dim3A_3 {strides = array<i32>} : memref<20480xf32, #tpu.memory_space<vmem>>, vector<16xf32>,
          %add3A_305 = arith.constant 48 : i32
          %add3A_306 = arith.addi %add3A_293, %add3A_305 : i32
          %swap3A_307 = arith.index_cast %add3A_306 : i32 to index
          %swap3A_308 = tpu.vector_load %arg7[%swap3A_307] {strides = array<i32>} : memref<20480xf32, #tpu.memory_space<vmem>>, vector<16xf32>,
          tpu.vector_store %arg7[%swap3A_307], %broadcast_in_dim3A_3 {strides = array<i32>} : memref<20480xf32, #tpu.memory_space<vmem>>, vector<16xf32>,
          %add3A_309 = arith.constant 64 : i32
          %add3A_310 = arith.addi %add3A_293, %add3A_309 : i32
          %swap3A_311 = arith.index_cast %add3A_310 : i32 to index
          %swap3A_312 = tpu.vector_load %arg7[%swap3A_311] {strides = array<i32>} : memref<20480xf32, #tpu.memory_space<vmem>>, vector<16xf32>,
          tpu.vector_store %arg7[%swap3A_311], %broadcast_in_dim3A_3 {strides = array<i32>} : memref<20480xf32, #tpu.memory_space<vmem>>, vector<16xf32>,
          %add3A_313 = arith.constant 80 : i32
          %add3A_314 = arith.addi %add3A_293, %add3A_313 : i32
          %swap3A_315 = arith.index_cast %add3A_314 : i32 to index
          %swap3A_316 = tpu.vector_load %arg7[%swap3A_315] {strides = array<i32>} : memref<20480xf32, #tpu.memory_space<vmem>>, vector<16xf32>,
          tpu.vector_store %arg7[%swap3A_315], %broadcast_in_dim3A_3 {strides = array<i32>} : memref<20480xf32, #tpu.memory_space<vmem>>, vector<16xf32>,
          %add3A_317 = arith.constant 96 : i32
          %add3A_318 = arith.addi %add3A_293, %add3A_317 : i32
          %swap3A_319 = arith.index_cast %add3A_318 : i32 to index
          %swap3A_320 = tpu.vector_load %arg7[%swap3A_319] {strides = array<i32>} : memref<20480xf32, #tpu.memory_space<vmem>>, vector<16xf32>,
          tpu.vector_store %arg7[%swap3A_319], %broadcast_in_dim3A_3 {strides = array<i32>} : memref<20480xf32, #tpu.memory_space<vmem>>, vector<16xf32>,
          %add3A_321 = arith.constant 112 : i32
          %add3A_322 = arith.addi %add3A_293, %add3A_321 : i32
          %swap3A_323 = arith.index_cast %add3A_322 : i32 to index
          %swap3A_324 = tpu.vector_load %arg7[%swap3A_323] {strides = array<i32>} : memref<20480xf32, #tpu.memory_space<vmem>>, vector<16xf32>,
          tpu.vector_store %arg7[%swap3A_323], %broadcast_in_dim3A_3 {strides = array<i32>} : memref<20480xf32, #tpu.memory_space<vmem>>, vector<16xf32>,
        } else {
        }
        %slice3A_243 = vector.extract_strided_slice %get3A_180 {offsets = [9], sizes = [1], strides = [1]} : vector<16xi32> to vector<1xi32>
        %squeeze3A_244 = vector.extract %slice3A_243[0] : i32 from vector<1xi32>
        %eq3A_245 = arith.constant 0 : i32
        %eq3A_246 = arith.cmpi eq, %squeeze3A_244, %eq3A_245 : i32
        %convert_element_type3A_247 = arith.extui %eq3A_246 : i1 to i32
        %cond3A_248 = arith.constant 0 : i32
        %cond3A_249 = arith.cmpi ne, %convert_element_type3A_247, %cond3A_248 : i32
        scf.if %cond3A_249 {
          %add3A_292 = arith.constant 1152 : i32
          %add3A_293 = arith.addi %mul3A_182, %add3A_292 : i32
          %add3A_294 = arith.constant 0 : i32
          %add3A_295 = arith.addi %add3A_293, %add3A_294 : i32
          %swap3A = arith.index_cast %add3A_295 : i32 to index
          %swap3A_296 = tpu.vector_load %arg7[%swap3A] {strides = array<i32>} : memref<20480xf32, #tpu.memory_space<vmem>>, vector<16xf32>,
          tpu.vector_store %arg7[%swap3A], %broadcast_in_dim3A_3 {strides = array<i32>} : memref<20480xf32, #tpu.memory_space<vmem>>, vector<16xf32>,
          %add3A_297 = arith.constant 16 : i32
          %add3A_298 = arith.addi %add3A_293, %add3A_297 : i32
          %swap3A_299 = arith.index_cast %add3A_298 : i32 to index
          %swap3A_300 = tpu.vector_load %arg7[%swap3A_299] {strides = array<i32>} : memref<20480xf32, #tpu.memory_space<vmem>>, vector<16xf32>,
          tpu.vector_store %arg7[%swap3A_299], %broadcast_in_dim3A_3 {strides = array<i32>} : memref<20480xf32, #tpu.memory_space<vmem>>, vector<16xf32>,
          %add3A_301 = arith.constant 32 : i32
          %add3A_302 = arith.addi %add3A_293, %add3A_301 : i32
          %swap3A_303 = arith.index_cast %add3A_302 : i32 to index
          %swap3A_304 = tpu.vector_load %arg7[%swap3A_303] {strides = array<i32>} : memref<20480xf32, #tpu.memory_space<vmem>>, vector<16xf32>,
          tpu.vector_store %arg7[%swap3A_303], %broadcast_in_dim3A_3 {strides = array<i32>} : memref<20480xf32, #tpu.memory_space<vmem>>, vector<16xf32>,
          %add3A_305 = arith.constant 48 : i32
          %add3A_306 = arith.addi %add3A_293, %add3A_305 : i32
          %swap3A_307 = arith.index_cast %add3A_306 : i32 to index
          %swap3A_308 = tpu.vector_load %arg7[%swap3A_307] {strides = array<i32>} : memref<20480xf32, #tpu.memory_space<vmem>>, vector<16xf32>,
          tpu.vector_store %arg7[%swap3A_307], %broadcast_in_dim3A_3 {strides = array<i32>} : memref<20480xf32, #tpu.memory_space<vmem>>, vector<16xf32>,
          %add3A_309 = arith.constant 64 : i32
          %add3A_310 = arith.addi %add3A_293, %add3A_309 : i32
          %swap3A_311 = arith.index_cast %add3A_310 : i32 to index
          %swap3A_312 = tpu.vector_load %arg7[%swap3A_311] {strides = array<i32>} : memref<20480xf32, #tpu.memory_space<vmem>>, vector<16xf32>,
          tpu.vector_store %arg7[%swap3A_311], %broadcast_in_dim3A_3 {strides = array<i32>} : memref<20480xf32, #tpu.memory_space<vmem>>, vector<16xf32>,
          %add3A_313 = arith.constant 80 : i32
          %add3A_314 = arith.addi %add3A_293, %add3A_313 : i32
          %swap3A_315 = arith.index_cast %add3A_314 : i32 to index
          %swap3A_316 = tpu.vector_load %arg7[%swap3A_315] {strides = array<i32>} : memref<20480xf32, #tpu.memory_space<vmem>>, vector<16xf32>,
          tpu.vector_store %arg7[%swap3A_315], %broadcast_in_dim3A_3 {strides = array<i32>} : memref<20480xf32, #tpu.memory_space<vmem>>, vector<16xf32>,
          %add3A_317 = arith.constant 96 : i32
          %add3A_318 = arith.addi %add3A_293, %add3A_317 : i32
          %swap3A_319 = arith.index_cast %add3A_318 : i32 to index
          %swap3A_320 = tpu.vector_load %arg7[%swap3A_319] {strides = array<i32>} : memref<20480xf32, #tpu.memory_space<vmem>>, vector<16xf32>,
          tpu.vector_store %arg7[%swap3A_319], %broadcast_in_dim3A_3 {strides = array<i32>} : memref<20480xf32, #tpu.memory_space<vmem>>, vector<16xf32>,
          %add3A_321 = arith.constant 112 : i32
          %add3A_322 = arith.addi %add3A_293, %add3A_321 : i32
          %swap3A_323 = arith.index_cast %add3A_322 : i32 to index
          %swap3A_324 = tpu.vector_load %arg7[%swap3A_323] {strides = array<i32>} : memref<20480xf32, #tpu.memory_space<vmem>>, vector<16xf32>,
          tpu.vector_store %arg7[%swap3A_323], %broadcast_in_dim3A_3 {strides = array<i32>} : memref<20480xf32, #tpu.memory_space<vmem>>, vector<16xf32>,
        } else {
        }
        %slice3A_250 = vector.extract_strided_slice %get3A_180 {offsets = [10], sizes = [1], strides = [1]} : vector<16xi32> to vector<1xi32>
        %squeeze3A_251 = vector.extract %slice3A_250[0] : i32 from vector<1xi32>
        %eq3A_252 = arith.constant 0 : i32
        %eq3A_253 = arith.cmpi eq, %squeeze3A_251, %eq3A_252 : i32
        %convert_element_type3A_254 = arith.extui %eq3A_253 : i1 to i32
        %cond3A_255 = arith.constant 0 : i32
        %cond3A_256 = arith.cmpi ne, %convert_element_type3A_254, %cond3A_255 : i32
        scf.if %cond3A_256 {
          %add3A_292 = arith.constant 1280 : i32
          %add3A_293 = arith.addi %mul3A_182, %add3A_292 : i32
          %add3A_294 = arith.constant 0 : i32
          %add3A_295 = arith.addi %add3A_293, %add3A_294 : i32
          %swap3A = arith.index_cast %add3A_295 : i32 to index
          %swap3A_296 = tpu.vector_load %arg7[%swap3A] {strides = array<i32>} : memref<20480xf32, #tpu.memory_space<vmem>>, vector<16xf32>,
          tpu.vector_store %arg7[%swap3A], %broadcast_in_dim3A_3 {strides = array<i32>} : memref<20480xf32, #tpu.memory_space<vmem>>, vector<16xf32>,
          %add3A_297 = arith.constant 16 : i32
          %add3A_298 = arith.addi %add3A_293, %add3A_297 : i32
          %swap3A_299 = arith.index_cast %add3A_298 : i32 to index
          %swap3A_300 = tpu.vector_load %arg7[%swap3A_299] {strides = array<i32>} : memref<20480xf32, #tpu.memory_space<vmem>>, vector<16xf32>,
          tpu.vector_store %arg7[%swap3A_299], %broadcast_in_dim3A_3 {strides = array<i32>} : memref<20480xf32, #tpu.memory_space<vmem>>, vector<16xf32>,
          %add3A_301 = arith.constant 32 : i32
          %add3A_302 = arith.addi %add3A_293, %add3A_301 : i32
          %swap3A_303 = arith.index_cast %add3A_302 : i32 to index
          %swap3A_304 = tpu.vector_load %arg7[%swap3A_303] {strides = array<i32>} : memref<20480xf32, #tpu.memory_space<vmem>>, vector<16xf32>,
          tpu.vector_store %arg7[%swap3A_303], %broadcast_in_dim3A_3 {strides = array<i32>} : memref<20480xf32, #tpu.memory_space<vmem>>, vector<16xf32>,
          %add3A_305 = arith.constant 48 : i32
          %add3A_306 = arith.addi %add3A_293, %add3A_305 : i32
          %swap3A_307 = arith.index_cast %add3A_306 : i32 to index
          %swap3A_308 = tpu.vector_load %arg7[%swap3A_307] {strides = array<i32>} : memref<20480xf32, #tpu.memory_space<vmem>>, vector<16xf32>,
          tpu.vector_store %arg7[%swap3A_307], %broadcast_in_dim3A_3 {strides = array<i32>} : memref<20480xf32, #tpu.memory_space<vmem>>, vector<16xf32>,
          %add3A_309 = arith.constant 64 : i32
          %add3A_310 = arith.addi %add3A_293, %add3A_309 : i32
          %swap3A_311 = arith.index_cast %add3A_310 : i32 to index
          %swap3A_312 = tpu.vector_load %arg7[%swap3A_311] {strides = array<i32>} : memref<20480xf32, #tpu.memory_space<vmem>>, vector<16xf32>,
          tpu.vector_store %arg7[%swap3A_311], %broadcast_in_dim3A_3 {strides = array<i32>} : memref<20480xf32, #tpu.memory_space<vmem>>, vector<16xf32>,
          %add3A_313 = arith.constant 80 : i32
          %add3A_314 = arith.addi %add3A_293, %add3A_313 : i32
          %swap3A_315 = arith.index_cast %add3A_314 : i32 to index
          %swap3A_316 = tpu.vector_load %arg7[%swap3A_315] {strides = array<i32>} : memref<20480xf32, #tpu.memory_space<vmem>>, vector<16xf32>,
          tpu.vector_store %arg7[%swap3A_315], %broadcast_in_dim3A_3 {strides = array<i32>} : memref<20480xf32, #tpu.memory_space<vmem>>, vector<16xf32>,
          %add3A_317 = arith.constant 96 : i32
          %add3A_318 = arith.addi %add3A_293, %add3A_317 : i32
          %swap3A_319 = arith.index_cast %add3A_318 : i32 to index
          %swap3A_320 = tpu.vector_load %arg7[%swap3A_319] {strides = array<i32>} : memref<20480xf32, #tpu.memory_space<vmem>>, vector<16xf32>,
          tpu.vector_store %arg7[%swap3A_319], %broadcast_in_dim3A_3 {strides = array<i32>} : memref<20480xf32, #tpu.memory_space<vmem>>, vector<16xf32>,
          %add3A_321 = arith.constant 112 : i32
          %add3A_322 = arith.addi %add3A_293, %add3A_321 : i32
          %swap3A_323 = arith.index_cast %add3A_322 : i32 to index
          %swap3A_324 = tpu.vector_load %arg7[%swap3A_323] {strides = array<i32>} : memref<20480xf32, #tpu.memory_space<vmem>>, vector<16xf32>,
          tpu.vector_store %arg7[%swap3A_323], %broadcast_in_dim3A_3 {strides = array<i32>} : memref<20480xf32, #tpu.memory_space<vmem>>, vector<16xf32>,
        } else {
        }
        %slice3A_257 = vector.extract_strided_slice %get3A_180 {offsets = [11], sizes = [1], strides = [1]} : vector<16xi32> to vector<1xi32>
        %squeeze3A_258 = vector.extract %slice3A_257[0] : i32 from vector<1xi32>
        %eq3A_259 = arith.constant 0 : i32
        %eq3A_260 = arith.cmpi eq, %squeeze3A_258, %eq3A_259 : i32
        %convert_element_type3A_261 = arith.extui %eq3A_260 : i1 to i32
        %cond3A_262 = arith.constant 0 : i32
        %cond3A_263 = arith.cmpi ne, %convert_element_type3A_261, %cond3A_262 : i32
        scf.if %cond3A_263 {
          %add3A_292 = arith.constant 1408 : i32
          %add3A_293 = arith.addi %mul3A_182, %add3A_292 : i32
          %add3A_294 = arith.constant 0 : i32
          %add3A_295 = arith.addi %add3A_293, %add3A_294 : i32
          %swap3A = arith.index_cast %add3A_295 : i32 to index
          %swap3A_296 = tpu.vector_load %arg7[%swap3A] {strides = array<i32>} : memref<20480xf32, #tpu.memory_space<vmem>>, vector<16xf32>,
          tpu.vector_store %arg7[%swap3A], %broadcast_in_dim3A_3 {strides = array<i32>} : memref<20480xf32, #tpu.memory_space<vmem>>, vector<16xf32>,
          %add3A_297 = arith.constant 16 : i32
          %add3A_298 = arith.addi %add3A_293, %add3A_297 : i32
          %swap3A_299 = arith.index_cast %add3A_298 : i32 to index
          %swap3A_300 = tpu.vector_load %arg7[%swap3A_299] {strides = array<i32>} : memref<20480xf32, #tpu.memory_space<vmem>>, vector<16xf32>,
          tpu.vector_store %arg7[%swap3A_299], %broadcast_in_dim3A_3 {strides = array<i32>} : memref<20480xf32, #tpu.memory_space<vmem>>, vector<16xf32>,
          %add3A_301 = arith.constant 32 : i32
          %add3A_302 = arith.addi %add3A_293, %add3A_301 : i32
          %swap3A_303 = arith.index_cast %add3A_302 : i32 to index
          %swap3A_304 = tpu.vector_load %arg7[%swap3A_303] {strides = array<i32>} : memref<20480xf32, #tpu.memory_space<vmem>>, vector<16xf32>,
          tpu.vector_store %arg7[%swap3A_303], %broadcast_in_dim3A_3 {strides = array<i32>} : memref<20480xf32, #tpu.memory_space<vmem>>, vector<16xf32>,
          %add3A_305 = arith.constant 48 : i32
          %add3A_306 = arith.addi %add3A_293, %add3A_305 : i32
          %swap3A_307 = arith.index_cast %add3A_306 : i32 to index
          %swap3A_308 = tpu.vector_load %arg7[%swap3A_307] {strides = array<i32>} : memref<20480xf32, #tpu.memory_space<vmem>>, vector<16xf32>,
          tpu.vector_store %arg7[%swap3A_307], %broadcast_in_dim3A_3 {strides = array<i32>} : memref<20480xf32, #tpu.memory_space<vmem>>, vector<16xf32>,
          %add3A_309 = arith.constant 64 : i32
          %add3A_310 = arith.addi %add3A_293, %add3A_309 : i32
          %swap3A_311 = arith.index_cast %add3A_310 : i32 to index
          %swap3A_312 = tpu.vector_load %arg7[%swap3A_311] {strides = array<i32>} : memref<20480xf32, #tpu.memory_space<vmem>>, vector<16xf32>,
          tpu.vector_store %arg7[%swap3A_311], %broadcast_in_dim3A_3 {strides = array<i32>} : memref<20480xf32, #tpu.memory_space<vmem>>, vector<16xf32>,
          %add3A_313 = arith.constant 80 : i32
          %add3A_314 = arith.addi %add3A_293, %add3A_313 : i32
          %swap3A_315 = arith.index_cast %add3A_314 : i32 to index
          %swap3A_316 = tpu.vector_load %arg7[%swap3A_315] {strides = array<i32>} : memref<20480xf32, #tpu.memory_space<vmem>>, vector<16xf32>,
          tpu.vector_store %arg7[%swap3A_315], %broadcast_in_dim3A_3 {strides = array<i32>} : memref<20480xf32, #tpu.memory_space<vmem>>, vector<16xf32>,
          %add3A_317 = arith.constant 96 : i32
          %add3A_318 = arith.addi %add3A_293, %add3A_317 : i32
          %swap3A_319 = arith.index_cast %add3A_318 : i32 to index
          %swap3A_320 = tpu.vector_load %arg7[%swap3A_319] {strides = array<i32>} : memref<20480xf32, #tpu.memory_space<vmem>>, vector<16xf32>,
          tpu.vector_store %arg7[%swap3A_319], %broadcast_in_dim3A_3 {strides = array<i32>} : memref<20480xf32, #tpu.memory_space<vmem>>, vector<16xf32>,
          %add3A_321 = arith.constant 112 : i32
          %add3A_322 = arith.addi %add3A_293, %add3A_321 : i32
          %swap3A_323 = arith.index_cast %add3A_322 : i32 to index
          %swap3A_324 = tpu.vector_load %arg7[%swap3A_323] {strides = array<i32>} : memref<20480xf32, #tpu.memory_space<vmem>>, vector<16xf32>,
          tpu.vector_store %arg7[%swap3A_323], %broadcast_in_dim3A_3 {strides = array<i32>} : memref<20480xf32, #tpu.memory_space<vmem>>, vector<16xf32>,
        } else {
        }
        %slice3A_264 = vector.extract_strided_slice %get3A_180 {offsets = [12], sizes = [1], strides = [1]} : vector<16xi32> to vector<1xi32>
        %squeeze3A_265 = vector.extract %slice3A_264[0] : i32 from vector<1xi32>
        %eq3A_266 = arith.constant 0 : i32
        %eq3A_267 = arith.cmpi eq, %squeeze3A_265, %eq3A_266 : i32
        %convert_element_type3A_268 = arith.extui %eq3A_267 : i1 to i32
        %cond3A_269 = arith.constant 0 : i32
        %cond3A_270 = arith.cmpi ne, %convert_element_type3A_268, %cond3A_269 : i32
        scf.if %cond3A_270 {
          %add3A_292 = arith.constant 1536 : i32
          %add3A_293 = arith.addi %mul3A_182, %add3A_292 : i32
          %add3A_294 = arith.constant 0 : i32
          %add3A_295 = arith.addi %add3A_293, %add3A_294 : i32
          %swap3A = arith.index_cast %add3A_295 : i32 to index
          %swap3A_296 = tpu.vector_load %arg7[%swap3A] {strides = array<i32>} : memref<20480xf32, #tpu.memory_space<vmem>>, vector<16xf32>,
          tpu.vector_store %arg7[%swap3A], %broadcast_in_dim3A_3 {strides = array<i32>} : memref<20480xf32, #tpu.memory_space<vmem>>, vector<16xf32>,
          %add3A_297 = arith.constant 16 : i32
          %add3A_298 = arith.addi %add3A_293, %add3A_297 : i32
          %swap3A_299 = arith.index_cast %add3A_298 : i32 to index
          %swap3A_300 = tpu.vector_load %arg7[%swap3A_299] {strides = array<i32>} : memref<20480xf32, #tpu.memory_space<vmem>>, vector<16xf32>,
          tpu.vector_store %arg7[%swap3A_299], %broadcast_in_dim3A_3 {strides = array<i32>} : memref<20480xf32, #tpu.memory_space<vmem>>, vector<16xf32>,
          %add3A_301 = arith.constant 32 : i32
          %add3A_302 = arith.addi %add3A_293, %add3A_301 : i32
          %swap3A_303 = arith.index_cast %add3A_302 : i32 to index
          %swap3A_304 = tpu.vector_load %arg7[%swap3A_303] {strides = array<i32>} : memref<20480xf32, #tpu.memory_space<vmem>>, vector<16xf32>,
          tpu.vector_store %arg7[%swap3A_303], %broadcast_in_dim3A_3 {strides = array<i32>} : memref<20480xf32, #tpu.memory_space<vmem>>, vector<16xf32>,
          %add3A_305 = arith.constant 48 : i32
          %add3A_306 = arith.addi %add3A_293, %add3A_305 : i32
          %swap3A_307 = arith.index_cast %add3A_306 : i32 to index
          %swap3A_308 = tpu.vector_load %arg7[%swap3A_307] {strides = array<i32>} : memref<20480xf32, #tpu.memory_space<vmem>>, vector<16xf32>,
          tpu.vector_store %arg7[%swap3A_307], %broadcast_in_dim3A_3 {strides = array<i32>} : memref<20480xf32, #tpu.memory_space<vmem>>, vector<16xf32>,
          %add3A_309 = arith.constant 64 : i32
          %add3A_310 = arith.addi %add3A_293, %add3A_309 : i32
          %swap3A_311 = arith.index_cast %add3A_310 : i32 to index
          %swap3A_312 = tpu.vector_load %arg7[%swap3A_311] {strides = array<i32>} : memref<20480xf32, #tpu.memory_space<vmem>>, vector<16xf32>,
          tpu.vector_store %arg7[%swap3A_311], %broadcast_in_dim3A_3 {strides = array<i32>} : memref<20480xf32, #tpu.memory_space<vmem>>, vector<16xf32>,
          %add3A_313 = arith.constant 80 : i32
          %add3A_314 = arith.addi %add3A_293, %add3A_313 : i32
          %swap3A_315 = arith.index_cast %add3A_314 : i32 to index
          %swap3A_316 = tpu.vector_load %arg7[%swap3A_315] {strides = array<i32>} : memref<20480xf32, #tpu.memory_space<vmem>>, vector<16xf32>,
          tpu.vector_store %arg7[%swap3A_315], %broadcast_in_dim3A_3 {strides = array<i32>} : memref<20480xf32, #tpu.memory_space<vmem>>, vector<16xf32>,
          %add3A_317 = arith.constant 96 : i32
          %add3A_318 = arith.addi %add3A_293, %add3A_317 : i32
          %swap3A_319 = arith.index_cast %add3A_318 : i32 to index
          %swap3A_320 = tpu.vector_load %arg7[%swap3A_319] {strides = array<i32>} : memref<20480xf32, #tpu.memory_space<vmem>>, vector<16xf32>,
          tpu.vector_store %arg7[%swap3A_319], %broadcast_in_dim3A_3 {strides = array<i32>} : memref<20480xf32, #tpu.memory_space<vmem>>, vector<16xf32>,
          %add3A_321 = arith.constant 112 : i32
          %add3A_322 = arith.addi %add3A_293, %add3A_321 : i32
          %swap3A_323 = arith.index_cast %add3A_322 : i32 to index
          %swap3A_324 = tpu.vector_load %arg7[%swap3A_323] {strides = array<i32>} : memref<20480xf32, #tpu.memory_space<vmem>>, vector<16xf32>,
          tpu.vector_store %arg7[%swap3A_323], %broadcast_in_dim3A_3 {strides = array<i32>} : memref<20480xf32, #tpu.memory_space<vmem>>, vector<16xf32>,
        } else {
        }
        %slice3A_271 = vector.extract_strided_slice %get3A_180 {offsets = [13], sizes = [1], strides = [1]} : vector<16xi32> to vector<1xi32>
        %squeeze3A_272 = vector.extract %slice3A_271[0] : i32 from vector<1xi32>
        %eq3A_273 = arith.constant 0 : i32
        %eq3A_274 = arith.cmpi eq, %squeeze3A_272, %eq3A_273 : i32
        %convert_element_type3A_275 = arith.extui %eq3A_274 : i1 to i32
        %cond3A_276 = arith.constant 0 : i32
        %cond3A_277 = arith.cmpi ne, %convert_element_type3A_275, %cond3A_276 : i32
        scf.if %cond3A_277 {
          %add3A_292 = arith.constant 1664 : i32
          %add3A_293 = arith.addi %mul3A_182, %add3A_292 : i32
          %add3A_294 = arith.constant 0 : i32
          %add3A_295 = arith.addi %add3A_293, %add3A_294 : i32
          %swap3A = arith.index_cast %add3A_295 : i32 to index
          %swap3A_296 = tpu.vector_load %arg7[%swap3A] {strides = array<i32>} : memref<20480xf32, #tpu.memory_space<vmem>>, vector<16xf32>,
          tpu.vector_store %arg7[%swap3A], %broadcast_in_dim3A_3 {strides = array<i32>} : memref<20480xf32, #tpu.memory_space<vmem>>, vector<16xf32>,
          %add3A_297 = arith.constant 16 : i32
          %add3A_298 = arith.addi %add3A_293, %add3A_297 : i32
          %swap3A_299 = arith.index_cast %add3A_298 : i32 to index
          %swap3A_300 = tpu.vector_load %arg7[%swap3A_299] {strides = array<i32>} : memref<20480xf32, #tpu.memory_space<vmem>>, vector<16xf32>,
          tpu.vector_store %arg7[%swap3A_299], %broadcast_in_dim3A_3 {strides = array<i32>} : memref<20480xf32, #tpu.memory_space<vmem>>, vector<16xf32>,
          %add3A_301 = arith.constant 32 : i32
          %add3A_302 = arith.addi %add3A_293, %add3A_301 : i32
          %swap3A_303 = arith.index_cast %add3A_302 : i32 to index
          %swap3A_304 = tpu.vector_load %arg7[%swap3A_303] {strides = array<i32>} : memref<20480xf32, #tpu.memory_space<vmem>>, vector<16xf32>,
          tpu.vector_store %arg7[%swap3A_303], %broadcast_in_dim3A_3 {strides = array<i32>} : memref<20480xf32, #tpu.memory_space<vmem>>, vector<16xf32>,
          %add3A_305 = arith.constant 48 : i32
          %add3A_306 = arith.addi %add3A_293, %add3A_305 : i32
          %swap3A_307 = arith.index_cast %add3A_306 : i32 to index
          %swap3A_308 = tpu.vector_load %arg7[%swap3A_307] {strides = array<i32>} : memref<20480xf32, #tpu.memory_space<vmem>>, vector<16xf32>,
          tpu.vector_store %arg7[%swap3A_307], %broadcast_in_dim3A_3 {strides = array<i32>} : memref<20480xf32, #tpu.memory_space<vmem>>, vector<16xf32>,
          %add3A_309 = arith.constant 64 : i32
          %add3A_310 = arith.addi %add3A_293, %add3A_309 : i32
          %swap3A_311 = arith.index_cast %add3A_310 : i32 to index
          %swap3A_312 = tpu.vector_load %arg7[%swap3A_311] {strides = array<i32>} : memref<20480xf32, #tpu.memory_space<vmem>>, vector<16xf32>,
          tpu.vector_store %arg7[%swap3A_311], %broadcast_in_dim3A_3 {strides = array<i32>} : memref<20480xf32, #tpu.memory_space<vmem>>, vector<16xf32>,
          %add3A_313 = arith.constant 80 : i32
          %add3A_314 = arith.addi %add3A_293, %add3A_313 : i32
          %swap3A_315 = arith.index_cast %add3A_314 : i32 to index
          %swap3A_316 = tpu.vector_load %arg7[%swap3A_315] {strides = array<i32>} : memref<20480xf32, #tpu.memory_space<vmem>>, vector<16xf32>,
          tpu.vector_store %arg7[%swap3A_315], %broadcast_in_dim3A_3 {strides = array<i32>} : memref<20480xf32, #tpu.memory_space<vmem>>, vector<16xf32>,
          %add3A_317 = arith.constant 96 : i32
          %add3A_318 = arith.addi %add3A_293, %add3A_317 : i32
          %swap3A_319 = arith.index_cast %add3A_318 : i32 to index
          %swap3A_320 = tpu.vector_load %arg7[%swap3A_319] {strides = array<i32>} : memref<20480xf32, #tpu.memory_space<vmem>>, vector<16xf32>,
          tpu.vector_store %arg7[%swap3A_319], %broadcast_in_dim3A_3 {strides = array<i32>} : memref<20480xf32, #tpu.memory_space<vmem>>, vector<16xf32>,
          %add3A_321 = arith.constant 112 : i32
          %add3A_322 = arith.addi %add3A_293, %add3A_321 : i32
          %swap3A_323 = arith.index_cast %add3A_322 : i32 to index
          %swap3A_324 = tpu.vector_load %arg7[%swap3A_323] {strides = array<i32>} : memref<20480xf32, #tpu.memory_space<vmem>>, vector<16xf32>,
          tpu.vector_store %arg7[%swap3A_323], %broadcast_in_dim3A_3 {strides = array<i32>} : memref<20480xf32, #tpu.memory_space<vmem>>, vector<16xf32>,
        } else {
        }
        %slice3A_278 = vector.extract_strided_slice %get3A_180 {offsets = [14], sizes = [1], strides = [1]} : vector<16xi32> to vector<1xi32>
        %squeeze3A_279 = vector.extract %slice3A_278[0] : i32 from vector<1xi32>
        %eq3A_280 = arith.constant 0 : i32
        %eq3A_281 = arith.cmpi eq, %squeeze3A_279, %eq3A_280 : i32
        %convert_element_type3A_282 = arith.extui %eq3A_281 : i1 to i32
        %cond3A_283 = arith.constant 0 : i32
        %cond3A_284 = arith.cmpi ne, %convert_element_type3A_282, %cond3A_283 : i32
        scf.if %cond3A_284 {
          %add3A_292 = arith.constant 1792 : i32
          %add3A_293 = arith.addi %mul3A_182, %add3A_292 : i32
          %add3A_294 = arith.constant 0 : i32
          %add3A_295 = arith.addi %add3A_293, %add3A_294 : i32
          %swap3A = arith.index_cast %add3A_295 : i32 to index
          %swap3A_296 = tpu.vector_load %arg7[%swap3A] {strides = array<i32>} : memref<20480xf32, #tpu.memory_space<vmem>>, vector<16xf32>,
          tpu.vector_store %arg7[%swap3A], %broadcast_in_dim3A_3 {strides = array<i32>} : memref<20480xf32, #tpu.memory_space<vmem>>, vector<16xf32>,
          %add3A_297 = arith.constant 16 : i32
          %add3A_298 = arith.addi %add3A_293, %add3A_297 : i32
          %swap3A_299 = arith.index_cast %add3A_298 : i32 to index
          %swap3A_300 = tpu.vector_load %arg7[%swap3A_299] {strides = array<i32>} : memref<20480xf32, #tpu.memory_space<vmem>>, vector<16xf32>,
          tpu.vector_store %arg7[%swap3A_299], %broadcast_in_dim3A_3 {strides = array<i32>} : memref<20480xf32, #tpu.memory_space<vmem>>, vector<16xf32>,
          %add3A_301 = arith.constant 32 : i32
          %add3A_302 = arith.addi %add3A_293, %add3A_301 : i32
          %swap3A_303 = arith.index_cast %add3A_302 : i32 to index
          %swap3A_304 = tpu.vector_load %arg7[%swap3A_303] {strides = array<i32>} : memref<20480xf32, #tpu.memory_space<vmem>>, vector<16xf32>,
          tpu.vector_store %arg7[%swap3A_303], %broadcast_in_dim3A_3 {strides = array<i32>} : memref<20480xf32, #tpu.memory_space<vmem>>, vector<16xf32>,
          %add3A_305 = arith.constant 48 : i32
          %add3A_306 = arith.addi %add3A_293, %add3A_305 : i32
          %swap3A_307 = arith.index_cast %add3A_306 : i32 to index
          %swap3A_308 = tpu.vector_load %arg7[%swap3A_307] {strides = array<i32>} : memref<20480xf32, #tpu.memory_space<vmem>>, vector<16xf32>,
          tpu.vector_store %arg7[%swap3A_307], %broadcast_in_dim3A_3 {strides = array<i32>} : memref<20480xf32, #tpu.memory_space<vmem>>, vector<16xf32>,
          %add3A_309 = arith.constant 64 : i32
          %add3A_310 = arith.addi %add3A_293, %add3A_309 : i32
          %swap3A_311 = arith.index_cast %add3A_310 : i32 to index
          %swap3A_312 = tpu.vector_load %arg7[%swap3A_311] {strides = array<i32>} : memref<20480xf32, #tpu.memory_space<vmem>>, vector<16xf32>,
          tpu.vector_store %arg7[%swap3A_311], %broadcast_in_dim3A_3 {strides = array<i32>} : memref<20480xf32, #tpu.memory_space<vmem>>, vector<16xf32>,
          %add3A_313 = arith.constant 80 : i32
          %add3A_314 = arith.addi %add3A_293, %add3A_313 : i32
          %swap3A_315 = arith.index_cast %add3A_314 : i32 to index
          %swap3A_316 = tpu.vector_load %arg7[%swap3A_315] {strides = array<i32>} : memref<20480xf32, #tpu.memory_space<vmem>>, vector<16xf32>,
          tpu.vector_store %arg7[%swap3A_315], %broadcast_in_dim3A_3 {strides = array<i32>} : memref<20480xf32, #tpu.memory_space<vmem>>, vector<16xf32>,
          %add3A_317 = arith.constant 96 : i32
          %add3A_318 = arith.addi %add3A_293, %add3A_317 : i32
          %swap3A_319 = arith.index_cast %add3A_318 : i32 to index
          %swap3A_320 = tpu.vector_load %arg7[%swap3A_319] {strides = array<i32>} : memref<20480xf32, #tpu.memory_space<vmem>>, vector<16xf32>,
          tpu.vector_store %arg7[%swap3A_319], %broadcast_in_dim3A_3 {strides = array<i32>} : memref<20480xf32, #tpu.memory_space<vmem>>, vector<16xf32>,
          %add3A_321 = arith.constant 112 : i32
          %add3A_322 = arith.addi %add3A_293, %add3A_321 : i32
          %swap3A_323 = arith.index_cast %add3A_322 : i32 to index
          %swap3A_324 = tpu.vector_load %arg7[%swap3A_323] {strides = array<i32>} : memref<20480xf32, #tpu.memory_space<vmem>>, vector<16xf32>,
          tpu.vector_store %arg7[%swap3A_323], %broadcast_in_dim3A_3 {strides = array<i32>} : memref<20480xf32, #tpu.memory_space<vmem>>, vector<16xf32>,
        } else {
        }
        %slice3A_285 = vector.extract_strided_slice %get3A_180 {offsets = [15], sizes = [1], strides = [1]} : vector<16xi32> to vector<1xi32>
        %squeeze3A_286 = vector.extract %slice3A_285[0] : i32 from vector<1xi32>
        %eq3A_287 = arith.constant 0 : i32
        %eq3A_288 = arith.cmpi eq, %squeeze3A_286, %eq3A_287 : i32
        %convert_element_type3A_289 = arith.extui %eq3A_288 : i1 to i32
        %cond3A_290 = arith.constant 0 : i32
        %cond3A_291 = arith.cmpi ne, %convert_element_type3A_289, %cond3A_290 : i32
        scf.if %cond3A_291 {
          %add3A_292 = arith.constant 1920 : i32
          %add3A_293 = arith.addi %mul3A_182, %add3A_292 : i32
          %add3A_294 = arith.constant 0 : i32
          %add3A_295 = arith.addi %add3A_293, %add3A_294 : i32
          %swap3A = arith.index_cast %add3A_295 : i32 to index
          %swap3A_296 = tpu.vector_load %arg7[%swap3A] {strides = array<i32>} : memref<20480xf32, #tpu.memory_space<vmem>>, vector<16xf32>,
          tpu.vector_store %arg7[%swap3A], %broadcast_in_dim3A_3 {strides = array<i32>} : memref<20480xf32, #tpu.memory_space<vmem>>, vector<16xf32>,
          %add3A_297 = arith.constant 16 : i32
          %add3A_298 = arith.addi %add3A_293, %add3A_297 : i32
          %swap3A_299 = arith.index_cast %add3A_298 : i32 to index
          %swap3A_300 = tpu.vector_load %arg7[%swap3A_299] {strides = array<i32>} : memref<20480xf32, #tpu.memory_space<vmem>>, vector<16xf32>,
          tpu.vector_store %arg7[%swap3A_299], %broadcast_in_dim3A_3 {strides = array<i32>} : memref<20480xf32, #tpu.memory_space<vmem>>, vector<16xf32>,
          %add3A_301 = arith.constant 32 : i32
          %add3A_302 = arith.addi %add3A_293, %add3A_301 : i32
          %swap3A_303 = arith.index_cast %add3A_302 : i32 to index
          %swap3A_304 = tpu.vector_load %arg7[%swap3A_303] {strides = array<i32>} : memref<20480xf32, #tpu.memory_space<vmem>>, vector<16xf32>,
          tpu.vector_store %arg7[%swap3A_303], %broadcast_in_dim3A_3 {strides = array<i32>} : memref<20480xf32, #tpu.memory_space<vmem>>, vector<16xf32>,
          %add3A_305 = arith.constant 48 : i32
          %add3A_306 = arith.addi %add3A_293, %add3A_305 : i32
          %swap3A_307 = arith.index_cast %add3A_306 : i32 to index
          %swap3A_308 = tpu.vector_load %arg7[%swap3A_307] {strides = array<i32>} : memref<20480xf32, #tpu.memory_space<vmem>>, vector<16xf32>,
          tpu.vector_store %arg7[%swap3A_307], %broadcast_in_dim3A_3 {strides = array<i32>} : memref<20480xf32, #tpu.memory_space<vmem>>, vector<16xf32>,
          %add3A_309 = arith.constant 64 : i32
          %add3A_310 = arith.addi %add3A_293, %add3A_309 : i32
          %swap3A_311 = arith.index_cast %add3A_310 : i32 to index
          %swap3A_312 = tpu.vector_load %arg7[%swap3A_311] {strides = array<i32>} : memref<20480xf32, #tpu.memory_space<vmem>>, vector<16xf32>,
          tpu.vector_store %arg7[%swap3A_311], %broadcast_in_dim3A_3 {strides = array<i32>} : memref<20480xf32, #tpu.memory_space<vmem>>, vector<16xf32>,
          %add3A_313 = arith.constant 80 : i32
          %add3A_314 = arith.addi %add3A_293, %add3A_313 : i32
          %swap3A_315 = arith.index_cast %add3A_314 : i32 to index
          %swap3A_316 = tpu.vector_load %arg7[%swap3A_315] {strides = array<i32>} : memref<20480xf32, #tpu.memory_space<vmem>>, vector<16xf32>,
          tpu.vector_store %arg7[%swap3A_315], %broadcast_in_dim3A_3 {strides = array<i32>} : memref<20480xf32, #tpu.memory_space<vmem>>, vector<16xf32>,
          %add3A_317 = arith.constant 96 : i32
          %add3A_318 = arith.addi %add3A_293, %add3A_317 : i32
          %swap3A_319 = arith.index_cast %add3A_318 : i32 to index
          %swap3A_320 = tpu.vector_load %arg7[%swap3A_319] {strides = array<i32>} : memref<20480xf32, #tpu.memory_space<vmem>>, vector<16xf32>,
          tpu.vector_store %arg7[%swap3A_319], %broadcast_in_dim3A_3 {strides = array<i32>} : memref<20480xf32, #tpu.memory_space<vmem>>, vector<16xf32>,
          %add3A_321 = arith.constant 112 : i32
          %add3A_322 = arith.addi %add3A_293, %add3A_321 : i32
          %swap3A_323 = arith.index_cast %add3A_322 : i32 to index
          %swap3A_324 = tpu.vector_load %arg7[%swap3A_323] {strides = array<i32>} : memref<20480xf32, #tpu.memory_space<vmem>>, vector<16xf32>,
          tpu.vector_store %arg7[%swap3A_323], %broadcast_in_dim3A_3 {strides = array<i32>} : memref<20480xf32, #tpu.memory_space<vmem>>, vector<16xf32>,
        } else {
        }
      }
      %scan3A_129 = arith.constant 10 : i32
      %mul3A_130 = arith.constant 160 : i32
      %mul3A_131 = arith.muli %add3A_114, %mul3A_130 : i32
      %add3A_132 = arith.addi %mul3A_2, %mul3A_131 : i32
      %mul3A_133 = arith.constant 128 : i32
      %mul3A_134 = arith.muli %add3A_132, %mul3A_133 : i32
      %dma_start3A_135 = tpu.memref_slice %arg4[%mul3A_134] : memref<26214400xf32, #tpu.memory_space<hbm>> -> memref<20480xf32, #tpu.memory_space<hbm>>
      %dma_start3A_136 = tpu.memref_slice %arg4[%mul3A_134] : memref<26214400xf32, #tpu.memory_space<hbm>> -> memref<20480xf32, #tpu.memory_space<hbm>>
      tpu.enqueue_dma source(%arg7 : memref<20480xf32, #tpu.memory_space<vmem>>) target(%dma_start3A_136 : memref<20480xf32, #tpu.memory_space<hbm>>) target_semaphore(%arg19 : memref<!tpu.dma_semaphore, #tpu.memory_space<semaphore_mem>>)
      %add3A_137 = arith.constant 2 : i32
      %add3A_138 = arith.addi %add3A_114, %add3A_137 : i32
      %lt3A_139 = arith.constant 40 : i32
      %lt3A_140 = arith.cmpi slt, %add3A_138, %lt3A_139 : i32
      %convert_element_type3A_141 = arith.extui %lt3A_140 : i1 to i32
      %cond3A_142 = arith.constant 0 : i32
      %cond3A_143 = arith.cmpi ne, %convert_element_type3A_141, %cond3A_142 : i32
      scf.if %cond3A_143 {
        %ge3A = arith.constant 2 : i32
        %ge3A_177 = arith.cmpi sge, %add3A_114, %ge3A : i32
        %convert_element_type3A_178 = arith.extui %ge3A_177 : i1 to i32
        %cond3A_179 = arith.constant 0 : i32
        %cond3A_180 = arith.cmpi ne, %convert_element_type3A_178, %cond3A_179 : i32
        scf.if %cond3A_180 {
          %sub3A = arith.constant 2 : i32
          %sub3A_192 = arith.subi %add3A_114, %sub3A : i32
          %mul3A_193 = arith.constant 160 : i32
          %mul3A_194 = arith.muli %sub3A_192, %mul3A_193 : i32
          %add3A_195 = arith.addi %mul3A_2, %mul3A_194 : i32
          %mul3A_196 = arith.constant 128 : i32
          %mul3A_197 = arith.muli %add3A_195, %mul3A_196 : i32
          %dma_wait3A_198 = tpu.memref_slice %arg4[%mul3A_197] : memref<26214400xf32, #tpu.memory_space<hbm>> -> memref<20480xf32, #tpu.memory_space<hbm>>
          %dma_wait3A_199 = tpu.memref_slice %arg4[%mul3A_197] : memref<26214400xf32, #tpu.memory_space<hbm>> -> memref<20480xf32, #tpu.memory_space<hbm>>
          tpu.wait_dma2 semaphore(%arg17 : memref<!tpu.dma_semaphore, #tpu.memory_space<semaphore_mem>>) src(%arg5 : memref<20480xf32, #tpu.memory_space<vmem>>) dst(%dma_wait3A_199 : memref<20480xf32, #tpu.memory_space<hbm>>)
        } else {
        }
        %add3A_181 = arith.constant 2 : i32
        %add3A_182 = arith.addi %add3A_114, %add3A_181 : i32
        %mul3A_183 = arith.constant 160 : i32
        %mul3A_184 = arith.muli %add3A_182, %mul3A_183 : i32
        %add3A_185 = arith.addi %mul3A_2, %mul3A_184 : i32
        %mul3A_186 = arith.constant 128 : i32
        %mul3A_187 = arith.muli %add3A_185, %mul3A_186 : i32
        %dma_start3A_188 = tpu.memref_slice %arg2[%mul3A_187] : memref<26214400xf32, #tpu.memory_space<hbm>> -> memref<20480xf32, #tpu.memory_space<hbm>>
        %dma_start3A_189 = tpu.memref_slice %arg2[%mul3A_187] : memref<26214400xf32, #tpu.memory_space<hbm>> -> memref<20480xf32, #tpu.memory_space<hbm>>
        tpu.enqueue_dma source(%dma_start3A_189 : memref<20480xf32, #tpu.memory_space<hbm>>) target(%arg5 : memref<20480xf32, #tpu.memory_space<vmem>>) target_semaphore(%arg13 : memref<!tpu.dma_semaphore, #tpu.memory_space<semaphore_mem>>)
        %dma_start3A_190 = tpu.memref_slice %arg3[%add3A_185] : memref<204800xi32, #tpu.memory_space<hbm>> -> memref<160xi32, #tpu.memory_space<hbm>>
        %dma_start3A_191 = tpu.memref_slice %arg3[%add3A_185] : memref<204800xi32, #tpu.memory_space<hbm>> -> memref<160xi32, #tpu.memory_space<hbm>>
        tpu.enqueue_dma source(%dma_start3A_191 : memref<160xi32, #tpu.memory_space<hbm>>) target(%arg9 : memref<160xi32, #tpu.memory_space<vmem>>) target_semaphore(%arg13 : memref<!tpu.dma_semaphore, #tpu.memory_space<semaphore_mem>>)
      } else {
      }
      %mul3A_144 = arith.constant 4 : i32
      %mul3A_145 = arith.muli %scan3A_47, %mul3A_144 : i32
      %add3A_146 = arith.constant 3 : i32
      %add3A_147 = arith.addi %mul3A_145, %add3A_146 : i32
      %mul3A_148 = arith.constant 160 : i32
      %mul3A_149 = arith.muli %add3A_147, %mul3A_148 : i32
      %add3A_150 = arith.addi %mul3A_2, %mul3A_149 : i32
      %mul3A_151 = arith.constant 128 : i32
      %mul3A_152 = arith.muli %add3A_150, %mul3A_151 : i32
      %dma_wait3A_153 = tpu.memref_slice %arg2[%mul3A_152] : memref<26214400xf32, #tpu.memory_space<hbm>> -> memref<20480xf32, #tpu.memory_space<hbm>>
      %dma_wait3A_154 = tpu.memref_slice %arg2[%mul3A_152] : memref<26214400xf32, #tpu.memory_space<hbm>> -> memref<20480xf32, #tpu.memory_space<hbm>>
      tpu.wait_dma2 semaphore(%arg16 : memref<!tpu.dma_semaphore, #tpu.memory_space<semaphore_mem>>) src(%dma_wait3A_154 : memref<20480xf32, #tpu.memory_space<hbm>>) dst(%arg8 : memref<20480xf32, #tpu.memory_space<vmem>>)
      %dma_wait3A_155 = tpu.memref_slice %arg3[%add3A_150] : memref<204800xi32, #tpu.memory_space<hbm>> -> memref<160xi32, #tpu.memory_space<hbm>>
      %dma_wait3A_156 = tpu.memref_slice %arg3[%add3A_150] : memref<204800xi32, #tpu.memory_space<hbm>> -> memref<160xi32, #tpu.memory_space<hbm>>
      tpu.wait_dma2 semaphore(%arg16 : memref<!tpu.dma_semaphore, #tpu.memory_space<semaphore_mem>>) src(%dma_wait3A_156 : memref<160xi32, #tpu.memory_space<hbm>>) dst(%arg12 : memref<160xi32, #tpu.memory_space<vmem>>)
      %scan3A_157 = arith.constant 0 : i32
      %scan3A_158 = arith.constant 0 : i32
      %scan3A_159 = arith.constant 10 : i32
      %scan3A_160 = arith.addi %scan3A_158, %scan3A_159 : i32
      %scan3A_161 = arith.constant 1 : i32
      scf.for %scan3A_177 = %scan3A_158 to %scan3A_160 step %scan3A_161  : i32 {
        %mul3A_178 = arith.constant 16 : i32
        %mul3A_179 = arith.muli %scan3A_177, %mul3A_178 : i32
        %get3A = arith.index_cast %mul3A_179 : i32 to index
        %get3A_180 = tpu.vector_load %arg12[%get3A] {strides = array<i32>} : memref<160xi32, #tpu.memory_space<vmem>>, vector<16xi32>,
        %mul3A_181 = arith.constant 2048 : i32
        %mul3A_182 = arith.muli %scan3A_177, %mul3A_181 : i32
        %slice3A = vector.extract_strided_slice %get3A_180 {offsets = [0], sizes = [1], strides = [1]} : vector<16xi32> to vector<1xi32>
        %squeeze3A = vector.extract %slice3A[0] : i32 from vector<1xi32>
        %eq3A = arith.constant 0 : i32
        %eq3A_183 = arith.cmpi eq, %squeeze3A, %eq3A : i32
        %convert_element_type3A_184 = arith.extui %eq3A_183 : i1 to i32
        %cond3A_185 = arith.constant 0 : i32
        %cond3A_186 = arith.cmpi ne, %convert_element_type3A_184, %cond3A_185 : i32
        scf.if %cond3A_186 {
          %add3A_292 = arith.constant 0 : i32
          %add3A_293 = arith.addi %mul3A_182, %add3A_292 : i32
          %add3A_294 = arith.constant 0 : i32
          %add3A_295 = arith.addi %add3A_293, %add3A_294 : i32
          %swap3A = arith.index_cast %add3A_295 : i32 to index
          %swap3A_296 = tpu.vector_load %arg8[%swap3A] {strides = array<i32>} : memref<20480xf32, #tpu.memory_space<vmem>>, vector<16xf32>,
          tpu.vector_store %arg8[%swap3A], %broadcast_in_dim3A_3 {strides = array<i32>} : memref<20480xf32, #tpu.memory_space<vmem>>, vector<16xf32>,
          %add3A_297 = arith.constant 16 : i32
          %add3A_298 = arith.addi %add3A_293, %add3A_297 : i32
          %swap3A_299 = arith.index_cast %add3A_298 : i32 to index
          %swap3A_300 = tpu.vector_load %arg8[%swap3A_299] {strides = array<i32>} : memref<20480xf32, #tpu.memory_space<vmem>>, vector<16xf32>,
          tpu.vector_store %arg8[%swap3A_299], %broadcast_in_dim3A_3 {strides = array<i32>} : memref<20480xf32, #tpu.memory_space<vmem>>, vector<16xf32>,
          %add3A_301 = arith.constant 32 : i32
          %add3A_302 = arith.addi %add3A_293, %add3A_301 : i32
          %swap3A_303 = arith.index_cast %add3A_302 : i32 to index
          %swap3A_304 = tpu.vector_load %arg8[%swap3A_303] {strides = array<i32>} : memref<20480xf32, #tpu.memory_space<vmem>>, vector<16xf32>,
          tpu.vector_store %arg8[%swap3A_303], %broadcast_in_dim3A_3 {strides = array<i32>} : memref<20480xf32, #tpu.memory_space<vmem>>, vector<16xf32>,
          %add3A_305 = arith.constant 48 : i32
          %add3A_306 = arith.addi %add3A_293, %add3A_305 : i32
          %swap3A_307 = arith.index_cast %add3A_306 : i32 to index
          %swap3A_308 = tpu.vector_load %arg8[%swap3A_307] {strides = array<i32>} : memref<20480xf32, #tpu.memory_space<vmem>>, vector<16xf32>,
          tpu.vector_store %arg8[%swap3A_307], %broadcast_in_dim3A_3 {strides = array<i32>} : memref<20480xf32, #tpu.memory_space<vmem>>, vector<16xf32>,
          %add3A_309 = arith.constant 64 : i32
          %add3A_310 = arith.addi %add3A_293, %add3A_309 : i32
          %swap3A_311 = arith.index_cast %add3A_310 : i32 to index
          %swap3A_312 = tpu.vector_load %arg8[%swap3A_311] {strides = array<i32>} : memref<20480xf32, #tpu.memory_space<vmem>>, vector<16xf32>,
          tpu.vector_store %arg8[%swap3A_311], %broadcast_in_dim3A_3 {strides = array<i32>} : memref<20480xf32, #tpu.memory_space<vmem>>, vector<16xf32>,
          %add3A_313 = arith.constant 80 : i32
          %add3A_314 = arith.addi %add3A_293, %add3A_313 : i32
          %swap3A_315 = arith.index_cast %add3A_314 : i32 to index
          %swap3A_316 = tpu.vector_load %arg8[%swap3A_315] {strides = array<i32>} : memref<20480xf32, #tpu.memory_space<vmem>>, vector<16xf32>,
          tpu.vector_store %arg8[%swap3A_315], %broadcast_in_dim3A_3 {strides = array<i32>} : memref<20480xf32, #tpu.memory_space<vmem>>, vector<16xf32>,
          %add3A_317 = arith.constant 96 : i32
          %add3A_318 = arith.addi %add3A_293, %add3A_317 : i32
          %swap3A_319 = arith.index_cast %add3A_318 : i32 to index
          %swap3A_320 = tpu.vector_load %arg8[%swap3A_319] {strides = array<i32>} : memref<20480xf32, #tpu.memory_space<vmem>>, vector<16xf32>,
          tpu.vector_store %arg8[%swap3A_319], %broadcast_in_dim3A_3 {strides = array<i32>} : memref<20480xf32, #tpu.memory_space<vmem>>, vector<16xf32>,
          %add3A_321 = arith.constant 112 : i32
          %add3A_322 = arith.addi %add3A_293, %add3A_321 : i32
          %swap3A_323 = arith.index_cast %add3A_322 : i32 to index
          %swap3A_324 = tpu.vector_load %arg8[%swap3A_323] {strides = array<i32>} : memref<20480xf32, #tpu.memory_space<vmem>>, vector<16xf32>,
          tpu.vector_store %arg8[%swap3A_323], %broadcast_in_dim3A_3 {strides = array<i32>} : memref<20480xf32, #tpu.memory_space<vmem>>, vector<16xf32>,
        } else {
        }
        %slice3A_187 = vector.extract_strided_slice %get3A_180 {offsets = [1], sizes = [1], strides = [1]} : vector<16xi32> to vector<1xi32>
        %squeeze3A_188 = vector.extract %slice3A_187[0] : i32 from vector<1xi32>
        %eq3A_189 = arith.constant 0 : i32
        %eq3A_190 = arith.cmpi eq, %squeeze3A_188, %eq3A_189 : i32
        %convert_element_type3A_191 = arith.extui %eq3A_190 : i1 to i32
        %cond3A_192 = arith.constant 0 : i32
        %cond3A_193 = arith.cmpi ne, %convert_element_type3A_191, %cond3A_192 : i32
        scf.if %cond3A_193 {
          %add3A_292 = arith.constant 128 : i32
          %add3A_293 = arith.addi %mul3A_182, %add3A_292 : i32
          %add3A_294 = arith.constant 0 : i32
          %add3A_295 = arith.addi %add3A_293, %add3A_294 : i32
          %swap3A = arith.index_cast %add3A_295 : i32 to index
          %swap3A_296 = tpu.vector_load %arg8[%swap3A] {strides = array<i32>} : memref<20480xf32, #tpu.memory_space<vmem>>, vector<16xf32>,
          tpu.vector_store %arg8[%swap3A], %broadcast_in_dim3A_3 {strides = array<i32>} : memref<20480xf32, #tpu.memory_space<vmem>>, vector<16xf32>,
          %add3A_297 = arith.constant 16 : i32
          %add3A_298 = arith.addi %add3A_293, %add3A_297 : i32
          %swap3A_299 = arith.index_cast %add3A_298 : i32 to index
          %swap3A_300 = tpu.vector_load %arg8[%swap3A_299] {strides = array<i32>} : memref<20480xf32, #tpu.memory_space<vmem>>, vector<16xf32>,
          tpu.vector_store %arg8[%swap3A_299], %broadcast_in_dim3A_3 {strides = array<i32>} : memref<20480xf32, #tpu.memory_space<vmem>>, vector<16xf32>,
          %add3A_301 = arith.constant 32 : i32
          %add3A_302 = arith.addi %add3A_293, %add3A_301 : i32
          %swap3A_303 = arith.index_cast %add3A_302 : i32 to index
          %swap3A_304 = tpu.vector_load %arg8[%swap3A_303] {strides = array<i32>} : memref<20480xf32, #tpu.memory_space<vmem>>, vector<16xf32>,
          tpu.vector_store %arg8[%swap3A_303], %broadcast_in_dim3A_3 {strides = array<i32>} : memref<20480xf32, #tpu.memory_space<vmem>>, vector<16xf32>,
          %add3A_305 = arith.constant 48 : i32
          %add3A_306 = arith.addi %add3A_293, %add3A_305 : i32
          %swap3A_307 = arith.index_cast %add3A_306 : i32 to index
          %swap3A_308 = tpu.vector_load %arg8[%swap3A_307] {strides = array<i32>} : memref<20480xf32, #tpu.memory_space<vmem>>, vector<16xf32>,
          tpu.vector_store %arg8[%swap3A_307], %broadcast_in_dim3A_3 {strides = array<i32>} : memref<20480xf32, #tpu.memory_space<vmem>>, vector<16xf32>,
          %add3A_309 = arith.constant 64 : i32
          %add3A_310 = arith.addi %add3A_293, %add3A_309 : i32
          %swap3A_311 = arith.index_cast %add3A_310 : i32 to index
          %swap3A_312 = tpu.vector_load %arg8[%swap3A_311] {strides = array<i32>} : memref<20480xf32, #tpu.memory_space<vmem>>, vector<16xf32>,
          tpu.vector_store %arg8[%swap3A_311], %broadcast_in_dim3A_3 {strides = array<i32>} : memref<20480xf32, #tpu.memory_space<vmem>>, vector<16xf32>,
          %add3A_313 = arith.constant 80 : i32
          %add3A_314 = arith.addi %add3A_293, %add3A_313 : i32
          %swap3A_315 = arith.index_cast %add3A_314 : i32 to index
          %swap3A_316 = tpu.vector_load %arg8[%swap3A_315] {strides = array<i32>} : memref<20480xf32, #tpu.memory_space<vmem>>, vector<16xf32>,
          tpu.vector_store %arg8[%swap3A_315], %broadcast_in_dim3A_3 {strides = array<i32>} : memref<20480xf32, #tpu.memory_space<vmem>>, vector<16xf32>,
          %add3A_317 = arith.constant 96 : i32
          %add3A_318 = arith.addi %add3A_293, %add3A_317 : i32
          %swap3A_319 = arith.index_cast %add3A_318 : i32 to index
          %swap3A_320 = tpu.vector_load %arg8[%swap3A_319] {strides = array<i32>} : memref<20480xf32, #tpu.memory_space<vmem>>, vector<16xf32>,
          tpu.vector_store %arg8[%swap3A_319], %broadcast_in_dim3A_3 {strides = array<i32>} : memref<20480xf32, #tpu.memory_space<vmem>>, vector<16xf32>,
          %add3A_321 = arith.constant 112 : i32
          %add3A_322 = arith.addi %add3A_293, %add3A_321 : i32
          %swap3A_323 = arith.index_cast %add3A_322 : i32 to index
          %swap3A_324 = tpu.vector_load %arg8[%swap3A_323] {strides = array<i32>} : memref<20480xf32, #tpu.memory_space<vmem>>, vector<16xf32>,
          tpu.vector_store %arg8[%swap3A_323], %broadcast_in_dim3A_3 {strides = array<i32>} : memref<20480xf32, #tpu.memory_space<vmem>>, vector<16xf32>,
        } else {
        }
        %slice3A_194 = vector.extract_strided_slice %get3A_180 {offsets = [2], sizes = [1], strides = [1]} : vector<16xi32> to vector<1xi32>
        %squeeze3A_195 = vector.extract %slice3A_194[0] : i32 from vector<1xi32>
        %eq3A_196 = arith.constant 0 : i32
        %eq3A_197 = arith.cmpi eq, %squeeze3A_195, %eq3A_196 : i32
        %convert_element_type3A_198 = arith.extui %eq3A_197 : i1 to i32
        %cond3A_199 = arith.constant 0 : i32
        %cond3A_200 = arith.cmpi ne, %convert_element_type3A_198, %cond3A_199 : i32
        scf.if %cond3A_200 {
          %add3A_292 = arith.constant 256 : i32
          %add3A_293 = arith.addi %mul3A_182, %add3A_292 : i32
          %add3A_294 = arith.constant 0 : i32
          %add3A_295 = arith.addi %add3A_293, %add3A_294 : i32
          %swap3A = arith.index_cast %add3A_295 : i32 to index
          %swap3A_296 = tpu.vector_load %arg8[%swap3A] {strides = array<i32>} : memref<20480xf32, #tpu.memory_space<vmem>>, vector<16xf32>,
          tpu.vector_store %arg8[%swap3A], %broadcast_in_dim3A_3 {strides = array<i32>} : memref<20480xf32, #tpu.memory_space<vmem>>, vector<16xf32>,
          %add3A_297 = arith.constant 16 : i32
          %add3A_298 = arith.addi %add3A_293, %add3A_297 : i32
          %swap3A_299 = arith.index_cast %add3A_298 : i32 to index
          %swap3A_300 = tpu.vector_load %arg8[%swap3A_299] {strides = array<i32>} : memref<20480xf32, #tpu.memory_space<vmem>>, vector<16xf32>,
          tpu.vector_store %arg8[%swap3A_299], %broadcast_in_dim3A_3 {strides = array<i32>} : memref<20480xf32, #tpu.memory_space<vmem>>, vector<16xf32>,
          %add3A_301 = arith.constant 32 : i32
          %add3A_302 = arith.addi %add3A_293, %add3A_301 : i32
          %swap3A_303 = arith.index_cast %add3A_302 : i32 to index
          %swap3A_304 = tpu.vector_load %arg8[%swap3A_303] {strides = array<i32>} : memref<20480xf32, #tpu.memory_space<vmem>>, vector<16xf32>,
          tpu.vector_store %arg8[%swap3A_303], %broadcast_in_dim3A_3 {strides = array<i32>} : memref<20480xf32, #tpu.memory_space<vmem>>, vector<16xf32>,
          %add3A_305 = arith.constant 48 : i32
          %add3A_306 = arith.addi %add3A_293, %add3A_305 : i32
          %swap3A_307 = arith.index_cast %add3A_306 : i32 to index
          %swap3A_308 = tpu.vector_load %arg8[%swap3A_307] {strides = array<i32>} : memref<20480xf32, #tpu.memory_space<vmem>>, vector<16xf32>,
          tpu.vector_store %arg8[%swap3A_307], %broadcast_in_dim3A_3 {strides = array<i32>} : memref<20480xf32, #tpu.memory_space<vmem>>, vector<16xf32>,
          %add3A_309 = arith.constant 64 : i32
          %add3A_310 = arith.addi %add3A_293, %add3A_309 : i32
          %swap3A_311 = arith.index_cast %add3A_310 : i32 to index
          %swap3A_312 = tpu.vector_load %arg8[%swap3A_311] {strides = array<i32>} : memref<20480xf32, #tpu.memory_space<vmem>>, vector<16xf32>,
          tpu.vector_store %arg8[%swap3A_311], %broadcast_in_dim3A_3 {strides = array<i32>} : memref<20480xf32, #tpu.memory_space<vmem>>, vector<16xf32>,
          %add3A_313 = arith.constant 80 : i32
          %add3A_314 = arith.addi %add3A_293, %add3A_313 : i32
          %swap3A_315 = arith.index_cast %add3A_314 : i32 to index
          %swap3A_316 = tpu.vector_load %arg8[%swap3A_315] {strides = array<i32>} : memref<20480xf32, #tpu.memory_space<vmem>>, vector<16xf32>,
          tpu.vector_store %arg8[%swap3A_315], %broadcast_in_dim3A_3 {strides = array<i32>} : memref<20480xf32, #tpu.memory_space<vmem>>, vector<16xf32>,
          %add3A_317 = arith.constant 96 : i32
          %add3A_318 = arith.addi %add3A_293, %add3A_317 : i32
          %swap3A_319 = arith.index_cast %add3A_318 : i32 to index
          %swap3A_320 = tpu.vector_load %arg8[%swap3A_319] {strides = array<i32>} : memref<20480xf32, #tpu.memory_space<vmem>>, vector<16xf32>,
          tpu.vector_store %arg8[%swap3A_319], %broadcast_in_dim3A_3 {strides = array<i32>} : memref<20480xf32, #tpu.memory_space<vmem>>, vector<16xf32>,
          %add3A_321 = arith.constant 112 : i32
          %add3A_322 = arith.addi %add3A_293, %add3A_321 : i32
          %swap3A_323 = arith.index_cast %add3A_322 : i32 to index
          %swap3A_324 = tpu.vector_load %arg8[%swap3A_323] {strides = array<i32>} : memref<20480xf32, #tpu.memory_space<vmem>>, vector<16xf32>,
          tpu.vector_store %arg8[%swap3A_323], %broadcast_in_dim3A_3 {strides = array<i32>} : memref<20480xf32, #tpu.memory_space<vmem>>, vector<16xf32>,
        } else {
        }
        %slice3A_201 = vector.extract_strided_slice %get3A_180 {offsets = [3], sizes = [1], strides = [1]} : vector<16xi32> to vector<1xi32>
        %squeeze3A_202 = vector.extract %slice3A_201[0] : i32 from vector<1xi32>
        %eq3A_203 = arith.constant 0 : i32
        %eq3A_204 = arith.cmpi eq, %squeeze3A_202, %eq3A_203 : i32
        %convert_element_type3A_205 = arith.extui %eq3A_204 : i1 to i32
        %cond3A_206 = arith.constant 0 : i32
        %cond3A_207 = arith.cmpi ne, %convert_element_type3A_205, %cond3A_206 : i32
        scf.if %cond3A_207 {
          %add3A_292 = arith.constant 384 : i32
          %add3A_293 = arith.addi %mul3A_182, %add3A_292 : i32
          %add3A_294 = arith.constant 0 : i32
          %add3A_295 = arith.addi %add3A_293, %add3A_294 : i32
          %swap3A = arith.index_cast %add3A_295 : i32 to index
          %swap3A_296 = tpu.vector_load %arg8[%swap3A] {strides = array<i32>} : memref<20480xf32, #tpu.memory_space<vmem>>, vector<16xf32>,
          tpu.vector_store %arg8[%swap3A], %broadcast_in_dim3A_3 {strides = array<i32>} : memref<20480xf32, #tpu.memory_space<vmem>>, vector<16xf32>,
          %add3A_297 = arith.constant 16 : i32
          %add3A_298 = arith.addi %add3A_293, %add3A_297 : i32
          %swap3A_299 = arith.index_cast %add3A_298 : i32 to index
          %swap3A_300 = tpu.vector_load %arg8[%swap3A_299] {strides = array<i32>} : memref<20480xf32, #tpu.memory_space<vmem>>, vector<16xf32>,
          tpu.vector_store %arg8[%swap3A_299], %broadcast_in_dim3A_3 {strides = array<i32>} : memref<20480xf32, #tpu.memory_space<vmem>>, vector<16xf32>,
          %add3A_301 = arith.constant 32 : i32
          %add3A_302 = arith.addi %add3A_293, %add3A_301 : i32
          %swap3A_303 = arith.index_cast %add3A_302 : i32 to index
          %swap3A_304 = tpu.vector_load %arg8[%swap3A_303] {strides = array<i32>} : memref<20480xf32, #tpu.memory_space<vmem>>, vector<16xf32>,
          tpu.vector_store %arg8[%swap3A_303], %broadcast_in_dim3A_3 {strides = array<i32>} : memref<20480xf32, #tpu.memory_space<vmem>>, vector<16xf32>,
          %add3A_305 = arith.constant 48 : i32
          %add3A_306 = arith.addi %add3A_293, %add3A_305 : i32
          %swap3A_307 = arith.index_cast %add3A_306 : i32 to index
          %swap3A_308 = tpu.vector_load %arg8[%swap3A_307] {strides = array<i32>} : memref<20480xf32, #tpu.memory_space<vmem>>, vector<16xf32>,
          tpu.vector_store %arg8[%swap3A_307], %broadcast_in_dim3A_3 {strides = array<i32>} : memref<20480xf32, #tpu.memory_space<vmem>>, vector<16xf32>,
          %add3A_309 = arith.constant 64 : i32
          %add3A_310 = arith.addi %add3A_293, %add3A_309 : i32
          %swap3A_311 = arith.index_cast %add3A_310 : i32 to index
          %swap3A_312 = tpu.vector_load %arg8[%swap3A_311] {strides = array<i32>} : memref<20480xf32, #tpu.memory_space<vmem>>, vector<16xf32>,
          tpu.vector_store %arg8[%swap3A_311], %broadcast_in_dim3A_3 {strides = array<i32>} : memref<20480xf32, #tpu.memory_space<vmem>>, vector<16xf32>,
          %add3A_313 = arith.constant 80 : i32
          %add3A_314 = arith.addi %add3A_293, %add3A_313 : i32
          %swap3A_315 = arith.index_cast %add3A_314 : i32 to index
          %swap3A_316 = tpu.vector_load %arg8[%swap3A_315] {strides = array<i32>} : memref<20480xf32, #tpu.memory_space<vmem>>, vector<16xf32>,
          tpu.vector_store %arg8[%swap3A_315], %broadcast_in_dim3A_3 {strides = array<i32>} : memref<20480xf32, #tpu.memory_space<vmem>>, vector<16xf32>,
          %add3A_317 = arith.constant 96 : i32
          %add3A_318 = arith.addi %add3A_293, %add3A_317 : i32
          %swap3A_319 = arith.index_cast %add3A_318 : i32 to index
          %swap3A_320 = tpu.vector_load %arg8[%swap3A_319] {strides = array<i32>} : memref<20480xf32, #tpu.memory_space<vmem>>, vector<16xf32>,
          tpu.vector_store %arg8[%swap3A_319], %broadcast_in_dim3A_3 {strides = array<i32>} : memref<20480xf32, #tpu.memory_space<vmem>>, vector<16xf32>,
          %add3A_321 = arith.constant 112 : i32
          %add3A_322 = arith.addi %add3A_293, %add3A_321 : i32
          %swap3A_323 = arith.index_cast %add3A_322 : i32 to index
          %swap3A_324 = tpu.vector_load %arg8[%swap3A_323] {strides = array<i32>} : memref<20480xf32, #tpu.memory_space<vmem>>, vector<16xf32>,
          tpu.vector_store %arg8[%swap3A_323], %broadcast_in_dim3A_3 {strides = array<i32>} : memref<20480xf32, #tpu.memory_space<vmem>>, vector<16xf32>,
        } else {
        }
        %slice3A_208 = vector.extract_strided_slice %get3A_180 {offsets = [4], sizes = [1], strides = [1]} : vector<16xi32> to vector<1xi32>
        %squeeze3A_209 = vector.extract %slice3A_208[0] : i32 from vector<1xi32>
        %eq3A_210 = arith.constant 0 : i32
        %eq3A_211 = arith.cmpi eq, %squeeze3A_209, %eq3A_210 : i32
        %convert_element_type3A_212 = arith.extui %eq3A_211 : i1 to i32
        %cond3A_213 = arith.constant 0 : i32
        %cond3A_214 = arith.cmpi ne, %convert_element_type3A_212, %cond3A_213 : i32
        scf.if %cond3A_214 {
          %add3A_292 = arith.constant 512 : i32
          %add3A_293 = arith.addi %mul3A_182, %add3A_292 : i32
          %add3A_294 = arith.constant 0 : i32
          %add3A_295 = arith.addi %add3A_293, %add3A_294 : i32
          %swap3A = arith.index_cast %add3A_295 : i32 to index
          %swap3A_296 = tpu.vector_load %arg8[%swap3A] {strides = array<i32>} : memref<20480xf32, #tpu.memory_space<vmem>>, vector<16xf32>,
          tpu.vector_store %arg8[%swap3A], %broadcast_in_dim3A_3 {strides = array<i32>} : memref<20480xf32, #tpu.memory_space<vmem>>, vector<16xf32>,
          %add3A_297 = arith.constant 16 : i32
          %add3A_298 = arith.addi %add3A_293, %add3A_297 : i32
          %swap3A_299 = arith.index_cast %add3A_298 : i32 to index
          %swap3A_300 = tpu.vector_load %arg8[%swap3A_299] {strides = array<i32>} : memref<20480xf32, #tpu.memory_space<vmem>>, vector<16xf32>,
          tpu.vector_store %arg8[%swap3A_299], %broadcast_in_dim3A_3 {strides = array<i32>} : memref<20480xf32, #tpu.memory_space<vmem>>, vector<16xf32>,
          %add3A_301 = arith.constant 32 : i32
          %add3A_302 = arith.addi %add3A_293, %add3A_301 : i32
          %swap3A_303 = arith.index_cast %add3A_302 : i32 to index
          %swap3A_304 = tpu.vector_load %arg8[%swap3A_303] {strides = array<i32>} : memref<20480xf32, #tpu.memory_space<vmem>>, vector<16xf32>,
          tpu.vector_store %arg8[%swap3A_303], %broadcast_in_dim3A_3 {strides = array<i32>} : memref<20480xf32, #tpu.memory_space<vmem>>, vector<16xf32>,
          %add3A_305 = arith.constant 48 : i32
          %add3A_306 = arith.addi %add3A_293, %add3A_305 : i32
          %swap3A_307 = arith.index_cast %add3A_306 : i32 to index
          %swap3A_308 = tpu.vector_load %arg8[%swap3A_307] {strides = array<i32>} : memref<20480xf32, #tpu.memory_space<vmem>>, vector<16xf32>,
          tpu.vector_store %arg8[%swap3A_307], %broadcast_in_dim3A_3 {strides = array<i32>} : memref<20480xf32, #tpu.memory_space<vmem>>, vector<16xf32>,
          %add3A_309 = arith.constant 64 : i32
          %add3A_310 = arith.addi %add3A_293, %add3A_309 : i32
          %swap3A_311 = arith.index_cast %add3A_310 : i32 to index
          %swap3A_312 = tpu.vector_load %arg8[%swap3A_311] {strides = array<i32>} : memref<20480xf32, #tpu.memory_space<vmem>>, vector<16xf32>,
          tpu.vector_store %arg8[%swap3A_311], %broadcast_in_dim3A_3 {strides = array<i32>} : memref<20480xf32, #tpu.memory_space<vmem>>, vector<16xf32>,
          %add3A_313 = arith.constant 80 : i32
          %add3A_314 = arith.addi %add3A_293, %add3A_313 : i32
          %swap3A_315 = arith.index_cast %add3A_314 : i32 to index
          %swap3A_316 = tpu.vector_load %arg8[%swap3A_315] {strides = array<i32>} : memref<20480xf32, #tpu.memory_space<vmem>>, vector<16xf32>,
          tpu.vector_store %arg8[%swap3A_315], %broadcast_in_dim3A_3 {strides = array<i32>} : memref<20480xf32, #tpu.memory_space<vmem>>, vector<16xf32>,
          %add3A_317 = arith.constant 96 : i32
          %add3A_318 = arith.addi %add3A_293, %add3A_317 : i32
          %swap3A_319 = arith.index_cast %add3A_318 : i32 to index
          %swap3A_320 = tpu.vector_load %arg8[%swap3A_319] {strides = array<i32>} : memref<20480xf32, #tpu.memory_space<vmem>>, vector<16xf32>,
          tpu.vector_store %arg8[%swap3A_319], %broadcast_in_dim3A_3 {strides = array<i32>} : memref<20480xf32, #tpu.memory_space<vmem>>, vector<16xf32>,
          %add3A_321 = arith.constant 112 : i32
          %add3A_322 = arith.addi %add3A_293, %add3A_321 : i32
          %swap3A_323 = arith.index_cast %add3A_322 : i32 to index
          %swap3A_324 = tpu.vector_load %arg8[%swap3A_323] {strides = array<i32>} : memref<20480xf32, #tpu.memory_space<vmem>>, vector<16xf32>,
          tpu.vector_store %arg8[%swap3A_323], %broadcast_in_dim3A_3 {strides = array<i32>} : memref<20480xf32, #tpu.memory_space<vmem>>, vector<16xf32>,
        } else {
        }
        %slice3A_215 = vector.extract_strided_slice %get3A_180 {offsets = [5], sizes = [1], strides = [1]} : vector<16xi32> to vector<1xi32>
        %squeeze3A_216 = vector.extract %slice3A_215[0] : i32 from vector<1xi32>
        %eq3A_217 = arith.constant 0 : i32
        %eq3A_218 = arith.cmpi eq, %squeeze3A_216, %eq3A_217 : i32
        %convert_element_type3A_219 = arith.extui %eq3A_218 : i1 to i32
        %cond3A_220 = arith.constant 0 : i32
        %cond3A_221 = arith.cmpi ne, %convert_element_type3A_219, %cond3A_220 : i32
        scf.if %cond3A_221 {
          %add3A_292 = arith.constant 640 : i32
          %add3A_293 = arith.addi %mul3A_182, %add3A_292 : i32
          %add3A_294 = arith.constant 0 : i32
          %add3A_295 = arith.addi %add3A_293, %add3A_294 : i32
          %swap3A = arith.index_cast %add3A_295 : i32 to index
          %swap3A_296 = tpu.vector_load %arg8[%swap3A] {strides = array<i32>} : memref<20480xf32, #tpu.memory_space<vmem>>, vector<16xf32>,
          tpu.vector_store %arg8[%swap3A], %broadcast_in_dim3A_3 {strides = array<i32>} : memref<20480xf32, #tpu.memory_space<vmem>>, vector<16xf32>,
          %add3A_297 = arith.constant 16 : i32
          %add3A_298 = arith.addi %add3A_293, %add3A_297 : i32
          %swap3A_299 = arith.index_cast %add3A_298 : i32 to index
          %swap3A_300 = tpu.vector_load %arg8[%swap3A_299] {strides = array<i32>} : memref<20480xf32, #tpu.memory_space<vmem>>, vector<16xf32>,
          tpu.vector_store %arg8[%swap3A_299], %broadcast_in_dim3A_3 {strides = array<i32>} : memref<20480xf32, #tpu.memory_space<vmem>>, vector<16xf32>,
          %add3A_301 = arith.constant 32 : i32
          %add3A_302 = arith.addi %add3A_293, %add3A_301 : i32
          %swap3A_303 = arith.index_cast %add3A_302 : i32 to index
          %swap3A_304 = tpu.vector_load %arg8[%swap3A_303] {strides = array<i32>} : memref<20480xf32, #tpu.memory_space<vmem>>, vector<16xf32>,
          tpu.vector_store %arg8[%swap3A_303], %broadcast_in_dim3A_3 {strides = array<i32>} : memref<20480xf32, #tpu.memory_space<vmem>>, vector<16xf32>,
          %add3A_305 = arith.constant 48 : i32
          %add3A_306 = arith.addi %add3A_293, %add3A_305 : i32
          %swap3A_307 = arith.index_cast %add3A_306 : i32 to index
          %swap3A_308 = tpu.vector_load %arg8[%swap3A_307] {strides = array<i32>} : memref<20480xf32, #tpu.memory_space<vmem>>, vector<16xf32>,
          tpu.vector_store %arg8[%swap3A_307], %broadcast_in_dim3A_3 {strides = array<i32>} : memref<20480xf32, #tpu.memory_space<vmem>>, vector<16xf32>,
          %add3A_309 = arith.constant 64 : i32
          %add3A_310 = arith.addi %add3A_293, %add3A_309 : i32
          %swap3A_311 = arith.index_cast %add3A_310 : i32 to index
          %swap3A_312 = tpu.vector_load %arg8[%swap3A_311] {strides = array<i32>} : memref<20480xf32, #tpu.memory_space<vmem>>, vector<16xf32>,
          tpu.vector_store %arg8[%swap3A_311], %broadcast_in_dim3A_3 {strides = array<i32>} : memref<20480xf32, #tpu.memory_space<vmem>>, vector<16xf32>,
          %add3A_313 = arith.constant 80 : i32
          %add3A_314 = arith.addi %add3A_293, %add3A_313 : i32
          %swap3A_315 = arith.index_cast %add3A_314 : i32 to index
          %swap3A_316 = tpu.vector_load %arg8[%swap3A_315] {strides = array<i32>} : memref<20480xf32, #tpu.memory_space<vmem>>, vector<16xf32>,
          tpu.vector_store %arg8[%swap3A_315], %broadcast_in_dim3A_3 {strides = array<i32>} : memref<20480xf32, #tpu.memory_space<vmem>>, vector<16xf32>,
          %add3A_317 = arith.constant 96 : i32
          %add3A_318 = arith.addi %add3A_293, %add3A_317 : i32
          %swap3A_319 = arith.index_cast %add3A_318 : i32 to index
          %swap3A_320 = tpu.vector_load %arg8[%swap3A_319] {strides = array<i32>} : memref<20480xf32, #tpu.memory_space<vmem>>, vector<16xf32>,
          tpu.vector_store %arg8[%swap3A_319], %broadcast_in_dim3A_3 {strides = array<i32>} : memref<20480xf32, #tpu.memory_space<vmem>>, vector<16xf32>,
          %add3A_321 = arith.constant 112 : i32
          %add3A_322 = arith.addi %add3A_293, %add3A_321 : i32
          %swap3A_323 = arith.index_cast %add3A_322 : i32 to index
          %swap3A_324 = tpu.vector_load %arg8[%swap3A_323] {strides = array<i32>} : memref<20480xf32, #tpu.memory_space<vmem>>, vector<16xf32>,
          tpu.vector_store %arg8[%swap3A_323], %broadcast_in_dim3A_3 {strides = array<i32>} : memref<20480xf32, #tpu.memory_space<vmem>>, vector<16xf32>,
        } else {
        }
        %slice3A_222 = vector.extract_strided_slice %get3A_180 {offsets = [6], sizes = [1], strides = [1]} : vector<16xi32> to vector<1xi32>
        %squeeze3A_223 = vector.extract %slice3A_222[0] : i32 from vector<1xi32>
        %eq3A_224 = arith.constant 0 : i32
        %eq3A_225 = arith.cmpi eq, %squeeze3A_223, %eq3A_224 : i32
        %convert_element_type3A_226 = arith.extui %eq3A_225 : i1 to i32
        %cond3A_227 = arith.constant 0 : i32
        %cond3A_228 = arith.cmpi ne, %convert_element_type3A_226, %cond3A_227 : i32
        scf.if %cond3A_228 {
          %add3A_292 = arith.constant 768 : i32
          %add3A_293 = arith.addi %mul3A_182, %add3A_292 : i32
          %add3A_294 = arith.constant 0 : i32
          %add3A_295 = arith.addi %add3A_293, %add3A_294 : i32
          %swap3A = arith.index_cast %add3A_295 : i32 to index
          %swap3A_296 = tpu.vector_load %arg8[%swap3A] {strides = array<i32>} : memref<20480xf32, #tpu.memory_space<vmem>>, vector<16xf32>,
          tpu.vector_store %arg8[%swap3A], %broadcast_in_dim3A_3 {strides = array<i32>} : memref<20480xf32, #tpu.memory_space<vmem>>, vector<16xf32>,
          %add3A_297 = arith.constant 16 : i32
          %add3A_298 = arith.addi %add3A_293, %add3A_297 : i32
          %swap3A_299 = arith.index_cast %add3A_298 : i32 to index
          %swap3A_300 = tpu.vector_load %arg8[%swap3A_299] {strides = array<i32>} : memref<20480xf32, #tpu.memory_space<vmem>>, vector<16xf32>,
          tpu.vector_store %arg8[%swap3A_299], %broadcast_in_dim3A_3 {strides = array<i32>} : memref<20480xf32, #tpu.memory_space<vmem>>, vector<16xf32>,
          %add3A_301 = arith.constant 32 : i32
          %add3A_302 = arith.addi %add3A_293, %add3A_301 : i32
          %swap3A_303 = arith.index_cast %add3A_302 : i32 to index
          %swap3A_304 = tpu.vector_load %arg8[%swap3A_303] {strides = array<i32>} : memref<20480xf32, #tpu.memory_space<vmem>>, vector<16xf32>,
          tpu.vector_store %arg8[%swap3A_303], %broadcast_in_dim3A_3 {strides = array<i32>} : memref<20480xf32, #tpu.memory_space<vmem>>, vector<16xf32>,
          %add3A_305 = arith.constant 48 : i32
          %add3A_306 = arith.addi %add3A_293, %add3A_305 : i32
          %swap3A_307 = arith.index_cast %add3A_306 : i32 to index
          %swap3A_308 = tpu.vector_load %arg8[%swap3A_307] {strides = array<i32>} : memref<20480xf32, #tpu.memory_space<vmem>>, vector<16xf32>,
          tpu.vector_store %arg8[%swap3A_307], %broadcast_in_dim3A_3 {strides = array<i32>} : memref<20480xf32, #tpu.memory_space<vmem>>, vector<16xf32>,
          %add3A_309 = arith.constant 64 : i32
          %add3A_310 = arith.addi %add3A_293, %add3A_309 : i32
          %swap3A_311 = arith.index_cast %add3A_310 : i32 to index
          %swap3A_312 = tpu.vector_load %arg8[%swap3A_311] {strides = array<i32>} : memref<20480xf32, #tpu.memory_space<vmem>>, vector<16xf32>,
          tpu.vector_store %arg8[%swap3A_311], %broadcast_in_dim3A_3 {strides = array<i32>} : memref<20480xf32, #tpu.memory_space<vmem>>, vector<16xf32>,
          %add3A_313 = arith.constant 80 : i32
          %add3A_314 = arith.addi %add3A_293, %add3A_313 : i32
          %swap3A_315 = arith.index_cast %add3A_314 : i32 to index
          %swap3A_316 = tpu.vector_load %arg8[%swap3A_315] {strides = array<i32>} : memref<20480xf32, #tpu.memory_space<vmem>>, vector<16xf32>,
          tpu.vector_store %arg8[%swap3A_315], %broadcast_in_dim3A_3 {strides = array<i32>} : memref<20480xf32, #tpu.memory_space<vmem>>, vector<16xf32>,
          %add3A_317 = arith.constant 96 : i32
          %add3A_318 = arith.addi %add3A_293, %add3A_317 : i32
          %swap3A_319 = arith.index_cast %add3A_318 : i32 to index
          %swap3A_320 = tpu.vector_load %arg8[%swap3A_319] {strides = array<i32>} : memref<20480xf32, #tpu.memory_space<vmem>>, vector<16xf32>,
          tpu.vector_store %arg8[%swap3A_319], %broadcast_in_dim3A_3 {strides = array<i32>} : memref<20480xf32, #tpu.memory_space<vmem>>, vector<16xf32>,
          %add3A_321 = arith.constant 112 : i32
          %add3A_322 = arith.addi %add3A_293, %add3A_321 : i32
          %swap3A_323 = arith.index_cast %add3A_322 : i32 to index
          %swap3A_324 = tpu.vector_load %arg8[%swap3A_323] {strides = array<i32>} : memref<20480xf32, #tpu.memory_space<vmem>>, vector<16xf32>,
          tpu.vector_store %arg8[%swap3A_323], %broadcast_in_dim3A_3 {strides = array<i32>} : memref<20480xf32, #tpu.memory_space<vmem>>, vector<16xf32>,
        } else {
        }
        %slice3A_229 = vector.extract_strided_slice %get3A_180 {offsets = [7], sizes = [1], strides = [1]} : vector<16xi32> to vector<1xi32>
        %squeeze3A_230 = vector.extract %slice3A_229[0] : i32 from vector<1xi32>
        %eq3A_231 = arith.constant 0 : i32
        %eq3A_232 = arith.cmpi eq, %squeeze3A_230, %eq3A_231 : i32
        %convert_element_type3A_233 = arith.extui %eq3A_232 : i1 to i32
        %cond3A_234 = arith.constant 0 : i32
        %cond3A_235 = arith.cmpi ne, %convert_element_type3A_233, %cond3A_234 : i32
        scf.if %cond3A_235 {
          %add3A_292 = arith.constant 896 : i32
          %add3A_293 = arith.addi %mul3A_182, %add3A_292 : i32
          %add3A_294 = arith.constant 0 : i32
          %add3A_295 = arith.addi %add3A_293, %add3A_294 : i32
          %swap3A = arith.index_cast %add3A_295 : i32 to index
          %swap3A_296 = tpu.vector_load %arg8[%swap3A] {strides = array<i32>} : memref<20480xf32, #tpu.memory_space<vmem>>, vector<16xf32>,
          tpu.vector_store %arg8[%swap3A], %broadcast_in_dim3A_3 {strides = array<i32>} : memref<20480xf32, #tpu.memory_space<vmem>>, vector<16xf32>,
          %add3A_297 = arith.constant 16 : i32
          %add3A_298 = arith.addi %add3A_293, %add3A_297 : i32
          %swap3A_299 = arith.index_cast %add3A_298 : i32 to index
          %swap3A_300 = tpu.vector_load %arg8[%swap3A_299] {strides = array<i32>} : memref<20480xf32, #tpu.memory_space<vmem>>, vector<16xf32>,
          tpu.vector_store %arg8[%swap3A_299], %broadcast_in_dim3A_3 {strides = array<i32>} : memref<20480xf32, #tpu.memory_space<vmem>>, vector<16xf32>,
          %add3A_301 = arith.constant 32 : i32
          %add3A_302 = arith.addi %add3A_293, %add3A_301 : i32
          %swap3A_303 = arith.index_cast %add3A_302 : i32 to index
          %swap3A_304 = tpu.vector_load %arg8[%swap3A_303] {strides = array<i32>} : memref<20480xf32, #tpu.memory_space<vmem>>, vector<16xf32>,
          tpu.vector_store %arg8[%swap3A_303], %broadcast_in_dim3A_3 {strides = array<i32>} : memref<20480xf32, #tpu.memory_space<vmem>>, vector<16xf32>,
          %add3A_305 = arith.constant 48 : i32
          %add3A_306 = arith.addi %add3A_293, %add3A_305 : i32
          %swap3A_307 = arith.index_cast %add3A_306 : i32 to index
          %swap3A_308 = tpu.vector_load %arg8[%swap3A_307] {strides = array<i32>} : memref<20480xf32, #tpu.memory_space<vmem>>, vector<16xf32>,
          tpu.vector_store %arg8[%swap3A_307], %broadcast_in_dim3A_3 {strides = array<i32>} : memref<20480xf32, #tpu.memory_space<vmem>>, vector<16xf32>,
          %add3A_309 = arith.constant 64 : i32
          %add3A_310 = arith.addi %add3A_293, %add3A_309 : i32
          %swap3A_311 = arith.index_cast %add3A_310 : i32 to index
          %swap3A_312 = tpu.vector_load %arg8[%swap3A_311] {strides = array<i32>} : memref<20480xf32, #tpu.memory_space<vmem>>, vector<16xf32>,
          tpu.vector_store %arg8[%swap3A_311], %broadcast_in_dim3A_3 {strides = array<i32>} : memref<20480xf32, #tpu.memory_space<vmem>>, vector<16xf32>,
          %add3A_313 = arith.constant 80 : i32
          %add3A_314 = arith.addi %add3A_293, %add3A_313 : i32
          %swap3A_315 = arith.index_cast %add3A_314 : i32 to index
          %swap3A_316 = tpu.vector_load %arg8[%swap3A_315] {strides = array<i32>} : memref<20480xf32, #tpu.memory_space<vmem>>, vector<16xf32>,
          tpu.vector_store %arg8[%swap3A_315], %broadcast_in_dim3A_3 {strides = array<i32>} : memref<20480xf32, #tpu.memory_space<vmem>>, vector<16xf32>,
          %add3A_317 = arith.constant 96 : i32
          %add3A_318 = arith.addi %add3A_293, %add3A_317 : i32
          %swap3A_319 = arith.index_cast %add3A_318 : i32 to index
          %swap3A_320 = tpu.vector_load %arg8[%swap3A_319] {strides = array<i32>} : memref<20480xf32, #tpu.memory_space<vmem>>, vector<16xf32>,
          tpu.vector_store %arg8[%swap3A_319], %broadcast_in_dim3A_3 {strides = array<i32>} : memref<20480xf32, #tpu.memory_space<vmem>>, vector<16xf32>,
          %add3A_321 = arith.constant 112 : i32
          %add3A_322 = arith.addi %add3A_293, %add3A_321 : i32
          %swap3A_323 = arith.index_cast %add3A_322 : i32 to index
          %swap3A_324 = tpu.vector_load %arg8[%swap3A_323] {strides = array<i32>} : memref<20480xf32, #tpu.memory_space<vmem>>, vector<16xf32>,
          tpu.vector_store %arg8[%swap3A_323], %broadcast_in_dim3A_3 {strides = array<i32>} : memref<20480xf32, #tpu.memory_space<vmem>>, vector<16xf32>,
        } else {
        }
        %slice3A_236 = vector.extract_strided_slice %get3A_180 {offsets = [8], sizes = [1], strides = [1]} : vector<16xi32> to vector<1xi32>
        %squeeze3A_237 = vector.extract %slice3A_236[0] : i32 from vector<1xi32>
        %eq3A_238 = arith.constant 0 : i32
        %eq3A_239 = arith.cmpi eq, %squeeze3A_237, %eq3A_238 : i32
        %convert_element_type3A_240 = arith.extui %eq3A_239 : i1 to i32
        %cond3A_241 = arith.constant 0 : i32
        %cond3A_242 = arith.cmpi ne, %convert_element_type3A_240, %cond3A_241 : i32
        scf.if %cond3A_242 {
          %add3A_292 = arith.constant 1024 : i32
          %add3A_293 = arith.addi %mul3A_182, %add3A_292 : i32
          %add3A_294 = arith.constant 0 : i32
          %add3A_295 = arith.addi %add3A_293, %add3A_294 : i32
          %swap3A = arith.index_cast %add3A_295 : i32 to index
          %swap3A_296 = tpu.vector_load %arg8[%swap3A] {strides = array<i32>} : memref<20480xf32, #tpu.memory_space<vmem>>, vector<16xf32>,
          tpu.vector_store %arg8[%swap3A], %broadcast_in_dim3A_3 {strides = array<i32>} : memref<20480xf32, #tpu.memory_space<vmem>>, vector<16xf32>,
          %add3A_297 = arith.constant 16 : i32
          %add3A_298 = arith.addi %add3A_293, %add3A_297 : i32
          %swap3A_299 = arith.index_cast %add3A_298 : i32 to index
          %swap3A_300 = tpu.vector_load %arg8[%swap3A_299] {strides = array<i32>} : memref<20480xf32, #tpu.memory_space<vmem>>, vector<16xf32>,
          tpu.vector_store %arg8[%swap3A_299], %broadcast_in_dim3A_3 {strides = array<i32>} : memref<20480xf32, #tpu.memory_space<vmem>>, vector<16xf32>,
          %add3A_301 = arith.constant 32 : i32
          %add3A_302 = arith.addi %add3A_293, %add3A_301 : i32
          %swap3A_303 = arith.index_cast %add3A_302 : i32 to index
          %swap3A_304 = tpu.vector_load %arg8[%swap3A_303] {strides = array<i32>} : memref<20480xf32, #tpu.memory_space<vmem>>, vector<16xf32>,
          tpu.vector_store %arg8[%swap3A_303], %broadcast_in_dim3A_3 {strides = array<i32>} : memref<20480xf32, #tpu.memory_space<vmem>>, vector<16xf32>,
          %add3A_305 = arith.constant 48 : i32
          %add3A_306 = arith.addi %add3A_293, %add3A_305 : i32
          %swap3A_307 = arith.index_cast %add3A_306 : i32 to index
          %swap3A_308 = tpu.vector_load %arg8[%swap3A_307] {strides = array<i32>} : memref<20480xf32, #tpu.memory_space<vmem>>, vector<16xf32>,
          tpu.vector_store %arg8[%swap3A_307], %broadcast_in_dim3A_3 {strides = array<i32>} : memref<20480xf32, #tpu.memory_space<vmem>>, vector<16xf32>,
          %add3A_309 = arith.constant 64 : i32
          %add3A_310 = arith.addi %add3A_293, %add3A_309 : i32
          %swap3A_311 = arith.index_cast %add3A_310 : i32 to index
          %swap3A_312 = tpu.vector_load %arg8[%swap3A_311] {strides = array<i32>} : memref<20480xf32, #tpu.memory_space<vmem>>, vector<16xf32>,
          tpu.vector_store %arg8[%swap3A_311], %broadcast_in_dim3A_3 {strides = array<i32>} : memref<20480xf32, #tpu.memory_space<vmem>>, vector<16xf32>,
          %add3A_313 = arith.constant 80 : i32
          %add3A_314 = arith.addi %add3A_293, %add3A_313 : i32
          %swap3A_315 = arith.index_cast %add3A_314 : i32 to index
          %swap3A_316 = tpu.vector_load %arg8[%swap3A_315] {strides = array<i32>} : memref<20480xf32, #tpu.memory_space<vmem>>, vector<16xf32>,
          tpu.vector_store %arg8[%swap3A_315], %broadcast_in_dim3A_3 {strides = array<i32>} : memref<20480xf32, #tpu.memory_space<vmem>>, vector<16xf32>,
          %add3A_317 = arith.constant 96 : i32
          %add3A_318 = arith.addi %add3A_293, %add3A_317 : i32
          %swap3A_319 = arith.index_cast %add3A_318 : i32 to index
          %swap3A_320 = tpu.vector_load %arg8[%swap3A_319] {strides = array<i32>} : memref<20480xf32, #tpu.memory_space<vmem>>, vector<16xf32>,
          tpu.vector_store %arg8[%swap3A_319], %broadcast_in_dim3A_3 {strides = array<i32>} : memref<20480xf32, #tpu.memory_space<vmem>>, vector<16xf32>,
          %add3A_321 = arith.constant 112 : i32
          %add3A_322 = arith.addi %add3A_293, %add3A_321 : i32
          %swap3A_323 = arith.index_cast %add3A_322 : i32 to index
          %swap3A_324 = tpu.vector_load %arg8[%swap3A_323] {strides = array<i32>} : memref<20480xf32, #tpu.memory_space<vmem>>, vector<16xf32>,
          tpu.vector_store %arg8[%swap3A_323], %broadcast_in_dim3A_3 {strides = array<i32>} : memref<20480xf32, #tpu.memory_space<vmem>>, vector<16xf32>,
        } else {
        }
        %slice3A_243 = vector.extract_strided_slice %get3A_180 {offsets = [9], sizes = [1], strides = [1]} : vector<16xi32> to vector<1xi32>
        %squeeze3A_244 = vector.extract %slice3A_243[0] : i32 from vector<1xi32>
        %eq3A_245 = arith.constant 0 : i32
        %eq3A_246 = arith.cmpi eq, %squeeze3A_244, %eq3A_245 : i32
        %convert_element_type3A_247 = arith.extui %eq3A_246 : i1 to i32
        %cond3A_248 = arith.constant 0 : i32
        %cond3A_249 = arith.cmpi ne, %convert_element_type3A_247, %cond3A_248 : i32
        scf.if %cond3A_249 {
          %add3A_292 = arith.constant 1152 : i32
          %add3A_293 = arith.addi %mul3A_182, %add3A_292 : i32
          %add3A_294 = arith.constant 0 : i32
          %add3A_295 = arith.addi %add3A_293, %add3A_294 : i32
          %swap3A = arith.index_cast %add3A_295 : i32 to index
          %swap3A_296 = tpu.vector_load %arg8[%swap3A] {strides = array<i32>} : memref<20480xf32, #tpu.memory_space<vmem>>, vector<16xf32>,
          tpu.vector_store %arg8[%swap3A], %broadcast_in_dim3A_3 {strides = array<i32>} : memref<20480xf32, #tpu.memory_space<vmem>>, vector<16xf32>,
          %add3A_297 = arith.constant 16 : i32
          %add3A_298 = arith.addi %add3A_293, %add3A_297 : i32
          %swap3A_299 = arith.index_cast %add3A_298 : i32 to index
          %swap3A_300 = tpu.vector_load %arg8[%swap3A_299] {strides = array<i32>} : memref<20480xf32, #tpu.memory_space<vmem>>, vector<16xf32>,
          tpu.vector_store %arg8[%swap3A_299], %broadcast_in_dim3A_3 {strides = array<i32>} : memref<20480xf32, #tpu.memory_space<vmem>>, vector<16xf32>,
          %add3A_301 = arith.constant 32 : i32
          %add3A_302 = arith.addi %add3A_293, %add3A_301 : i32
          %swap3A_303 = arith.index_cast %add3A_302 : i32 to index
          %swap3A_304 = tpu.vector_load %arg8[%swap3A_303] {strides = array<i32>} : memref<20480xf32, #tpu.memory_space<vmem>>, vector<16xf32>,
          tpu.vector_store %arg8[%swap3A_303], %broadcast_in_dim3A_3 {strides = array<i32>} : memref<20480xf32, #tpu.memory_space<vmem>>, vector<16xf32>,
          %add3A_305 = arith.constant 48 : i32
          %add3A_306 = arith.addi %add3A_293, %add3A_305 : i32
          %swap3A_307 = arith.index_cast %add3A_306 : i32 to index
          %swap3A_308 = tpu.vector_load %arg8[%swap3A_307] {strides = array<i32>} : memref<20480xf32, #tpu.memory_space<vmem>>, vector<16xf32>,
          tpu.vector_store %arg8[%swap3A_307], %broadcast_in_dim3A_3 {strides = array<i32>} : memref<20480xf32, #tpu.memory_space<vmem>>, vector<16xf32>,
          %add3A_309 = arith.constant 64 : i32
          %add3A_310 = arith.addi %add3A_293, %add3A_309 : i32
          %swap3A_311 = arith.index_cast %add3A_310 : i32 to index
          %swap3A_312 = tpu.vector_load %arg8[%swap3A_311] {strides = array<i32>} : memref<20480xf32, #tpu.memory_space<vmem>>, vector<16xf32>,
          tpu.vector_store %arg8[%swap3A_311], %broadcast_in_dim3A_3 {strides = array<i32>} : memref<20480xf32, #tpu.memory_space<vmem>>, vector<16xf32>,
          %add3A_313 = arith.constant 80 : i32
          %add3A_314 = arith.addi %add3A_293, %add3A_313 : i32
          %swap3A_315 = arith.index_cast %add3A_314 : i32 to index
          %swap3A_316 = tpu.vector_load %arg8[%swap3A_315] {strides = array<i32>} : memref<20480xf32, #tpu.memory_space<vmem>>, vector<16xf32>,
          tpu.vector_store %arg8[%swap3A_315], %broadcast_in_dim3A_3 {strides = array<i32>} : memref<20480xf32, #tpu.memory_space<vmem>>, vector<16xf32>,
          %add3A_317 = arith.constant 96 : i32
          %add3A_318 = arith.addi %add3A_293, %add3A_317 : i32
          %swap3A_319 = arith.index_cast %add3A_318 : i32 to index
          %swap3A_320 = tpu.vector_load %arg8[%swap3A_319] {strides = array<i32>} : memref<20480xf32, #tpu.memory_space<vmem>>, vector<16xf32>,
          tpu.vector_store %arg8[%swap3A_319], %broadcast_in_dim3A_3 {strides = array<i32>} : memref<20480xf32, #tpu.memory_space<vmem>>, vector<16xf32>,
          %add3A_321 = arith.constant 112 : i32
          %add3A_322 = arith.addi %add3A_293, %add3A_321 : i32
          %swap3A_323 = arith.index_cast %add3A_322 : i32 to index
          %swap3A_324 = tpu.vector_load %arg8[%swap3A_323] {strides = array<i32>} : memref<20480xf32, #tpu.memory_space<vmem>>, vector<16xf32>,
          tpu.vector_store %arg8[%swap3A_323], %broadcast_in_dim3A_3 {strides = array<i32>} : memref<20480xf32, #tpu.memory_space<vmem>>, vector<16xf32>,
        } else {
        }
        %slice3A_250 = vector.extract_strided_slice %get3A_180 {offsets = [10], sizes = [1], strides = [1]} : vector<16xi32> to vector<1xi32>
        %squeeze3A_251 = vector.extract %slice3A_250[0] : i32 from vector<1xi32>
        %eq3A_252 = arith.constant 0 : i32
        %eq3A_253 = arith.cmpi eq, %squeeze3A_251, %eq3A_252 : i32
        %convert_element_type3A_254 = arith.extui %eq3A_253 : i1 to i32
        %cond3A_255 = arith.constant 0 : i32
        %cond3A_256 = arith.cmpi ne, %convert_element_type3A_254, %cond3A_255 : i32
        scf.if %cond3A_256 {
          %add3A_292 = arith.constant 1280 : i32
          %add3A_293 = arith.addi %mul3A_182, %add3A_292 : i32
          %add3A_294 = arith.constant 0 : i32
          %add3A_295 = arith.addi %add3A_293, %add3A_294 : i32
          %swap3A = arith.index_cast %add3A_295 : i32 to index
          %swap3A_296 = tpu.vector_load %arg8[%swap3A] {strides = array<i32>} : memref<20480xf32, #tpu.memory_space<vmem>>, vector<16xf32>,
          tpu.vector_store %arg8[%swap3A], %broadcast_in_dim3A_3 {strides = array<i32>} : memref<20480xf32, #tpu.memory_space<vmem>>, vector<16xf32>,
          %add3A_297 = arith.constant 16 : i32
          %add3A_298 = arith.addi %add3A_293, %add3A_297 : i32
          %swap3A_299 = arith.index_cast %add3A_298 : i32 to index
          %swap3A_300 = tpu.vector_load %arg8[%swap3A_299] {strides = array<i32>} : memref<20480xf32, #tpu.memory_space<vmem>>, vector<16xf32>,
          tpu.vector_store %arg8[%swap3A_299], %broadcast_in_dim3A_3 {strides = array<i32>} : memref<20480xf32, #tpu.memory_space<vmem>>, vector<16xf32>,
          %add3A_301 = arith.constant 32 : i32
          %add3A_302 = arith.addi %add3A_293, %add3A_301 : i32
          %swap3A_303 = arith.index_cast %add3A_302 : i32 to index
          %swap3A_304 = tpu.vector_load %arg8[%swap3A_303] {strides = array<i32>} : memref<20480xf32, #tpu.memory_space<vmem>>, vector<16xf32>,
          tpu.vector_store %arg8[%swap3A_303], %broadcast_in_dim3A_3 {strides = array<i32>} : memref<20480xf32, #tpu.memory_space<vmem>>, vector<16xf32>,
          %add3A_305 = arith.constant 48 : i32
          %add3A_306 = arith.addi %add3A_293, %add3A_305 : i32
          %swap3A_307 = arith.index_cast %add3A_306 : i32 to index
          %swap3A_308 = tpu.vector_load %arg8[%swap3A_307] {strides = array<i32>} : memref<20480xf32, #tpu.memory_space<vmem>>, vector<16xf32>,
          tpu.vector_store %arg8[%swap3A_307], %broadcast_in_dim3A_3 {strides = array<i32>} : memref<20480xf32, #tpu.memory_space<vmem>>, vector<16xf32>,
          %add3A_309 = arith.constant 64 : i32
          %add3A_310 = arith.addi %add3A_293, %add3A_309 : i32
          %swap3A_311 = arith.index_cast %add3A_310 : i32 to index
          %swap3A_312 = tpu.vector_load %arg8[%swap3A_311] {strides = array<i32>} : memref<20480xf32, #tpu.memory_space<vmem>>, vector<16xf32>,
          tpu.vector_store %arg8[%swap3A_311], %broadcast_in_dim3A_3 {strides = array<i32>} : memref<20480xf32, #tpu.memory_space<vmem>>, vector<16xf32>,
          %add3A_313 = arith.constant 80 : i32
          %add3A_314 = arith.addi %add3A_293, %add3A_313 : i32
          %swap3A_315 = arith.index_cast %add3A_314 : i32 to index
          %swap3A_316 = tpu.vector_load %arg8[%swap3A_315] {strides = array<i32>} : memref<20480xf32, #tpu.memory_space<vmem>>, vector<16xf32>,
          tpu.vector_store %arg8[%swap3A_315], %broadcast_in_dim3A_3 {strides = array<i32>} : memref<20480xf32, #tpu.memory_space<vmem>>, vector<16xf32>,
          %add3A_317 = arith.constant 96 : i32
          %add3A_318 = arith.addi %add3A_293, %add3A_317 : i32
          %swap3A_319 = arith.index_cast %add3A_318 : i32 to index
          %swap3A_320 = tpu.vector_load %arg8[%swap3A_319] {strides = array<i32>} : memref<20480xf32, #tpu.memory_space<vmem>>, vector<16xf32>,
          tpu.vector_store %arg8[%swap3A_319], %broadcast_in_dim3A_3 {strides = array<i32>} : memref<20480xf32, #tpu.memory_space<vmem>>, vector<16xf32>,
          %add3A_321 = arith.constant 112 : i32
          %add3A_322 = arith.addi %add3A_293, %add3A_321 : i32
          %swap3A_323 = arith.index_cast %add3A_322 : i32 to index
          %swap3A_324 = tpu.vector_load %arg8[%swap3A_323] {strides = array<i32>} : memref<20480xf32, #tpu.memory_space<vmem>>, vector<16xf32>,
          tpu.vector_store %arg8[%swap3A_323], %broadcast_in_dim3A_3 {strides = array<i32>} : memref<20480xf32, #tpu.memory_space<vmem>>, vector<16xf32>,
        } else {
        }
        %slice3A_257 = vector.extract_strided_slice %get3A_180 {offsets = [11], sizes = [1], strides = [1]} : vector<16xi32> to vector<1xi32>
        %squeeze3A_258 = vector.extract %slice3A_257[0] : i32 from vector<1xi32>
        %eq3A_259 = arith.constant 0 : i32
        %eq3A_260 = arith.cmpi eq, %squeeze3A_258, %eq3A_259 : i32
        %convert_element_type3A_261 = arith.extui %eq3A_260 : i1 to i32
        %cond3A_262 = arith.constant 0 : i32
        %cond3A_263 = arith.cmpi ne, %convert_element_type3A_261, %cond3A_262 : i32
        scf.if %cond3A_263 {
          %add3A_292 = arith.constant 1408 : i32
          %add3A_293 = arith.addi %mul3A_182, %add3A_292 : i32
          %add3A_294 = arith.constant 0 : i32
          %add3A_295 = arith.addi %add3A_293, %add3A_294 : i32
          %swap3A = arith.index_cast %add3A_295 : i32 to index
          %swap3A_296 = tpu.vector_load %arg8[%swap3A] {strides = array<i32>} : memref<20480xf32, #tpu.memory_space<vmem>>, vector<16xf32>,
          tpu.vector_store %arg8[%swap3A], %broadcast_in_dim3A_3 {strides = array<i32>} : memref<20480xf32, #tpu.memory_space<vmem>>, vector<16xf32>,
          %add3A_297 = arith.constant 16 : i32
          %add3A_298 = arith.addi %add3A_293, %add3A_297 : i32
          %swap3A_299 = arith.index_cast %add3A_298 : i32 to index
          %swap3A_300 = tpu.vector_load %arg8[%swap3A_299] {strides = array<i32>} : memref<20480xf32, #tpu.memory_space<vmem>>, vector<16xf32>,
          tpu.vector_store %arg8[%swap3A_299], %broadcast_in_dim3A_3 {strides = array<i32>} : memref<20480xf32, #tpu.memory_space<vmem>>, vector<16xf32>,
          %add3A_301 = arith.constant 32 : i32
          %add3A_302 = arith.addi %add3A_293, %add3A_301 : i32
          %swap3A_303 = arith.index_cast %add3A_302 : i32 to index
          %swap3A_304 = tpu.vector_load %arg8[%swap3A_303] {strides = array<i32>} : memref<20480xf32, #tpu.memory_space<vmem>>, vector<16xf32>,
          tpu.vector_store %arg8[%swap3A_303], %broadcast_in_dim3A_3 {strides = array<i32>} : memref<20480xf32, #tpu.memory_space<vmem>>, vector<16xf32>,
          %add3A_305 = arith.constant 48 : i32
          %add3A_306 = arith.addi %add3A_293, %add3A_305 : i32
          %swap3A_307 = arith.index_cast %add3A_306 : i32 to index
          %swap3A_308 = tpu.vector_load %arg8[%swap3A_307] {strides = array<i32>} : memref<20480xf32, #tpu.memory_space<vmem>>, vector<16xf32>,
          tpu.vector_store %arg8[%swap3A_307], %broadcast_in_dim3A_3 {strides = array<i32>} : memref<20480xf32, #tpu.memory_space<vmem>>, vector<16xf32>,
          %add3A_309 = arith.constant 64 : i32
          %add3A_310 = arith.addi %add3A_293, %add3A_309 : i32
          %swap3A_311 = arith.index_cast %add3A_310 : i32 to index
          %swap3A_312 = tpu.vector_load %arg8[%swap3A_311] {strides = array<i32>} : memref<20480xf32, #tpu.memory_space<vmem>>, vector<16xf32>,
          tpu.vector_store %arg8[%swap3A_311], %broadcast_in_dim3A_3 {strides = array<i32>} : memref<20480xf32, #tpu.memory_space<vmem>>, vector<16xf32>,
          %add3A_313 = arith.constant 80 : i32
          %add3A_314 = arith.addi %add3A_293, %add3A_313 : i32
          %swap3A_315 = arith.index_cast %add3A_314 : i32 to index
          %swap3A_316 = tpu.vector_load %arg8[%swap3A_315] {strides = array<i32>} : memref<20480xf32, #tpu.memory_space<vmem>>, vector<16xf32>,
          tpu.vector_store %arg8[%swap3A_315], %broadcast_in_dim3A_3 {strides = array<i32>} : memref<20480xf32, #tpu.memory_space<vmem>>, vector<16xf32>,
          %add3A_317 = arith.constant 96 : i32
          %add3A_318 = arith.addi %add3A_293, %add3A_317 : i32
          %swap3A_319 = arith.index_cast %add3A_318 : i32 to index
          %swap3A_320 = tpu.vector_load %arg8[%swap3A_319] {strides = array<i32>} : memref<20480xf32, #tpu.memory_space<vmem>>, vector<16xf32>,
          tpu.vector_store %arg8[%swap3A_319], %broadcast_in_dim3A_3 {strides = array<i32>} : memref<20480xf32, #tpu.memory_space<vmem>>, vector<16xf32>,
          %add3A_321 = arith.constant 112 : i32
          %add3A_322 = arith.addi %add3A_293, %add3A_321 : i32
          %swap3A_323 = arith.index_cast %add3A_322 : i32 to index
          %swap3A_324 = tpu.vector_load %arg8[%swap3A_323] {strides = array<i32>} : memref<20480xf32, #tpu.memory_space<vmem>>, vector<16xf32>,
          tpu.vector_store %arg8[%swap3A_323], %broadcast_in_dim3A_3 {strides = array<i32>} : memref<20480xf32, #tpu.memory_space<vmem>>, vector<16xf32>,
        } else {
        }
        %slice3A_264 = vector.extract_strided_slice %get3A_180 {offsets = [12], sizes = [1], strides = [1]} : vector<16xi32> to vector<1xi32>
        %squeeze3A_265 = vector.extract %slice3A_264[0] : i32 from vector<1xi32>
        %eq3A_266 = arith.constant 0 : i32
        %eq3A_267 = arith.cmpi eq, %squeeze3A_265, %eq3A_266 : i32
        %convert_element_type3A_268 = arith.extui %eq3A_267 : i1 to i32
        %cond3A_269 = arith.constant 0 : i32
        %cond3A_270 = arith.cmpi ne, %convert_element_type3A_268, %cond3A_269 : i32
        scf.if %cond3A_270 {
          %add3A_292 = arith.constant 1536 : i32
          %add3A_293 = arith.addi %mul3A_182, %add3A_292 : i32
          %add3A_294 = arith.constant 0 : i32
          %add3A_295 = arith.addi %add3A_293, %add3A_294 : i32
          %swap3A = arith.index_cast %add3A_295 : i32 to index
          %swap3A_296 = tpu.vector_load %arg8[%swap3A] {strides = array<i32>} : memref<20480xf32, #tpu.memory_space<vmem>>, vector<16xf32>,
          tpu.vector_store %arg8[%swap3A], %broadcast_in_dim3A_3 {strides = array<i32>} : memref<20480xf32, #tpu.memory_space<vmem>>, vector<16xf32>,
          %add3A_297 = arith.constant 16 : i32
          %add3A_298 = arith.addi %add3A_293, %add3A_297 : i32
          %swap3A_299 = arith.index_cast %add3A_298 : i32 to index
          %swap3A_300 = tpu.vector_load %arg8[%swap3A_299] {strides = array<i32>} : memref<20480xf32, #tpu.memory_space<vmem>>, vector<16xf32>,
          tpu.vector_store %arg8[%swap3A_299], %broadcast_in_dim3A_3 {strides = array<i32>} : memref<20480xf32, #tpu.memory_space<vmem>>, vector<16xf32>,
          %add3A_301 = arith.constant 32 : i32
          %add3A_302 = arith.addi %add3A_293, %add3A_301 : i32
          %swap3A_303 = arith.index_cast %add3A_302 : i32 to index
          %swap3A_304 = tpu.vector_load %arg8[%swap3A_303] {strides = array<i32>} : memref<20480xf32, #tpu.memory_space<vmem>>, vector<16xf32>,
          tpu.vector_store %arg8[%swap3A_303], %broadcast_in_dim3A_3 {strides = array<i32>} : memref<20480xf32, #tpu.memory_space<vmem>>, vector<16xf32>,
          %add3A_305 = arith.constant 48 : i32
          %add3A_306 = arith.addi %add3A_293, %add3A_305 : i32
          %swap3A_307 = arith.index_cast %add3A_306 : i32 to index
          %swap3A_308 = tpu.vector_load %arg8[%swap3A_307] {strides = array<i32>} : memref<20480xf32, #tpu.memory_space<vmem>>, vector<16xf32>,
          tpu.vector_store %arg8[%swap3A_307], %broadcast_in_dim3A_3 {strides = array<i32>} : memref<20480xf32, #tpu.memory_space<vmem>>, vector<16xf32>,
          %add3A_309 = arith.constant 64 : i32
          %add3A_310 = arith.addi %add3A_293, %add3A_309 : i32
          %swap3A_311 = arith.index_cast %add3A_310 : i32 to index
          %swap3A_312 = tpu.vector_load %arg8[%swap3A_311] {strides = array<i32>} : memref<20480xf32, #tpu.memory_space<vmem>>, vector<16xf32>,
          tpu.vector_store %arg8[%swap3A_311], %broadcast_in_dim3A_3 {strides = array<i32>} : memref<20480xf32, #tpu.memory_space<vmem>>, vector<16xf32>,
          %add3A_313 = arith.constant 80 : i32
          %add3A_314 = arith.addi %add3A_293, %add3A_313 : i32
          %swap3A_315 = arith.index_cast %add3A_314 : i32 to index
          %swap3A_316 = tpu.vector_load %arg8[%swap3A_315] {strides = array<i32>} : memref<20480xf32, #tpu.memory_space<vmem>>, vector<16xf32>,
          tpu.vector_store %arg8[%swap3A_315], %broadcast_in_dim3A_3 {strides = array<i32>} : memref<20480xf32, #tpu.memory_space<vmem>>, vector<16xf32>,
          %add3A_317 = arith.constant 96 : i32
          %add3A_318 = arith.addi %add3A_293, %add3A_317 : i32
          %swap3A_319 = arith.index_cast %add3A_318 : i32 to index
          %swap3A_320 = tpu.vector_load %arg8[%swap3A_319] {strides = array<i32>} : memref<20480xf32, #tpu.memory_space<vmem>>, vector<16xf32>,
          tpu.vector_store %arg8[%swap3A_319], %broadcast_in_dim3A_3 {strides = array<i32>} : memref<20480xf32, #tpu.memory_space<vmem>>, vector<16xf32>,
          %add3A_321 = arith.constant 112 : i32
          %add3A_322 = arith.addi %add3A_293, %add3A_321 : i32
          %swap3A_323 = arith.index_cast %add3A_322 : i32 to index
          %swap3A_324 = tpu.vector_load %arg8[%swap3A_323] {strides = array<i32>} : memref<20480xf32, #tpu.memory_space<vmem>>, vector<16xf32>,
          tpu.vector_store %arg8[%swap3A_323], %broadcast_in_dim3A_3 {strides = array<i32>} : memref<20480xf32, #tpu.memory_space<vmem>>, vector<16xf32>,
        } else {
        }
        %slice3A_271 = vector.extract_strided_slice %get3A_180 {offsets = [13], sizes = [1], strides = [1]} : vector<16xi32> to vector<1xi32>
        %squeeze3A_272 = vector.extract %slice3A_271[0] : i32 from vector<1xi32>
        %eq3A_273 = arith.constant 0 : i32
        %eq3A_274 = arith.cmpi eq, %squeeze3A_272, %eq3A_273 : i32
        %convert_element_type3A_275 = arith.extui %eq3A_274 : i1 to i32
        %cond3A_276 = arith.constant 0 : i32
        %cond3A_277 = arith.cmpi ne, %convert_element_type3A_275, %cond3A_276 : i32
        scf.if %cond3A_277 {
          %add3A_292 = arith.constant 1664 : i32
          %add3A_293 = arith.addi %mul3A_182, %add3A_292 : i32
          %add3A_294 = arith.constant 0 : i32
          %add3A_295 = arith.addi %add3A_293, %add3A_294 : i32
          %swap3A = arith.index_cast %add3A_295 : i32 to index
          %swap3A_296 = tpu.vector_load %arg8[%swap3A] {strides = array<i32>} : memref<20480xf32, #tpu.memory_space<vmem>>, vector<16xf32>,
          tpu.vector_store %arg8[%swap3A], %broadcast_in_dim3A_3 {strides = array<i32>} : memref<20480xf32, #tpu.memory_space<vmem>>, vector<16xf32>,
          %add3A_297 = arith.constant 16 : i32
          %add3A_298 = arith.addi %add3A_293, %add3A_297 : i32
          %swap3A_299 = arith.index_cast %add3A_298 : i32 to index
          %swap3A_300 = tpu.vector_load %arg8[%swap3A_299] {strides = array<i32>} : memref<20480xf32, #tpu.memory_space<vmem>>, vector<16xf32>,
          tpu.vector_store %arg8[%swap3A_299], %broadcast_in_dim3A_3 {strides = array<i32>} : memref<20480xf32, #tpu.memory_space<vmem>>, vector<16xf32>,
          %add3A_301 = arith.constant 32 : i32
          %add3A_302 = arith.addi %add3A_293, %add3A_301 : i32
          %swap3A_303 = arith.index_cast %add3A_302 : i32 to index
          %swap3A_304 = tpu.vector_load %arg8[%swap3A_303] {strides = array<i32>} : memref<20480xf32, #tpu.memory_space<vmem>>, vector<16xf32>,
          tpu.vector_store %arg8[%swap3A_303], %broadcast_in_dim3A_3 {strides = array<i32>} : memref<20480xf32, #tpu.memory_space<vmem>>, vector<16xf32>,
          %add3A_305 = arith.constant 48 : i32
          %add3A_306 = arith.addi %add3A_293, %add3A_305 : i32
          %swap3A_307 = arith.index_cast %add3A_306 : i32 to index
          %swap3A_308 = tpu.vector_load %arg8[%swap3A_307] {strides = array<i32>} : memref<20480xf32, #tpu.memory_space<vmem>>, vector<16xf32>,
          tpu.vector_store %arg8[%swap3A_307], %broadcast_in_dim3A_3 {strides = array<i32>} : memref<20480xf32, #tpu.memory_space<vmem>>, vector<16xf32>,
          %add3A_309 = arith.constant 64 : i32
          %add3A_310 = arith.addi %add3A_293, %add3A_309 : i32
          %swap3A_311 = arith.index_cast %add3A_310 : i32 to index
          %swap3A_312 = tpu.vector_load %arg8[%swap3A_311] {strides = array<i32>} : memref<20480xf32, #tpu.memory_space<vmem>>, vector<16xf32>,
          tpu.vector_store %arg8[%swap3A_311], %broadcast_in_dim3A_3 {strides = array<i32>} : memref<20480xf32, #tpu.memory_space<vmem>>, vector<16xf32>,
          %add3A_313 = arith.constant 80 : i32
          %add3A_314 = arith.addi %add3A_293, %add3A_313 : i32
          %swap3A_315 = arith.index_cast %add3A_314 : i32 to index
          %swap3A_316 = tpu.vector_load %arg8[%swap3A_315] {strides = array<i32>} : memref<20480xf32, #tpu.memory_space<vmem>>, vector<16xf32>,
          tpu.vector_store %arg8[%swap3A_315], %broadcast_in_dim3A_3 {strides = array<i32>} : memref<20480xf32, #tpu.memory_space<vmem>>, vector<16xf32>,
          %add3A_317 = arith.constant 96 : i32
          %add3A_318 = arith.addi %add3A_293, %add3A_317 : i32
          %swap3A_319 = arith.index_cast %add3A_318 : i32 to index
          %swap3A_320 = tpu.vector_load %arg8[%swap3A_319] {strides = array<i32>} : memref<20480xf32, #tpu.memory_space<vmem>>, vector<16xf32>,
          tpu.vector_store %arg8[%swap3A_319], %broadcast_in_dim3A_3 {strides = array<i32>} : memref<20480xf32, #tpu.memory_space<vmem>>, vector<16xf32>,
          %add3A_321 = arith.constant 112 : i32
          %add3A_322 = arith.addi %add3A_293, %add3A_321 : i32
          %swap3A_323 = arith.index_cast %add3A_322 : i32 to index
          %swap3A_324 = tpu.vector_load %arg8[%swap3A_323] {strides = array<i32>} : memref<20480xf32, #tpu.memory_space<vmem>>, vector<16xf32>,
          tpu.vector_store %arg8[%swap3A_323], %broadcast_in_dim3A_3 {strides = array<i32>} : memref<20480xf32, #tpu.memory_space<vmem>>, vector<16xf32>,
        } else {
        }
        %slice3A_278 = vector.extract_strided_slice %get3A_180 {offsets = [14], sizes = [1], strides = [1]} : vector<16xi32> to vector<1xi32>
        %squeeze3A_279 = vector.extract %slice3A_278[0] : i32 from vector<1xi32>
        %eq3A_280 = arith.constant 0 : i32
        %eq3A_281 = arith.cmpi eq, %squeeze3A_279, %eq3A_280 : i32
        %convert_element_type3A_282 = arith.extui %eq3A_281 : i1 to i32
        %cond3A_283 = arith.constant 0 : i32
        %cond3A_284 = arith.cmpi ne, %convert_element_type3A_282, %cond3A_283 : i32
        scf.if %cond3A_284 {
          %add3A_292 = arith.constant 1792 : i32
          %add3A_293 = arith.addi %mul3A_182, %add3A_292 : i32
          %add3A_294 = arith.constant 0 : i32
          %add3A_295 = arith.addi %add3A_293, %add3A_294 : i32
          %swap3A = arith.index_cast %add3A_295 : i32 to index
          %swap3A_296 = tpu.vector_load %arg8[%swap3A] {strides = array<i32>} : memref<20480xf32, #tpu.memory_space<vmem>>, vector<16xf32>,
          tpu.vector_store %arg8[%swap3A], %broadcast_in_dim3A_3 {strides = array<i32>} : memref<20480xf32, #tpu.memory_space<vmem>>, vector<16xf32>,
          %add3A_297 = arith.constant 16 : i32
          %add3A_298 = arith.addi %add3A_293, %add3A_297 : i32
          %swap3A_299 = arith.index_cast %add3A_298 : i32 to index
          %swap3A_300 = tpu.vector_load %arg8[%swap3A_299] {strides = array<i32>} : memref<20480xf32, #tpu.memory_space<vmem>>, vector<16xf32>,
          tpu.vector_store %arg8[%swap3A_299], %broadcast_in_dim3A_3 {strides = array<i32>} : memref<20480xf32, #tpu.memory_space<vmem>>, vector<16xf32>,
          %add3A_301 = arith.constant 32 : i32
          %add3A_302 = arith.addi %add3A_293, %add3A_301 : i32
          %swap3A_303 = arith.index_cast %add3A_302 : i32 to index
          %swap3A_304 = tpu.vector_load %arg8[%swap3A_303] {strides = array<i32>} : memref<20480xf32, #tpu.memory_space<vmem>>, vector<16xf32>,
          tpu.vector_store %arg8[%swap3A_303], %broadcast_in_dim3A_3 {strides = array<i32>} : memref<20480xf32, #tpu.memory_space<vmem>>, vector<16xf32>,
          %add3A_305 = arith.constant 48 : i32
          %add3A_306 = arith.addi %add3A_293, %add3A_305 : i32
          %swap3A_307 = arith.index_cast %add3A_306 : i32 to index
          %swap3A_308 = tpu.vector_load %arg8[%swap3A_307] {strides = array<i32>} : memref<20480xf32, #tpu.memory_space<vmem>>, vector<16xf32>,
          tpu.vector_store %arg8[%swap3A_307], %broadcast_in_dim3A_3 {strides = array<i32>} : memref<20480xf32, #tpu.memory_space<vmem>>, vector<16xf32>,
          %add3A_309 = arith.constant 64 : i32
          %add3A_310 = arith.addi %add3A_293, %add3A_309 : i32
          %swap3A_311 = arith.index_cast %add3A_310 : i32 to index
          %swap3A_312 = tpu.vector_load %arg8[%swap3A_311] {strides = array<i32>} : memref<20480xf32, #tpu.memory_space<vmem>>, vector<16xf32>,
          tpu.vector_store %arg8[%swap3A_311], %broadcast_in_dim3A_3 {strides = array<i32>} : memref<20480xf32, #tpu.memory_space<vmem>>, vector<16xf32>,
          %add3A_313 = arith.constant 80 : i32
          %add3A_314 = arith.addi %add3A_293, %add3A_313 : i32
          %swap3A_315 = arith.index_cast %add3A_314 : i32 to index
          %swap3A_316 = tpu.vector_load %arg8[%swap3A_315] {strides = array<i32>} : memref<20480xf32, #tpu.memory_space<vmem>>, vector<16xf32>,
          tpu.vector_store %arg8[%swap3A_315], %broadcast_in_dim3A_3 {strides = array<i32>} : memref<20480xf32, #tpu.memory_space<vmem>>, vector<16xf32>,
          %add3A_317 = arith.constant 96 : i32
          %add3A_318 = arith.addi %add3A_293, %add3A_317 : i32
          %swap3A_319 = arith.index_cast %add3A_318 : i32 to index
          %swap3A_320 = tpu.vector_load %arg8[%swap3A_319] {strides = array<i32>} : memref<20480xf32, #tpu.memory_space<vmem>>, vector<16xf32>,
          tpu.vector_store %arg8[%swap3A_319], %broadcast_in_dim3A_3 {strides = array<i32>} : memref<20480xf32, #tpu.memory_space<vmem>>, vector<16xf32>,
          %add3A_321 = arith.constant 112 : i32
          %add3A_322 = arith.addi %add3A_293, %add3A_321 : i32
          %swap3A_323 = arith.index_cast %add3A_322 : i32 to index
          %swap3A_324 = tpu.vector_load %arg8[%swap3A_323] {strides = array<i32>} : memref<20480xf32, #tpu.memory_space<vmem>>, vector<16xf32>,
          tpu.vector_store %arg8[%swap3A_323], %broadcast_in_dim3A_3 {strides = array<i32>} : memref<20480xf32, #tpu.memory_space<vmem>>, vector<16xf32>,
        } else {
        }
        %slice3A_285 = vector.extract_strided_slice %get3A_180 {offsets = [15], sizes = [1], strides = [1]} : vector<16xi32> to vector<1xi32>
        %squeeze3A_286 = vector.extract %slice3A_285[0] : i32 from vector<1xi32>
        %eq3A_287 = arith.constant 0 : i32
        %eq3A_288 = arith.cmpi eq, %squeeze3A_286, %eq3A_287 : i32
        %convert_element_type3A_289 = arith.extui %eq3A_288 : i1 to i32
        %cond3A_290 = arith.constant 0 : i32
        %cond3A_291 = arith.cmpi ne, %convert_element_type3A_289, %cond3A_290 : i32
        scf.if %cond3A_291 {
          %add3A_292 = arith.constant 1920 : i32
          %add3A_293 = arith.addi %mul3A_182, %add3A_292 : i32
          %add3A_294 = arith.constant 0 : i32
          %add3A_295 = arith.addi %add3A_293, %add3A_294 : i32
          %swap3A = arith.index_cast %add3A_295 : i32 to index
          %swap3A_296 = tpu.vector_load %arg8[%swap3A] {strides = array<i32>} : memref<20480xf32, #tpu.memory_space<vmem>>, vector<16xf32>,
          tpu.vector_store %arg8[%swap3A], %broadcast_in_dim3A_3 {strides = array<i32>} : memref<20480xf32, #tpu.memory_space<vmem>>, vector<16xf32>,
          %add3A_297 = arith.constant 16 : i32
          %add3A_298 = arith.addi %add3A_293, %add3A_297 : i32
          %swap3A_299 = arith.index_cast %add3A_298 : i32 to index
          %swap3A_300 = tpu.vector_load %arg8[%swap3A_299] {strides = array<i32>} : memref<20480xf32, #tpu.memory_space<vmem>>, vector<16xf32>,
          tpu.vector_store %arg8[%swap3A_299], %broadcast_in_dim3A_3 {strides = array<i32>} : memref<20480xf32, #tpu.memory_space<vmem>>, vector<16xf32>,
          %add3A_301 = arith.constant 32 : i32
          %add3A_302 = arith.addi %add3A_293, %add3A_301 : i32
          %swap3A_303 = arith.index_cast %add3A_302 : i32 to index
          %swap3A_304 = tpu.vector_load %arg8[%swap3A_303] {strides = array<i32>} : memref<20480xf32, #tpu.memory_space<vmem>>, vector<16xf32>,
          tpu.vector_store %arg8[%swap3A_303], %broadcast_in_dim3A_3 {strides = array<i32>} : memref<20480xf32, #tpu.memory_space<vmem>>, vector<16xf32>,
          %add3A_305 = arith.constant 48 : i32
          %add3A_306 = arith.addi %add3A_293, %add3A_305 : i32
          %swap3A_307 = arith.index_cast %add3A_306 : i32 to index
          %swap3A_308 = tpu.vector_load %arg8[%swap3A_307] {strides = array<i32>} : memref<20480xf32, #tpu.memory_space<vmem>>, vector<16xf32>,
          tpu.vector_store %arg8[%swap3A_307], %broadcast_in_dim3A_3 {strides = array<i32>} : memref<20480xf32, #tpu.memory_space<vmem>>, vector<16xf32>,
          %add3A_309 = arith.constant 64 : i32
          %add3A_310 = arith.addi %add3A_293, %add3A_309 : i32
          %swap3A_311 = arith.index_cast %add3A_310 : i32 to index
          %swap3A_312 = tpu.vector_load %arg8[%swap3A_311] {strides = array<i32>} : memref<20480xf32, #tpu.memory_space<vmem>>, vector<16xf32>,
          tpu.vector_store %arg8[%swap3A_311], %broadcast_in_dim3A_3 {strides = array<i32>} : memref<20480xf32, #tpu.memory_space<vmem>>, vector<16xf32>,
          %add3A_313 = arith.constant 80 : i32
          %add3A_314 = arith.addi %add3A_293, %add3A_313 : i32
          %swap3A_315 = arith.index_cast %add3A_314 : i32 to index
          %swap3A_316 = tpu.vector_load %arg8[%swap3A_315] {strides = array<i32>} : memref<20480xf32, #tpu.memory_space<vmem>>, vector<16xf32>,
          tpu.vector_store %arg8[%swap3A_315], %broadcast_in_dim3A_3 {strides = array<i32>} : memref<20480xf32, #tpu.memory_space<vmem>>, vector<16xf32>,
          %add3A_317 = arith.constant 96 : i32
          %add3A_318 = arith.addi %add3A_293, %add3A_317 : i32
          %swap3A_319 = arith.index_cast %add3A_318 : i32 to index
          %swap3A_320 = tpu.vector_load %arg8[%swap3A_319] {strides = array<i32>} : memref<20480xf32, #tpu.memory_space<vmem>>, vector<16xf32>,
          tpu.vector_store %arg8[%swap3A_319], %broadcast_in_dim3A_3 {strides = array<i32>} : memref<20480xf32, #tpu.memory_space<vmem>>, vector<16xf32>,
          %add3A_321 = arith.constant 112 : i32
          %add3A_322 = arith.addi %add3A_293, %add3A_321 : i32
          %swap3A_323 = arith.index_cast %add3A_322 : i32 to index
          %swap3A_324 = tpu.vector_load %arg8[%swap3A_323] {strides = array<i32>} : memref<20480xf32, #tpu.memory_space<vmem>>, vector<16xf32>,
          tpu.vector_store %arg8[%swap3A_323], %broadcast_in_dim3A_3 {strides = array<i32>} : memref<20480xf32, #tpu.memory_space<vmem>>, vector<16xf32>,
        } else {
        }
      }
      %scan3A_162 = arith.constant 10 : i32
      %mul3A_163 = arith.constant 160 : i32
      %mul3A_164 = arith.muli %add3A_147, %mul3A_163 : i32
      %add3A_165 = arith.addi %mul3A_2, %mul3A_164 : i32
      %mul3A_166 = arith.constant 128 : i32
      %mul3A_167 = arith.muli %add3A_165, %mul3A_166 : i32
      %dma_start3A_168 = tpu.memref_slice %arg4[%mul3A_167] : memref<26214400xf32, #tpu.memory_space<hbm>> -> memref<20480xf32, #tpu.memory_space<hbm>>
      %dma_start3A_169 = tpu.memref_slice %arg4[%mul3A_167] : memref<26214400xf32, #tpu.memory_space<hbm>> -> memref<20480xf32, #tpu.memory_space<hbm>>
      tpu.enqueue_dma source(%arg8 : memref<20480xf32, #tpu.memory_space<vmem>>) target(%dma_start3A_169 : memref<20480xf32, #tpu.memory_space<hbm>>) target_semaphore(%arg20 : memref<!tpu.dma_semaphore, #tpu.memory_space<semaphore_mem>>)
      %add3A_170 = arith.constant 2 : i32
      %add3A_171 = arith.addi %add3A_147, %add3A_170 : i32
      %lt3A_172 = arith.constant 40 : i32
      %lt3A_173 = arith.cmpi slt, %add3A_171, %lt3A_172 : i32
      %convert_element_type3A_174 = arith.extui %lt3A_173 : i1 to i32
      %cond3A_175 = arith.constant 0 : i32
      %cond3A_176 = arith.cmpi ne, %convert_element_type3A_174, %cond3A_175 : i32
      scf.if %cond3A_176 {
        %ge3A = arith.constant 2 : i32
        %ge3A_177 = arith.cmpi sge, %add3A_147, %ge3A : i32
        %convert_element_type3A_178 = arith.extui %ge3A_177 : i1 to i32
        %cond3A_179 = arith.constant 0 : i32
        %cond3A_180 = arith.cmpi ne, %convert_element_type3A_178, %cond3A_179 : i32
        scf.if %cond3A_180 {
          %sub3A = arith.constant 2 : i32
          %sub3A_192 = arith.subi %add3A_147, %sub3A : i32
          %mul3A_193 = arith.constant 160 : i32
          %mul3A_194 = arith.muli %sub3A_192, %mul3A_193 : i32
          %add3A_195 = arith.addi %mul3A_2, %mul3A_194 : i32
          %mul3A_196 = arith.constant 128 : i32
          %mul3A_197 = arith.muli %add3A_195, %mul3A_196 : i32
          %dma_wait3A_198 = tpu.memref_slice %arg4[%mul3A_197] : memref<26214400xf32, #tpu.memory_space<hbm>> -> memref<20480xf32, #tpu.memory_space<hbm>>
          %dma_wait3A_199 = tpu.memref_slice %arg4[%mul3A_197] : memref<26214400xf32, #tpu.memory_space<hbm>> -> memref<20480xf32, #tpu.memory_space<hbm>>
          tpu.wait_dma2 semaphore(%arg18 : memref<!tpu.dma_semaphore, #tpu.memory_space<semaphore_mem>>) src(%arg6 : memref<20480xf32, #tpu.memory_space<vmem>>) dst(%dma_wait3A_199 : memref<20480xf32, #tpu.memory_space<hbm>>)
        } else {
        }
        %add3A_181 = arith.constant 2 : i32
        %add3A_182 = arith.addi %add3A_147, %add3A_181 : i32
        %mul3A_183 = arith.constant 160 : i32
        %mul3A_184 = arith.muli %add3A_182, %mul3A_183 : i32
        %add3A_185 = arith.addi %mul3A_2, %mul3A_184 : i32
        %mul3A_186 = arith.constant 128 : i32
        %mul3A_187 = arith.muli %add3A_185, %mul3A_186 : i32
        %dma_start3A_188 = tpu.memref_slice %arg2[%mul3A_187] : memref<26214400xf32, #tpu.memory_space<hbm>> -> memref<20480xf32, #tpu.memory_space<hbm>>
        %dma_start3A_189 = tpu.memref_slice %arg2[%mul3A_187] : memref<26214400xf32, #tpu.memory_space<hbm>> -> memref<20480xf32, #tpu.memory_space<hbm>>
        tpu.enqueue_dma source(%dma_start3A_189 : memref<20480xf32, #tpu.memory_space<hbm>>) target(%arg6 : memref<20480xf32, #tpu.memory_space<vmem>>) target_semaphore(%arg14 : memref<!tpu.dma_semaphore, #tpu.memory_space<semaphore_mem>>)
        %dma_start3A_190 = tpu.memref_slice %arg3[%add3A_185] : memref<204800xi32, #tpu.memory_space<hbm>> -> memref<160xi32, #tpu.memory_space<hbm>>
        %dma_start3A_191 = tpu.memref_slice %arg3[%add3A_185] : memref<204800xi32, #tpu.memory_space<hbm>> -> memref<160xi32, #tpu.memory_space<hbm>>
        tpu.enqueue_dma source(%dma_start3A_191 : memref<160xi32, #tpu.memory_space<hbm>>) target(%arg10 : memref<160xi32, #tpu.memory_space<vmem>>) target_semaphore(%arg14 : memref<!tpu.dma_semaphore, #tpu.memory_space<semaphore_mem>>)
      } else {
      }
    }
    %scan3A_23 = arith.constant 10 : i32
    %add3A_24 = arith.constant 5760 : i32
    %add3A_25 = arith.addi %mul3A_2, %add3A_24 : i32
    %mul3A_26 = arith.constant 128 : i32
    %mul3A_27 = arith.muli %add3A_25, %mul3A_26 : i32
    %dma_wait3A = tpu.memref_slice %arg4[%mul3A_27] : memref<26214400xf32, #tpu.memory_space<hbm>> -> memref<20480xf32, #tpu.memory_space<hbm>>
    %dma_wait3A_28 = tpu.memref_slice %arg4[%mul3A_27] : memref<26214400xf32, #tpu.memory_space<hbm>> -> memref<20480xf32, #tpu.memory_space<hbm>>
    tpu.wait_dma2 semaphore(%arg17 : memref<!tpu.dma_semaphore, #tpu.memory_space<semaphore_mem>>) src(%arg5 : memref<20480xf32, #tpu.memory_space<vmem>>) dst(%dma_wait3A_28 : memref<20480xf32, #tpu.memory_space<hbm>>)
    %add3A_29 = arith.constant 5920 : i32
    %add3A_30 = arith.addi %mul3A_2, %add3A_29 : i32
    %mul3A_31 = arith.constant 128 : i32
    %mul3A_32 = arith.muli %add3A_30, %mul3A_31 : i32
    %dma_wait3A_33 = tpu.memref_slice %arg4[%mul3A_32] : memref<26214400xf32, #tpu.memory_space<hbm>> -> memref<20480xf32, #tpu.memory_space<hbm>>
    %dma_wait3A_34 = tpu.memref_slice %arg4[%mul3A_32] : memref<26214400xf32, #tpu.memory_space<hbm>> -> memref<20480xf32, #tpu.memory_space<hbm>>
    tpu.wait_dma2 semaphore(%arg18 : memref<!tpu.dma_semaphore, #tpu.memory_space<semaphore_mem>>) src(%arg6 : memref<20480xf32, #tpu.memory_space<vmem>>) dst(%dma_wait3A_34 : memref<20480xf32, #tpu.memory_space<hbm>>)
    %add3A_35 = arith.constant 6080 : i32
    %add3A_36 = arith.addi %mul3A_2, %add3A_35 : i32
    %mul3A_37 = arith.constant 128 : i32
    %mul3A_38 = arith.muli %add3A_36, %mul3A_37 : i32
    %dma_wait3A_39 = tpu.memref_slice %arg4[%mul3A_38] : memref<26214400xf32, #tpu.memory_space<hbm>> -> memref<20480xf32, #tpu.memory_space<hbm>>
    %dma_wait3A_40 = tpu.memref_slice %arg4[%mul3A_38] : memref<26214400xf32, #tpu.memory_space<hbm>> -> memref<20480xf32, #tpu.memory_space<hbm>>
    tpu.wait_dma2 semaphore(%arg19 : memref<!tpu.dma_semaphore, #tpu.memory_space<semaphore_mem>>) src(%arg7 : memref<20480xf32, #tpu.memory_space<vmem>>) dst(%dma_wait3A_40 : memref<20480xf32, #tpu.memory_space<hbm>>)
    %add3A_41 = arith.constant 6240 : i32
    %add3A_42 = arith.addi %mul3A_2, %add3A_41 : i32
    %mul3A_43 = arith.constant 128 : i32
    %mul3A_44 = arith.muli %add3A_42, %mul3A_43 : i32
    %dma_wait3A_45 = tpu.memref_slice %arg4[%mul3A_44] : memref<26214400xf32, #tpu.memory_space<hbm>> -> memref<20480xf32, #tpu.memory_space<hbm>>
    %dma_wait3A_46 = tpu.memref_slice %arg4[%mul3A_44] : memref<26214400xf32, #tpu.memory_space<hbm>> -> memref<20480xf32, #tpu.memory_space<hbm>>
    tpu.wait_dma2 semaphore(%arg20 : memref<!tpu.dma_semaphore, #tpu.memory_space<semaphore_mem>>) src(%arg8 : memref<20480xf32, #tpu.memory_space<vmem>>) dst(%dma_wait3A_46 : memref<20480xf32, #tpu.memory_space<hbm>>)
    return
  }
}

</mosaic_0001>

<sc_bundles>
// kernel: kernel.3.cloned.1.call-start
scs
__scs_entry_jumppad:
0x0: {  	(pc) =	sbr.rel $0x88, $3  }
0x1: {  	(tag) =	ssettag $0x0;
	lr =	simm.s32 $0x1  }
0x2: {  	[smem:$0x3F9F] =	sst lr;
	_ =	strace $0xD0000000  }
0x3: {  	_ = 	snop  }
0x4: {  	_ = 	snop  }
0x5: {  	_ = 	snop  }
0x6: {  	_ = 	snop  }
0x7: {  	_ = 	snop  }
__scs_overlays_trampoline_lowered:
0x8: {  	[smem:$0x3FAE] =	sst s0  }
0x9: {  	[smem:$0x3FAF] =	sst s1  }
0xa: {  	[smem:$0x3FB0] =	sst s2  }
0xb: {  	[smem:$0x3FB1] =	sst s3  }
0xc: {  	[smem:$0x3FB2] =	sst s4  }
0xd: {  	[smem:$0x3FB3] =	sst s5  }
0xe: {  	[smem:$0x3FB4] =	sst s6  }
0xf: {  	[smem:$0x3FB5] =	sst s7  }
0x10: {  	[smem:$0x3FB6] =	sst s8  }
0x11: {  	[smem:$0x3FB7] =	sst s9;
	s0 =	simm.s32 @!p0 $0x0  }
0x12: {  	s1 =	sld [smem:$0x3F9D];
	s0 =	simm.s32 @p0 $0x1  }
0x13: {  	[smem:$0x3FB8] =	sst s0;
	s0 =	simm.s32 @!p1 $0x0  }
0x14: {  	s2 =	sld [smem:$0x3F9C];
	s0 =	simm.s32 @p1 $0x1  }
0x15: {  	[smem:$0x3FB9] =	sst s0;
	s0 =	simm.s32 @!p2 $0x0  }
0x16: {  	s3 =	sld [smem:$0x3FDB];
	s0 =	simm.s32 @p2 $0x1  }
0x17: {  	s4 =	simm.s32 $0x1BF5;
	[smem:$0x3FBB] =	sst s0  }
0x18: {  	s0 =	sld [smem:$0x3F9E];
	_ =	swait.ge [sflag:s4], $0x0  }
0x19: {  	s7 =	sld [smem:$0x3F9F]  }
0x1a: {  	s8 =	sadd.s32 $0xFFFFE003, lr  }
0x1b: {  	s9 =	sadd.s32 $0xFFFFFEF7, lr;
	s5 =	simm.s32 $0xFFFFFFFF;
	p2 =	slt.u32 s8, $0xFFFFF086  }
0x1c: {  	p1 =	slt.u32 s9, $0xF7A;
	s5 =	simm.s32 @!p2 $0x0  }
0x1d: {  	s5 =	simm.s32 @p1 $0x1;
	p0 =	seq.s32 s7, s2  }
0x1e: {  	s7 =	smul.u32 @!p0 $0xF7A, s2;
	p2 =	seq.s32 @!p0 s5, $0x0  }
0x1f: {  	s9 =	smul.u32 $0xF7A, s1;
	s8 =	simm.s32 @!p0 $0x1BF5;
	p2 =	por !p2, p0  }
0x20: {  	[sflag:s8] =	ssyncset.s32 @!p0 $0xFFFFF086;
	s6 =	sadd.s32 @!p0 s3, s7;
	s7 =	simm.s32 @!p0 $0x108  }
0x21: {  	s3 =	sadd.s32 s3, s9;
	s6 =	sadd.s32 @!p0 $0x88, s6;
	s7 =	simm.s32 @p2 $0x1082  }
0x22: {  	[simem:s7], [sflag:s8] =	dma.local @!p0 [hbm:s6], $0xF7A  }
0x23: {  	s9 =	sor.u32 $0xD0000000, s2;
	s6 =	simm.s32 $0x108;
	_ =	swait.ge @!p0 [sflag:s8], $0x0  }
0x24: {  	s3 =	sadd.s32 $0x88, s3;
	s6 =	simm.s32 @!p1 $0x1082;
	[sflag:s4] =	ssyncset.s32 $0xFFFFF086  }
0x25: {  	[simem:s6], [sflag:s4] =	dma.local [hbm:s3], $0xF7A  }
0x26: {  	[smem:$0x3F9F] =	sst s1;
	(tag) =	ssettag s2;
	_ =	strace s9  }
0x27: {  	s1 =	sld [smem:$0x3FAF]  }
0x28: {  	s2 =	sld [smem:$0x3FB0]  }
0x29: {  	s4 =	sld [smem:$0x3FB2]  }
0x2a: {  	p0 =	seq.s32 s5, $0x0;
	s5 =	sld [smem:$0x3FB3]  }
0x2b: {  	s6 =	sld [smem:$0x3FB4]  }
0x2c: {  	s7 =	sld [smem:$0x3FB5]  }
0x2d: {  	s3 =	simm.s32 $0x108;
	s8 =	sld [smem:$0x3FB6]  }
0x2e: {  	s3 =	simm.s32 @!p0 $0x1082;
	s9 =	sld [smem:$0x3FB7]  }
0x2f: {  	lr =	sadd.s32 s0, s3;
	s0 =	sld [smem:$0x3FAE]  }
0x30: {  	s3 =	sld [smem:$0x3FB1]  }
0x31: {  	[smem:$0x3FBA] =	sst s10  }
0x32: {  	s10 =	sld [smem:$0x3FB8];
	_ =	sdelay $0x3  }
0x33: {  	p0 =	seq.s32 s10, $0x1;
	s10 =	sld [smem:$0x3FBA];
	_ =	sdelay $0x3  }
0x34: {  	[smem:$0x3FBA] =	sst s10  }
0x35: {  	s10 =	sld [smem:$0x3FB9];
	_ =	sdelay $0x3  }
0x36: {  	p1 =	seq.s32 s10, $0x1;
	s10 =	sld [smem:$0x3FBA];
	_ =	sdelay $0x3  }
0x37: {  	[smem:$0x3FBA] =	sst s10  }
0x38: {  	s10 =	sld [smem:$0x3FBB]  }
0x39: {  	_ = 	snop;
	(pc) =	sbr.ind lr, $3  }
0x3a: {  	_ = 	snop  }
0x3b: {  	_ = 	snop  }
0x3c: {  	p2 =	seq.s32 s10, $0x1;
	s10 =	sld [smem:$0x3FBA]  }
0x3d: {  	_ =	shalt  }
0x3e: {  	_ =	shalt  }
0x3f: {  	_ =	shalt  }
0x40: {  	_ =	shalt  }
0x41: {  	_ =	shalt  }
0x42: {  	_ =	shalt  }
0x43: {  	_ =	shalt  }
0x44: {  	_ =	shalt  }
0x45: {  	_ =	shalt  }
0x46: {  	_ =	shalt  }
0x47: {  	_ =	shalt  }
0x48: {  	_ =	shalt  }
0x49: {  	_ =	shalt  }
0x4a: {  	_ =	shalt  }
0x4b: {  	_ =	shalt  }
0x4c: {  	_ =	shalt  }
0x4d: {  	_ =	shalt  }
0x4e: {  	_ =	shalt  }
0x4f: {  	_ =	shalt  }
0x50: {  	_ =	shalt  }
0x51: {  	_ =	shalt  }
0x52: {  	_ =	shalt  }
0x53: {  	_ =	shalt  }
0x54: {  	_ =	shalt  }
0x55: {  	_ =	shalt  }
0x56: {  	_ =	shalt  }
0x57: {  	_ =	shalt  }
0x58: {  	_ =	shalt  }
0x59: {  	_ =	shalt  }
0x5a: {  	_ =	shalt  }
0x5b: {  	_ =	shalt  }
0x5c: {  	_ =	shalt  }
0x5d: {  	_ =	shalt  }
0x5e: {  	_ =	shalt  }
0x5f: {  	_ =	shalt  }
0x60: {  	_ =	shalt  }
0x61: {  	_ =	shalt  }
0x62: {  	_ =	shalt  }
0x63: {  	_ =	shalt  }
0x64: {  	_ =	shalt  }
0x65: {  	_ =	shalt  }
0x66: {  	_ =	shalt  }
0x67: {  	_ =	shalt  }
0x68: {  	_ =	shalt  }
0x69: {  	_ =	shalt  }
0x6a: {  	_ =	shalt  }
0x6b: {  	_ =	shalt  }
0x6c: {  	_ =	shalt  }
0x6d: {  	_ =	shalt  }
0x6e: {  	_ =	shalt  }
0x6f: {  	_ =	shalt  }
0x70: {  	_ =	shalt  }
0x71: {  	_ =	shalt  }
0x72: {  	_ =	shalt  }
0x73: {  	_ =	shalt  }
0x74: {  	_ =	shalt  }
0x75: {  	_ =	shalt  }
0x76: {  	_ =	shalt  }
0x77: {  	_ =	shalt  }
0x78: {  	_ =	shalt  }
0x79: {  	_ =	shalt  }
0x7a: {  	_ =	shalt  }
0x7b: {  	_ =	shalt  }
0x7c: {  	_ =	shalt  }
0x7d: {  	_ =	shalt  }
0x7e: {  	_ =	shalt  }
0x7f: {  	_ =	shalt  }
0x80: {  	_ =	shalt  }
0x81: {  	_ =	shalt  }
0x82: {  	_ =	shalt  }
0x83: {  	_ =	shalt  }
0x84: {  	_ =	shalt  }
0x85: {  	_ =	shalt  }
0x86: {  	_ =	shalt  }
0x87: {  	_ =	shalt  }
.Lfunc_end0:
.L_simem_size_0:
called_computation_lowered:
.L_overlay_start_0:
0x88: {  	s2 =	sld [smem:$0x3FD9]  }
0x89: {  	s3 =	sld [smem:$0x3FFE];
	_ =	sdelay $0x1  }
0x8a: {  	s1 =	srdreg.scid  }
0x8b: {  	s0 =	sand.u32 $0x1, s1  }
0x8c: {  	s17 =	sshll.u32 s0, $0xA;
	s2 =	sadd.s32 s3, s2  }
0x8d: {  	s2 =	sadd.s32 s2, s17  }
0x8e: {  	[smem:$0x3FC6] =	sst s2  }
0x8f: {  	_ = 	snop  }
0x90: {  	s2 =	sld [smem:$0x3FC9]  }
0x91: {  	s18 =	sld [smem:$0x3FD0];
	(tm) =	ssettm $0x1  }
0x92: {  	s4 =	sld [smem:$0x3FFB];
	_ =	sdelay $0x3  }
0x93: {  	_ =	strace s4  }
0x94: {  	s4 =	sld [smem:$0x3FFC];
	_ =	sdelay $0x3  }
0x95: {  	_ =	strace s4  }
0x96: {  	s4 =	sld [smem:$0x3FFD];
	_ =	sdelay $0x3  }
0x97: {  	_ =	strace s4  }
0x98: {  	_ =	strace $0x8FFFFFFF  }
0x99: {  	s19 =	sld [smem:$0x3FDB];
	_ =	sdelay $0x1  }
0x9a: {  	s5 =	simm.s32 $_scs_section_size  }
0x9b: {  	s6 =	simm.s32 $_size__tile_overlayer_lowered;
	s7 =	simm.s32 $_tile_overlayer_lowered  }
0x9c: {  	s22 =	simm.s32 $0x1BFF;
	s21 =	sshll.u32 s7, $0x1;
	s4 =	sadd.s32 s5, s19  }
0x9d: {  	s8 =	simm.s32 $0x0;
	s20 =	sshll.u32 s6, $0x1;
	s6 =	sadd.s32 s21, s4  }
0x9e: {  	[timem:s8], [sflag:s22] =	dma.local [hbm:s6], s20  }
0x9f: {  	_ =	swait.ge [sflag:s22], s20  }
0xa0: {  	s5 =	ssub.s32 $0x0, s20;
	[sflag:s22] =	ssyncset.done $0x0  }
0xa1: {  	[sflag:s22] =	ssyncadd.s32 s5;
	_ =	sdelay $0x1  }
0xa2: {  	s23 =	simm.s32 $0x1B8B  }
0xa3: {  	_ =	swait.ge [sflag:s23], $0x1  }
0xa4: {  	[sflag:s23] =	ssyncset.done $0x0  }
0xa5: {  	s25 =	simm.s32 $0x1B8E;
	s24 =	sld [smem:$0x3FFE];
	[sflag:s23] =	ssyncadd.s32 $0xFFFFFFFF  }
0xa6: {  	s26 =	simm.s32 $execute0_lowered;
	[smem:$0x3FD2] =	sst s25  }
0xa7: {  	s6 =	sshll.u32 s26, $0x1;
	_ =	strace $0x80000046;
	[dreg:$0x1] =	wrdreg $0xFFFFFFFF  }
0xa8: {  	s28 =	simm.s32 $_size_execute0_lowered;
	s4 =	sadd.s32 s4, s6;
	[dreg:$0x0] =	wrdreg $0x0  }
0xa9: {  	s6 =	sshll.u32 s28, $0x1;
	[dreg:$0x2] =	wrdreg s4  }
0xaa: {  	[dreg:$0x3] =	wrdreg s6  }
0xab: {  	[dreg:$0x4] =	wrdreg $0xC0  }
0xac: {  	_ =	task [dreg:s8], $0x5FFFF  }
0xad: {  	[dreg:$0x1] =	wrdreg $0xFFFFFFFF  }
0xae: {  	[dreg:$0x0] =	wrdreg $0x60  }
0xaf: {  	[dreg:$0x2] =	wrdreg s2  }
0xb0: {  	[dreg:$0x3] =	wrdreg s24  }
0xb1: {  	[dreg:$0x4] =	wrdreg s18  }
0xb2: {  	[dreg:$0x5] =	wrdreg $0x9  }
0xb3: {  	_ =	task.clear_ibuf [dreg:s8], $0x6FFFF;
	_ =	strace $0x90000046  }
0xb4: {  	s29 =	simm.s32 $0x9;
	_ =	strace $0x80000048  }
0xb5: {  	_ =	swait.ge [sflag:s29], $0x1  }
0xb6: {  	[sflag:s29] =	ssyncadd.s32 $0xFFFFFFFF  }
0xb7: {  	_ =	strace $0x90000048  }
0xb8: {  	_ =	sfence  }
0xb9: {  	s30 =	sld [smem:$0x0];
	_ =	sdelay $0x2  }
0xba: {  	s31 =	sshll.u32 s1, $0xD;
	s1 =	sshrl.u32 s1, $0x2  }
0xbb: {  	s3 =	sand.u32 $0x4000, s31;
	s1 =	sadd.s32 s1, s30  }
0xbc: {  	s0 =	sor.u32 s3, s0;
	s1 =	sshll.u32 s1, $0x11  }
0xbd: {  	s0 =	sor.u32 s1, s0  }
0xbe: {  	s0 =	sadd.s32 $0x8F2B, s0  }
0xbf: {  	[sflag:s0] =	ssyncadd.remote.s32 $0x1  }
0xc0: {  	_ =	sfence.sel $0xFFFF  }
0xc1: {  	[dreg:$0x0] =	wrdreg $0xFFFFFFFF;
	(pc) =	sbr.abs _section_cstart, $3  }
0xc2: {  	[dreg:$0x1] =	wrdreg $0xFFFFFFFF  }
0xc3: {  	_ =	task.clear_ibuf [dreg:s8], $0x2FFFF;
	_ =	strace $0x9FFFFFFF  }
0xc4: {  	(tm) =	ssettm $0x7FFFFFFF  }
0xc5: {  	_ =	shalt  }
tec
execute0_lowered:
.L_overlay_start_1:
0x0: {  	(tag) =	ssettag $0x1  }
0x1: {  	s1 =	rddreg [dreg:$0x0];
	s0 =	srdreg.scid  }
0x2: {  	s3 =	stileid.u32;
	s2 =	rddreg [dreg:$0x1];
	s18 =	simm.s32 $0x5000  }
0x3: {  	s19 =	simm.s32 $0x14100;
	s20 =	simm.s32 $0x1;
	s21 =	simm.s32 $0xA000  }
0x4: {  	s28 =	simm.s32 $0x4;
	s0 =	sand.u32 $0x1, s0;
	s4 =	sshll.u32 s3, $0x1  }
0x5: {  	s30 =	simm.s32 $0x6;
	s31 =	simm.s32 $0x7;
	s6 =	sor.u32 s0, s4  }
0x6: {  	s3 =	rddreg [dreg:$0x2];
	s4 =	simm.s32 $0x0;
	s5 =	smul.u32 $0x1900, s6  }
0x7: {  	s0 =	ssub.s32 $0x2, s0;
	[smem:$0x7FF] =	sst s4;
	s7 =	smul.u32 $0x19000, s6  }
0x8: {  	s6 =	sadd.s32 $0x400, s2;
	s22 =	sshrl.u32 s0, $0x1;
	_ =	strace $0x80000047  }
0x9: {  	s0 =	ssub.s32 s0, s22;
	s22 =	simm.s32 $0x14200;
	s23 =	sadd.s32 s1, s7  }
0xa: {  	s8 =	sor.u32 $0xA0, s5;
	s24 =	sshrl.u32 s5, $0x3;
	s12 =	sadd.s32 $0x140, s5  }
0xb: {  	s13 =	sadd.s32 $0x1E0, s5;
	s14 =	sadd.s32 $0x280, s5;
	s15 =	sadd.s32 $0x320, s5  }
0xc: {  	s0 =	smax.u32 s0, $0x1;
	[dreg:$0x4] =	wrdreg s23;
	s25 =	sshll.u32 s8, $0x4  }
.Ltmp0:
0xd: {  	s9 =	sshrl.u32 s8, $0x3;
	s2 =	sadd.s32 s6, s24;
	(pc) =	sbr.rel .LBB2_1-.Ltmp0, $4  }
0xe: {  	[dreg:$0x8] =	wrdreg s0;
	s23 =	simm.s32 $0x2;
	s24 =	simm.s32 $0xF000  }
0xf: {  	s0 =	simm.s32 $0x0;
	[dreg:$0x5] =	wrdreg s2;
	s26 =	sadd.s32 s1, s25  }
0x10: {  	s29 =	sadd.s32 s6, s9;
	s25 =	simm.s32 $0x14300;
	[dreg:$0x6] =	wrdreg s26  }
0x11: {  	s2 =	simm.s32 $0x8;
	[dreg:$0x7] =	wrdreg s29;
	s26 =	simm.s32 $0x3  }
.LBB2_12:
0x12: {  	s7 =	simm.s32 $0x5  }
0x13: {  	_ =	swait.ge [sflag:s7], $0x5000  }
0x14: {  	[sflag:s7] =	ssyncset.done $0x0  }
0x15: {  	[sflag:s7] =	ssyncadd.s32 $0xFFFFB000  }
0x16: {  	_ =	swait.ge [sflag:s30], $0x5000  }
0x17: {  	[sflag:s30] =	ssyncset.done $0x0  }
0x18: {  	[sflag:s30] =	ssyncadd.s32 $0xFFFFB000  }
0x19: {  	_ =	swait.ge [sflag:s31], $0x5000  }
0x1a: {  	[sflag:s31] =	ssyncset.done $0x0  }
0x1b: {  	[sflag:s31] =	ssyncadd.s32 $0xFFFFB000  }
0x1c: {  	_ =	swait.ge [sflag:s2], $0x5000  }
0x1d: {  	s0 =	sadd.s32 $0x1, s0;
	s29 =	rddreg [dreg:$0x8]  }
0x1e: {  	p0 =	sne.s32 s0, s29  }
.Ltmp1:
0x1f: {  	_ = 	snop;
	(pc) =	sbr.rel @!p0 .LBB2_13-.Ltmp1, $3  }
0x20: {  	_ =	sdelay $0x1  }
0x21: {  	[sflag:s2] =	ssyncset.done $0x0  }
0x22: {  	[sflag:s2] =	ssyncadd.s32 $0xFFFFB000  }
.LBB2_1:
0x23: {  	s7 =	rddreg [dreg:$0x4]  }
0x24: {  	[tilespmem:s4], [sflag:$0x1] =	stream.linear.gather [hbm4b:s7+s4], $0x5000, $0x38;
	[tilespmem:$0x14400] =	vst v63  }
0x25: {  	s16 =	rddreg [dreg:$0x5];
	s9 =	simm.s32 $0x14000  }
0x26: {  	[tilespmem:s9], [sflag:$0x1] =	stream.linear.gather [hbm4b:s16+s4], $0xA0, $0x38;
	[tilespmem:$0x14400] =	vst v63  }
0x27: {  	s17 =	rddreg [dreg:$0x6]  }
0x28: {  	[tilespmem:s18], [sflag:$0x2] =	stream.linear.gather [hbm4b:s17+s4], $0x5000, $0x38;
	[tilespmem:$0x14400] =	vst v63  }
0x29: {  	s29 =	rddreg [dreg:$0x7];
	s17 =	simm.s32 $0x0  }
0x2a: {  	[tilespmem:s19], [sflag:$0x2] =	stream.linear.gather [hbm4b:s29+s4], $0xA0, $0x38;
	[tilespmem:$0x14400] =	vst v63  }
.LBB2_2:
0x2b: {  	_ =	swait.ge [sflag:s20], $0x5000  }
0x2c: {  	[sflag:s20] =	ssyncset.done $0x0  }
0x2d: {  	[sflag:s20] =	ssyncadd.s32 $0xFFFFB000  }
0x2e: {  	_ =	swait.ge [sflag:s20], $0xA0  }
0x2f: {  	[sflag:s20] =	ssyncset.done $0x0  }
0x30: {  	s7 =	simm.s32 $0x0;
	[sflag:s20] =	ssyncadd.s32 $0xFFFFFF60  }
0x31: {  	v0 =	vld [tilespmem:s7+$0x14000];
	_ =	sdelay $0x4  }
0x32: {  	(v2sf) =	vpush v0, $0x0;
	_ =	sdelay $0x7  }
0x33: {  	(v2sf) =	vpush v0, $0x1;
	_ =	sdelay $0x6  }
0x34: {  	s10 =	spop (v2sf)  }
0x35: {  	(v2sf) =	vpush v0, $0x2;
	p1 =	sne.s32 s10, $0x0  }
0x36: {  	s9 =	simm.s32 $0x400;
	v1 =	vimm.f32 @!p1 $0.0e+00  }
0x37: {  	[tilespmem:s9+$0xFFFFFC00] =	vst @!p1 v1  }
0x38: {  	[tilespmem:s9+$0xFFFFFC10] =	vst @!p1 v1  }
0x39: {  	[tilespmem:s9+$0xFFFFFC20] =	vst @!p1 v1  }
0x3a: {  	[tilespmem:s9+$0xFFFFFC30] =	vst @!p1 v1  }
0x3b: {  	[tilespmem:s9+$0xFFFFFC40] =	vst @!p1 v1  }
0x3c: {  	s11 =	spop (v2sf);
	[tilespmem:s9+$0xFFFFFC50] =	vst @!p1 v1  }
0x3d: {  	(v2sf) =	vpush v0, $0x3;
	p0 =	sne.s32 s11, $0x0;
	[tilespmem:s9+$0xFFFFFC60] =	vst @!p1 v1  }
0x3e: {  	v2 =	vimm.f32 @!p0 $0.0e+00;
	[tilespmem:s9+$0xFFFFFC70] =	vst @!p1 v1  }
0x3f: {  	[tilespmem:s9+$0xFFFFFC80] =	vst @!p0 v2  }
0x40: {  	[tilespmem:s9+$0xFFFFFC90] =	vst @!p0 v2  }
0x41: {  	[tilespmem:s9+$0xFFFFFCA0] =	vst @!p0 v2  }
0x42: {  	[tilespmem:s9+$0xFFFFFCB0] =	vst @!p0 v2  }
0x43: {  	[tilespmem:s9+$0xFFFFFCC0] =	vst @!p0 v2  }
0x44: {  	[tilespmem:s9+$0xFFFFFCD0] =	vst @!p0 v2;
	s16 =	spop (v2sf)  }
0x45: {  	[tilespmem:s9+$0xFFFFFCE0] =	vst @!p0 v2;
	(v2sf) =	vpush v0, $0x4;
	p1 =	sne.s32 s16, $0x0  }
0x46: {  	[tilespmem:s9+$0xFFFFFCF0] =	vst @!p0 v2;
	v1 =	vimm.f32 @!p1 $0.0e+00  }
0x47: {  	[tilespmem:s9+$0xFFFFFD00] =	vst @!p1 v1  }
0x48: {  	[tilespmem:s9+$0xFFFFFD10] =	vst @!p1 v1  }
0x49: {  	[tilespmem:s9+$0xFFFFFD20] =	vst @!p1 v1  }
0x4a: {  	[tilespmem:s9+$0xFFFFFD30] =	vst @!p1 v1  }
0x4b: {  	[tilespmem:s9+$0xFFFFFD40] =	vst @!p1 v1  }
0x4c: {  	s29 =	spop (v2sf);
	[tilespmem:s9+$0xFFFFFD50] =	vst @!p1 v1  }
0x4d: {  	(v2sf) =	vpush v0, $0x5;
	p0 =	sne.s32 s29, $0x0;
	[tilespmem:s9+$0xFFFFFD60] =	vst @!p1 v1  }
0x4e: {  	v2 =	vimm.f32 @!p0 $0.0e+00;
	[tilespmem:s9+$0xFFFFFD70] =	vst @!p1 v1  }
0x4f: {  	[tilespmem:s9+$0xFFFFFD80] =	vst @!p0 v2  }
0x50: {  	[tilespmem:s9+$0xFFFFFD90] =	vst @!p0 v2  }
0x51: {  	[tilespmem:s9+$0xFFFFFDA0] =	vst @!p0 v2  }
0x52: {  	[tilespmem:s9+$0xFFFFFDB0] =	vst @!p0 v2  }
0x53: {  	[tilespmem:s9+$0xFFFFFDC0] =	vst @!p0 v2  }
0x54: {  	[tilespmem:s9+$0xFFFFFDD0] =	vst @!p0 v2;
	s10 =	spop (v2sf)  }
0x55: {  	[tilespmem:s9+$0xFFFFFDE0] =	vst @!p0 v2;
	(v2sf) =	vpush v0, $0x6;
	p1 =	sne.s32 s10, $0x0  }
0x56: {  	[tilespmem:s9+$0xFFFFFDF0] =	vst @!p0 v2;
	v1 =	vimm.f32 @!p1 $0.0e+00  }
0x57: {  	[tilespmem:s9+$0xFFFFFE00] =	vst @!p1 v1  }
0x58: {  	[tilespmem:s9+$0xFFFFFE10] =	vst @!p1 v1  }
0x59: {  	[tilespmem:s9+$0xFFFFFE20] =	vst @!p1 v1  }
0x5a: {  	[tilespmem:s9+$0xFFFFFE30] =	vst @!p1 v1  }
0x5b: {  	[tilespmem:s9+$0xFFFFFE40] =	vst @!p1 v1  }
0x5c: {  	s11 =	spop (v2sf);
	[tilespmem:s9+$0xFFFFFE50] =	vst @!p1 v1  }
0x5d: {  	(v2sf) =	vpush v0, $0x7;
	p0 =	sne.s32 s11, $0x0;
	[tilespmem:s9+$0xFFFFFE60] =	vst @!p1 v1  }
0x5e: {  	v2 =	vimm.f32 @!p0 $0.0e+00;
	[tilespmem:s9+$0xFFFFFE70] =	vst @!p1 v1  }
0x5f: {  	[tilespmem:s9+$0xFFFFFE80] =	vst @!p0 v2  }
0x60: {  	[tilespmem:s9+$0xFFFFFE90] =	vst @!p0 v2  }
0x61: {  	[tilespmem:s9+$0xFFFFFEA0] =	vst @!p0 v2  }
0x62: {  	[tilespmem:s9+$0xFFFFFEB0] =	vst @!p0 v2  }
0x63: {  	[tilespmem:s9+$0xFFFFFEC0] =	vst @!p0 v2  }
0x64: {  	[tilespmem:s9+$0xFFFFFED0] =	vst @!p0 v2;
	s16 =	spop (v2sf)  }
0x65: {  	[tilespmem:s9+$0xFFFFFEE0] =	vst @!p0 v2;
	(v2sf) =	vpush v0, $0x8;
	p1 =	sne.s32 s16, $0x0  }
0x66: {  	[tilespmem:s9+$0xFFFFFEF0] =	vst @!p0 v2;
	v1 =	vimm.f32 @!p1 $0.0e+00  }
0x67: {  	[tilespmem:s9+$0xFFFFFF00] =	vst @!p1 v1  }
0x68: {  	[tilespmem:s9+$0xFFFFFF10] =	vst @!p1 v1  }
0x69: {  	[tilespmem:s9+$0xFFFFFF20] =	vst @!p1 v1  }
0x6a: {  	[tilespmem:s9+$0xFFFFFF30] =	vst @!p1 v1  }
0x6b: {  	[tilespmem:s9+$0xFFFFFF40] =	vst @!p1 v1  }
0x6c: {  	s29 =	spop (v2sf);
	[tilespmem:s9+$0xFFFFFF50] =	vst @!p1 v1  }
0x6d: {  	(v2sf) =	vpush v0, $0x9;
	p0 =	sne.s32 s29, $0x0;
	[tilespmem:s9+$0xFFFFFF60] =	vst @!p1 v1  }
0x6e: {  	v2 =	vimm.f32 @!p0 $0.0e+00;
	[tilespmem:s9+$0xFFFFFF70] =	vst @!p1 v1  }
0x6f: {  	[tilespmem:s9+$0xFFFFFF80] =	vst @!p0 v2  }
0x70: {  	[tilespmem:s9+$0xFFFFFF90] =	vst @!p0 v2  }
0x71: {  	[tilespmem:s9+$0xFFFFFFA0] =	vst @!p0 v2  }
0x72: {  	[tilespmem:s9+$0xFFFFFFB0] =	vst @!p0 v2  }
0x73: {  	[tilespmem:s9+$0xFFFFFFC0] =	vst @!p0 v2  }
0x74: {  	[tilespmem:s9+$0xFFFFFFD0] =	vst @!p0 v2;
	s10 =	spop (v2sf)  }
0x75: {  	[tilespmem:s9+$0xFFFFFFE0] =	vst @!p0 v2;
	(v2sf) =	vpush v0, $0xA;
	p1 =	sne.s32 s10, $0x0  }
0x76: {  	[tilespmem:s9+$0xFFFFFFF0] =	vst @!p0 v2;
	v1 =	vimm.f32 @!p1 $0.0e+00  }
0x77: {  	[tilespmem:s9+$0x0] =	vst @!p1 v1  }
0x78: {  	[tilespmem:s9+$0x10] =	vst @!p1 v1  }
0x79: {  	[tilespmem:s9+$0x20] =	vst @!p1 v1  }
0x7a: {  	[tilespmem:s9+$0x30] =	vst @!p1 v1  }
0x7b: {  	[tilespmem:s9+$0x40] =	vst @!p1 v1  }
0x7c: {  	s11 =	spop (v2sf);
	[tilespmem:s9+$0x50] =	vst @!p1 v1  }
0x7d: {  	(v2sf) =	vpush v0, $0xB;
	p0 =	sne.s32 s11, $0x0;
	[tilespmem:s9+$0x60] =	vst @!p1 v1  }
0x7e: {  	v2 =	vimm.f32 @!p0 $0.0e+00;
	[tilespmem:s9+$0x70] =	vst @!p1 v1  }
0x7f: {  	[tilespmem:s9+$0x80] =	vst @!p0 v2  }
0x80: {  	[tilespmem:s9+$0x90] =	vst @!p0 v2  }
0x81: {  	[tilespmem:s9+$0xA0] =	vst @!p0 v2  }
0x82: {  	[tilespmem:s9+$0xB0] =	vst @!p0 v2  }
0x83: {  	[tilespmem:s9+$0xC0] =	vst @!p0 v2  }
0x84: {  	[tilespmem:s9+$0xD0] =	vst @!p0 v2;
	s16 =	spop (v2sf)  }
0x85: {  	[tilespmem:s9+$0xE0] =	vst @!p0 v2;
	(v2sf) =	vpush v0, $0xC;
	p1 =	sne.s32 s16, $0x0  }
0x86: {  	[tilespmem:s9+$0xF0] =	vst @!p0 v2;
	v1 =	vimm.f32 @!p1 $0.0e+00  }
0x87: {  	[tilespmem:s9+$0x100] =	vst @!p1 v1  }
0x88: {  	[tilespmem:s9+$0x110] =	vst @!p1 v1  }
0x89: {  	[tilespmem:s9+$0x120] =	vst @!p1 v1  }
0x8a: {  	[tilespmem:s9+$0x130] =	vst @!p1 v1  }
0x8b: {  	[tilespmem:s9+$0x140] =	vst @!p1 v1  }
0x8c: {  	s29 =	spop (v2sf);
	[tilespmem:s9+$0x150] =	vst @!p1 v1  }
0x8d: {  	(v2sf) =	vpush v0, $0xD;
	p0 =	sne.s32 s29, $0x0;
	[tilespmem:s9+$0x160] =	vst @!p1 v1  }
0x8e: {  	v2 =	vimm.f32 @!p0 $0.0e+00;
	[tilespmem:s9+$0x170] =	vst @!p1 v1  }
0x8f: {  	[tilespmem:s9+$0x180] =	vst @!p0 v2  }
0x90: {  	[tilespmem:s9+$0x190] =	vst @!p0 v2  }
0x91: {  	[tilespmem:s9+$0x1A0] =	vst @!p0 v2  }
0x92: {  	[tilespmem:s9+$0x1B0] =	vst @!p0 v2  }
0x93: {  	[tilespmem:s9+$0x1C0] =	vst @!p0 v2  }
0x94: {  	[tilespmem:s9+$0x1D0] =	vst @!p0 v2;
	s10 =	spop (v2sf)  }
0x95: {  	[tilespmem:s9+$0x1E0] =	vst @!p0 v2;
	(v2sf) =	vpush v0, $0xE;
	p1 =	sne.s32 s10, $0x0  }
0x96: {  	[tilespmem:s9+$0x1F0] =	vst @!p0 v2;
	v1 =	vimm.f32 @!p1 $0.0e+00  }
0x97: {  	[tilespmem:s9+$0x200] =	vst @!p1 v1  }
0x98: {  	[tilespmem:s9+$0x210] =	vst @!p1 v1  }
0x99: {  	[tilespmem:s9+$0x220] =	vst @!p1 v1  }
0x9a: {  	[tilespmem:s9+$0x230] =	vst @!p1 v1  }
0x9b: {  	[tilespmem:s9+$0x240] =	vst @!p1 v1  }
0x9c: {  	s11 =	spop (v2sf);
	[tilespmem:s9+$0x250] =	vst @!p1 v1  }
0x9d: {  	(v2sf) =	vpush v0, $0xF;
	p0 =	sne.s32 s11, $0x0;
	[tilespmem:s9+$0x260] =	vst @!p1 v1  }
0x9e: {  	v0 =	vimm.f32 @!p0 $0.0e+00;
	[tilespmem:s9+$0x270] =	vst @!p1 v1  }
0x9f: {  	[tilespmem:s9+$0x280] =	vst @!p0 v0  }
0xa0: {  	[tilespmem:s9+$0x290] =	vst @!p0 v0  }
0xa1: {  	[tilespmem:s9+$0x2A0] =	vst @!p0 v0  }
0xa2: {  	[tilespmem:s9+$0x2B0] =	vst @!p0 v0  }
0xa3: {  	[tilespmem:s9+$0x2C0] =	vst @!p0 v0  }
0xa4: {  	[tilespmem:s9+$0x2D0] =	vst @!p0 v0;
	s16 =	spop (v2sf)  }
0xa5: {  	[tilespmem:s9+$0x2E0] =	vst @!p0 v0;
	p1 =	sne.s32 s16, $0x0  }
0xa6: {  	[tilespmem:s9+$0x2F0] =	vst @!p0 v0;
	v1 =	vimm.f32 @!p1 $0.0e+00  }
0xa7: {  	[tilespmem:s9+$0x300] =	vst @!p1 v1  }
0xa8: {  	[tilespmem:s9+$0x310] =	vst @!p1 v1  }
0xa9: {  	[tilespmem:s9+$0x320] =	vst @!p1 v1  }
0xaa: {  	[tilespmem:s9+$0x330] =	vst @!p1 v1  }
0xab: {  	[tilespmem:s9+$0x340] =	vst @!p1 v1  }
0xac: {  	s29 =	spop (v2sf);
	[tilespmem:s9+$0x350] =	vst @!p1 v1  }
0xad: {  	p2 =	sne.s32 s29, $0x0;
	[tilespmem:s9+$0x360] =	vst @!p1 v1  }
0xae: {  	[tilespmem:s9+$0x370] =	vst @!p1 v1;
	v0 =	vimm.f32 @!p2 $0.0e+00  }
0xaf: {  	[tilespmem:s9+$0x380] =	vst @!p2 v0  }
0xb0: {  	[tilespmem:s9+$0x390] =	vst @!p2 v0  }
0xb1: {  	[tilespmem:s9+$0x3A0] =	vst @!p2 v0  }
0xb2: {  	[tilespmem:s9+$0x3B0] =	vst @!p2 v0  }
0xb3: {  	[tilespmem:s9+$0x3C0] =	vst @!p2 v0  }
0xb4: {  	[tilespmem:s9+$0x3D0] =	vst @!p2 v0  }
0xb5: {  	s7 =	simm.s32 $0x40;
	[tilespmem:s9+$0x3E0] =	vst @!p2 v0  }
.LBB2_3:
0xb6: {  	s10 =	sshra.s32 s7, $0x2;
	[tilespmem:s9+$0x3F0] =	vst @!p2 v0  }
0xb7: {  	v0 =	vld [tilespmem:s10+$0x14000];
	_ =	sdelay $0x4  }
0xb8: {  	(v2sf) =	vpush v0, $0x0;
	_ =	sdelay $0x2  }
0xb9: {  	(v2sf) =	vpush v0, $0x1  }
0xba: {  	(v2sf) =	vpush v0, $0x2  }
0xbb: {  	(v2sf) =	vpush v0, $0x3  }
0xbc: {  	(v2sf) =	vpush v0, $0x4  }
0xbd: {  	(v2sf) =	vpush v0, $0x5  }
0xbe: {  	(v2sf) =	vpush v0, $0x6  }
0xbf: {  	(v2sf) =	vpush v0, $0x7  }
0xc0: {  	(v2sf) =	vpush v0, $0x8  }
0xc1: {  	(v2sf) =	vpush v0, $0x9  }
0xc2: {  	(v2sf) =	vpush v0, $0xA  }
0xc3: {  	s7 =	sadd.s32 $0x40, s7;
	(v2sf) =	vpush v0, $0xB  }
0xc4: {  	p0 =	sne.s32 s7, $0x280;
	(v2sf) =	vpush v0, $0xC  }
0xc5: {  	s10 =	simm.s32 @!p0 $0x0;
	(v2sf) =	vpush v0, $0xD;
	s29 =	spop (v2sf)  }
0xc6: {  	s10 =	simm.s32 @p0 $0x1;
	(v2sf) =	vpush v0, $0xE;
	p0 =	sne.s32 s29, $0x0  }
0xc7: {  	s9 =	sadd.s32 $0x800, s9;
	(v2sf) =	vpush v0, $0xF;
	v0 =	vimm.f32 @!p0 $0.0e+00  }
0xc8: {  	[tilespmem:s9+$0xFFFFFC00] =	vst @!p0 v0  }
0xc9: {  	[tilespmem:s9+$0xFFFFFC10] =	vst @!p0 v0  }
0xca: {  	[tilespmem:s9+$0xFFFFFC20] =	vst @!p0 v0  }
0xcb: {  	[tilespmem:s9+$0xFFFFFC30] =	vst @!p0 v0  }
0xcc: {  	[tilespmem:s9+$0xFFFFFC40] =	vst @!p0 v0  }
0xcd: {  	s11 =	spop (v2sf);
	[tilespmem:s9+$0xFFFFFC50] =	vst @!p0 v0  }
0xce: {  	p2 =	sne.s32 s11, $0x0;
	[tilespmem:s9+$0xFFFFFC60] =	vst @!p0 v0  }
0xcf: {  	v9 =	vimm.f32 @!p2 $0.0e+00;
	[tilespmem:s9+$0xFFFFFC70] =	vst @!p0 v0  }
0xd0: {  	[tilespmem:s9+$0xFFFFFC80] =	vst @!p2 v9  }
0xd1: {  	[tilespmem:s9+$0xFFFFFC90] =	vst @!p2 v9  }
0xd2: {  	[tilespmem:s9+$0xFFFFFCA0] =	vst @!p2 v9  }
0xd3: {  	[tilespmem:s9+$0xFFFFFCB0] =	vst @!p2 v9  }
0xd4: {  	[tilespmem:s9+$0xFFFFFCC0] =	vst @!p2 v9  }
0xd5: {  	s16 =	spop (v2sf);
	[tilespmem:s9+$0xFFFFFCD0] =	vst @!p2 v9  }
0xd6: {  	p3 =	sne.s32 s16, $0x0;
	[tilespmem:s9+$0xFFFFFCE0] =	vst @!p2 v9  }
0xd7: {  	v10 =	vimm.f32 @!p3 $0.0e+00;
	[tilespmem:s9+$0xFFFFFCF0] =	vst @!p2 v9  }
0xd8: {  	[tilespmem:s9+$0xFFFFFD00] =	vst @!p3 v10  }
0xd9: {  	[tilespmem:s9+$0xFFFFFD10] =	vst @!p3 v10  }
0xda: {  	[tilespmem:s9+$0xFFFFFD20] =	vst @!p3 v10  }
0xdb: {  	[tilespmem:s9+$0xFFFFFD30] =	vst @!p3 v10  }
0xdc: {  	[tilespmem:s9+$0xFFFFFD40] =	vst @!p3 v10  }
0xdd: {  	s29 =	spop (v2sf);
	[tilespmem:s9+$0xFFFFFD50] =	vst @!p3 v10  }
0xde: {  	p4 =	sne.s32 s29, $0x0;
	[tilespmem:s9+$0xFFFFFD60] =	vst @!p3 v10  }
0xdf: {  	v11 =	vimm.f32 @!p4 $0.0e+00;
	[tilespmem:s9+$0xFFFFFD70] =	vst @!p3 v10  }
0xe0: {  	[tilespmem:s9+$0xFFFFFD80] =	vst @!p4 v11  }
0xe1: {  	[tilespmem:s9+$0xFFFFFD90] =	vst @!p4 v11  }
0xe2: {  	[tilespmem:s9+$0xFFFFFDA0] =	vst @!p4 v11  }
0xe3: {  	[tilespmem:s9+$0xFFFFFDB0] =	vst @!p4 v11  }
0xe4: {  	[tilespmem:s9+$0xFFFFFDC0] =	vst @!p4 v11  }
0xe5: {  	s11 =	spop (v2sf);
	[tilespmem:s9+$0xFFFFFDD0] =	vst @!p4 v11  }
0xe6: {  	p5 =	sne.s32 s11, $0x0;
	[tilespmem:s9+$0xFFFFFDE0] =	vst @!p4 v11  }
0xe7: {  	v12 =	vimm.f32 @!p5 $0.0e+00;
	[tilespmem:s9+$0xFFFFFDF0] =	vst @!p4 v11  }
0xe8: {  	[tilespmem:s9+$0xFFFFFE00] =	vst @!p5 v12  }
0xe9: {  	[tilespmem:s9+$0xFFFFFE10] =	vst @!p5 v12  }
0xea: {  	[tilespmem:s9+$0xFFFFFE20] =	vst @!p5 v12  }
0xeb: {  	[tilespmem:s9+$0xFFFFFE30] =	vst @!p5 v12  }
0xec: {  	s16 =	spop (v2sf);
	[tilespmem:s9+$0xFFFFFE40] =	vst @!p5 v12  }
0xed: {  	s29 =	spop (v2sf);
	[tilespmem:s9+$0xFFFFFE50] =	vst @!p5 v12  }
0xee: {  	p6 =	sne.s32 s16, $0x0;
	p1 =	sne.s32 s29, $0x0;
	[tilespmem:s9+$0xFFFFFE60] =	vst @!p5 v12  }
0xef: {  	[smem:$0x7FD] =	sst s10;
	v13 =	vimm.f32 @!p6 $0.0e+00;
	s11 =	spop (v2sf);
	[tilespmem:s9+$0xFFFFFE70] =	vst @!p5 v12;
	s10 =	simm.s32 @!p1 $0x0  }
0xf0: {  	v14 =	vimm.f32 @!p1 $0.0e+00;
	s16 =	spop (v2sf);
	[tilespmem:s9+$0xFFFFFE80] =	vst @!p6 v13;
	s10 =	simm.s32 @p1 $0x1;
	p1 =	sne.s32 s11, $0x0  }
0xf1: {  	[tilespmem:s9+$0xFFFFFE90] =	vst @!p6 v13;
	s29 =	spop (v2sf);
	[smem:$0x7F5] =	sst s10;
	s10 =	simm.s32 @!p1 $0x0  }
0xf2: {  	[tilespmem:s9+$0xFFFFFEA0] =	vst @!p6 v13;
	p0 =	sne.s32 s29, $0x0;
	s10 =	simm.s32 @p1 $0x1  }
0xf3: {  	[tilespmem:s9+$0xFFFFFEB0] =	vst @!p6 v13;
	s11 =	spop (v2sf);
	[smem:$0x7F6] =	sst s10;
	s10 =	simm.s32 @!p0 $0x0  }
0xf4: {  	[tilespmem:s9+$0xFFFFFEC0] =	vst @!p6 v13;
	v8 =	vimm.f32 @!p1 $0.0e+00;
	p1 =	sne.s32 s16, $0x0;
	v6 =	vimm.f32 @!p0 $0.0e+00;
	s10 =	simm.s32 @p0 $0x1;
	p0 =	sne.s32 s11, $0x0  }
0xf5: {  	[tilespmem:s9+$0xFFFFFED0] =	vst @!p6 v13;
	s16 =	spop (v2sf);
	[smem:$0x7F7] =	sst s10;
	s10 =	simm.s32 @!p0 $0x0  }
0xf6: {  	[tilespmem:s9+$0xFFFFFEE0] =	vst @!p6 v13;
	v5 =	vimm.f32 @!p0 $0.0e+00;
	s10 =	simm.s32 @p0 $0x1;
	p0 =	sne.s32 s16, $0x0  }
0xf7: {  	[tilespmem:s9+$0xFFFFFEF0] =	vst @!p6 v13;
	v7 =	vimm.f32 @!p1 $0.0e+00;
	s29 =	spop (v2sf);
	[smem:$0x7F8] =	sst s10;
	s10 =	simm.s32 @!p0 $0x0  }
0xf8: {  	[tilespmem:s9+$0x0] =	vst @!p1 v7;
	v4 =	vimm.f32 @!p0 $0.0e+00;
	s10 =	simm.s32 @p0 $0x1;
	p0 =	sne.s32 s29, $0x0  }
0xf9: {  	s11 =	spop (v2sf);
	[tilespmem:s9+$0x10] =	vst @!p1 v7;
	[smem:$0x7F9] =	sst s10;
	s10 =	simm.s32 @!p0 $0x0  }
0xfa: {  	[tilespmem:s9+$0x20] =	vst @!p1 v7;
	v3 =	vimm.f32 @!p0 $0.0e+00;
	s10 =	simm.s32 @p0 $0x1;
	p0 =	sne.s32 s11, $0x0  }
0xfb: {  	[tilespmem:s9+$0x30] =	vst @!p1 v7;
	s16 =	spop (v2sf);
	[smem:$0x7FA] =	sst s10;
	s10 =	simm.s32 @!p0 $0x0  }
0xfc: {  	[tilespmem:s9+$0x40] =	vst @!p1 v7;
	s11 =	sld [smem:$0x7F5];
	v2 =	vimm.f32 @!p0 $0.0e+00;
	s10 =	simm.s32 @p0 $0x1;
	p0 =	sne.s32 s16, $0x0  }
0xfd: {  	[tilespmem:s9+$0x50] =	vst @!p1 v7;
	s29 =	spop (v2sf);
	[smem:$0x7FB] =	sst s10;
	s10 =	simm.s32 @!p0 $0x0  }
0xfe: {  	[tilespmem:s9+$0x60] =	vst @!p1 v7;
	v1 =	vimm.f32 @!p0 $0.0e+00;
	s10 =	simm.s32 @p0 $0x1;
	p0 =	sne.s32 s29, $0x0  }
0xff: {  	[tilespmem:s9+$0x70] =	vst @!p1 v7;
	v0 =	vimm.f32 @!p0 $0.0e+00;
	p2 =	por p0, p0;
	p0 =	seq.s32 s11, $0x1  }
0x100: {  	[tilespmem:s9+$0xFFFFFF00] =	vst @!p0 v14  }
0x101: {  	[tilespmem:s9+$0xFFFFFF10] =	vst @!p0 v14  }
0x102: {  	[tilespmem:s9+$0xFFFFFF20] =	vst @!p0 v14  }
0x103: {  	[tilespmem:s9+$0xFFFFFF30] =	vst @!p0 v14  }
0x104: {  	[tilespmem:s9+$0xFFFFFF40] =	vst @!p0 v14  }
0x105: {  	[tilespmem:s9+$0xFFFFFF50] =	vst @!p0 v14  }
0x106: {  	s16 =	sld [smem:$0x7F6];
	[tilespmem:s9+$0xFFFFFF60] =	vst @!p0 v14  }
0x107: {  	[tilespmem:s9+$0xFFFFFF70] =	vst @!p0 v14  }
0x108: {  	[tilespmem:s9+$0x380] =	vst @!p2 v0  }
0x109: {  	p0 =	seq.s32 s16, $0x1;
	[tilespmem:s9+$0x390] =	vst @!p2 v0  }
0x10a: {  	[tilespmem:s9+$0xFFFFFF80] =	vst @!p0 v8  }
0x10b: {  	[tilespmem:s9+$0xFFFFFF90] =	vst @!p0 v8  }
0x10c: {  	[tilespmem:s9+$0xFFFFFFA0] =	vst @!p0 v8  }
0x10d: {  	[tilespmem:s9+$0xFFFFFFB0] =	vst @!p0 v8  }
0x10e: {  	s29 =	sld [smem:$0x7F7];
	[tilespmem:s9+$0xFFFFFFC0] =	vst @!p0 v8  }
0x10f: {  	[tilespmem:s9+$0xFFFFFFD0] =	vst @!p0 v8  }
0x110: {  	[tilespmem:s9+$0xFFFFFFE0] =	vst @!p0 v8  }
0x111: {  	[tilespmem:s9+$0xFFFFFFF0] =	vst @!p0 v8;
	p0 =	seq.s32 s29, $0x1  }
0x112: {  	[tilespmem:s9+$0x80] =	vst @!p0 v6  }
0x113: {  	[tilespmem:s9+$0x90] =	vst @!p0 v6  }
0x114: {  	[tilespmem:s9+$0xA0] =	vst @!p0 v6  }
0x115: {  	[tilespmem:s9+$0xB0] =	vst @!p0 v6  }
0x116: {  	s11 =	sld [smem:$0x7F8];
	[tilespmem:s9+$0xC0] =	vst @!p0 v6  }
0x117: {  	[tilespmem:s9+$0xD0] =	vst @!p0 v6  }
0x118: {  	[tilespmem:s9+$0xE0] =	vst @!p0 v6  }
0x119: {  	[tilespmem:s9+$0xF0] =	vst @!p0 v6;
	p0 =	seq.s32 s11, $0x1  }
0x11a: {  	[tilespmem:s9+$0x100] =	vst @!p0 v5  }
0x11b: {  	[tilespmem:s9+$0x110] =	vst @!p0 v5  }
0x11c: {  	[tilespmem:s9+$0x120] =	vst @!p0 v5  }
0x11d: {  	[tilespmem:s9+$0x130] =	vst @!p0 v5  }
0x11e: {  	s16 =	sld [smem:$0x7F9];
	[tilespmem:s9+$0x140] =	vst @!p0 v5  }
0x11f: {  	[tilespmem:s9+$0x150] =	vst @!p0 v5  }
0x120: {  	[tilespmem:s9+$0x160] =	vst @!p0 v5  }
0x121: {  	[tilespmem:s9+$0x170] =	vst @!p0 v5;
	p0 =	seq.s32 s16, $0x1  }
0x122: {  	[tilespmem:s9+$0x180] =	vst @!p0 v4  }
0x123: {  	[tilespmem:s9+$0x190] =	vst @!p0 v4  }
0x124: {  	[tilespmem:s9+$0x1A0] =	vst @!p0 v4  }
0x125: {  	[tilespmem:s9+$0x1B0] =	vst @!p0 v4  }
0x126: {  	s29 =	sld [smem:$0x7FA];
	[tilespmem:s9+$0x1C0] =	vst @!p0 v4  }
0x127: {  	[tilespmem:s9+$0x1D0] =	vst @!p0 v4  }
0x128: {  	[tilespmem:s9+$0x1E0] =	vst @!p0 v4  }
0x129: {  	[tilespmem:s9+$0x1F0] =	vst @!p0 v4;
	p0 =	seq.s32 s29, $0x1  }
0x12a: {  	[tilespmem:s9+$0x200] =	vst @!p0 v3  }
0x12b: {  	[tilespmem:s9+$0x210] =	vst @!p0 v3  }
0x12c: {  	[tilespmem:s9+$0x220] =	vst @!p0 v3  }
0x12d: {  	[tilespmem:s9+$0x230] =	vst @!p0 v3  }
0x12e: {  	s11 =	sld [smem:$0x7FB];
	[tilespmem:s9+$0x240] =	vst @!p0 v3  }
0x12f: {  	[tilespmem:s9+$0x250] =	vst @!p0 v3  }
0x130: {  	[tilespmem:s9+$0x260] =	vst @!p0 v3  }
0x131: {  	[tilespmem:s9+$0x270] =	vst @!p0 v3;
	p0 =	seq.s32 s11, $0x1  }
0x132: {  	[tilespmem:s9+$0x280] =	vst @!p0 v2  }
0x133: {  	[tilespmem:s9+$0x290] =	vst @!p0 v2  }
0x134: {  	[tilespmem:s9+$0x2A0] =	vst @!p0 v2  }
0x135: {  	[smem:$0x7FC] =	sst s10;
	[tilespmem:s9+$0x2B0] =	vst @!p0 v2  }
0x136: {  	s16 =	sld [smem:$0x7FC];
	[tilespmem:s9+$0x2C0] =	vst @!p0 v2  }
0x137: {  	[tilespmem:s9+$0x2D0] =	vst @!p0 v2  }
0x138: {  	[tilespmem:s9+$0x2E0] =	vst @!p0 v2  }
0x139: {  	[tilespmem:s9+$0x2F0] =	vst @!p0 v2;
	p0 =	seq.s32 s16, $0x1  }
0x13a: {  	[tilespmem:s9+$0x300] =	vst @!p0 v1  }
0x13b: {  	[tilespmem:s9+$0x310] =	vst @!p0 v1  }
0x13c: {  	[tilespmem:s9+$0x320] =	vst @!p0 v1  }
0x13d: {  	[tilespmem:s9+$0x330] =	vst @!p0 v1  }
0x13e: {  	s29 =	sld [smem:$0x7FD];
	[tilespmem:s9+$0x340] =	vst @!p0 v1  }
0x13f: {  	[tilespmem:s9+$0x350] =	vst @!p0 v1  }
0x140: {  	[tilespmem:s9+$0x360] =	vst @!p0 v1  }
0x141: {  	[tilespmem:s9+$0x370] =	vst @!p0 v1;
	p0 =	seq.s32 s29, $0x1  }
.Ltmp2:
0x142: {  	[tilespmem:s9+$0x3A0] =	vst @!p2 v0;
	(pc) =	sbr.rel @p0 .LBB2_3-.Ltmp2, $4  }
0x143: {  	[tilespmem:s9+$0x3B0] =	vst @!p2 v0  }
0x144: {  	[tilespmem:s9+$0x3C0] =	vst @!p2 v0  }
0x145: {  	[tilespmem:s9+$0x3D0] =	vst @!p2 v0  }
0x146: {  	[tilespmem:s9+$0x3E0] =	vst @!p2 v0  }
0x147: {  	s7 =	smul.u32 $0x280, s17;
	_ =	sdelay $0x1  }
0x148: {  	s10 =	sadd.s32 s5, s7  }
0x149: {  	s10 =	sshll.u32 s10, $0x4  }
0x14a: {  	[tilespmem:s9+$0x3F0] =	vst @!p2 v0;
	p0 =	seq.s32 s17, $0x0;
	s11 =	sadd.s32 s3, s10  }
0x14b: {  	[hbm4b:s11+s4] =	stream.linear.scatter [tilespmem:s4], [sflag:$0x5], $0x5000, $0x38;
	[tilespmem:$0x14400] =	vst v63  }
0x14c: {  	s10 =	simm.s32 @!p0 $0x7;
	s11 =	sadd.s32 s7, s12  }
0x14d: {  	_ =	swait.ge @!p0 [sflag:s10], $0x5000;
	s16 =	sshll.u32 s11, $0x4  }
0x14e: {  	[sflag:s10] =	ssyncset.done @!p0 $0x0;
	s9 =	sand.u32 $0x1FFFFC00, s16;
	s16 =	simm.s32 @!p0 $0x0  }
0x14f: {  	s16 =	simm.s32 @p0 $0x1;
	[sflag:s10] =	ssyncadd.s32 @!p0 $0xFFFFB000  }
0x150: {  	s29 =	sadd.s32 s1, s9;
	[smem:$0x7F4] =	sst s16;
	s16 =	simm.s32 $0x0  }
0x151: {  	[tilespmem:s21], [sflag:$0x3] =	stream.linear.gather [hbm4b:s29+s16], $0x5000, $0x38;
	[tilespmem:$0x14400] =	vst v63  }
0x152: {  	s29 =	sshrl.u32 s11, $0x3  }
0x153: {  	s10 =	sadd.s32 s6, s29  }
0x154: {  	[tilespmem:s22], [sflag:$0x3] =	stream.linear.gather [hbm4b:s10+s16], $0xA0, $0x38;
	[tilespmem:$0x14400] =	vst v63  }
0x155: {  	_ =	swait.ge [sflag:s23], $0x5000  }
0x156: {  	[sflag:s23] =	ssyncset.done $0x0  }
0x157: {  	[sflag:s23] =	ssyncadd.s32 $0xFFFFB000  }
0x158: {  	_ =	swait.ge [sflag:s23], $0xA0  }
0x159: {  	[sflag:s23] =	ssyncset.done $0x0  }
0x15a: {  	s11 =	simm.s32 $0x0;
	[sflag:s23] =	ssyncadd.s32 $0xFFFFFF60  }
0x15b: {  	v0 =	vld [tilespmem:s11+$0x14100];
	_ =	sdelay $0x4  }
0x15c: {  	(v2sf) =	vpush v0, $0x0;
	_ =	sdelay $0x7  }
0x15d: {  	(v2sf) =	vpush v0, $0x1;
	_ =	sdelay $0x6  }
0x15e: {  	s16 =	spop (v2sf)  }
0x15f: {  	(v2sf) =	vpush v0, $0x2;
	p1 =	sne.s32 s16, $0x0  }
0x160: {  	s10 =	simm.s32 $0x5400;
	v1 =	vimm.f32 @!p1 $0.0e+00  }
0x161: {  	[tilespmem:s10+$0xFFFFFC00] =	vst @!p1 v1  }
0x162: {  	[tilespmem:s10+$0xFFFFFC10] =	vst @!p1 v1  }
0x163: {  	[tilespmem:s10+$0xFFFFFC20] =	vst @!p1 v1  }
0x164: {  	[tilespmem:s10+$0xFFFFFC30] =	vst @!p1 v1  }
0x165: {  	[tilespmem:s10+$0xFFFFFC40] =	vst @!p1 v1  }
0x166: {  	s29 =	spop (v2sf);
	[tilespmem:s10+$0xFFFFFC50] =	vst @!p1 v1  }
0x167: {  	(v2sf) =	vpush v0, $0x3;
	p0 =	sne.s32 s29, $0x0;
	[tilespmem:s10+$0xFFFFFC60] =	vst @!p1 v1  }
0x168: {  	v2 =	vimm.f32 @!p0 $0.0e+00;
	[tilespmem:s10+$0xFFFFFC70] =	vst @!p1 v1  }
0x169: {  	[tilespmem:s10+$0xFFFFFC80] =	vst @!p0 v2  }
0x16a: {  	[tilespmem:s10+$0xFFFFFC90] =	vst @!p0 v2  }
0x16b: {  	[tilespmem:s10+$0xFFFFFCA0] =	vst @!p0 v2  }
0x16c: {  	[tilespmem:s10+$0xFFFFFCB0] =	vst @!p0 v2  }
0x16d: {  	[tilespmem:s10+$0xFFFFFCC0] =	vst @!p0 v2  }
0x16e: {  	[tilespmem:s10+$0xFFFFFCD0] =	vst @!p0 v2;
	s16 =	spop (v2sf)  }
0x16f: {  	[tilespmem:s10+$0xFFFFFCE0] =	vst @!p0 v2;
	(v2sf) =	vpush v0, $0x4;
	p1 =	sne.s32 s16, $0x0  }
0x170: {  	[tilespmem:s10+$0xFFFFFCF0] =	vst @!p0 v2;
	v1 =	vimm.f32 @!p1 $0.0e+00  }
0x171: {  	[tilespmem:s10+$0xFFFFFD00] =	vst @!p1 v1  }
0x172: {  	[tilespmem:s10+$0xFFFFFD10] =	vst @!p1 v1  }
0x173: {  	[tilespmem:s10+$0xFFFFFD20] =	vst @!p1 v1  }
0x174: {  	[tilespmem:s10+$0xFFFFFD30] =	vst @!p1 v1  }
0x175: {  	[tilespmem:s10+$0xFFFFFD40] =	vst @!p1 v1  }
0x176: {  	s29 =	spop (v2sf);
	[tilespmem:s10+$0xFFFFFD50] =	vst @!p1 v1  }
0x177: {  	(v2sf) =	vpush v0, $0x5;
	p0 =	sne.s32 s29, $0x0;
	[tilespmem:s10+$0xFFFFFD60] =	vst @!p1 v1  }
0x178: {  	v2 =	vimm.f32 @!p0 $0.0e+00;
	[tilespmem:s10+$0xFFFFFD70] =	vst @!p1 v1  }
0x179: {  	[tilespmem:s10+$0xFFFFFD80] =	vst @!p0 v2  }
0x17a: {  	[tilespmem:s10+$0xFFFFFD90] =	vst @!p0 v2  }
0x17b: {  	[tilespmem:s10+$0xFFFFFDA0] =	vst @!p0 v2  }
0x17c: {  	[tilespmem:s10+$0xFFFFFDB0] =	vst @!p0 v2  }
0x17d: {  	[tilespmem:s10+$0xFFFFFDC0] =	vst @!p0 v2  }
0x17e: {  	[tilespmem:s10+$0xFFFFFDD0] =	vst @!p0 v2;
	s16 =	spop (v2sf)  }
0x17f: {  	[tilespmem:s10+$0xFFFFFDE0] =	vst @!p0 v2;
	(v2sf) =	vpush v0, $0x6;
	p1 =	sne.s32 s16, $0x0  }
0x180: {  	[tilespmem:s10+$0xFFFFFDF0] =	vst @!p0 v2;
	v1 =	vimm.f32 @!p1 $0.0e+00  }
0x181: {  	[tilespmem:s10+$0xFFFFFE00] =	vst @!p1 v1  }
0x182: {  	[tilespmem:s10+$0xFFFFFE10] =	vst @!p1 v1  }
0x183: {  	[tilespmem:s10+$0xFFFFFE20] =	vst @!p1 v1  }
0x184: {  	[tilespmem:s10+$0xFFFFFE30] =	vst @!p1 v1  }
0x185: {  	[tilespmem:s10+$0xFFFFFE40] =	vst @!p1 v1  }
0x186: {  	s29 =	spop (v2sf);
	[tilespmem:s10+$0xFFFFFE50] =	vst @!p1 v1  }
0x187: {  	(v2sf) =	vpush v0, $0x7;
	p0 =	sne.s32 s29, $0x0;
	[tilespmem:s10+$0xFFFFFE60] =	vst @!p1 v1  }
0x188: {  	v2 =	vimm.f32 @!p0 $0.0e+00;
	[tilespmem:s10+$0xFFFFFE70] =	vst @!p1 v1  }
0x189: {  	[tilespmem:s10+$0xFFFFFE80] =	vst @!p0 v2  }
0x18a: {  	[tilespmem:s10+$0xFFFFFE90] =	vst @!p0 v2  }
0x18b: {  	[tilespmem:s10+$0xFFFFFEA0] =	vst @!p0 v2  }
0x18c: {  	[tilespmem:s10+$0xFFFFFEB0] =	vst @!p0 v2  }
0x18d: {  	[tilespmem:s10+$0xFFFFFEC0] =	vst @!p0 v2  }
0x18e: {  	[tilespmem:s10+$0xFFFFFED0] =	vst @!p0 v2;
	s16 =	spop (v2sf)  }
0x18f: {  	[tilespmem:s10+$0xFFFFFEE0] =	vst @!p0 v2;
	(v2sf) =	vpush v0, $0x8;
	p1 =	sne.s32 s16, $0x0  }
0x190: {  	[tilespmem:s10+$0xFFFFFEF0] =	vst @!p0 v2;
	v1 =	vimm.f32 @!p1 $0.0e+00  }
0x191: {  	[tilespmem:s10+$0xFFFFFF00] =	vst @!p1 v1  }
0x192: {  	[tilespmem:s10+$0xFFFFFF10] =	vst @!p1 v1  }
0x193: {  	[tilespmem:s10+$0xFFFFFF20] =	vst @!p1 v1  }
0x194: {  	[tilespmem:s10+$0xFFFFFF30] =	vst @!p1 v1  }
0x195: {  	[tilespmem:s10+$0xFFFFFF40] =	vst @!p1 v1  }
0x196: {  	s29 =	spop (v2sf);
	[tilespmem:s10+$0xFFFFFF50] =	vst @!p1 v1  }
0x197: {  	(v2sf) =	vpush v0, $0x9;
	p0 =	sne.s32 s29, $0x0;
	[tilespmem:s10+$0xFFFFFF60] =	vst @!p1 v1  }
0x198: {  	v2 =	vimm.f32 @!p0 $0.0e+00;
	[tilespmem:s10+$0xFFFFFF70] =	vst @!p1 v1  }
0x199: {  	[tilespmem:s10+$0xFFFFFF80] =	vst @!p0 v2  }
0x19a: {  	[tilespmem:s10+$0xFFFFFF90] =	vst @!p0 v2  }
0x19b: {  	[tilespmem:s10+$0xFFFFFFA0] =	vst @!p0 v2  }
0x19c: {  	[tilespmem:s10+$0xFFFFFFB0] =	vst @!p0 v2  }
0x19d: {  	[tilespmem:s10+$0xFFFFFFC0] =	vst @!p0 v2  }
0x19e: {  	[tilespmem:s10+$0xFFFFFFD0] =	vst @!p0 v2;
	s16 =	spop (v2sf)  }
0x19f: {  	[tilespmem:s10+$0xFFFFFFE0] =	vst @!p0 v2;
	(v2sf) =	vpush v0, $0xA;
	p1 =	sne.s32 s16, $0x0  }
0x1a0: {  	[tilespmem:s10+$0xFFFFFFF0] =	vst @!p0 v2;
	v1 =	vimm.f32 @!p1 $0.0e+00  }
0x1a1: {  	[tilespmem:s10+$0x0] =	vst @!p1 v1  }
0x1a2: {  	[tilespmem:s10+$0x10] =	vst @!p1 v1  }
0x1a3: {  	[tilespmem:s10+$0x20] =	vst @!p1 v1  }
0x1a4: {  	[tilespmem:s10+$0x30] =	vst @!p1 v1  }
0x1a5: {  	[tilespmem:s10+$0x40] =	vst @!p1 v1  }
0x1a6: {  	s29 =	spop (v2sf);
	[tilespmem:s10+$0x50] =	vst @!p1 v1  }
0x1a7: {  	(v2sf) =	vpush v0, $0xB;
	p0 =	sne.s32 s29, $0x0;
	[tilespmem:s10+$0x60] =	vst @!p1 v1  }
0x1a8: {  	v2 =	vimm.f32 @!p0 $0.0e+00;
	[tilespmem:s10+$0x70] =	vst @!p1 v1  }
0x1a9: {  	[tilespmem:s10+$0x80] =	vst @!p0 v2  }
0x1aa: {  	[tilespmem:s10+$0x90] =	vst @!p0 v2  }
0x1ab: {  	[tilespmem:s10+$0xA0] =	vst @!p0 v2  }
0x1ac: {  	[tilespmem:s10+$0xB0] =	vst @!p0 v2  }
0x1ad: {  	[tilespmem:s10+$0xC0] =	vst @!p0 v2  }
0x1ae: {  	[tilespmem:s10+$0xD0] =	vst @!p0 v2;
	s16 =	spop (v2sf)  }
0x1af: {  	[tilespmem:s10+$0xE0] =	vst @!p0 v2;
	(v2sf) =	vpush v0, $0xC;
	p1 =	sne.s32 s16, $0x0  }
0x1b0: {  	[tilespmem:s10+$0xF0] =	vst @!p0 v2;
	v1 =	vimm.f32 @!p1 $0.0e+00  }
0x1b1: {  	[tilespmem:s10+$0x100] =	vst @!p1 v1  }
0x1b2: {  	[tilespmem:s10+$0x110] =	vst @!p1 v1  }
0x1b3: {  	[tilespmem:s10+$0x120] =	vst @!p1 v1  }
0x1b4: {  	[tilespmem:s10+$0x130] =	vst @!p1 v1  }
0x1b5: {  	[tilespmem:s10+$0x140] =	vst @!p1 v1  }
0x1b6: {  	s29 =	spop (v2sf);
	[tilespmem:s10+$0x150] =	vst @!p1 v1  }
0x1b7: {  	(v2sf) =	vpush v0, $0xD;
	p0 =	sne.s32 s29, $0x0;
	[tilespmem:s10+$0x160] =	vst @!p1 v1  }
0x1b8: {  	v2 =	vimm.f32 @!p0 $0.0e+00;
	[tilespmem:s10+$0x170] =	vst @!p1 v1  }
0x1b9: {  	[tilespmem:s10+$0x180] =	vst @!p0 v2  }
0x1ba: {  	[tilespmem:s10+$0x190] =	vst @!p0 v2  }
0x1bb: {  	[tilespmem:s10+$0x1A0] =	vst @!p0 v2  }
0x1bc: {  	[tilespmem:s10+$0x1B0] =	vst @!p0 v2  }
0x1bd: {  	[tilespmem:s10+$0x1C0] =	vst @!p0 v2  }
0x1be: {  	[tilespmem:s10+$0x1D0] =	vst @!p0 v2;
	s16 =	spop (v2sf)  }
0x1bf: {  	[tilespmem:s10+$0x1E0] =	vst @!p0 v2;
	(v2sf) =	vpush v0, $0xE;
	p1 =	sne.s32 s16, $0x0  }
0x1c0: {  	[tilespmem:s10+$0x1F0] =	vst @!p0 v2;
	v1 =	vimm.f32 @!p1 $0.0e+00  }
0x1c1: {  	[tilespmem:s10+$0x200] =	vst @!p1 v1  }
0x1c2: {  	[tilespmem:s10+$0x210] =	vst @!p1 v1  }
0x1c3: {  	[tilespmem:s10+$0x220] =	vst @!p1 v1  }
0x1c4: {  	[tilespmem:s10+$0x230] =	vst @!p1 v1  }
0x1c5: {  	[tilespmem:s10+$0x240] =	vst @!p1 v1  }
0x1c6: {  	s29 =	spop (v2sf);
	[tilespmem:s10+$0x250] =	vst @!p1 v1  }
0x1c7: {  	(v2sf) =	vpush v0, $0xF;
	p0 =	sne.s32 s29, $0x0;
	[tilespmem:s10+$0x260] =	vst @!p1 v1  }
0x1c8: {  	v0 =	vimm.f32 @!p0 $0.0e+00;
	[tilespmem:s10+$0x270] =	vst @!p1 v1  }
0x1c9: {  	[tilespmem:s10+$0x280] =	vst @!p0 v0  }
0x1ca: {  	[tilespmem:s10+$0x290] =	vst @!p0 v0  }
0x1cb: {  	[tilespmem:s10+$0x2A0] =	vst @!p0 v0  }
0x1cc: {  	[tilespmem:s10+$0x2B0] =	vst @!p0 v0  }
0x1cd: {  	[tilespmem:s10+$0x2C0] =	vst @!p0 v0  }
0x1ce: {  	[tilespmem:s10+$0x2D0] =	vst @!p0 v0;
	s16 =	spop (v2sf)  }
0x1cf: {  	[tilespmem:s10+$0x2E0] =	vst @!p0 v0;
	p1 =	sne.s32 s16, $0x0  }
0x1d0: {  	[tilespmem:s10+$0x2F0] =	vst @!p0 v0;
	v1 =	vimm.f32 @!p1 $0.0e+00  }
0x1d1: {  	[tilespmem:s10+$0x300] =	vst @!p1 v1  }
0x1d2: {  	[tilespmem:s10+$0x310] =	vst @!p1 v1  }
0x1d3: {  	[tilespmem:s10+$0x320] =	vst @!p1 v1  }
0x1d4: {  	[tilespmem:s10+$0x330] =	vst @!p1 v1  }
0x1d5: {  	[tilespmem:s10+$0x340] =	vst @!p1 v1  }
0x1d6: {  	s29 =	spop (v2sf);
	[tilespmem:s10+$0x350] =	vst @!p1 v1  }
0x1d7: {  	p2 =	sne.s32 s29, $0x0;
	[tilespmem:s10+$0x360] =	vst @!p1 v1  }
0x1d8: {  	[tilespmem:s10+$0x370] =	vst @!p1 v1;
	v0 =	vimm.f32 @!p2 $0.0e+00  }
0x1d9: {  	[tilespmem:s10+$0x380] =	vst @!p2 v0  }
0x1da: {  	[tilespmem:s10+$0x390] =	vst @!p2 v0  }
0x1db: {  	[tilespmem:s10+$0x3A0] =	vst @!p2 v0  }
0x1dc: {  	[tilespmem:s10+$0x3B0] =	vst @!p2 v0  }
0x1dd: {  	[tilespmem:s10+$0x3C0] =	vst @!p2 v0  }
0x1de: {  	[tilespmem:s10+$0x3D0] =	vst @!p2 v0  }
0x1df: {  	s11 =	simm.s32 $0x40;
	[tilespmem:s10+$0x3E0] =	vst @!p2 v0  }
.LBB2_5:
0x1e0: {  	s16 =	sshra.s32 s11, $0x2;
	[tilespmem:s10+$0x3F0] =	vst @!p2 v0  }
0x1e1: {  	v0 =	vld [tilespmem:s16+$0x14100];
	_ =	sdelay $0x4  }
0x1e2: {  	(v2sf) =	vpush v0, $0x0;
	_ =	sdelay $0x2  }
0x1e3: {  	(v2sf) =	vpush v0, $0x1  }
0x1e4: {  	(v2sf) =	vpush v0, $0x2  }
0x1e5: {  	(v2sf) =	vpush v0, $0x3  }
0x1e6: {  	(v2sf) =	vpush v0, $0x4  }
0x1e7: {  	(v2sf) =	vpush v0, $0x5  }
0x1e8: {  	(v2sf) =	vpush v0, $0x6  }
0x1e9: {  	(v2sf) =	vpush v0, $0x7  }
0x1ea: {  	(v2sf) =	vpush v0, $0x8  }
0x1eb: {  	(v2sf) =	vpush v0, $0x9  }
0x1ec: {  	(v2sf) =	vpush v0, $0xA  }
0x1ed: {  	s11 =	sadd.s32 $0x40, s11;
	(v2sf) =	vpush v0, $0xB  }
0x1ee: {  	p0 =	sne.s32 s11, $0x280;
	(v2sf) =	vpush v0, $0xC  }
0x1ef: {  	s16 =	simm.s32 @!p0 $0x0;
	(v2sf) =	vpush v0, $0xD;
	s29 =	spop (v2sf)  }
0x1f0: {  	s16 =	simm.s32 @p0 $0x1;
	(v2sf) =	vpush v0, $0xE;
	p0 =	sne.s32 s29, $0x0  }
0x1f1: {  	s10 =	sadd.s32 $0x800, s10;
	(v2sf) =	vpush v0, $0xF;
	v0 =	vimm.f32 @!p0 $0.0e+00  }
0x1f2: {  	[tilespmem:s10+$0xFFFFFC00] =	vst @!p0 v0  }
0x1f3: {  	[tilespmem:s10+$0xFFFFFC10] =	vst @!p0 v0  }
0x1f4: {  	[tilespmem:s10+$0xFFFFFC20] =	vst @!p0 v0  }
0x1f5: {  	[tilespmem:s10+$0xFFFFFC30] =	vst @!p0 v0  }
0x1f6: {  	[tilespmem:s10+$0xFFFFFC40] =	vst @!p0 v0  }
0x1f7: {  	s29 =	spop (v2sf);
	[tilespmem:s10+$0xFFFFFC50] =	vst @!p0 v0  }
0x1f8: {  	p2 =	sne.s32 s29, $0x0;
	[tilespmem:s10+$0xFFFFFC60] =	vst @!p0 v0  }
0x1f9: {  	v9 =	vimm.f32 @!p2 $0.0e+00;
	[tilespmem:s10+$0xFFFFFC70] =	vst @!p0 v0  }
0x1fa: {  	[tilespmem:s10+$0xFFFFFC80] =	vst @!p2 v9  }
0x1fb: {  	[tilespmem:s10+$0xFFFFFC90] =	vst @!p2 v9  }
0x1fc: {  	[tilespmem:s10+$0xFFFFFCA0] =	vst @!p2 v9  }
0x1fd: {  	[tilespmem:s10+$0xFFFFFCB0] =	vst @!p2 v9  }
0x1fe: {  	[tilespmem:s10+$0xFFFFFCC0] =	vst @!p2 v9  }
0x1ff: {  	s29 =	spop (v2sf);
	[tilespmem:s10+$0xFFFFFCD0] =	vst @!p2 v9  }
0x200: {  	p3 =	sne.s32 s29, $0x0;
	[tilespmem:s10+$0xFFFFFCE0] =	vst @!p2 v9  }
0x201: {  	v10 =	vimm.f32 @!p3 $0.0e+00;
	[tilespmem:s10+$0xFFFFFCF0] =	vst @!p2 v9  }
0x202: {  	[tilespmem:s10+$0xFFFFFD00] =	vst @!p3 v10  }
0x203: {  	[tilespmem:s10+$0xFFFFFD10] =	vst @!p3 v10  }
0x204: {  	[tilespmem:s10+$0xFFFFFD20] =	vst @!p3 v10  }
0x205: {  	[tilespmem:s10+$0xFFFFFD30] =	vst @!p3 v10  }
0x206: {  	[tilespmem:s10+$0xFFFFFD40] =	vst @!p3 v10  }
0x207: {  	s29 =	spop (v2sf);
	[tilespmem:s10+$0xFFFFFD50] =	vst @!p3 v10  }
0x208: {  	p4 =	sne.s32 s29, $0x0;
	[tilespmem:s10+$0xFFFFFD60] =	vst @!p3 v10  }
0x209: {  	v11 =	vimm.f32 @!p4 $0.0e+00;
	[tilespmem:s10+$0xFFFFFD70] =	vst @!p3 v10  }
0x20a: {  	[tilespmem:s10+$0xFFFFFD80] =	vst @!p4 v11  }
0x20b: {  	[tilespmem:s10+$0xFFFFFD90] =	vst @!p4 v11  }
0x20c: {  	[tilespmem:s10+$0xFFFFFDA0] =	vst @!p4 v11  }
0x20d: {  	[tilespmem:s10+$0xFFFFFDB0] =	vst @!p4 v11  }
0x20e: {  	[tilespmem:s10+$0xFFFFFDC0] =	vst @!p4 v11  }
0x20f: {  	s29 =	spop (v2sf);
	[tilespmem:s10+$0xFFFFFDD0] =	vst @!p4 v11  }
0x210: {  	p5 =	sne.s32 s29, $0x0;
	[tilespmem:s10+$0xFFFFFDE0] =	vst @!p4 v11  }
0x211: {  	v12 =	vimm.f32 @!p5 $0.0e+00;
	[tilespmem:s10+$0xFFFFFDF0] =	vst @!p4 v11  }
0x212: {  	[tilespmem:s10+$0xFFFFFE00] =	vst @!p5 v12  }
0x213: {  	[tilespmem:s10+$0xFFFFFE10] =	vst @!p5 v12  }
0x214: {  	[tilespmem:s10+$0xFFFFFE20] =	vst @!p5 v12  }
0x215: {  	s29 =	spop (v2sf);
	[tilespmem:s10+$0xFFFFFE30] =	vst @!p5 v12  }
0x216: {  	p6 =	sne.s32 s29, $0x0;
	s29 =	spop (v2sf);
	[tilespmem:s10+$0xFFFFFE40] =	vst @!p5 v12  }
0x217: {  	p1 =	sne.s32 s29, $0x0;
	[tilespmem:s10+$0xFFFFFE50] =	vst @!p5 v12  }
0x218: {  	[smem:$0x7F3] =	sst s16;
	s29 =	spop (v2sf);
	[tilespmem:s10+$0xFFFFFE60] =	vst @!p5 v12;
	s16 =	simm.s32 @!p1 $0x0  }
0x219: {  	v13 =	vimm.f32 @!p6 $0.0e+00;
	[tilespmem:s10+$0xFFFFFE70] =	vst @!p5 v12;
	v14 =	vimm.f32 @!p1 $0.0e+00;
	s16 =	simm.s32 @p1 $0x1;
	p1 =	sne.s32 s29, $0x0  }
0x21a: {  	[tilespmem:s10+$0xFFFFFE80] =	vst @!p6 v13;
	s29 =	spop (v2sf);
	[smem:$0x7EB] =	sst s16;
	s16 =	simm.s32 @!p1 $0x0  }
0x21b: {  	[tilespmem:s10+$0xFFFFFE90] =	vst @!p6 v13;
	v8 =	vimm.f32 @!p1 $0.0e+00;
	s16 =	simm.s32 @p1 $0x1;
	p1 =	sne.s32 s29, $0x0;
	s29 =	spop (v2sf)  }
0x21c: {  	[tilespmem:s10+$0xFFFFFEA0] =	vst @!p6 v13;
	p0 =	sne.s32 s29, $0x0  }
0x21d: {  	[tilespmem:s10+$0xFFFFFEB0] =	vst @!p6 v13;
	[smem:$0x7EC] =	sst s16;
	s29 =	spop (v2sf);
	s16 =	simm.s32 @!p0 $0x0  }
0x21e: {  	[tilespmem:s10+$0xFFFFFEC0] =	vst @!p6 v13;
	v6 =	vimm.f32 @!p0 $0.0e+00;
	s16 =	simm.s32 @p0 $0x1;
	p0 =	sne.s32 s29, $0x0  }
0x21f: {  	[tilespmem:s10+$0xFFFFFED0] =	vst @!p6 v13;
	s29 =	spop (v2sf);
	[smem:$0x7ED] =	sst s16;
	s16 =	simm.s32 @!p0 $0x0  }
0x220: {  	[tilespmem:s10+$0xFFFFFEE0] =	vst @!p6 v13;
	v5 =	vimm.f32 @!p0 $0.0e+00;
	s16 =	simm.s32 @p0 $0x1;
	p0 =	sne.s32 s29, $0x0  }
0x221: {  	[tilespmem:s10+$0xFFFFFEF0] =	vst @!p6 v13;
	v7 =	vimm.f32 @!p1 $0.0e+00;
	s29 =	spop (v2sf);
	[smem:$0x7EE] =	sst s16;
	s16 =	simm.s32 @!p0 $0x0  }
0x222: {  	[tilespmem:s10+$0x0] =	vst @!p1 v7;
	v4 =	vimm.f32 @!p0 $0.0e+00;
	s16 =	simm.s32 @p0 $0x1;
	p0 =	sne.s32 s29, $0x0  }
0x223: {  	[tilespmem:s10+$0x10] =	vst @!p1 v7;
	s29 =	spop (v2sf);
	[smem:$0x7EF] =	sst s16;
	s16 =	simm.s32 @!p0 $0x0  }
0x224: {  	[tilespmem:s10+$0x20] =	vst @!p1 v7;
	v3 =	vimm.f32 @!p0 $0.0e+00;
	s16 =	simm.s32 @p0 $0x1;
	p0 =	sne.s32 s29, $0x0  }
0x225: {  	[tilespmem:s10+$0x30] =	vst @!p1 v7;
	s29 =	spop (v2sf);
	[smem:$0x7F0] =	sst s16;
	s16 =	simm.s32 @!p0 $0x0  }
0x226: {  	[tilespmem:s10+$0x40] =	vst @!p1 v7;
	v2 =	vimm.f32 @!p0 $0.0e+00;
	s16 =	simm.s32 @p0 $0x1;
	p0 =	sne.s32 s29, $0x0  }
0x227: {  	[tilespmem:s10+$0x50] =	vst @!p1 v7;
	s29 =	spop (v2sf);
	[smem:$0x7F1] =	sst s16;
	s16 =	simm.s32 @!p0 $0x0  }
0x228: {  	[tilespmem:s10+$0x60] =	vst @!p1 v7;
	v1 =	vimm.f32 @!p0 $0.0e+00;
	s16 =	simm.s32 @p0 $0x1;
	p0 =	sne.s32 s29, $0x0;
	s29 =	sld [smem:$0x7EB]  }
0x229: {  	[tilespmem:s10+$0x70] =	vst @!p1 v7;
	v0 =	vimm.f32 @!p0 $0.0e+00;
	p2 =	por p0, p0  }
0x22a: {  	[tilespmem:s10+$0x380] =	vst @!p2 v0  }
0x22b: {  	[tilespmem:s10+$0x390] =	vst @!p2 v0;
	p0 =	seq.s32 s29, $0x1  }
0x22c: {  	[tilespmem:s10+$0xFFFFFF00] =	vst @!p0 v14  }
0x22d: {  	[tilespmem:s10+$0xFFFFFF10] =	vst @!p0 v14  }
0x22e: {  	[tilespmem:s10+$0xFFFFFF20] =	vst @!p0 v14  }
0x22f: {  	[tilespmem:s10+$0xFFFFFF30] =	vst @!p0 v14  }
0x230: {  	s29 =	sld [smem:$0x7EC];
	[tilespmem:s10+$0xFFFFFF40] =	vst @!p0 v14  }
0x231: {  	[tilespmem:s10+$0xFFFFFF50] =	vst @!p0 v14  }
0x232: {  	[tilespmem:s10+$0xFFFFFF60] =	vst @!p0 v14  }
0x233: {  	[tilespmem:s10+$0xFFFFFF70] =	vst @!p0 v14;
	p0 =	seq.s32 s29, $0x1  }
0x234: {  	[tilespmem:s10+$0xFFFFFF80] =	vst @!p0 v8  }
0x235: {  	[tilespmem:s10+$0xFFFFFF90] =	vst @!p0 v8  }
0x236: {  	[tilespmem:s10+$0xFFFFFFA0] =	vst @!p0 v8  }
0x237: {  	[tilespmem:s10+$0xFFFFFFB0] =	vst @!p0 v8  }
0x238: {  	s29 =	sld [smem:$0x7ED];
	[tilespmem:s10+$0xFFFFFFC0] =	vst @!p0 v8  }
0x239: {  	[tilespmem:s10+$0xFFFFFFD0] =	vst @!p0 v8  }
0x23a: {  	[tilespmem:s10+$0xFFFFFFE0] =	vst @!p0 v8  }
0x23b: {  	[tilespmem:s10+$0xFFFFFFF0] =	vst @!p0 v8;
	p0 =	seq.s32 s29, $0x1  }
0x23c: {  	[tilespmem:s10+$0x80] =	vst @!p0 v6  }
0x23d: {  	[tilespmem:s10+$0x90] =	vst @!p0 v6  }
0x23e: {  	[tilespmem:s10+$0xA0] =	vst @!p0 v6  }
0x23f: {  	[tilespmem:s10+$0xB0] =	vst @!p0 v6  }
0x240: {  	s29 =	sld [smem:$0x7EE];
	[tilespmem:s10+$0xC0] =	vst @!p0 v6  }
0x241: {  	[tilespmem:s10+$0xD0] =	vst @!p0 v6  }
0x242: {  	[tilespmem:s10+$0xE0] =	vst @!p0 v6  }
0x243: {  	[tilespmem:s10+$0xF0] =	vst @!p0 v6;
	p0 =	seq.s32 s29, $0x1  }
0x244: {  	[tilespmem:s10+$0x100] =	vst @!p0 v5  }
0x245: {  	[tilespmem:s10+$0x110] =	vst @!p0 v5  }
0x246: {  	[tilespmem:s10+$0x120] =	vst @!p0 v5  }
0x247: {  	[tilespmem:s10+$0x130] =	vst @!p0 v5  }
0x248: {  	s29 =	sld [smem:$0x7EF];
	[tilespmem:s10+$0x140] =	vst @!p0 v5  }
0x249: {  	[tilespmem:s10+$0x150] =	vst @!p0 v5  }
0x24a: {  	[tilespmem:s10+$0x160] =	vst @!p0 v5  }
0x24b: {  	[tilespmem:s10+$0x170] =	vst @!p0 v5;
	p0 =	seq.s32 s29, $0x1  }
0x24c: {  	[tilespmem:s10+$0x180] =	vst @!p0 v4  }
0x24d: {  	[tilespmem:s10+$0x190] =	vst @!p0 v4  }
0x24e: {  	[tilespmem:s10+$0x1A0] =	vst @!p0 v4  }
0x24f: {  	[tilespmem:s10+$0x1B0] =	vst @!p0 v4  }
0x250: {  	s29 =	sld [smem:$0x7F0];
	[tilespmem:s10+$0x1C0] =	vst @!p0 v4  }
0x251: {  	[tilespmem:s10+$0x1D0] =	vst @!p0 v4  }
0x252: {  	[tilespmem:s10+$0x1E0] =	vst @!p0 v4  }
0x253: {  	[tilespmem:s10+$0x1F0] =	vst @!p0 v4;
	p0 =	seq.s32 s29, $0x1  }
0x254: {  	[tilespmem:s10+$0x200] =	vst @!p0 v3  }
0x255: {  	[tilespmem:s10+$0x210] =	vst @!p0 v3  }
0x256: {  	[tilespmem:s10+$0x220] =	vst @!p0 v3  }
0x257: {  	[tilespmem:s10+$0x230] =	vst @!p0 v3  }
0x258: {  	s29 =	sld [smem:$0x7F1];
	[tilespmem:s10+$0x240] =	vst @!p0 v3  }
0x259: {  	[tilespmem:s10+$0x250] =	vst @!p0 v3  }
0x25a: {  	[tilespmem:s10+$0x260] =	vst @!p0 v3  }
0x25b: {  	[tilespmem:s10+$0x270] =	vst @!p0 v3;
	p0 =	seq.s32 s29, $0x1  }
0x25c: {  	[tilespmem:s10+$0x280] =	vst @!p0 v2  }
0x25d: {  	[tilespmem:s10+$0x290] =	vst @!p0 v2  }
0x25e: {  	[tilespmem:s10+$0x2A0] =	vst @!p0 v2  }
0x25f: {  	[smem:$0x7F2] =	sst s16;
	[tilespmem:s10+$0x2B0] =	vst @!p0 v2  }
0x260: {  	s29 =	sld [smem:$0x7F2];
	[tilespmem:s10+$0x2C0] =	vst @!p0 v2  }
0x261: {  	[tilespmem:s10+$0x2D0] =	vst @!p0 v2  }
0x262: {  	[tilespmem:s10+$0x2E0] =	vst @!p0 v2  }
0x263: {  	[tilespmem:s10+$0x2F0] =	vst @!p0 v2;
	p0 =	seq.s32 s29, $0x1  }
0x264: {  	[tilespmem:s10+$0x300] =	vst @!p0 v1  }
0x265: {  	[tilespmem:s10+$0x310] =	vst @!p0 v1  }
0x266: {  	[tilespmem:s10+$0x320] =	vst @!p0 v1  }
0x267: {  	[tilespmem:s10+$0x330] =	vst @!p0 v1  }
0x268: {  	s29 =	sld [smem:$0x7F3];
	[tilespmem:s10+$0x340] =	vst @!p0 v1  }
0x269: {  	[tilespmem:s10+$0x350] =	vst @!p0 v1  }
0x26a: {  	[tilespmem:s10+$0x360] =	vst @!p0 v1  }
0x26b: {  	[tilespmem:s10+$0x370] =	vst @!p0 v1;
	p0 =	seq.s32 s29, $0x1  }
.Ltmp3:
0x26c: {  	[tilespmem:s10+$0x3A0] =	vst @!p2 v0;
	(pc) =	sbr.rel @p0 .LBB2_5-.Ltmp3, $4  }
0x26d: {  	[tilespmem:s10+$0x3B0] =	vst @!p2 v0  }
0x26e: {  	[tilespmem:s10+$0x3C0] =	vst @!p2 v0  }
0x26f: {  	[tilespmem:s10+$0x3D0] =	vst @!p2 v0  }
0x270: {  	[tilespmem:s10+$0x3E0] =	vst @!p2 v0  }
0x271: {  	s11 =	sadd.s32 s7, s8;
	s16 =	sld [smem:$0x7F4]  }
0x272: {  	s11 =	sshll.u32 s11, $0x4  }
0x273: {  	s11 =	sand.u32 $0x1FFFFA00, s11  }
0x274: {  	[tilespmem:s10+$0x3F0] =	vst @!p2 v0;
	s11 =	sadd.s32 s3, s11;
	p0 =	seq.s32 s16, $0x1  }
0x275: {  	[hbm4b:s11+s4] =	stream.linear.scatter [tilespmem:s18], [sflag:$0x6], $0x5000, $0x38;
	[tilespmem:$0x14400] =	vst v63  }
0x276: {  	s16 =	sadd.s32 s7, s13;
	s11 =	simm.s32 @!p0 $0x8  }
0x277: {  	s29 =	sshll.u32 s16, $0x4;
	_ =	swait.ge @!p0 [sflag:s11], $0x5000  }
0x278: {  	s16 =	sshrl.u32 s16, $0x3;
	s10 =	sand.u32 $0x1FFFFE00, s29;
	[sflag:s11] =	ssyncset.done @!p0 $0x0  }
0x279: {  	s29 =	simm.s32 $0x0;
	[sflag:s11] =	ssyncadd.s32 @!p0 $0xFFFFB000;
	s11 =	sadd.s32 s1, s10  }
0x27a: {  	[tilespmem:s24], [sflag:$0x4] =	stream.linear.gather [hbm4b:s11+s29], $0x5000, $0x38;
	[tilespmem:$0x14400] =	vst v63  }
0x27b: {  	s11 =	sadd.s32 s6, s16  }
0x27c: {  	[tilespmem:s25], [sflag:$0x4] =	stream.linear.gather [hbm4b:s11+s29], $0xA0, $0x38;
	[tilespmem:$0x14400] =	vst v63  }
0x27d: {  	_ =	swait.ge [sflag:s26], $0x5000  }
0x27e: {  	[sflag:s26] =	ssyncset.done $0x0  }
0x27f: {  	[sflag:s26] =	ssyncadd.s32 $0xFFFFB000  }
0x280: {  	_ =	swait.ge [sflag:s26], $0xA0  }
0x281: {  	[sflag:s26] =	ssyncset.done $0x0  }
0x282: {  	s29 =	simm.s32 $0x0;
	[sflag:s26] =	ssyncadd.s32 $0xFFFFFF60  }
0x283: {  	v0 =	vld [tilespmem:s29+$0x14200];
	_ =	sdelay $0x4  }
0x284: {  	(v2sf) =	vpush v0, $0x0;
	_ =	sdelay $0x7  }
0x285: {  	(v2sf) =	vpush v0, $0x1;
	_ =	sdelay $0x6  }
0x286: {  	s16 =	spop (v2sf)  }
0x287: {  	(v2sf) =	vpush v0, $0x2;
	p1 =	sne.s32 s16, $0x0  }
0x288: {  	s11 =	simm.s32 $0xA400;
	v1 =	vimm.f32 @!p1 $0.0e+00  }
0x289: {  	[tilespmem:s11+$0xFFFFFC00] =	vst @!p1 v1  }
0x28a: {  	[tilespmem:s11+$0xFFFFFC10] =	vst @!p1 v1  }
0x28b: {  	[tilespmem:s11+$0xFFFFFC20] =	vst @!p1 v1  }
0x28c: {  	[tilespmem:s11+$0xFFFFFC30] =	vst @!p1 v1  }
0x28d: {  	[tilespmem:s11+$0xFFFFFC40] =	vst @!p1 v1  }
0x28e: {  	s29 =	spop (v2sf);
	[tilespmem:s11+$0xFFFFFC50] =	vst @!p1 v1  }
0x28f: {  	(v2sf) =	vpush v0, $0x3;
	p0 =	sne.s32 s29, $0x0;
	[tilespmem:s11+$0xFFFFFC60] =	vst @!p1 v1  }
0x290: {  	v2 =	vimm.f32 @!p0 $0.0e+00;
	[tilespmem:s11+$0xFFFFFC70] =	vst @!p1 v1  }
0x291: {  	[tilespmem:s11+$0xFFFFFC80] =	vst @!p0 v2  }
0x292: {  	[tilespmem:s11+$0xFFFFFC90] =	vst @!p0 v2  }
0x293: {  	[tilespmem:s11+$0xFFFFFCA0] =	vst @!p0 v2  }
0x294: {  	[tilespmem:s11+$0xFFFFFCB0] =	vst @!p0 v2  }
0x295: {  	[tilespmem:s11+$0xFFFFFCC0] =	vst @!p0 v2  }
0x296: {  	[tilespmem:s11+$0xFFFFFCD0] =	vst @!p0 v2;
	s29 =	spop (v2sf)  }
0x297: {  	[tilespmem:s11+$0xFFFFFCE0] =	vst @!p0 v2;
	(v2sf) =	vpush v0, $0x4;
	p1 =	sne.s32 s29, $0x0  }
0x298: {  	[tilespmem:s11+$0xFFFFFCF0] =	vst @!p0 v2;
	v1 =	vimm.f32 @!p1 $0.0e+00  }
0x299: {  	[tilespmem:s11+$0xFFFFFD00] =	vst @!p1 v1  }
0x29a: {  	[tilespmem:s11+$0xFFFFFD10] =	vst @!p1 v1  }
0x29b: {  	[tilespmem:s11+$0xFFFFFD20] =	vst @!p1 v1  }
0x29c: {  	[tilespmem:s11+$0xFFFFFD30] =	vst @!p1 v1  }
0x29d: {  	[tilespmem:s11+$0xFFFFFD40] =	vst @!p1 v1  }
0x29e: {  	s29 =	spop (v2sf);
	[tilespmem:s11+$0xFFFFFD50] =	vst @!p1 v1  }
0x29f: {  	(v2sf) =	vpush v0, $0x5;
	p0 =	sne.s32 s29, $0x0;
	[tilespmem:s11+$0xFFFFFD60] =	vst @!p1 v1  }
0x2a0: {  	v2 =	vimm.f32 @!p0 $0.0e+00;
	[tilespmem:s11+$0xFFFFFD70] =	vst @!p1 v1  }
0x2a1: {  	[tilespmem:s11+$0xFFFFFD80] =	vst @!p0 v2  }
0x2a2: {  	[tilespmem:s11+$0xFFFFFD90] =	vst @!p0 v2  }
0x2a3: {  	[tilespmem:s11+$0xFFFFFDA0] =	vst @!p0 v2  }
0x2a4: {  	[tilespmem:s11+$0xFFFFFDB0] =	vst @!p0 v2  }
0x2a5: {  	[tilespmem:s11+$0xFFFFFDC0] =	vst @!p0 v2  }
0x2a6: {  	[tilespmem:s11+$0xFFFFFDD0] =	vst @!p0 v2;
	s29 =	spop (v2sf)  }
0x2a7: {  	[tilespmem:s11+$0xFFFFFDE0] =	vst @!p0 v2;
	(v2sf) =	vpush v0, $0x6;
	p1 =	sne.s32 s29, $0x0  }
0x2a8: {  	[tilespmem:s11+$0xFFFFFDF0] =	vst @!p0 v2;
	v1 =	vimm.f32 @!p1 $0.0e+00  }
0x2a9: {  	[tilespmem:s11+$0xFFFFFE00] =	vst @!p1 v1  }
0x2aa: {  	[tilespmem:s11+$0xFFFFFE10] =	vst @!p1 v1  }
0x2ab: {  	[tilespmem:s11+$0xFFFFFE20] =	vst @!p1 v1  }
0x2ac: {  	[tilespmem:s11+$0xFFFFFE30] =	vst @!p1 v1  }
0x2ad: {  	[tilespmem:s11+$0xFFFFFE40] =	vst @!p1 v1  }
0x2ae: {  	s29 =	spop (v2sf);
	[tilespmem:s11+$0xFFFFFE50] =	vst @!p1 v1  }
0x2af: {  	(v2sf) =	vpush v0, $0x7;
	p0 =	sne.s32 s29, $0x0;
	[tilespmem:s11+$0xFFFFFE60] =	vst @!p1 v1  }
0x2b0: {  	v2 =	vimm.f32 @!p0 $0.0e+00;
	[tilespmem:s11+$0xFFFFFE70] =	vst @!p1 v1  }
0x2b1: {  	[tilespmem:s11+$0xFFFFFE80] =	vst @!p0 v2  }
0x2b2: {  	[tilespmem:s11+$0xFFFFFE90] =	vst @!p0 v2  }
0x2b3: {  	[tilespmem:s11+$0xFFFFFEA0] =	vst @!p0 v2  }
0x2b4: {  	[tilespmem:s11+$0xFFFFFEB0] =	vst @!p0 v2  }
0x2b5: {  	[tilespmem:s11+$0xFFFFFEC0] =	vst @!p0 v2  }
0x2b6: {  	[tilespmem:s11+$0xFFFFFED0] =	vst @!p0 v2;
	s29 =	spop (v2sf)  }
0x2b7: {  	[tilespmem:s11+$0xFFFFFEE0] =	vst @!p0 v2;
	(v2sf) =	vpush v0, $0x8;
	p1 =	sne.s32 s29, $0x0  }
0x2b8: {  	[tilespmem:s11+$0xFFFFFEF0] =	vst @!p0 v2;
	v1 =	vimm.f32 @!p1 $0.0e+00  }
0x2b9: {  	[tilespmem:s11+$0xFFFFFF00] =	vst @!p1 v1  }
0x2ba: {  	[tilespmem:s11+$0xFFFFFF10] =	vst @!p1 v1  }
0x2bb: {  	[tilespmem:s11+$0xFFFFFF20] =	vst @!p1 v1  }
0x2bc: {  	[tilespmem:s11+$0xFFFFFF30] =	vst @!p1 v1  }
0x2bd: {  	[tilespmem:s11+$0xFFFFFF40] =	vst @!p1 v1  }
0x2be: {  	s29 =	spop (v2sf);
	[tilespmem:s11+$0xFFFFFF50] =	vst @!p1 v1  }
0x2bf: {  	(v2sf) =	vpush v0, $0x9;
	p0 =	sne.s32 s29, $0x0;
	[tilespmem:s11+$0xFFFFFF60] =	vst @!p1 v1  }
0x2c0: {  	v2 =	vimm.f32 @!p0 $0.0e+00;
	[tilespmem:s11+$0xFFFFFF70] =	vst @!p1 v1  }
0x2c1: {  	[tilespmem:s11+$0xFFFFFF80] =	vst @!p0 v2  }
0x2c2: {  	[tilespmem:s11+$0xFFFFFF90] =	vst @!p0 v2  }
0x2c3: {  	[tilespmem:s11+$0xFFFFFFA0] =	vst @!p0 v2  }
0x2c4: {  	[tilespmem:s11+$0xFFFFFFB0] =	vst @!p0 v2  }
0x2c5: {  	[tilespmem:s11+$0xFFFFFFC0] =	vst @!p0 v2  }
0x2c6: {  	[tilespmem:s11+$0xFFFFFFD0] =	vst @!p0 v2;
	s29 =	spop (v2sf)  }
0x2c7: {  	[tilespmem:s11+$0xFFFFFFE0] =	vst @!p0 v2;
	(v2sf) =	vpush v0, $0xA;
	p1 =	sne.s32 s29, $0x0  }
0x2c8: {  	[tilespmem:s11+$0xFFFFFFF0] =	vst @!p0 v2;
	v1 =	vimm.f32 @!p1 $0.0e+00  }
0x2c9: {  	[tilespmem:s11+$0x0] =	vst @!p1 v1  }
0x2ca: {  	[tilespmem:s11+$0x10] =	vst @!p1 v1  }
0x2cb: {  	[tilespmem:s11+$0x20] =	vst @!p1 v1  }
0x2cc: {  	[tilespmem:s11+$0x30] =	vst @!p1 v1  }
0x2cd: {  	[tilespmem:s11+$0x40] =	vst @!p1 v1  }
0x2ce: {  	s29 =	spop (v2sf);
	[tilespmem:s11+$0x50] =	vst @!p1 v1  }
0x2cf: {  	(v2sf) =	vpush v0, $0xB;
	p0 =	sne.s32 s29, $0x0;
	[tilespmem:s11+$0x60] =	vst @!p1 v1  }
0x2d0: {  	v2 =	vimm.f32 @!p0 $0.0e+00;
	[tilespmem:s11+$0x70] =	vst @!p1 v1  }
0x2d1: {  	[tilespmem:s11+$0x80] =	vst @!p0 v2  }
0x2d2: {  	[tilespmem:s11+$0x90] =	vst @!p0 v2  }
0x2d3: {  	[tilespmem:s11+$0xA0] =	vst @!p0 v2  }
0x2d4: {  	[tilespmem:s11+$0xB0] =	vst @!p0 v2  }
0x2d5: {  	[tilespmem:s11+$0xC0] =	vst @!p0 v2  }
0x2d6: {  	[tilespmem:s11+$0xD0] =	vst @!p0 v2;
	s29 =	spop (v2sf)  }
0x2d7: {  	[tilespmem:s11+$0xE0] =	vst @!p0 v2;
	(v2sf) =	vpush v0, $0xC;
	p1 =	sne.s32 s29, $0x0  }
0x2d8: {  	[tilespmem:s11+$0xF0] =	vst @!p0 v2;
	v1 =	vimm.f32 @!p1 $0.0e+00  }
0x2d9: {  	[tilespmem:s11+$0x100] =	vst @!p1 v1  }
0x2da: {  	[tilespmem:s11+$0x110] =	vst @!p1 v1  }
0x2db: {  	[tilespmem:s11+$0x120] =	vst @!p1 v1  }
0x2dc: {  	[tilespmem:s11+$0x130] =	vst @!p1 v1  }
0x2dd: {  	[tilespmem:s11+$0x140] =	vst @!p1 v1  }
0x2de: {  	s29 =	spop (v2sf);
	[tilespmem:s11+$0x150] =	vst @!p1 v1  }
0x2df: {  	(v2sf) =	vpush v0, $0xD;
	p0 =	sne.s32 s29, $0x0;
	[tilespmem:s11+$0x160] =	vst @!p1 v1  }
0x2e0: {  	v2 =	vimm.f32 @!p0 $0.0e+00;
	[tilespmem:s11+$0x170] =	vst @!p1 v1  }
0x2e1: {  	[tilespmem:s11+$0x180] =	vst @!p0 v2  }
0x2e2: {  	[tilespmem:s11+$0x190] =	vst @!p0 v2  }
0x2e3: {  	[tilespmem:s11+$0x1A0] =	vst @!p0 v2  }
0x2e4: {  	[tilespmem:s11+$0x1B0] =	vst @!p0 v2  }
0x2e5: {  	[tilespmem:s11+$0x1C0] =	vst @!p0 v2  }
0x2e6: {  	[tilespmem:s11+$0x1D0] =	vst @!p0 v2;
	s29 =	spop (v2sf)  }
0x2e7: {  	[tilespmem:s11+$0x1E0] =	vst @!p0 v2;
	(v2sf) =	vpush v0, $0xE;
	p1 =	sne.s32 s29, $0x0  }
0x2e8: {  	[tilespmem:s11+$0x1F0] =	vst @!p0 v2;
	v1 =	vimm.f32 @!p1 $0.0e+00  }
0x2e9: {  	[tilespmem:s11+$0x200] =	vst @!p1 v1  }
0x2ea: {  	[tilespmem:s11+$0x210] =	vst @!p1 v1  }
0x2eb: {  	[tilespmem:s11+$0x220] =	vst @!p1 v1  }
0x2ec: {  	[tilespmem:s11+$0x230] =	vst @!p1 v1  }
0x2ed: {  	[tilespmem:s11+$0x240] =	vst @!p1 v1  }
0x2ee: {  	s29 =	spop (v2sf);
	[tilespmem:s11+$0x250] =	vst @!p1 v1  }
0x2ef: {  	(v2sf) =	vpush v0, $0xF;
	p0 =	sne.s32 s29, $0x0;
	[tilespmem:s11+$0x260] =	vst @!p1 v1  }
0x2f0: {  	v0 =	vimm.f32 @!p0 $0.0e+00;
	[tilespmem:s11+$0x270] =	vst @!p1 v1  }
0x2f1: {  	[tilespmem:s11+$0x280] =	vst @!p0 v0  }
0x2f2: {  	[tilespmem:s11+$0x290] =	vst @!p0 v0  }
0x2f3: {  	[tilespmem:s11+$0x2A0] =	vst @!p0 v0  }
0x2f4: {  	[tilespmem:s11+$0x2B0] =	vst @!p0 v0  }
0x2f5: {  	[tilespmem:s11+$0x2C0] =	vst @!p0 v0  }
0x2f6: {  	[tilespmem:s11+$0x2D0] =	vst @!p0 v0;
	s29 =	spop (v2sf)  }
0x2f7: {  	[tilespmem:s11+$0x2E0] =	vst @!p0 v0;
	p1 =	sne.s32 s29, $0x0  }
0x2f8: {  	[tilespmem:s11+$0x2F0] =	vst @!p0 v0;
	v1 =	vimm.f32 @!p1 $0.0e+00  }
0x2f9: {  	[tilespmem:s11+$0x300] =	vst @!p1 v1  }
0x2fa: {  	[tilespmem:s11+$0x310] =	vst @!p1 v1  }
0x2fb: {  	[tilespmem:s11+$0x320] =	vst @!p1 v1  }
0x2fc: {  	[tilespmem:s11+$0x330] =	vst @!p1 v1  }
0x2fd: {  	[tilespmem:s11+$0x340] =	vst @!p1 v1  }
0x2fe: {  	s29 =	spop (v2sf);
	[tilespmem:s11+$0x350] =	vst @!p1 v1  }
0x2ff: {  	p2 =	sne.s32 s29, $0x0;
	[tilespmem:s11+$0x360] =	vst @!p1 v1  }
0x300: {  	[tilespmem:s11+$0x370] =	vst @!p1 v1;
	v0 =	vimm.f32 @!p2 $0.0e+00  }
0x301: {  	[tilespmem:s11+$0x380] =	vst @!p2 v0  }
0x302: {  	[tilespmem:s11+$0x390] =	vst @!p2 v0  }
0x303: {  	[tilespmem:s11+$0x3A0] =	vst @!p2 v0  }
0x304: {  	[tilespmem:s11+$0x3B0] =	vst @!p2 v0  }
0x305: {  	[tilespmem:s11+$0x3C0] =	vst @!p2 v0  }
0x306: {  	[tilespmem:s11+$0x3D0] =	vst @!p2 v0  }
0x307: {  	s16 =	simm.s32 $0x40;
	[tilespmem:s11+$0x3E0] =	vst @!p2 v0  }
.LBB2_7:
0x308: {  	s29 =	sshra.s32 s16, $0x2;
	[tilespmem:s11+$0x3F0] =	vst @!p2 v0  }
0x309: {  	v0 =	vld [tilespmem:s29+$0x14200];
	_ =	sdelay $0x4  }
0x30a: {  	(v2sf) =	vpush v0, $0x0;
	_ =	sdelay $0x2  }
0x30b: {  	(v2sf) =	vpush v0, $0x1  }
0x30c: {  	(v2sf) =	vpush v0, $0x2  }
0x30d: {  	(v2sf) =	vpush v0, $0x3  }
0x30e: {  	(v2sf) =	vpush v0, $0x4  }
0x30f: {  	(v2sf) =	vpush v0, $0x5  }
0x310: {  	(v2sf) =	vpush v0, $0x6  }
0x311: {  	(v2sf) =	vpush v0, $0x7  }
0x312: {  	(v2sf) =	vpush v0, $0x8  }
0x313: {  	s16 =	sadd.s32 $0x40, s16;
	(v2sf) =	vpush v0, $0x9  }
0x314: {  	p0 =	sne.s32 s16, $0x280;
	(v2sf) =	vpush v0, $0xA  }
0x315: {  	s29 =	simm.s32 @!p0 $0x0;
	(v2sf) =	vpush v0, $0xB  }
0x316: {  	s29 =	simm.s32 @p0 $0x1;
	(v2sf) =	vpush v0, $0xC  }
0x317: {  	[smem:$0x7EA] =	sst s29;
	(v2sf) =	vpush v0, $0xD;
	s29 =	spop (v2sf)  }
0x318: {  	(v2sf) =	vpush v0, $0xE;
	p0 =	sne.s32 s29, $0x0  }
0x319: {  	s11 =	sadd.s32 $0x800, s11;
	(v2sf) =	vpush v0, $0xF;
	v0 =	vimm.f32 @!p0 $0.0e+00  }
0x31a: {  	[tilespmem:s11+$0xFFFFFC00] =	vst @!p0 v0  }
0x31b: {  	[tilespmem:s11+$0xFFFFFC10] =	vst @!p0 v0  }
0x31c: {  	[tilespmem:s11+$0xFFFFFC20] =	vst @!p0 v0  }
0x31d: {  	[tilespmem:s11+$0xFFFFFC30] =	vst @!p0 v0  }
0x31e: {  	[tilespmem:s11+$0xFFFFFC40] =	vst @!p0 v0  }
0x31f: {  	s29 =	spop (v2sf);
	[tilespmem:s11+$0xFFFFFC50] =	vst @!p0 v0  }
0x320: {  	p2 =	sne.s32 s29, $0x0;
	[tilespmem:s11+$0xFFFFFC60] =	vst @!p0 v0  }
0x321: {  	v9 =	vimm.f32 @!p2 $0.0e+00;
	[tilespmem:s11+$0xFFFFFC70] =	vst @!p0 v0  }
0x322: {  	[tilespmem:s11+$0xFFFFFC80] =	vst @!p2 v9  }
0x323: {  	[tilespmem:s11+$0xFFFFFC90] =	vst @!p2 v9  }
0x324: {  	[tilespmem:s11+$0xFFFFFCA0] =	vst @!p2 v9  }
0x325: {  	[tilespmem:s11+$0xFFFFFCB0] =	vst @!p2 v9  }
0x326: {  	[tilespmem:s11+$0xFFFFFCC0] =	vst @!p2 v9  }
0x327: {  	s29 =	spop (v2sf);
	[tilespmem:s11+$0xFFFFFCD0] =	vst @!p2 v9  }
0x328: {  	p3 =	sne.s32 s29, $0x0;
	[tilespmem:s11+$0xFFFFFCE0] =	vst @!p2 v9  }
0x329: {  	v10 =	vimm.f32 @!p3 $0.0e+00;
	[tilespmem:s11+$0xFFFFFCF0] =	vst @!p2 v9  }
0x32a: {  	[tilespmem:s11+$0xFFFFFD00] =	vst @!p3 v10  }
0x32b: {  	s29 =	spop (v2sf);
	[tilespmem:s11+$0xFFFFFD10] =	vst @!p3 v10  }
0x32c: {  	p4 =	sne.s32 s29, $0x0;
	s29 =	spop (v2sf);
	[tilespmem:s11+$0xFFFFFD20] =	vst @!p3 v10  }
0x32d: {  	p5 =	sne.s32 s29, $0x0;
	s29 =	spop (v2sf);
	[tilespmem:s11+$0xFFFFFD30] =	vst @!p3 v10  }
0x32e: {  	[tilespmem:s11+$0xFFFFFD40] =	vst @!p3 v10;
	p6 =	sne.s32 s29, $0x0;
	s29 =	spop (v2sf)  }
0x32f: {  	[tilespmem:s11+$0xFFFFFD50] =	vst @!p3 v10;
	p1 =	sne.s32 s29, $0x0  }
0x330: {  	[tilespmem:s11+$0xFFFFFD60] =	vst @!p3 v10;
	s29 =	simm.s32 @!p1 $0x0  }
0x331: {  	v11 =	vimm.f32 @!p4 $0.0e+00;
	[tilespmem:s11+$0xFFFFFD70] =	vst @!p3 v10;
	s29 =	simm.s32 @p1 $0x1  }
0x332: {  	[tilespmem:s11+$0xFFFFFD80] =	vst @!p4 v11;
	[smem:$0x7E2] =	sst s29;
	s29 =	spop (v2sf)  }
0x333: {  	[tilespmem:s11+$0xFFFFFD90] =	vst @!p4 v11;
	v14 =	vimm.f32 @!p1 $0.0e+00;
	p1 =	sne.s32 s29, $0x0  }
0x334: {  	[tilespmem:s11+$0xFFFFFDA0] =	vst @!p4 v11;
	s29 =	simm.s32 @!p1 $0x0  }
0x335: {  	[tilespmem:s11+$0xFFFFFDB0] =	vst @!p4 v11;
	s29 =	simm.s32 @p1 $0x1  }
0x336: {  	[tilespmem:s11+$0xFFFFFDC0] =	vst @!p4 v11;
	[smem:$0x7E3] =	sst s29;
	s29 =	spop (v2sf)  }
0x337: {  	[tilespmem:s11+$0xFFFFFDD0] =	vst @!p4 v11;
	v8 =	vimm.f32 @!p1 $0.0e+00;
	p1 =	sne.s32 s29, $0x0;
	s29 =	spop (v2sf)  }
0x338: {  	[tilespmem:s11+$0xFFFFFDE0] =	vst @!p4 v11;
	p0 =	sne.s32 s29, $0x0  }
0x339: {  	v12 =	vimm.f32 @!p5 $0.0e+00;
	[tilespmem:s11+$0xFFFFFDF0] =	vst @!p4 v11;
	s29 =	simm.s32 @!p0 $0x0  }
0x33a: {  	[tilespmem:s11+$0xFFFFFE00] =	vst @!p5 v12;
	s29 =	simm.s32 @p0 $0x1  }
0x33b: {  	[tilespmem:s11+$0xFFFFFE10] =	vst @!p5 v12;
	[smem:$0x7E4] =	sst s29;
	s29 =	spop (v2sf)  }
0x33c: {  	[tilespmem:s11+$0xFFFFFE20] =	vst @!p5 v12;
	v6 =	vimm.f32 @!p0 $0.0e+00;
	p0 =	sne.s32 s29, $0x0  }
0x33d: {  	[tilespmem:s11+$0xFFFFFE30] =	vst @!p5 v12;
	s29 =	simm.s32 @!p0 $0x0  }
0x33e: {  	[tilespmem:s11+$0xFFFFFE40] =	vst @!p5 v12;
	s29 =	simm.s32 @p0 $0x1  }
0x33f: {  	[tilespmem:s11+$0xFFFFFE50] =	vst @!p5 v12;
	[smem:$0x7E5] =	sst s29;
	s29 =	spop (v2sf)  }
0x340: {  	[tilespmem:s11+$0xFFFFFE60] =	vst @!p5 v12;
	v5 =	vimm.f32 @!p0 $0.0e+00;
	p0 =	sne.s32 s29, $0x0  }
0x341: {  	v13 =	vimm.f32 @!p6 $0.0e+00;
	[tilespmem:s11+$0xFFFFFE70] =	vst @!p5 v12;
	s29 =	simm.s32 @!p0 $0x0  }
0x342: {  	[tilespmem:s11+$0xFFFFFE80] =	vst @!p6 v13;
	s29 =	simm.s32 @p0 $0x1  }
0x343: {  	[tilespmem:s11+$0xFFFFFE90] =	vst @!p6 v13;
	[smem:$0x7E6] =	sst s29;
	s29 =	spop (v2sf)  }
0x344: {  	[tilespmem:s11+$0xFFFFFEA0] =	vst @!p6 v13;
	v4 =	vimm.f32 @!p0 $0.0e+00;
	p0 =	sne.s32 s29, $0x0  }
0x345: {  	[tilespmem:s11+$0xFFFFFEB0] =	vst @!p6 v13;
	s29 =	simm.s32 @!p0 $0x0  }
0x346: {  	[tilespmem:s11+$0xFFFFFEC0] =	vst @!p6 v13;
	s29 =	simm.s32 @p0 $0x1  }
0x347: {  	[tilespmem:s11+$0xFFFFFED0] =	vst @!p6 v13;
	[smem:$0x7E7] =	sst s29;
	s29 =	spop (v2sf)  }
0x348: {  	[tilespmem:s11+$0xFFFFFEE0] =	vst @!p6 v13;
	v3 =	vimm.f32 @!p0 $0.0e+00;
	p0 =	sne.s32 s29, $0x0  }
0x349: {  	[tilespmem:s11+$0xFFFFFEF0] =	vst @!p6 v13;
	v7 =	vimm.f32 @!p1 $0.0e+00;
	s29 =	simm.s32 @!p0 $0x0  }
0x34a: {  	[tilespmem:s11+$0x0] =	vst @!p1 v7;
	s29 =	simm.s32 @p0 $0x1  }
0x34b: {  	[tilespmem:s11+$0x10] =	vst @!p1 v7;
	[smem:$0x7E8] =	sst s29;
	s29 =	spop (v2sf)  }
0x34c: {  	[tilespmem:s11+$0x20] =	vst @!p1 v7;
	v2 =	vimm.f32 @!p0 $0.0e+00;
	p0 =	sne.s32 s29, $0x0  }
0x34d: {  	[tilespmem:s11+$0x30] =	vst @!p1 v7;
	s29 =	simm.s32 @!p0 $0x0  }
0x34e: {  	[tilespmem:s11+$0x40] =	vst @!p1 v7;
	s29 =	simm.s32 @p0 $0x1  }
0x34f: {  	[tilespmem:s11+$0x50] =	vst @!p1 v7;
	[smem:$0x7E9] =	sst s29;
	s29 =	spop (v2sf)  }
0x350: {  	[tilespmem:s11+$0x60] =	vst @!p1 v7;
	v1 =	vimm.f32 @!p0 $0.0e+00;
	p0 =	sne.s32 s29, $0x0;
	s29 =	sld [smem:$0x7E2]  }
0x351: {  	[tilespmem:s11+$0x70] =	vst @!p1 v7;
	v0 =	vimm.f32 @!p0 $0.0e+00;
	p2 =	por p0, p0  }
0x352: {  	[tilespmem:s11+$0x380] =	vst @!p2 v0  }
0x353: {  	[tilespmem:s11+$0x390] =	vst @!p2 v0;
	p0 =	seq.s32 s29, $0x1  }
0x354: {  	[tilespmem:s11+$0xFFFFFF00] =	vst @!p0 v14  }
0x355: {  	[tilespmem:s11+$0xFFFFFF10] =	vst @!p0 v14  }
0x356: {  	[tilespmem:s11+$0xFFFFFF20] =	vst @!p0 v14  }
0x357: {  	[tilespmem:s11+$0xFFFFFF30] =	vst @!p0 v14  }
0x358: {  	s29 =	sld [smem:$0x7E3];
	[tilespmem:s11+$0xFFFFFF40] =	vst @!p0 v14  }
0x359: {  	[tilespmem:s11+$0xFFFFFF50] =	vst @!p0 v14  }
0x35a: {  	[tilespmem:s11+$0xFFFFFF60] =	vst @!p0 v14  }
0x35b: {  	[tilespmem:s11+$0xFFFFFF70] =	vst @!p0 v14;
	p0 =	seq.s32 s29, $0x1  }
0x35c: {  	[tilespmem:s11+$0xFFFFFF80] =	vst @!p0 v8  }
0x35d: {  	[tilespmem:s11+$0xFFFFFF90] =	vst @!p0 v8  }
0x35e: {  	[tilespmem:s11+$0xFFFFFFA0] =	vst @!p0 v8  }
0x35f: {  	[tilespmem:s11+$0xFFFFFFB0] =	vst @!p0 v8  }
0x360: {  	s29 =	sld [smem:$0x7E4];
	[tilespmem:s11+$0xFFFFFFC0] =	vst @!p0 v8  }
0x361: {  	[tilespmem:s11+$0xFFFFFFD0] =	vst @!p0 v8  }
0x362: {  	[tilespmem:s11+$0xFFFFFFE0] =	vst @!p0 v8  }
0x363: {  	[tilespmem:s11+$0xFFFFFFF0] =	vst @!p0 v8;
	p0 =	seq.s32 s29, $0x1  }
0x364: {  	[tilespmem:s11+$0x80] =	vst @!p0 v6  }
0x365: {  	[tilespmem:s11+$0x90] =	vst @!p0 v6  }
0x366: {  	[tilespmem:s11+$0xA0] =	vst @!p0 v6  }
0x367: {  	[tilespmem:s11+$0xB0] =	vst @!p0 v6  }
0x368: {  	s29 =	sld [smem:$0x7E5];
	[tilespmem:s11+$0xC0] =	vst @!p0 v6  }
0x369: {  	[tilespmem:s11+$0xD0] =	vst @!p0 v6  }
0x36a: {  	[tilespmem:s11+$0xE0] =	vst @!p0 v6  }
0x36b: {  	[tilespmem:s11+$0xF0] =	vst @!p0 v6;
	p0 =	seq.s32 s29, $0x1  }
0x36c: {  	[tilespmem:s11+$0x100] =	vst @!p0 v5  }
0x36d: {  	[tilespmem:s11+$0x110] =	vst @!p0 v5  }
0x36e: {  	[tilespmem:s11+$0x120] =	vst @!p0 v5  }
0x36f: {  	[tilespmem:s11+$0x130] =	vst @!p0 v5  }
0x370: {  	s29 =	sld [smem:$0x7E6];
	[tilespmem:s11+$0x140] =	vst @!p0 v5  }
0x371: {  	[tilespmem:s11+$0x150] =	vst @!p0 v5  }
0x372: {  	[tilespmem:s11+$0x160] =	vst @!p0 v5  }
0x373: {  	[tilespmem:s11+$0x170] =	vst @!p0 v5;
	p0 =	seq.s32 s29, $0x1  }
0x374: {  	[tilespmem:s11+$0x180] =	vst @!p0 v4  }
0x375: {  	[tilespmem:s11+$0x190] =	vst @!p0 v4  }
0x376: {  	[tilespmem:s11+$0x1A0] =	vst @!p0 v4  }
0x377: {  	[tilespmem:s11+$0x1B0] =	vst @!p0 v4  }
0x378: {  	s29 =	sld [smem:$0x7E7];
	[tilespmem:s11+$0x1C0] =	vst @!p0 v4  }
0x379: {  	[tilespmem:s11+$0x1D0] =	vst @!p0 v4  }
0x37a: {  	[tilespmem:s11+$0x1E0] =	vst @!p0 v4  }
0x37b: {  	[tilespmem:s11+$0x1F0] =	vst @!p0 v4;
	p0 =	seq.s32 s29, $0x1  }
0x37c: {  	[tilespmem:s11+$0x200] =	vst @!p0 v3  }
0x37d: {  	[tilespmem:s11+$0x210] =	vst @!p0 v3  }
0x37e: {  	[tilespmem:s11+$0x220] =	vst @!p0 v3  }
0x37f: {  	[tilespmem:s11+$0x230] =	vst @!p0 v3  }
0x380: {  	s29 =	sld [smem:$0x7E8];
	[tilespmem:s11+$0x240] =	vst @!p0 v3  }
0x381: {  	[tilespmem:s11+$0x250] =	vst @!p0 v3  }
0x382: {  	[tilespmem:s11+$0x260] =	vst @!p0 v3  }
0x383: {  	[tilespmem:s11+$0x270] =	vst @!p0 v3;
	p0 =	seq.s32 s29, $0x1  }
0x384: {  	[tilespmem:s11+$0x280] =	vst @!p0 v2  }
0x385: {  	[tilespmem:s11+$0x290] =	vst @!p0 v2  }
0x386: {  	[tilespmem:s11+$0x2A0] =	vst @!p0 v2  }
0x387: {  	[tilespmem:s11+$0x2B0] =	vst @!p0 v2  }
0x388: {  	s29 =	sld [smem:$0x7E9];
	[tilespmem:s11+$0x2C0] =	vst @!p0 v2  }
0x389: {  	[tilespmem:s11+$0x2D0] =	vst @!p0 v2  }
0x38a: {  	[tilespmem:s11+$0x2E0] =	vst @!p0 v2  }
0x38b: {  	[tilespmem:s11+$0x2F0] =	vst @!p0 v2;
	p0 =	seq.s32 s29, $0x1  }
0x38c: {  	[tilespmem:s11+$0x300] =	vst @!p0 v1  }
0x38d: {  	[tilespmem:s11+$0x310] =	vst @!p0 v1  }
0x38e: {  	[tilespmem:s11+$0x320] =	vst @!p0 v1  }
0x38f: {  	[tilespmem:s11+$0x330] =	vst @!p0 v1  }
0x390: {  	s29 =	sld [smem:$0x7EA];
	[tilespmem:s11+$0x340] =	vst @!p0 v1  }
0x391: {  	[tilespmem:s11+$0x350] =	vst @!p0 v1  }
0x392: {  	[tilespmem:s11+$0x360] =	vst @!p0 v1  }
0x393: {  	[tilespmem:s11+$0x370] =	vst @!p0 v1;
	p0 =	seq.s32 s29, $0x1  }
.Ltmp4:
0x394: {  	[tilespmem:s11+$0x3A0] =	vst @!p2 v0;
	(pc) =	sbr.rel @p0 .LBB2_7-.Ltmp4, $4  }
0x395: {  	[tilespmem:s11+$0x3B0] =	vst @!p2 v0  }
0x396: {  	[tilespmem:s11+$0x3C0] =	vst @!p2 v0  }
0x397: {  	[tilespmem:s11+$0x3D0] =	vst @!p2 v0  }
0x398: {  	[tilespmem:s11+$0x3E0] =	vst @!p2 v0  }
0x399: {  	[tilespmem:s11+$0x3F0] =	vst @!p2 v0;
	s9 =	sadd.s32 s3, s9;
	p0 =	seq.s32 s17, $0x9  }
0x39a: {  	[hbm4b:s9+s4] =	stream.linear.scatter [tilespmem:s21], [sflag:$0x7], $0x5000, $0x38;
	[tilespmem:$0x14400] =	vst v63  }
0x39b: {  	s9 =	simm.s32 @!p0 $0x5;
	s11 =	sadd.s32 @!p0 s7, s14  }
0x39c: {  	_ =	swait.ge @!p0 [sflag:s9], $0x5000;
	s16 =	sshll.u32 @!p0 s11, $0x4  }
0x39d: {  	s29 =	simm.s32 @!p0 $0x0;
	[sflag:s9] =	ssyncset.done @!p0 $0x0;
	s16 =	sand.u32 @!p0 $0x1FFFF800, s16  }
0x39e: {  	[sflag:s9] =	ssyncadd.s32 @!p0 $0xFFFFB000;
	s9 =	sadd.s32 @!p0 s1, s16;
	s16 =	simm.s32 @!p0 $0x0  }
0x39f: {  	[tilespmem:s16], [sflag:$0x1] =	stream.linear.gather @!p0 [hbm4b:s9+s16], $0x5000, $0x38;
	[tilespmem:$0x14400] =	vst v63  }
0x3a0: {  	s29 =	simm.s32 @p0 $0x1;
	s9 =	sshrl.u32 @!p0 s11, $0x3  }
0x3a1: {  	[smem:$0x7E1] =	sst s29;
	s11 =	simm.s32 @!p0 $0x14000;
	s9 =	sadd.s32 @!p0 s6, s9  }
0x3a2: {  	[tilespmem:s11], [sflag:$0x1] =	stream.linear.gather @!p0 [hbm4b:s9+s16], $0xA0, $0x38;
	[tilespmem:$0x14400] =	vst v63  }
0x3a3: {  	_ =	swait.ge [sflag:s28], $0x5000  }
0x3a4: {  	[sflag:s28] =	ssyncset.done $0x0  }
0x3a5: {  	[sflag:s28] =	ssyncadd.s32 $0xFFFFB000  }
0x3a6: {  	_ =	swait.ge [sflag:s28], $0xA0  }
0x3a7: {  	[sflag:s28] =	ssyncset.done $0x0  }
0x3a8: {  	s11 =	simm.s32 $0x0;
	[sflag:s28] =	ssyncadd.s32 $0xFFFFFF60  }
0x3a9: {  	v0 =	vld [tilespmem:s11+$0x14300];
	_ =	sdelay $0x4  }
0x3aa: {  	(v2sf) =	vpush v0, $0x0;
	_ =	sdelay $0x7  }
0x3ab: {  	(v2sf) =	vpush v0, $0x1;
	_ =	sdelay $0x6  }
0x3ac: {  	s16 =	spop (v2sf)  }
0x3ad: {  	(v2sf) =	vpush v0, $0x2;
	p1 =	sne.s32 s16, $0x0  }
0x3ae: {  	s9 =	simm.s32 $0xF400;
	v1 =	vimm.f32 @!p1 $0.0e+00  }
0x3af: {  	[tilespmem:s9+$0xFFFFFC00] =	vst @!p1 v1  }
0x3b0: {  	[tilespmem:s9+$0xFFFFFC10] =	vst @!p1 v1  }
0x3b1: {  	[tilespmem:s9+$0xFFFFFC20] =	vst @!p1 v1  }
0x3b2: {  	[tilespmem:s9+$0xFFFFFC30] =	vst @!p1 v1  }
0x3b3: {  	[tilespmem:s9+$0xFFFFFC40] =	vst @!p1 v1  }
0x3b4: {  	s29 =	spop (v2sf);
	[tilespmem:s9+$0xFFFFFC50] =	vst @!p1 v1  }
0x3b5: {  	(v2sf) =	vpush v0, $0x3;
	p0 =	sne.s32 s29, $0x0;
	[tilespmem:s9+$0xFFFFFC60] =	vst @!p1 v1  }
0x3b6: {  	v2 =	vimm.f32 @!p0 $0.0e+00;
	[tilespmem:s9+$0xFFFFFC70] =	vst @!p1 v1  }
0x3b7: {  	[tilespmem:s9+$0xFFFFFC80] =	vst @!p0 v2  }
0x3b8: {  	[tilespmem:s9+$0xFFFFFC90] =	vst @!p0 v2  }
0x3b9: {  	[tilespmem:s9+$0xFFFFFCA0] =	vst @!p0 v2  }
0x3ba: {  	[tilespmem:s9+$0xFFFFFCB0] =	vst @!p0 v2  }
0x3bb: {  	[tilespmem:s9+$0xFFFFFCC0] =	vst @!p0 v2  }
0x3bc: {  	[tilespmem:s9+$0xFFFFFCD0] =	vst @!p0 v2;
	s16 =	spop (v2sf)  }
0x3bd: {  	[tilespmem:s9+$0xFFFFFCE0] =	vst @!p0 v2;
	(v2sf) =	vpush v0, $0x4;
	p1 =	sne.s32 s16, $0x0  }
0x3be: {  	[tilespmem:s9+$0xFFFFFCF0] =	vst @!p0 v2;
	v1 =	vimm.f32 @!p1 $0.0e+00  }
0x3bf: {  	[tilespmem:s9+$0xFFFFFD00] =	vst @!p1 v1  }
0x3c0: {  	[tilespmem:s9+$0xFFFFFD10] =	vst @!p1 v1  }
0x3c1: {  	[tilespmem:s9+$0xFFFFFD20] =	vst @!p1 v1  }
0x3c2: {  	[tilespmem:s9+$0xFFFFFD30] =	vst @!p1 v1  }
0x3c3: {  	[tilespmem:s9+$0xFFFFFD40] =	vst @!p1 v1  }
0x3c4: {  	s29 =	spop (v2sf);
	[tilespmem:s9+$0xFFFFFD50] =	vst @!p1 v1  }
0x3c5: {  	(v2sf) =	vpush v0, $0x5;
	p0 =	sne.s32 s29, $0x0;
	[tilespmem:s9+$0xFFFFFD60] =	vst @!p1 v1  }
0x3c6: {  	v2 =	vimm.f32 @!p0 $0.0e+00;
	[tilespmem:s9+$0xFFFFFD70] =	vst @!p1 v1  }
0x3c7: {  	[tilespmem:s9+$0xFFFFFD80] =	vst @!p0 v2  }
0x3c8: {  	[tilespmem:s9+$0xFFFFFD90] =	vst @!p0 v2  }
0x3c9: {  	[tilespmem:s9+$0xFFFFFDA0] =	vst @!p0 v2  }
0x3ca: {  	[tilespmem:s9+$0xFFFFFDB0] =	vst @!p0 v2  }
0x3cb: {  	[tilespmem:s9+$0xFFFFFDC0] =	vst @!p0 v2  }
0x3cc: {  	[tilespmem:s9+$0xFFFFFDD0] =	vst @!p0 v2;
	s16 =	spop (v2sf)  }
0x3cd: {  	[tilespmem:s9+$0xFFFFFDE0] =	vst @!p0 v2;
	(v2sf) =	vpush v0, $0x6;
	p1 =	sne.s32 s16, $0x0  }
0x3ce: {  	[tilespmem:s9+$0xFFFFFDF0] =	vst @!p0 v2;
	v1 =	vimm.f32 @!p1 $0.0e+00  }
0x3cf: {  	[tilespmem:s9+$0xFFFFFE00] =	vst @!p1 v1  }
0x3d0: {  	[tilespmem:s9+$0xFFFFFE10] =	vst @!p1 v1  }
0x3d1: {  	[tilespmem:s9+$0xFFFFFE20] =	vst @!p1 v1  }
0x3d2: {  	[tilespmem:s9+$0xFFFFFE30] =	vst @!p1 v1  }
0x3d3: {  	[tilespmem:s9+$0xFFFFFE40] =	vst @!p1 v1  }
0x3d4: {  	s29 =	spop (v2sf);
	[tilespmem:s9+$0xFFFFFE50] =	vst @!p1 v1  }
0x3d5: {  	(v2sf) =	vpush v0, $0x7;
	p0 =	sne.s32 s29, $0x0;
	[tilespmem:s9+$0xFFFFFE60] =	vst @!p1 v1  }
0x3d6: {  	v2 =	vimm.f32 @!p0 $0.0e+00;
	[tilespmem:s9+$0xFFFFFE70] =	vst @!p1 v1  }
0x3d7: {  	[tilespmem:s9+$0xFFFFFE80] =	vst @!p0 v2  }
0x3d8: {  	[tilespmem:s9+$0xFFFFFE90] =	vst @!p0 v2  }
0x3d9: {  	[tilespmem:s9+$0xFFFFFEA0] =	vst @!p0 v2  }
0x3da: {  	[tilespmem:s9+$0xFFFFFEB0] =	vst @!p0 v2  }
0x3db: {  	[tilespmem:s9+$0xFFFFFEC0] =	vst @!p0 v2  }
0x3dc: {  	[tilespmem:s9+$0xFFFFFED0] =	vst @!p0 v2;
	s16 =	spop (v2sf)  }
0x3dd: {  	[tilespmem:s9+$0xFFFFFEE0] =	vst @!p0 v2;
	(v2sf) =	vpush v0, $0x8;
	p1 =	sne.s32 s16, $0x0  }
0x3de: {  	[tilespmem:s9+$0xFFFFFEF0] =	vst @!p0 v2;
	v1 =	vimm.f32 @!p1 $0.0e+00  }
0x3df: {  	[tilespmem:s9+$0xFFFFFF00] =	vst @!p1 v1  }
0x3e0: {  	[tilespmem:s9+$0xFFFFFF10] =	vst @!p1 v1  }
0x3e1: {  	[tilespmem:s9+$0xFFFFFF20] =	vst @!p1 v1  }
0x3e2: {  	[tilespmem:s9+$0xFFFFFF30] =	vst @!p1 v1  }
0x3e3: {  	[tilespmem:s9+$0xFFFFFF40] =	vst @!p1 v1  }
0x3e4: {  	s29 =	spop (v2sf);
	[tilespmem:s9+$0xFFFFFF50] =	vst @!p1 v1  }
0x3e5: {  	(v2sf) =	vpush v0, $0x9;
	p0 =	sne.s32 s29, $0x0;
	[tilespmem:s9+$0xFFFFFF60] =	vst @!p1 v1  }
0x3e6: {  	v2 =	vimm.f32 @!p0 $0.0e+00;
	[tilespmem:s9+$0xFFFFFF70] =	vst @!p1 v1  }
0x3e7: {  	[tilespmem:s9+$0xFFFFFF80] =	vst @!p0 v2  }
0x3e8: {  	[tilespmem:s9+$0xFFFFFF90] =	vst @!p0 v2  }
0x3e9: {  	[tilespmem:s9+$0xFFFFFFA0] =	vst @!p0 v2  }
0x3ea: {  	[tilespmem:s9+$0xFFFFFFB0] =	vst @!p0 v2  }
0x3eb: {  	[tilespmem:s9+$0xFFFFFFC0] =	vst @!p0 v2  }
0x3ec: {  	[tilespmem:s9+$0xFFFFFFD0] =	vst @!p0 v2;
	s16 =	spop (v2sf)  }
0x3ed: {  	[tilespmem:s9+$0xFFFFFFE0] =	vst @!p0 v2;
	(v2sf) =	vpush v0, $0xA;
	p1 =	sne.s32 s16, $0x0  }
0x3ee: {  	[tilespmem:s9+$0xFFFFFFF0] =	vst @!p0 v2;
	v1 =	vimm.f32 @!p1 $0.0e+00  }
0x3ef: {  	[tilespmem:s9+$0x0] =	vst @!p1 v1  }
0x3f0: {  	[tilespmem:s9+$0x10] =	vst @!p1 v1  }
0x3f1: {  	[tilespmem:s9+$0x20] =	vst @!p1 v1  }
0x3f2: {  	[tilespmem:s9+$0x30] =	vst @!p1 v1  }
0x3f3: {  	[tilespmem:s9+$0x40] =	vst @!p1 v1  }
0x3f4: {  	s29 =	spop (v2sf);
	[tilespmem:s9+$0x50] =	vst @!p1 v1  }
0x3f5: {  	(v2sf) =	vpush v0, $0xB;
	p0 =	sne.s32 s29, $0x0;
	[tilespmem:s9+$0x60] =	vst @!p1 v1  }
0x3f6: {  	v2 =	vimm.f32 @!p0 $0.0e+00;
	[tilespmem:s9+$0x70] =	vst @!p1 v1  }
0x3f7: {  	[tilespmem:s9+$0x80] =	vst @!p0 v2  }
0x3f8: {  	[tilespmem:s9+$0x90] =	vst @!p0 v2  }
0x3f9: {  	[tilespmem:s9+$0xA0] =	vst @!p0 v2  }
0x3fa: {  	[tilespmem:s9+$0xB0] =	vst @!p0 v2  }
0x3fb: {  	[tilespmem:s9+$0xC0] =	vst @!p0 v2  }
0x3fc: {  	[tilespmem:s9+$0xD0] =	vst @!p0 v2;
	s16 =	spop (v2sf)  }
0x3fd: {  	[tilespmem:s9+$0xE0] =	vst @!p0 v2;
	(v2sf) =	vpush v0, $0xC;
	p1 =	sne.s32 s16, $0x0  }
0x3fe: {  	[tilespmem:s9+$0xF0] =	vst @!p0 v2;
	v1 =	vimm.f32 @!p1 $0.0e+00  }
0x3ff: {  	[tilespmem:s9+$0x100] =	vst @!p1 v1  }
0x400: {  	[tilespmem:s9+$0x110] =	vst @!p1 v1  }
0x401: {  	[tilespmem:s9+$0x120] =	vst @!p1 v1  }
0x402: {  	[tilespmem:s9+$0x130] =	vst @!p1 v1  }
0x403: {  	[tilespmem:s9+$0x140] =	vst @!p1 v1  }
0x404: {  	s29 =	spop (v2sf);
	[tilespmem:s9+$0x150] =	vst @!p1 v1  }
0x405: {  	(v2sf) =	vpush v0, $0xD;
	p0 =	sne.s32 s29, $0x0;
	[tilespmem:s9+$0x160] =	vst @!p1 v1  }
0x406: {  	v2 =	vimm.f32 @!p0 $0.0e+00;
	[tilespmem:s9+$0x170] =	vst @!p1 v1  }
0x407: {  	[tilespmem:s9+$0x180] =	vst @!p0 v2  }
0x408: {  	[tilespmem:s9+$0x190] =	vst @!p0 v2  }
0x409: {  	[tilespmem:s9+$0x1A0] =	vst @!p0 v2  }
0x40a: {  	[tilespmem:s9+$0x1B0] =	vst @!p0 v2  }
0x40b: {  	[tilespmem:s9+$0x1C0] =	vst @!p0 v2  }
0x40c: {  	[tilespmem:s9+$0x1D0] =	vst @!p0 v2;
	s16 =	spop (v2sf)  }
0x40d: {  	[tilespmem:s9+$0x1E0] =	vst @!p0 v2;
	(v2sf) =	vpush v0, $0xE;
	p1 =	sne.s32 s16, $0x0  }
0x40e: {  	[tilespmem:s9+$0x1F0] =	vst @!p0 v2;
	v1 =	vimm.f32 @!p1 $0.0e+00  }
0x40f: {  	[tilespmem:s9+$0x200] =	vst @!p1 v1  }
0x410: {  	[tilespmem:s9+$0x210] =	vst @!p1 v1  }
0x411: {  	[tilespmem:s9+$0x220] =	vst @!p1 v1  }
0x412: {  	[tilespmem:s9+$0x230] =	vst @!p1 v1  }
0x413: {  	[tilespmem:s9+$0x240] =	vst @!p1 v1  }
0x414: {  	s29 =	spop (v2sf);
	[tilespmem:s9+$0x250] =	vst @!p1 v1  }
0x415: {  	(v2sf) =	vpush v0, $0xF;
	p0 =	sne.s32 s29, $0x0;
	[tilespmem:s9+$0x260] =	vst @!p1 v1  }
0x416: {  	v0 =	vimm.f32 @!p0 $0.0e+00;
	[tilespmem:s9+$0x270] =	vst @!p1 v1  }
0x417: {  	[tilespmem:s9+$0x280] =	vst @!p0 v0  }
0x418: {  	[tilespmem:s9+$0x290] =	vst @!p0 v0  }
0x419: {  	[tilespmem:s9+$0x2A0] =	vst @!p0 v0  }
0x41a: {  	[tilespmem:s9+$0x2B0] =	vst @!p0 v0  }
0x41b: {  	[tilespmem:s9+$0x2C0] =	vst @!p0 v0  }
0x41c: {  	[tilespmem:s9+$0x2D0] =	vst @!p0 v0;
	s16 =	spop (v2sf)  }
0x41d: {  	[tilespmem:s9+$0x2E0] =	vst @!p0 v0;
	p1 =	sne.s32 s16, $0x0  }
0x41e: {  	[tilespmem:s9+$0x2F0] =	vst @!p0 v0;
	v1 =	vimm.f32 @!p1 $0.0e+00  }
0x41f: {  	[tilespmem:s9+$0x300] =	vst @!p1 v1  }
0x420: {  	[tilespmem:s9+$0x310] =	vst @!p1 v1  }
0x421: {  	[tilespmem:s9+$0x320] =	vst @!p1 v1  }
0x422: {  	[tilespmem:s9+$0x330] =	vst @!p1 v1  }
0x423: {  	[tilespmem:s9+$0x340] =	vst @!p1 v1  }
0x424: {  	s29 =	spop (v2sf);
	[tilespmem:s9+$0x350] =	vst @!p1 v1  }
0x425: {  	p2 =	sne.s32 s29, $0x0;
	[tilespmem:s9+$0x360] =	vst @!p1 v1  }
0x426: {  	[tilespmem:s9+$0x370] =	vst @!p1 v1;
	v0 =	vimm.f32 @!p2 $0.0e+00  }
0x427: {  	[tilespmem:s9+$0x380] =	vst @!p2 v0  }
0x428: {  	[tilespmem:s9+$0x390] =	vst @!p2 v0  }
0x429: {  	[tilespmem:s9+$0x3A0] =	vst @!p2 v0  }
0x42a: {  	[tilespmem:s9+$0x3B0] =	vst @!p2 v0  }
0x42b: {  	[tilespmem:s9+$0x3C0] =	vst @!p2 v0  }
0x42c: {  	[tilespmem:s9+$0x3D0] =	vst @!p2 v0  }
0x42d: {  	s11 =	simm.s32 $0x40;
	[tilespmem:s9+$0x3E0] =	vst @!p2 v0  }
.LBB2_9:
0x42e: {  	s16 =	sshra.s32 s11, $0x2;
	[tilespmem:s9+$0x3F0] =	vst @!p2 v0  }
0x42f: {  	v0 =	vld [tilespmem:s16+$0x14300];
	_ =	sdelay $0x4  }
0x430: {  	(v2sf) =	vpush v0, $0x0;
	_ =	sdelay $0x2  }
0x431: {  	(v2sf) =	vpush v0, $0x1  }
0x432: {  	(v2sf) =	vpush v0, $0x2  }
0x433: {  	(v2sf) =	vpush v0, $0x3  }
0x434: {  	(v2sf) =	vpush v0, $0x4  }
0x435: {  	(v2sf) =	vpush v0, $0x5  }
0x436: {  	(v2sf) =	vpush v0, $0x6  }
0x437: {  	(v2sf) =	vpush v0, $0x7  }
0x438: {  	(v2sf) =	vpush v0, $0x8  }
0x439: {  	(v2sf) =	vpush v0, $0x9  }
0x43a: {  	(v2sf) =	vpush v0, $0xA  }
0x43b: {  	s11 =	sadd.s32 $0x40, s11;
	(v2sf) =	vpush v0, $0xB  }
0x43c: {  	p0 =	sne.s32 s11, $0x280;
	(v2sf) =	vpush v0, $0xC  }
0x43d: {  	s16 =	simm.s32 @!p0 $0x0;
	(v2sf) =	vpush v0, $0xD;
	s29 =	spop (v2sf)  }
0x43e: {  	s16 =	simm.s32 @p0 $0x1;
	(v2sf) =	vpush v0, $0xE;
	p0 =	sne.s32 s29, $0x0  }
0x43f: {  	s9 =	sadd.s32 $0x800, s9;
	(v2sf) =	vpush v0, $0xF;
	v0 =	vimm.f32 @!p0 $0.0e+00  }
0x440: {  	[tilespmem:s9+$0xFFFFFC00] =	vst @!p0 v0  }
0x441: {  	[tilespmem:s9+$0xFFFFFC10] =	vst @!p0 v0  }
0x442: {  	[tilespmem:s9+$0xFFFFFC20] =	vst @!p0 v0  }
0x443: {  	[tilespmem:s9+$0xFFFFFC30] =	vst @!p0 v0  }
0x444: {  	[tilespmem:s9+$0xFFFFFC40] =	vst @!p0 v0  }
0x445: {  	s29 =	spop (v2sf);
	[tilespmem:s9+$0xFFFFFC50] =	vst @!p0 v0  }
0x446: {  	p2 =	sne.s32 s29, $0x0;
	[tilespmem:s9+$0xFFFFFC60] =	vst @!p0 v0  }
0x447: {  	v9 =	vimm.f32 @!p2 $0.0e+00;
	[tilespmem:s9+$0xFFFFFC70] =	vst @!p0 v0  }
0x448: {  	[tilespmem:s9+$0xFFFFFC80] =	vst @!p2 v9  }
0x449: {  	[tilespmem:s9+$0xFFFFFC90] =	vst @!p2 v9  }
0x44a: {  	[tilespmem:s9+$0xFFFFFCA0] =	vst @!p2 v9  }
0x44b: {  	[tilespmem:s9+$0xFFFFFCB0] =	vst @!p2 v9  }
0x44c: {  	[tilespmem:s9+$0xFFFFFCC0] =	vst @!p2 v9  }
0x44d: {  	s29 =	spop (v2sf);
	[tilespmem:s9+$0xFFFFFCD0] =	vst @!p2 v9  }
0x44e: {  	p3 =	sne.s32 s29, $0x0;
	[tilespmem:s9+$0xFFFFFCE0] =	vst @!p2 v9  }
0x44f: {  	v10 =	vimm.f32 @!p3 $0.0e+00;
	[tilespmem:s9+$0xFFFFFCF0] =	vst @!p2 v9  }
0x450: {  	[tilespmem:s9+$0xFFFFFD00] =	vst @!p3 v10  }
0x451: {  	[tilespmem:s9+$0xFFFFFD10] =	vst @!p3 v10  }
0x452: {  	[tilespmem:s9+$0xFFFFFD20] =	vst @!p3 v10  }
0x453: {  	[tilespmem:s9+$0xFFFFFD30] =	vst @!p3 v10  }
0x454: {  	[tilespmem:s9+$0xFFFFFD40] =	vst @!p3 v10  }
0x455: {  	s29 =	spop (v2sf);
	[tilespmem:s9+$0xFFFFFD50] =	vst @!p3 v10  }
0x456: {  	p4 =	sne.s32 s29, $0x0;
	[tilespmem:s9+$0xFFFFFD60] =	vst @!p3 v10  }
0x457: {  	v11 =	vimm.f32 @!p4 $0.0e+00;
	[tilespmem:s9+$0xFFFFFD70] =	vst @!p3 v10  }
0x458: {  	[tilespmem:s9+$0xFFFFFD80] =	vst @!p4 v11  }
0x459: {  	[tilespmem:s9+$0xFFFFFD90] =	vst @!p4 v11  }
0x45a: {  	[tilespmem:s9+$0xFFFFFDA0] =	vst @!p4 v11  }
0x45b: {  	[tilespmem:s9+$0xFFFFFDB0] =	vst @!p4 v11  }
0x45c: {  	[tilespmem:s9+$0xFFFFFDC0] =	vst @!p4 v11  }
0x45d: {  	s29 =	spop (v2sf);
	[tilespmem:s9+$0xFFFFFDD0] =	vst @!p4 v11  }
0x45e: {  	p5 =	sne.s32 s29, $0x0;
	[tilespmem:s9+$0xFFFFFDE0] =	vst @!p4 v11  }
0x45f: {  	v12 =	vimm.f32 @!p5 $0.0e+00;
	[tilespmem:s9+$0xFFFFFDF0] =	vst @!p4 v11  }
0x460: {  	[tilespmem:s9+$0xFFFFFE00] =	vst @!p5 v12  }
0x461: {  	[tilespmem:s9+$0xFFFFFE10] =	vst @!p5 v12  }
0x462: {  	[tilespmem:s9+$0xFFFFFE20] =	vst @!p5 v12  }
0x463: {  	s29 =	spop (v2sf);
	[tilespmem:s9+$0xFFFFFE30] =	vst @!p5 v12  }
0x464: {  	p6 =	sne.s32 s29, $0x0;
	s29 =	spop (v2sf);
	[tilespmem:s9+$0xFFFFFE40] =	vst @!p5 v12  }
0x465: {  	p1 =	sne.s32 s29, $0x0;
	[tilespmem:s9+$0xFFFFFE50] =	vst @!p5 v12  }
0x466: {  	[smem:$0x7E0] =	sst s16;
	s29 =	spop (v2sf);
	[tilespmem:s9+$0xFFFFFE60] =	vst @!p5 v12;
	s16 =	simm.s32 @!p1 $0x0  }
0x467: {  	v13 =	vimm.f32 @!p6 $0.0e+00;
	[tilespmem:s9+$0xFFFFFE70] =	vst @!p5 v12;
	v14 =	vimm.f32 @!p1 $0.0e+00;
	s16 =	simm.s32 @p1 $0x1;
	p1 =	sne.s32 s29, $0x0  }
0x468: {  	[tilespmem:s9+$0xFFFFFE80] =	vst @!p6 v13;
	s29 =	spop (v2sf);
	[smem:$0x7D8] =	sst s16;
	s16 =	simm.s32 @!p1 $0x0  }
0x469: {  	[tilespmem:s9+$0xFFFFFE90] =	vst @!p6 v13;
	v8 =	vimm.f32 @!p1 $0.0e+00;
	s16 =	simm.s32 @p1 $0x1;
	p1 =	sne.s32 s29, $0x0;
	s29 =	spop (v2sf)  }
0x46a: {  	[tilespmem:s9+$0xFFFFFEA0] =	vst @!p6 v13;
	p0 =	sne.s32 s29, $0x0  }
0x46b: {  	[tilespmem:s9+$0xFFFFFEB0] =	vst @!p6 v13;
	[smem:$0x7D9] =	sst s16;
	s29 =	spop (v2sf);
	s16 =	simm.s32 @!p0 $0x0  }
0x46c: {  	[tilespmem:s9+$0xFFFFFEC0] =	vst @!p6 v13;
	v6 =	vimm.f32 @!p0 $0.0e+00;
	s16 =	simm.s32 @p0 $0x1;
	p0 =	sne.s32 s29, $0x0  }
0x46d: {  	[tilespmem:s9+$0xFFFFFED0] =	vst @!p6 v13;
	s29 =	spop (v2sf);
	[smem:$0x7DA] =	sst s16;
	s16 =	simm.s32 @!p0 $0x0  }
0x46e: {  	[tilespmem:s9+$0xFFFFFEE0] =	vst @!p6 v13;
	v5 =	vimm.f32 @!p0 $0.0e+00;
	s16 =	simm.s32 @p0 $0x1;
	p0 =	sne.s32 s29, $0x0  }
0x46f: {  	[tilespmem:s9+$0xFFFFFEF0] =	vst @!p6 v13;
	v7 =	vimm.f32 @!p1 $0.0e+00;
	s29 =	spop (v2sf);
	[smem:$0x7DB] =	sst s16;
	s16 =	simm.s32 @!p0 $0x0  }
0x470: {  	[tilespmem:s9+$0x0] =	vst @!p1 v7;
	v4 =	vimm.f32 @!p0 $0.0e+00;
	s16 =	simm.s32 @p0 $0x1;
	p0 =	sne.s32 s29, $0x0  }
0x471: {  	[tilespmem:s9+$0x10] =	vst @!p1 v7;
	s29 =	spop (v2sf);
	[smem:$0x7DC] =	sst s16;
	s16 =	simm.s32 @!p0 $0x0  }
0x472: {  	[tilespmem:s9+$0x20] =	vst @!p1 v7;
	v3 =	vimm.f32 @!p0 $0.0e+00;
	s16 =	simm.s32 @p0 $0x1;
	p0 =	sne.s32 s29, $0x0  }
0x473: {  	[tilespmem:s9+$0x30] =	vst @!p1 v7;
	s29 =	spop (v2sf);
	[smem:$0x7DD] =	sst s16;
	s16 =	simm.s32 @!p0 $0x0  }
0x474: {  	[tilespmem:s9+$0x40] =	vst @!p1 v7;
	v2 =	vimm.f32 @!p0 $0.0e+00;
	s16 =	simm.s32 @p0 $0x1;
	p0 =	sne.s32 s29, $0x0  }
0x475: {  	[tilespmem:s9+$0x50] =	vst @!p1 v7;
	s29 =	spop (v2sf);
	[smem:$0x7DE] =	sst s16;
	s16 =	simm.s32 @!p0 $0x0  }
0x476: {  	[tilespmem:s9+$0x60] =	vst @!p1 v7;
	v1 =	vimm.f32 @!p0 $0.0e+00;
	s16 =	simm.s32 @p0 $0x1;
	p0 =	sne.s32 s29, $0x0;
	s29 =	sld [smem:$0x7D8]  }
0x477: {  	[tilespmem:s9+$0x70] =	vst @!p1 v7;
	v0 =	vimm.f32 @!p0 $0.0e+00;
	p2 =	por p0, p0  }
0x478: {  	[tilespmem:s9+$0x380] =	vst @!p2 v0  }
0x479: {  	[tilespmem:s9+$0x390] =	vst @!p2 v0;
	p0 =	seq.s32 s29, $0x1  }
0x47a: {  	[tilespmem:s9+$0xFFFFFF00] =	vst @!p0 v14  }
0x47b: {  	[tilespmem:s9+$0xFFFFFF10] =	vst @!p0 v14  }
0x47c: {  	[tilespmem:s9+$0xFFFFFF20] =	vst @!p0 v14  }
0x47d: {  	[tilespmem:s9+$0xFFFFFF30] =	vst @!p0 v14  }
0x47e: {  	s29 =	sld [smem:$0x7D9];
	[tilespmem:s9+$0xFFFFFF40] =	vst @!p0 v14  }
0x47f: {  	[tilespmem:s9+$0xFFFFFF50] =	vst @!p0 v14  }
0x480: {  	[tilespmem:s9+$0xFFFFFF60] =	vst @!p0 v14  }
0x481: {  	[tilespmem:s9+$0xFFFFFF70] =	vst @!p0 v14;
	p0 =	seq.s32 s29, $0x1  }
0x482: {  	[tilespmem:s9+$0xFFFFFF80] =	vst @!p0 v8  }
0x483: {  	[tilespmem:s9+$0xFFFFFF90] =	vst @!p0 v8  }
0x484: {  	[tilespmem:s9+$0xFFFFFFA0] =	vst @!p0 v8  }
0x485: {  	[tilespmem:s9+$0xFFFFFFB0] =	vst @!p0 v8  }
0x486: {  	s29 =	sld [smem:$0x7DA];
	[tilespmem:s9+$0xFFFFFFC0] =	vst @!p0 v8  }
0x487: {  	[tilespmem:s9+$0xFFFFFFD0] =	vst @!p0 v8  }
0x488: {  	[tilespmem:s9+$0xFFFFFFE0] =	vst @!p0 v8  }
0x489: {  	[tilespmem:s9+$0xFFFFFFF0] =	vst @!p0 v8;
	p0 =	seq.s32 s29, $0x1  }
0x48a: {  	[tilespmem:s9+$0x80] =	vst @!p0 v6  }
0x48b: {  	[tilespmem:s9+$0x90] =	vst @!p0 v6  }
0x48c: {  	[tilespmem:s9+$0xA0] =	vst @!p0 v6  }
0x48d: {  	[tilespmem:s9+$0xB0] =	vst @!p0 v6  }
0x48e: {  	s29 =	sld [smem:$0x7DB];
	[tilespmem:s9+$0xC0] =	vst @!p0 v6  }
0x48f: {  	[tilespmem:s9+$0xD0] =	vst @!p0 v6  }
0x490: {  	[tilespmem:s9+$0xE0] =	vst @!p0 v6  }
0x491: {  	[tilespmem:s9+$0xF0] =	vst @!p0 v6;
	p0 =	seq.s32 s29, $0x1  }
0x492: {  	[tilespmem:s9+$0x100] =	vst @!p0 v5  }
0x493: {  	[tilespmem:s9+$0x110] =	vst @!p0 v5  }
0x494: {  	[tilespmem:s9+$0x120] =	vst @!p0 v5  }
0x495: {  	[tilespmem:s9+$0x130] =	vst @!p0 v5  }
0x496: {  	s29 =	sld [smem:$0x7DC];
	[tilespmem:s9+$0x140] =	vst @!p0 v5  }
0x497: {  	[tilespmem:s9+$0x150] =	vst @!p0 v5  }
0x498: {  	[tilespmem:s9+$0x160] =	vst @!p0 v5  }
0x499: {  	[tilespmem:s9+$0x170] =	vst @!p0 v5;
	p0 =	seq.s32 s29, $0x1  }
0x49a: {  	[tilespmem:s9+$0x180] =	vst @!p0 v4  }
0x49b: {  	[tilespmem:s9+$0x190] =	vst @!p0 v4  }
0x49c: {  	[tilespmem:s9+$0x1A0] =	vst @!p0 v4  }
0x49d: {  	[tilespmem:s9+$0x1B0] =	vst @!p0 v4  }
0x49e: {  	s29 =	sld [smem:$0x7DD];
	[tilespmem:s9+$0x1C0] =	vst @!p0 v4  }
0x49f: {  	[tilespmem:s9+$0x1D0] =	vst @!p0 v4  }
0x4a0: {  	[tilespmem:s9+$0x1E0] =	vst @!p0 v4  }
0x4a1: {  	[tilespmem:s9+$0x1F0] =	vst @!p0 v4;
	p0 =	seq.s32 s29, $0x1  }
0x4a2: {  	[tilespmem:s9+$0x200] =	vst @!p0 v3  }
0x4a3: {  	[tilespmem:s9+$0x210] =	vst @!p0 v3  }
0x4a4: {  	[tilespmem:s9+$0x220] =	vst @!p0 v3  }
0x4a5: {  	[tilespmem:s9+$0x230] =	vst @!p0 v3  }
0x4a6: {  	s29 =	sld [smem:$0x7DE];
	[tilespmem:s9+$0x240] =	vst @!p0 v3  }
0x4a7: {  	[tilespmem:s9+$0x250] =	vst @!p0 v3  }
0x4a8: {  	[tilespmem:s9+$0x260] =	vst @!p0 v3  }
0x4a9: {  	[tilespmem:s9+$0x270] =	vst @!p0 v3;
	p0 =	seq.s32 s29, $0x1  }
0x4aa: {  	[tilespmem:s9+$0x280] =	vst @!p0 v2  }
0x4ab: {  	[tilespmem:s9+$0x290] =	vst @!p0 v2  }
0x4ac: {  	[tilespmem:s9+$0x2A0] =	vst @!p0 v2  }
0x4ad: {  	[smem:$0x7DF] =	sst s16;
	[tilespmem:s9+$0x2B0] =	vst @!p0 v2  }
0x4ae: {  	s29 =	sld [smem:$0x7DF];
	[tilespmem:s9+$0x2C0] =	vst @!p0 v2  }
0x4af: {  	[tilespmem:s9+$0x2D0] =	vst @!p0 v2  }
0x4b0: {  	[tilespmem:s9+$0x2E0] =	vst @!p0 v2  }
0x4b1: {  	[tilespmem:s9+$0x2F0] =	vst @!p0 v2;
	p0 =	seq.s32 s29, $0x1  }
0x4b2: {  	[tilespmem:s9+$0x300] =	vst @!p0 v1  }
0x4b3: {  	[tilespmem:s9+$0x310] =	vst @!p0 v1  }
0x4b4: {  	[tilespmem:s9+$0x320] =	vst @!p0 v1  }
0x4b5: {  	[tilespmem:s9+$0x330] =	vst @!p0 v1  }
0x4b6: {  	s29 =	sld [smem:$0x7E0];
	[tilespmem:s9+$0x340] =	vst @!p0 v1  }
0x4b7: {  	[tilespmem:s9+$0x350] =	vst @!p0 v1  }
0x4b8: {  	[tilespmem:s9+$0x360] =	vst @!p0 v1  }
0x4b9: {  	[tilespmem:s9+$0x370] =	vst @!p0 v1;
	p0 =	seq.s32 s29, $0x1  }
.Ltmp5:
0x4ba: {  	[tilespmem:s9+$0x3A0] =	vst @!p2 v0;
	(pc) =	sbr.rel @p0 .LBB2_9-.Ltmp5, $4  }
0x4bb: {  	[tilespmem:s9+$0x3B0] =	vst @!p2 v0  }
0x4bc: {  	[tilespmem:s9+$0x3C0] =	vst @!p2 v0  }
0x4bd: {  	[tilespmem:s9+$0x3D0] =	vst @!p2 v0  }
0x4be: {  	[tilespmem:s9+$0x3E0] =	vst @!p2 v0  }
0x4bf: {  	s29 =	sld [smem:$0x7E1];
	_ =	sdelay $0x2  }
0x4c0: {  	p0 =	seq.s32 s29, $0x1  }
.Ltmp6:
0x4c1: {  	_ = 	snop;
	(pc) =	sbr.rel @p0 .LBB2_12-.Ltmp6, $3  }
0x4c2: {  	_ =	sdelay $0x1  }
0x4c3: {  	[tilespmem:s9+$0x3F0] =	vst @!p2 v0;
	s16 =	sadd.s32 s3, s10  }
0x4c4: {  	[hbm4b:s16+s4] =	stream.linear.scatter [tilespmem:s24], [sflag:$0x8], $0x5000, $0x38;
	[tilespmem:$0x14400] =	vst v63  }
0x4c5: {  	s7 =	sadd.s32 s7, s15  }
0x4c6: {  	_ =	swait.ge [sflag:s30], $0x5000;
	s9 =	sshll.u32 s7, $0x4  }
.Ltmp7:
0x4c7: {  	[sflag:s30] =	ssyncset.done $0x0;
	s9 =	sand.u32 $0x1FFFFA00, s9;
	(pc) =	sbr.rel .LBB2_2-.Ltmp7, $4  }
0x4c8: {  	s7 =	sshrl.u32 s7, $0x3;
	[sflag:s30] =	ssyncadd.s32 $0xFFFFB000;
	s9 =	sadd.s32 s1, s9  }
0x4c9: {  	[tilespmem:s18], [sflag:$0x2] =	stream.linear.gather [hbm4b:s9+s4], $0x5000, $0x38;
	[tilespmem:$0x14400] =	vst v63  }
0x4ca: {  	s17 =	sadd.s32 $0x1, s17;
	s7 =	sadd.s32 s6, s7  }
0x4cb: {  	[tilespmem:s19], [sflag:$0x2] =	stream.linear.gather [hbm4b:s7+s4], $0xA0, $0x38;
	[tilespmem:$0x14400] =	vst v63  }
.LBB2_13:
0x4cc: {  	_ =	sfence.sel $0x180000  }
0x4cd: {  	[bflag:$0x0] =	sbarrier.arrive $0xFFFF  }
0x4ce: {  	_ =	strace $0x90000047  }
0x4cf: {  	s0 =	stileid.u32;
	[bflag:$0x2] =	sbarrier.arrive $0xFFFF  }
0x4d0: {  	p0 =	sne.s32 s0, $0x0;
	s0 =	rddreg [dreg:$0x3]  }
0x4d1: {  	s0 =	sadd.s32 @!p0 $0x100000, s0  }
0x4d2: {  	[sflag:s0] =	ssyncadd.tile.s32 @!p0 $0x1;
	_ =	shalt  }
.Lfunc_end2:
_tile_overlayer_lowered:
.L_overlay_start_2:
0x4d3: {  	(tag) =	ssettag $0x2  }
0x4d4: {  	s0 =	rddreg [dreg:$0x0];
	s2 =	stileid.u32  }
0x4d5: {  	s1 =	rddreg [dreg:$0x1];
	p0 =	sne.s32 s2, $0x0  }
0x4d6: {  	s3 =	rddreg [dreg:$0x2];
	[bflag:$0x3] =	sbarrier.arrive $0xFFFF;
	s2 =	simm.s32 @!p0 $0x1C09  }
0x4d7: {  	[timem:s3], [sflag:s2] =	dma.local @!p0 [hbm:s0], s1  }
0x4d8: {  	s0 =	simm.s32 @!p0 $0x9  }
0x4d9: {  	_ =	swait.ge @!p0 [sflag:s0], s1  }
0x4da: {  	s1 =	ssub.s32 @!p0 $0x0, s1;
	[sflag:s0] =	ssyncset.done @!p0 $0x0  }
0x4db: {  	[sflag:s0] =	ssyncadd.s32 @!p0 s1  }
0x4dc: {  	[bflag:$0x3] =	sbarrier.arrive $0xFFFF  }
0x4dd: {  	_ =	shalt  }

</sc_bundles>
